<compile_context>
chip_gen: v7x
topology: tpu7x:2x2x1
jax: 0.10.2.dev20260603
libtpu: 0.0.44.dev20260713+nightly
codegen_flags: <defaults>
</compile_context>

<pallas_src>
import jax
import jax.numpy as jnp
from jax import lax
from jax.experimental import pallas as pl
from jax.experimental.pallas import tpu as pltpu
from jax.experimental.pallas import tpu_sc as plsc

N_NODES = 10000
D = 128
E_EDGES = 320000
T_TYPES = 4

NC = 2
NS = 16
L = 16
NW = NC * NS

C = 80
EW = E_EDGES // NW
E_PER_TILE = E_EDGES // NS
TN = T_TYPES * N_NODES
GTOT = E_EDGES // C
NK = EW // C
P1R = 2
NK1 = E_PER_TILE // (P1R * C)
NK1P = E_PER_TILE // C
ZB = 2000
ROWS_A = 624
ROWS_LAST = N_NODES - (NS - 1) * ROWS_A



_BN1 = 2000


def _y_body(x_ref, at_ref, ab_ref, yt_ref, yb_ref):
    xb = x_ref[...]
    yt_ref[0] = jnp.dot(xb, at_ref[0], preferred_element_type=jnp.float32)
    yb_ref[0] = jnp.dot(xb, ab_ref[0], preferred_element_type=jnp.float32)


def _y_tables(x, a_top, a_bot):
    grid = (T_TYPES, N_NODES // _BN1)
    return pl.pallas_call(
        _y_body,
        grid=grid,
        in_specs=[
            pl.BlockSpec((_BN1, D), lambda t, i: (i, 0)),
            pl.BlockSpec((1, D, D), lambda t, i: (t, 0, 0)),
            pl.BlockSpec((1, D, D), lambda t, i: (t, 0, 0)),
        ],
        out_specs=[
            pl.BlockSpec((1, _BN1, D), lambda t, i: (t, i, 0)),
            pl.BlockSpec((1, _BN1, D), lambda t, i: (t, i, 0)),
        ],
        out_shape=[
            jax.ShapeDtypeStruct((T_TYPES, N_NODES, D), jnp.float32),
            jax.ShapeDtypeStruct((T_TYPES, N_NODES, D), jnp.float32),
        ],
    )(x, a_top, a_bot)



_BCAST_DNUMS = lax.GatherDimensionNumbers(
    offset_dims=(), collapsed_slice_dims=(0,), start_index_map=(0,))


def _sc_body(src0, src1, dst, typ, yt, yb, agg_out,
             i4_v, p1_v, t1a_v, t1b_v, g0_v, g1_v, tid_v, dsc_v, nrm_v,
             r0_v, r1_v, ones1_v, zbuf,
             cnt_sh, agg_sh,
             semA0, semA1, semR0, semR1, semS0, semS1, semN0, semN1):
    semA = (semA0, semA1)
    semR = (semR0, semR1)
    semS = (semS0, semS1)
    semN = (semN0, semN1)
    cid = lax.axis_index("c")
    sid = lax.axis_index("s")
    wid = sid * NC + cid

    def _zero16(i, _):
        zbuf[pl.ds(i * L, L)] = jnp.zeros((L,), jnp.float32)
        return 0
    lax.fori_loop(0, ZB // L, _zero16, 0)

    def _ones16(i, _):
        ones1_v[pl.ds(i * L, L)] = jnp.full((L,), 1.0, jnp.float32)
        return 0
    lax.fori_loop(0, C // L, _ones16, 0)

    def _zrow(i, _):
        for j in range(D // L):
            r0_v[0][i, pl.ds(j * L, L)] = jnp.zeros((L,), jnp.float32)
        return 0
    lax.fori_loop(0, C, _zrow, 0)

    @pl.when(sid == 0)
    def _():
        for b in range(TN // ZB):
            pltpu.sync_copy(zbuf, cnt_sh.at[pl.ds(b * ZB, ZB)])

    row0 = sid * ROWS_A

    def _zero_agg_rows(base, nrows):
        off = 0
        while off < nrows:
            n = min(C, nrows - off)
            pltpu.sync_copy(r0_v[0].at[pl.ds(0, n), :],
                            agg_sh.at[pl.ds(base + off, n), :])
            off += n

    @pl.when(sid < NS - 1)
    def _():
        _zero_agg_rows(row0, ROWS_A)

    @pl.when(sid == NS - 1)
    def _():
        _zero_agg_rows(row0, ROWS_LAST)

    plsc.subcore_barrier()

    def _p1_sl(k):
        return pl.ds(sid * E_PER_TILE + k * 2 * C, 2 * C)

    def _p1_fire(k, b):
        @pl.when(k < NK1)
        def _():
            pltpu.async_copy(dst.at[_p1_sl(k)], p1_v[b].at[pl.ds(0, 2 * C)],
                             semA[b])
            pltpu.async_copy(typ.at[_p1_sl(k)], p1_v[b].at[pl.ds(2 * C, 2 * C)],
                             semA[b])

    def _p1_proc(k, b):
        @pl.when(k < NK1)
        def _():
            pltpu.make_async_copy(dst.at[_p1_sl(k)],
                                  p1_v[b].at[pl.ds(0, 2 * C)], semA[b]).wait()
            pltpu.make_async_copy(typ.at[_p1_sl(k)],
                                  p1_v[b].at[pl.ds(2 * C, 2 * C)],
                                  semA[b]).wait()

            for r, t1 in ((0, t1a_v), (1, t1b_v)):
                def _tid16(j, _):
                    t16 = p1_v[b][pl.ds(2 * C + r * C + j * L, L)]
                    d16 = p1_v[b][pl.ds(r * C + j * L, L)]
                    t1[b][pl.ds(j * L, L)] = t16 * N_NODES + d16
                    return 0
                lax.fori_loop(0, C // L, _tid16, 0)
            pltpu.sync_copy(ones1_v, cnt_sh.at[t1a_v[b]], add=True)
            pltpu.sync_copy(ones1_v, cnt_sh.at[t1b_v[b]], add=True)

    _p1_fire(0, 0)
    _p1_fire(1, 1)

    def _p1_pair(i, _):
        k0 = 2 * i
        _p1_proc(k0, 0)
        _p1_fire(k0 + 2, 0)
        _p1_proc(k0 + 1, 1)
        _p1_fire(k0 + 3, 1)
        return 0
    lax.fori_loop(0, (NK1 + 1) // 2, _p1_pair, 0)

    plsc.subcore_barrier()

    def _to_norm(base):
        pltpu.sync_copy(cnt_sh.at[pl.ds(base, ZB)], zbuf)

        def _nrm16(i, _):
            c16 = zbuf[pl.ds(i * L, L)]
            zbuf[pl.ds(i * L, L)] = 1.0 / jnp.maximum(c16, 1.0)
            return 0
        lax.fori_loop(0, ZB // L, _nrm16, 0)
        pltpu.sync_copy(zbuf, cnt_sh.at[pl.ds(base, ZB)])

    _to_norm(sid * ZB)

    @pl.when(sid < TN // ZB - NS)
    def _():
        _to_norm((NS + sid) * ZB)

    plsc.subcore_barrier()

    def _p3_sl(k):
        return pl.ds(wid * EW + k * C, C)

    def _p3_parts(k, b):
        return ((src0, pl.ds(0, C)), (src1, pl.ds(C, C)),
                (dst, pl.ds(2 * C, C)), (typ, pl.ds(3 * C, C)))

    def _p3_fire_idx(k, b):
        @pl.when(k < NK)
        def _():
            for arr, reg in _p3_parts(k, b):
                pltpu.async_copy(arr.at[_p3_sl(k)], i4_v[b].at[reg], semA[b])

    def _p3_fire_rows(k, b):
        @pl.when(k < NK)
        def _():
            for arr, reg in _p3_parts(k, b):
                pltpu.make_async_copy(arr.at[_p3_sl(k)], i4_v[b].at[reg],
                                      semA[b]).wait()

            def _g16(j, _):
                t16 = i4_v[b][pl.ds(3 * C + j * L, L)] * N_NODES
                g0_v[b][pl.ds(j * L, L)] = t16 + i4_v[b][pl.ds(j * L, L)]
                g1_v[b][pl.ds(j * L, L)] = t16 + i4_v[b][pl.ds(C + j * L, L)]
                d16 = i4_v[b][pl.ds(2 * C + j * L, L)]
                dsc_v[b][pl.ds(j * L, L)] = d16
                tid_v[b][pl.ds(j * L, L)] = t16 + d16
                return 0
            lax.fori_loop(0, C // L, _g16, 0)

            pltpu.async_copy(cnt_sh.at[tid_v[b]], nrm_v[b], semN[b])
            pltpu.async_copy(yt.at[g0_v[b]], r0_v[b], semR[b])
            pltpu.async_copy(yb.at[g1_v[b]], r1_v[b], semR[b])

    def _p3_proc(k, b):
        @pl.when(k < NK)
        def _():
            pltpu.make_async_copy(cnt_sh.at[tid_v[b]], nrm_v[b], semN[b]).wait()
            pltpu.make_async_copy(yt.at[g0_v[b]], r0_v[b], semR[b]).wait()
            pltpu.make_async_copy(yb.at[g1_v[b]], r1_v[b], semR[b]).wait()

            def _scale(jj, _):
                nrm16 = nrm_v[b][pl.ds(jj * L, L)]

                def _lane4(i4, _):
                    for u in range(4):
                        i = i4 * 4 + u
                        e = jj * L + i
                        nrm = lax.gather(
                            nrm16, jnp.full((L, 1), i, jnp.int32),
                            _BCAST_DNUMS, slice_sizes=(1,),
                            mode=lax.GatherScatterMode.PROMISE_IN_BOUNDS)
                        for j in range(D // L):
                            sl = pl.ds(j * L, L)
                            r0_v[b][e, sl] = (
                                (r0_v[b][e, sl] + r1_v[b][e, sl]) * nrm)
                    return 0
                lax.fori_loop(0, L // 4, _lane4, 0)
                return 0
            lax.fori_loop(0, C // L, _scale, 0)

            pltpu.async_copy(r0_v[b], agg_sh.at[dsc_v[b]], semS[b], add=True)

    def _p3_wait_scatter(k, b):
        @pl.when((k >= 0) & (k < NK))
        def _():
            pltpu.make_async_copy(r0_v[b], agg_sh.at[dsc_v[b]], semS[b]).wait()

    _p3_fire_idx(0, 0)
    _p3_fire_rows(0, 0)
    _p3_fire_idx(1, 1)

    def _p3_pair(i, _):
        k0 = 2 * i
        _p3_wait_scatter(k0 - 1, 1)
        _p3_fire_rows(k0 + 1, 1)
        _p3_proc(k0, 0)
        _p3_fire_idx(k0 + 2, 0)
        _p3_proc(k0 + 1, 1)
        _p3_fire_idx(k0 + 3, 1)
        _p3_wait_scatter(k0, 0)
        _p3_fire_rows(k0 + 2, 0)
        return 0
    lax.fori_loop(0, (NK + 1) // 2, _p3_pair, 0)

    plsc.subcore_barrier()

    @pl.when(sid < NS - 1)
    def _():
        pltpu.sync_copy(agg_sh.at[pl.ds(row0, ROWS_A), :],
                        agg_out.at[cid, pl.ds(row0, ROWS_A), :])

    @pl.when(sid == NS - 1)
    def _():
        pltpu.sync_copy(agg_sh.at[pl.ds(row0, ROWS_LAST), :],
                        agg_out.at[cid, pl.ds(row0, ROWS_LAST), :])


def _sc_scatter(src0, src1, dst, typ, yt, yb):
    mesh = plsc.VectorSubcoreMesh(core_axis_name="c", subcore_axis_name="s",
                                  num_cores=NC, num_subcores=NS)
    f = pl.kernel(
        _sc_body,
        out_type=jax.ShapeDtypeStruct((NC, N_NODES, D), jnp.float32),
        mesh=mesh,
        scratch_types=[
            [pltpu.VMEM((4 * C,), jnp.int32)] * 2,
            [pltpu.VMEM((P1R * 4 * C,), jnp.int32)] * 2,
            [pltpu.VMEM((C,), jnp.int32)] * 2,
            [pltpu.VMEM((C,), jnp.int32)] * 2,
            [pltpu.VMEM((C,), jnp.int32)] * 2,
            [pltpu.VMEM((C,), jnp.int32)] * 2,
            [pltpu.VMEM((C,), jnp.int32)] * 2,
            [pltpu.VMEM((C,), jnp.int32)] * 2,
            [pltpu.VMEM((C,), jnp.float32)] * 2,
            [pltpu.VMEM((C, D), jnp.float32)] * 2,
            [pltpu.VMEM((C, D), jnp.float32)] * 2,
            pltpu.VMEM((C,), jnp.float32),
            pltpu.VMEM((ZB,), jnp.float32),
            pltpu.VMEM_SHARED((TN,), jnp.float32),
            pltpu.VMEM_SHARED((N_NODES, D), jnp.float32),
            pltpu.SemaphoreType.DMA,
            pltpu.SemaphoreType.DMA,
            pltpu.SemaphoreType.DMA,
            pltpu.SemaphoreType.DMA,
            pltpu.SemaphoreType.DMA,
            pltpu.SemaphoreType.DMA,
            pltpu.SemaphoreType.DMA,
            pltpu.SemaphoreType.DMA,
        ],
    )
    return f(src0, src1, dst, typ, yt, yb)



_BN2 = 2000


def _out_body(x_ref, cwt_ref, cb_ref, a0_ref, a1_ref, o_ref):
    o_ref[...] = (jnp.dot(x_ref[...], cwt_ref[...],
                          preferred_element_type=jnp.float32)
                  + cb_ref[...] + a0_ref[...] + a1_ref[...])


def _combine(x, cwt, cb, a0, a1):
    grid = (N_NODES // _BN2,)
    return pl.pallas_call(
        _out_body,
        grid=grid,
        in_specs=[
            pl.BlockSpec((_BN2, D), lambda i: (i, 0)),
            pl.BlockSpec((D, D), lambda i: (0, 0)),
            pl.BlockSpec((1, D), lambda i: (0, 0)),
            pl.BlockSpec((_BN2, D), lambda i: (i, 0)),
            pl.BlockSpec((_BN2, D), lambda i: (i, 0)),
        ],
        out_specs=pl.BlockSpec((_BN2, D), lambda i: (i, 0)),
        out_shape=jax.ShapeDtypeStruct((N_NODES, D), jnp.float32),
    )(x, cwt, cb, a0, a1)


@jax.jit
def kernel(x, hyperedge_index_2, hyperedge_type_2, A_2, C_w, C_b):
    src = hyperedge_index_2[0]
    src0 = src[0::2]
    src1 = src[1::2]
    dst = hyperedge_index_2[1][0::2]
    a_top = A_2[:, :D, :]
    a_bot = A_2[:, D:, :]

    yt, yb = _y_tables(x, a_top, a_bot)
    yt = yt.reshape(T_TYPES * N_NODES, D)
    yb = yb.reshape(T_TYPES * N_NODES, D)

    agg = _sc_scatter(src0, src1, dst, hyperedge_type_2, yt, yb)

    return _combine(x, C_w.T, C_b.reshape(1, D), agg[0], agg[1])

# --- scband reference (transcript-rebuilt; emitter-appended) ---
"""Pipeline reference for scband-hgnnlayer-8967891714518 (READ-ONLY COPY).

The authoritative reference and input builder live on the scoring server;
editing this copy changes nothing except your own understanding.
"""

import jax, jax.numpy as jnp
import numpy as np

N = 10000
D = 128
E = 320000
T = 4
SHAPE = 2

def setup_inputs(seed: int = 0) -> dict:
    key = jax.random.key(seed)
    k1, k2, k3, k4, k5, k6 = jax.random.split(key, 6)
    x = jax.random.normal(k1, (N, D), dtype=jnp.float32)
    hyperedge_index_2 = jax.random.randint(k2, (2, E * SHAPE), 0, N, dtype=jnp.int32)
    hyperedge_type_2 = jax.random.randint(k3, (E,), 0, T, dtype=jnp.int32)
    # A[shape=2]: xavier normal for (T, 2D, D)
    xav_std = float(np.sqrt(2.0 / (SHAPE * D + D)))
    A_2 = jax.random.normal(k4, (T, SHAPE * D, D), dtype=jnp.float32) * xav_std
    # Linear C: torch default init
    bound = float(1.0 / np.sqrt(D))
    C_w = jax.random.uniform(k5, (D, D), dtype=jnp.float32, minval=-bound, maxval=bound)
    C_b = jax.random.uniform(k6, (D,), dtype=jnp.float32, minval=-bound, maxval=bound)
    return {"x": x, "hyperedge_index_2": hyperedge_index_2, "hyperedge_type_2": hyperedge_type_2, "A_2": A_2, "C_w": C_w, "C_b": C_b}

def reference(x, hyperedge_index_2, hyperedge_type_2, A_2, C_w, C_b):
    n, d = x.shape
    src = hyperedge_index_2[0]                          # [E*SHAPE]
    dst = hyperedge_index_2[1].reshape(-1, SHAPE)[:, 0]  # [E] (first target index per hyperedge)
    feat = x[src].reshape(-1, SHAPE * d)                 # [E, SHAPE*D] gathered + concatenated source feats
    agg = jnp.zeros_like(x)
    num_types = A_2.shape[0]
    for t in range(num_types):
        mask = (hyperedge_type_2 == t)
        maskf = mask.astype(x.dtype)
        tmp = feat @ A_2[t]                               # [E, D]
        # per-type in-degree normalization (1/counts of dst among edges of type t)
        counts = jax.ops.segment_sum(maskf, dst, num_segments=n)
        norm = jnp.where(mask, 1.0 / jnp.maximum(counts[dst], 1.0), 0.0)
        agg = agg + jax.ops.segment_sum(norm[:, None] * tmp, dst, num_segments=n)
    h = x @ C_w.T + C_b + agg
    return h

if __name__ == "__main__":
    import jax
    _d = setup_inputs()
    print(jax.jit(kernel)(*tuple(_d.values())))

</pallas_src>

<mosaic_0001>
#map = affine_map<(d0, d1) -> (0)>
#map1 = affine_map<(d0, d1) -> (0, 0)>
#map2 = affine_map<(d0, d1) -> (0, 0, 0)>
module attributes {stable_mosaic.version = 14 : i64} {
  func.func @_sc_body(%arg0: i32, %arg1: i32, %arg2: memref<320000xi32, #tpu.memory_space<hbm>>, %arg3: memref<320000xi32, #tpu.memory_space<hbm>>, %arg4: memref<320000xi32, #tpu.memory_space<hbm>>, %arg5: memref<320000xi32, #tpu.memory_space<hbm>>, %arg6: memref<40000x128xf32, #tpu.memory_space<hbm>>, %arg7: memref<40000x128xf32, #tpu.memory_space<hbm>>, %arg8: memref<2x10000x128xf32, #tpu.memory_space<hbm>>, %arg9: memref<320xi32, #tpu.memory_space<vmem>>, %arg10: memref<320xi32, #tpu.memory_space<vmem>>, %arg11: memref<640xi32, #tpu.memory_space<vmem>>, %arg12: memref<640xi32, #tpu.memory_space<vmem>>, %arg13: memref<80xi32, #tpu.memory_space<vmem>>, %arg14: memref<80xi32, #tpu.memory_space<vmem>>, %arg15: memref<80xi32, #tpu.memory_space<vmem>>, %arg16: memref<80xi32, #tpu.memory_space<vmem>>, %arg17: memref<80xi32, #tpu.memory_space<vmem>>, %arg18: memref<80xi32, #tpu.memory_space<vmem>>, %arg19: memref<80xi32, #tpu.memory_space<vmem>>, %arg20: memref<80xi32, #tpu.memory_space<vmem>>, %arg21: memref<80xi32, #tpu.memory_space<vmem>>, %arg22: memref<80xi32, #tpu.memory_space<vmem>>, %arg23: memref<80xi32, #tpu.memory_space<vmem>>, %arg24: memref<80xi32, #tpu.memory_space<vmem>>, %arg25: memref<80xf32, #tpu.memory_space<vmem>>, %arg26: memref<80xf32, #tpu.memory_space<vmem>>, %arg27: memref<80x128xf32, #tpu.memory_space<vmem>>, %arg28: memref<80x128xf32, #tpu.memory_space<vmem>>, %arg29: memref<80x128xf32, #tpu.memory_space<vmem>>, %arg30: memref<80x128xf32, #tpu.memory_space<vmem>>, %arg31: memref<80xf32, #tpu.memory_space<vmem>>, %arg32: memref<2000xf32, #tpu.memory_space<vmem>>, %arg33: memref<40000xf32, #tpu.memory_space<vmem_shared>>, %arg34: memref<10000x128xf32, #tpu.memory_space<vmem_shared>>, %arg35: memref<!tpu.dma_semaphore, #tpu.memory_space<semaphore_mem>>, %arg36: memref<!tpu.dma_semaphore, #tpu.memory_space<semaphore_mem>>, %arg37: memref<!tpu.dma_semaphore, #tpu.memory_space<semaphore_mem>>, %arg38: memref<!tpu.dma_semaphore, #tpu.memory_space<semaphore_mem>>, %arg39: memref<!tpu.dma_semaphore, #tpu.memory_space<semaphore_mem>>, %arg40: memref<!tpu.dma_semaphore, #tpu.memory_space<semaphore_mem>>, %arg41: memref<!tpu.dma_semaphore, #tpu.memory_space<semaphore_mem>>, %arg42: memref<!tpu.dma_semaphore, #tpu.memory_space<semaphore_mem>>) attributes {dimension_semantics = [#tpu.dimension_semantics<core_parallel>, #tpu.dimension_semantics<subcore_parallel>], iteration_bounds = array<i64: 2, 16>, scalar_prefetch = 0 : i64, scratch_operands = 34 : i64, tpu.core_type = #tpu.core_type<sc_vector_subcore>, window_params = [{transform_indices = #map}, {transform_indices = #map}, {transform_indices = #map}, {transform_indices = #map}, {transform_indices = #map1}, {transform_indices = #map1}, {transform_indices = #map2}]} {
    %mul3A = arith.constant 2 : i32
    %mul3A_0 = arith.muli %arg1, %mul3A : i32
    %add3A = arith.addi %mul3A_0, %arg0 : i32
    %scan3A = arith.constant 0 : i32
    %scan3A_1 = arith.constant 0 : i32
    %scan3A_2 = arith.constant 125 : i32
    %scan3A_3 = arith.addi %scan3A_1, %scan3A_2 : i32
    %scan3A_4 = arith.constant 1 : i32
    %scan3A_5 = scf.for %scan3A_248 = %scan3A_1 to %scan3A_3 step %scan3A_4 iter_args(%scan3A_249 = %scan3A) -> (i32)  : i32 {
      %broadcast_in_dim3A = arith.constant 0.000000e+00 : f32
      %broadcast_in_dim3A_250 = vector.broadcast %broadcast_in_dim3A : f32 to vector<16xf32>
      %mul3A_251 = arith.constant 16 : i32
      %mul3A_252 = arith.muli %scan3A_248, %mul3A_251 : i32
      %swap3A = arith.index_cast %mul3A_252 : i32 to index
      %swap3A_253 = tpu.vector_load %arg32[%swap3A] {strides = array<i32>} : memref<2000xf32, #tpu.memory_space<vmem>>, vector<16xf32>,
      %swap3A_254 = vector.shape_cast %swap3A_253 : vector<16xf32> to vector<16xf32>
      %swap3A_255 = vector.shape_cast %broadcast_in_dim3A_250 : vector<16xf32> to vector<16xf32>
      tpu.vector_store %arg32[%swap3A], %swap3A_255 {strides = array<i32>} : memref<2000xf32, #tpu.memory_space<vmem>>, vector<16xf32>,
      %scan3A_256 = arith.constant 0 : i32
      scf.yield %scan3A_256 : i32
    }
    %scan3A_6 = arith.constant 125 : i32
    %scan3A_7 = arith.constant 0 : i32
    %scan3A_8 = arith.constant 0 : i32
    %scan3A_9 = arith.constant 5 : i32
    %scan3A_10 = arith.addi %scan3A_8, %scan3A_9 : i32
    %scan3A_11 = arith.constant 1 : i32
    %scan3A_12 = scf.for %scan3A_248 = %scan3A_8 to %scan3A_10 step %scan3A_11 iter_args(%scan3A_249 = %scan3A_7) -> (i32)  : i32 {
      %broadcast_in_dim3A = arith.constant 1.000000e+00 : f32
      %broadcast_in_dim3A_250 = vector.broadcast %broadcast_in_dim3A : f32 to vector<16xf32>
      %mul3A_251 = arith.constant 16 : i32
      %mul3A_252 = arith.muli %scan3A_248, %mul3A_251 : i32
      %swap3A = arith.index_cast %mul3A_252 : i32 to index
      %swap3A_253 = tpu.vector_load %arg31[%swap3A] {strides = array<i32>} : memref<80xf32, #tpu.memory_space<vmem>>, vector<16xf32>,
      %swap3A_254 = vector.shape_cast %swap3A_253 : vector<16xf32> to vector<16xf32>
      %swap3A_255 = vector.shape_cast %broadcast_in_dim3A_250 : vector<16xf32> to vector<16xf32>
      tpu.vector_store %arg31[%swap3A], %swap3A_255 {strides = array<i32>} : memref<80xf32, #tpu.memory_space<vmem>>, vector<16xf32>,
      %scan3A_256 = arith.constant 0 : i32
      scf.yield %scan3A_256 : i32
    }
    %scan3A_13 = arith.constant 5 : i32
    %scan3A_14 = arith.constant 0 : i32
    %scan3A_15 = arith.constant 0 : i32
    %scan3A_16 = arith.constant 80 : i32
    %scan3A_17 = arith.addi %scan3A_15, %scan3A_16 : i32
    %scan3A_18 = arith.constant 1 : i32
    %scan3A_19 = scf.for %scan3A_248 = %scan3A_15 to %scan3A_17 step %scan3A_18 iter_args(%scan3A_249 = %scan3A_14) -> (i32)  : i32 {
      %broadcast_in_dim3A = arith.constant 0.000000e+00 : f32
      %broadcast_in_dim3A_250 = vector.broadcast %broadcast_in_dim3A : f32 to vector<16xf32>
      %swap3A = arith.index_cast %scan3A_248 : i32 to index
      %swap3A_251 = arith.constant 0 : index
      %swap3A_252 = tpu.vector_load %arg27[%swap3A, %swap3A_251] {strides = array<i32>} : memref<80x128xf32, #tpu.memory_space<vmem>>, vector<1x16xf32>,
      %swap3A_253 = vector.shape_cast %swap3A_252 : vector<1x16xf32> to vector<16xf32>
      %swap3A_254 = vector.shape_cast %broadcast_in_dim3A_250 : vector<16xf32> to vector<1x16xf32>
      tpu.vector_store %arg27[%swap3A, %swap3A_251], %swap3A_254 {strides = array<i32>} : memref<80x128xf32, #tpu.memory_space<vmem>>, vector<1x16xf32>,
      %broadcast_in_dim3A_255 = arith.constant 0.000000e+00 : f32
      %broadcast_in_dim3A_256 = vector.broadcast %broadcast_in_dim3A_255 : f32 to vector<16xf32>
      %swap3A_257 = arith.index_cast %scan3A_248 : i32 to index
      %swap3A_258 = arith.constant 16 : index
      %swap3A_259 = tpu.vector_load %arg27[%swap3A_257, %swap3A_258] {strides = array<i32>} : memref<80x128xf32, #tpu.memory_space<vmem>>, vector<1x16xf32>,
      %swap3A_260 = vector.shape_cast %swap3A_259 : vector<1x16xf32> to vector<16xf32>
      %swap3A_261 = vector.shape_cast %broadcast_in_dim3A_256 : vector<16xf32> to vector<1x16xf32>
      tpu.vector_store %arg27[%swap3A_257, %swap3A_258], %swap3A_261 {strides = array<i32>} : memref<80x128xf32, #tpu.memory_space<vmem>>, vector<1x16xf32>,
      %broadcast_in_dim3A_262 = arith.constant 0.000000e+00 : f32
      %broadcast_in_dim3A_263 = vector.broadcast %broadcast_in_dim3A_262 : f32 to vector<16xf32>
      %swap3A_264 = arith.index_cast %scan3A_248 : i32 to index
      %swap3A_265 = arith.constant 32 : index
      %swap3A_266 = tpu.vector_load %arg27[%swap3A_264, %swap3A_265] {strides = array<i32>} : memref<80x128xf32, #tpu.memory_space<vmem>>, vector<1x16xf32>,
      %swap3A_267 = vector.shape_cast %swap3A_266 : vector<1x16xf32> to vector<16xf32>
      %swap3A_268 = vector.shape_cast %broadcast_in_dim3A_263 : vector<16xf32> to vector<1x16xf32>
      tpu.vector_store %arg27[%swap3A_264, %swap3A_265], %swap3A_268 {strides = array<i32>} : memref<80x128xf32, #tpu.memory_space<vmem>>, vector<1x16xf32>,
      %broadcast_in_dim3A_269 = arith.constant 0.000000e+00 : f32
      %broadcast_in_dim3A_270 = vector.broadcast %broadcast_in_dim3A_269 : f32 to vector<16xf32>
      %swap3A_271 = arith.index_cast %scan3A_248 : i32 to index
      %swap3A_272 = arith.constant 48 : index
      %swap3A_273 = tpu.vector_load %arg27[%swap3A_271, %swap3A_272] {strides = array<i32>} : memref<80x128xf32, #tpu.memory_space<vmem>>, vector<1x16xf32>,
      %swap3A_274 = vector.shape_cast %swap3A_273 : vector<1x16xf32> to vector<16xf32>
      %swap3A_275 = vector.shape_cast %broadcast_in_dim3A_270 : vector<16xf32> to vector<1x16xf32>
      tpu.vector_store %arg27[%swap3A_271, %swap3A_272], %swap3A_275 {strides = array<i32>} : memref<80x128xf32, #tpu.memory_space<vmem>>, vector<1x16xf32>,
      %broadcast_in_dim3A_276 = arith.constant 0.000000e+00 : f32
      %broadcast_in_dim3A_277 = vector.broadcast %broadcast_in_dim3A_276 : f32 to vector<16xf32>
      %swap3A_278 = arith.index_cast %scan3A_248 : i32 to index
      %swap3A_279 = arith.constant 64 : index
      %swap3A_280 = tpu.vector_load %arg27[%swap3A_278, %swap3A_279] {strides = array<i32>} : memref<80x128xf32, #tpu.memory_space<vmem>>, vector<1x16xf32>,
      %swap3A_281 = vector.shape_cast %swap3A_280 : vector<1x16xf32> to vector<16xf32>
      %swap3A_282 = vector.shape_cast %broadcast_in_dim3A_277 : vector<16xf32> to vector<1x16xf32>
      tpu.vector_store %arg27[%swap3A_278, %swap3A_279], %swap3A_282 {strides = array<i32>} : memref<80x128xf32, #tpu.memory_space<vmem>>, vector<1x16xf32>,
      %broadcast_in_dim3A_283 = arith.constant 0.000000e+00 : f32
      %broadcast_in_dim3A_284 = vector.broadcast %broadcast_in_dim3A_283 : f32 to vector<16xf32>
      %swap3A_285 = arith.index_cast %scan3A_248 : i32 to index
      %swap3A_286 = arith.constant 80 : index
      %swap3A_287 = tpu.vector_load %arg27[%swap3A_285, %swap3A_286] {strides = array<i32>} : memref<80x128xf32, #tpu.memory_space<vmem>>, vector<1x16xf32>,
      %swap3A_288 = vector.shape_cast %swap3A_287 : vector<1x16xf32> to vector<16xf32>
      %swap3A_289 = vector.shape_cast %broadcast_in_dim3A_284 : vector<16xf32> to vector<1x16xf32>
      tpu.vector_store %arg27[%swap3A_285, %swap3A_286], %swap3A_289 {strides = array<i32>} : memref<80x128xf32, #tpu.memory_space<vmem>>, vector<1x16xf32>,
      %broadcast_in_dim3A_290 = arith.constant 0.000000e+00 : f32
      %broadcast_in_dim3A_291 = vector.broadcast %broadcast_in_dim3A_290 : f32 to vector<16xf32>
      %swap3A_292 = arith.index_cast %scan3A_248 : i32 to index
      %swap3A_293 = arith.constant 96 : index
      %swap3A_294 = tpu.vector_load %arg27[%swap3A_292, %swap3A_293] {strides = array<i32>} : memref<80x128xf32, #tpu.memory_space<vmem>>, vector<1x16xf32>,
      %swap3A_295 = vector.shape_cast %swap3A_294 : vector<1x16xf32> to vector<16xf32>
      %swap3A_296 = vector.shape_cast %broadcast_in_dim3A_291 : vector<16xf32> to vector<1x16xf32>
      tpu.vector_store %arg27[%swap3A_292, %swap3A_293], %swap3A_296 {strides = array<i32>} : memref<80x128xf32, #tpu.memory_space<vmem>>, vector<1x16xf32>,
      %broadcast_in_dim3A_297 = arith.constant 0.000000e+00 : f32
      %broadcast_in_dim3A_298 = vector.broadcast %broadcast_in_dim3A_297 : f32 to vector<16xf32>
      %swap3A_299 = arith.index_cast %scan3A_248 : i32 to index
      %swap3A_300 = arith.constant 112 : index
      %swap3A_301 = tpu.vector_load %arg27[%swap3A_299, %swap3A_300] {strides = array<i32>} : memref<80x128xf32, #tpu.memory_space<vmem>>, vector<1x16xf32>,
      %swap3A_302 = vector.shape_cast %swap3A_301 : vector<1x16xf32> to vector<16xf32>
      %swap3A_303 = vector.shape_cast %broadcast_in_dim3A_298 : vector<16xf32> to vector<1x16xf32>
      tpu.vector_store %arg27[%swap3A_299, %swap3A_300], %swap3A_303 {strides = array<i32>} : memref<80x128xf32, #tpu.memory_space<vmem>>, vector<1x16xf32>,
      %scan3A_304 = arith.constant 0 : i32
      scf.yield %scan3A_304 : i32
    }
    %scan3A_20 = arith.constant 80 : i32
    %eq3A = arith.constant 0 : i32
    %eq3A_21 = arith.cmpi eq, %arg1, %eq3A : i32
    %convert_element_type3A = arith.extui %eq3A_21 : i1 to i32
    %cond3A = arith.constant 0 : i32
    %cond3A_22 = arith.cmpi ne, %convert_element_type3A, %cond3A : i32
    scf.if %cond3A_22 {
      "tpu.region"() ({
        %run_scoped3A = tpu.sem_alloc : memref<!tpu.dma_semaphore, #tpu.memory_space<semaphore_mem>>
        %dma_start3A_248 = arith.constant 0 : i32
        %dma_start3A_249 = tpu.memref_slice %arg33[%dma_start3A_248] : memref<40000xf32, #tpu.memory_space<vmem_shared>> -> memref<2000xf32, #tpu.memory_space<vmem_shared>>
        %dma_start3A_250 = arith.constant 0 : i32
        %dma_start3A_251 = tpu.memref_slice %arg33[%dma_start3A_250] : memref<40000xf32, #tpu.memory_space<vmem_shared>> -> memref<2000xf32, #tpu.memory_space<vmem_shared>>
        tpu.enqueue_dma source(%arg32 : memref<2000xf32, #tpu.memory_space<vmem>>) target(%dma_start3A_251 : memref<2000xf32, #tpu.memory_space<vmem_shared>>) target_semaphore(%run_scoped3A : memref<!tpu.dma_semaphore, #tpu.memory_space<semaphore_mem>>)
        %dma_wait3A_252 = arith.constant 0 : i32
        %dma_wait3A_253 = tpu.memref_slice %arg33[%dma_wait3A_252] : memref<40000xf32, #tpu.memory_space<vmem_shared>> -> memref<2000xf32, #tpu.memory_space<vmem_shared>>
        %dma_wait3A_254 = arith.constant 0 : i32
        %dma_wait3A_255 = tpu.memref_slice %arg33[%dma_wait3A_254] : memref<40000xf32, #tpu.memory_space<vmem_shared>> -> memref<2000xf32, #tpu.memory_space<vmem_shared>>
        tpu.wait_dma2 semaphore(%run_scoped3A : memref<!tpu.dma_semaphore, #tpu.memory_space<semaphore_mem>>) src(%arg32 : memref<2000xf32, #tpu.memory_space<vmem>>) dst(%dma_wait3A_255 : memref<2000xf32, #tpu.memory_space<vmem_shared>>)
        tpu.yield
      }) : () -> ()
      "tpu.region"() ({
        %run_scoped3A = tpu.sem_alloc : memref<!tpu.dma_semaphore, #tpu.memory_space<semaphore_mem>>
        %dma_start3A_248 = arith.constant 2000 : i32
        %dma_start3A_249 = tpu.memref_slice %arg33[%dma_start3A_248] : memref<40000xf32, #tpu.memory_space<vmem_shared>> -> memref<2000xf32, #tpu.memory_space<vmem_shared>>
        %dma_start3A_250 = arith.constant 2000 : i32
        %dma_start3A_251 = tpu.memref_slice %arg33[%dma_start3A_250] : memref<40000xf32, #tpu.memory_space<vmem_shared>> -> memref<2000xf32, #tpu.memory_space<vmem_shared>>
        tpu.enqueue_dma source(%arg32 : memref<2000xf32, #tpu.memory_space<vmem>>) target(%dma_start3A_251 : memref<2000xf32, #tpu.memory_space<vmem_shared>>) target_semaphore(%run_scoped3A : memref<!tpu.dma_semaphore, #tpu.memory_space<semaphore_mem>>)
        %dma_wait3A_252 = arith.constant 2000 : i32
        %dma_wait3A_253 = tpu.memref_slice %arg33[%dma_wait3A_252] : memref<40000xf32, #tpu.memory_space<vmem_shared>> -> memref<2000xf32, #tpu.memory_space<vmem_shared>>
        %dma_wait3A_254 = arith.constant 2000 : i32
        %dma_wait3A_255 = tpu.memref_slice %arg33[%dma_wait3A_254] : memref<40000xf32, #tpu.memory_space<vmem_shared>> -> memref<2000xf32, #tpu.memory_space<vmem_shared>>
        tpu.wait_dma2 semaphore(%run_scoped3A : memref<!tpu.dma_semaphore, #tpu.memory_space<semaphore_mem>>) src(%arg32 : memref<2000xf32, #tpu.memory_space<vmem>>) dst(%dma_wait3A_255 : memref<2000xf32, #tpu.memory_space<vmem_shared>>)
        tpu.yield
      }) : () -> ()
      "tpu.region"() ({
        %run_scoped3A = tpu.sem_alloc : memref<!tpu.dma_semaphore, #tpu.memory_space<semaphore_mem>>
        %dma_start3A_248 = arith.constant 4000 : i32
        %dma_start3A_249 = tpu.memref_slice %arg33[%dma_start3A_248] : memref<40000xf32, #tpu.memory_space<vmem_shared>> -> memref<2000xf32, #tpu.memory_space<vmem_shared>>
        %dma_start3A_250 = arith.constant 4000 : i32
        %dma_start3A_251 = tpu.memref_slice %arg33[%dma_start3A_250] : memref<40000xf32, #tpu.memory_space<vmem_shared>> -> memref<2000xf32, #tpu.memory_space<vmem_shared>>
        tpu.enqueue_dma source(%arg32 : memref<2000xf32, #tpu.memory_space<vmem>>) target(%dma_start3A_251 : memref<2000xf32, #tpu.memory_space<vmem_shared>>) target_semaphore(%run_scoped3A : memref<!tpu.dma_semaphore, #tpu.memory_space<semaphore_mem>>)
        %dma_wait3A_252 = arith.constant 4000 : i32
        %dma_wait3A_253 = tpu.memref_slice %arg33[%dma_wait3A_252] : memref<40000xf32, #tpu.memory_space<vmem_shared>> -> memref<2000xf32, #tpu.memory_space<vmem_shared>>
        %dma_wait3A_254 = arith.constant 4000 : i32
        %dma_wait3A_255 = tpu.memref_slice %arg33[%dma_wait3A_254] : memref<40000xf32, #tpu.memory_space<vmem_shared>> -> memref<2000xf32, #tpu.memory_space<vmem_shared>>
        tpu.wait_dma2 semaphore(%run_scoped3A : memref<!tpu.dma_semaphore, #tpu.memory_space<semaphore_mem>>) src(%arg32 : memref<2000xf32, #tpu.memory_space<vmem>>) dst(%dma_wait3A_255 : memref<2000xf32, #tpu.memory_space<vmem_shared>>)
        tpu.yield
      }) : () -> ()
      "tpu.region"() ({
        %run_scoped3A = tpu.sem_alloc : memref<!tpu.dma_semaphore, #tpu.memory_space<semaphore_mem>>
        %dma_start3A_248 = arith.constant 6000 : i32
        %dma_start3A_249 = tpu.memref_slice %arg33[%dma_start3A_248] : memref<40000xf32, #tpu.memory_space<vmem_shared>> -> memref<2000xf32, #tpu.memory_space<vmem_shared>>
        %dma_start3A_250 = arith.constant 6000 : i32
        %dma_start3A_251 = tpu.memref_slice %arg33[%dma_start3A_250] : memref<40000xf32, #tpu.memory_space<vmem_shared>> -> memref<2000xf32, #tpu.memory_space<vmem_shared>>
        tpu.enqueue_dma source(%arg32 : memref<2000xf32, #tpu.memory_space<vmem>>) target(%dma_start3A_251 : memref<2000xf32, #tpu.memory_space<vmem_shared>>) target_semaphore(%run_scoped3A : memref<!tpu.dma_semaphore, #tpu.memory_space<semaphore_mem>>)
        %dma_wait3A_252 = arith.constant 6000 : i32
        %dma_wait3A_253 = tpu.memref_slice %arg33[%dma_wait3A_252] : memref<40000xf32, #tpu.memory_space<vmem_shared>> -> memref<2000xf32, #tpu.memory_space<vmem_shared>>
        %dma_wait3A_254 = arith.constant 6000 : i32
        %dma_wait3A_255 = tpu.memref_slice %arg33[%dma_wait3A_254] : memref<40000xf32, #tpu.memory_space<vmem_shared>> -> memref<2000xf32, #tpu.memory_space<vmem_shared>>
        tpu.wait_dma2 semaphore(%run_scoped3A : memref<!tpu.dma_semaphore, #tpu.memory_space<semaphore_mem>>) src(%arg32 : memref<2000xf32, #tpu.memory_space<vmem>>) dst(%dma_wait3A_255 : memref<2000xf32, #tpu.memory_space<vmem_shared>>)
        tpu.yield
      }) : () -> ()
      "tpu.region"() ({
        %run_scoped3A = tpu.sem_alloc : memref<!tpu.dma_semaphore, #tpu.memory_space<semaphore_mem>>
        %dma_start3A_248 = arith.constant 8000 : i32
        %dma_start3A_249 = tpu.memref_slice %arg33[%dma_start3A_248] : memref<40000xf32, #tpu.memory_space<vmem_shared>> -> memref<2000xf32, #tpu.memory_space<vmem_shared>>
        %dma_start3A_250 = arith.constant 8000 : i32
        %dma_start3A_251 = tpu.memref_slice %arg33[%dma_start3A_250] : memref<40000xf32, #tpu.memory_space<vmem_shared>> -> memref<2000xf32, #tpu.memory_space<vmem_shared>>
        tpu.enqueue_dma source(%arg32 : memref<2000xf32, #tpu.memory_space<vmem>>) target(%dma_start3A_251 : memref<2000xf32, #tpu.memory_space<vmem_shared>>) target_semaphore(%run_scoped3A : memref<!tpu.dma_semaphore, #tpu.memory_space<semaphore_mem>>)
        %dma_wait3A_252 = arith.constant 8000 : i32
        %dma_wait3A_253 = tpu.memref_slice %arg33[%dma_wait3A_252] : memref<40000xf32, #tpu.memory_space<vmem_shared>> -> memref<2000xf32, #tpu.memory_space<vmem_shared>>
        %dma_wait3A_254 = arith.constant 8000 : i32
        %dma_wait3A_255 = tpu.memref_slice %arg33[%dma_wait3A_254] : memref<40000xf32, #tpu.memory_space<vmem_shared>> -> memref<2000xf32, #tpu.memory_space<vmem_shared>>
        tpu.wait_dma2 semaphore(%run_scoped3A : memref<!tpu.dma_semaphore, #tpu.memory_space<semaphore_mem>>) src(%arg32 : memref<2000xf32, #tpu.memory_space<vmem>>) dst(%dma_wait3A_255 : memref<2000xf32, #tpu.memory_space<vmem_shared>>)
        tpu.yield
      }) : () -> ()
      "tpu.region"() ({
        %run_scoped3A = tpu.sem_alloc : memref<!tpu.dma_semaphore, #tpu.memory_space<semaphore_mem>>
        %dma_start3A_248 = arith.constant 10000 : i32
        %dma_start3A_249 = tpu.memref_slice %arg33[%dma_start3A_248] : memref<40000xf32, #tpu.memory_space<vmem_shared>> -> memref<2000xf32, #tpu.memory_space<vmem_shared>>
        %dma_start3A_250 = arith.constant 10000 : i32
        %dma_start3A_251 = tpu.memref_slice %arg33[%dma_start3A_250] : memref<40000xf32, #tpu.memory_space<vmem_shared>> -> memref<2000xf32, #tpu.memory_space<vmem_shared>>
        tpu.enqueue_dma source(%arg32 : memref<2000xf32, #tpu.memory_space<vmem>>) target(%dma_start3A_251 : memref<2000xf32, #tpu.memory_space<vmem_shared>>) target_semaphore(%run_scoped3A : memref<!tpu.dma_semaphore, #tpu.memory_space<semaphore_mem>>)
        %dma_wait3A_252 = arith.constant 10000 : i32
        %dma_wait3A_253 = tpu.memref_slice %arg33[%dma_wait3A_252] : memref<40000xf32, #tpu.memory_space<vmem_shared>> -> memref<2000xf32, #tpu.memory_space<vmem_shared>>
        %dma_wait3A_254 = arith.constant 10000 : i32
        %dma_wait3A_255 = tpu.memref_slice %arg33[%dma_wait3A_254] : memref<40000xf32, #tpu.memory_space<vmem_shared>> -> memref<2000xf32, #tpu.memory_space<vmem_shared>>
        tpu.wait_dma2 semaphore(%run_scoped3A : memref<!tpu.dma_semaphore, #tpu.memory_space<semaphore_mem>>) src(%arg32 : memref<2000xf32, #tpu.memory_space<vmem>>) dst(%dma_wait3A_255 : memref<2000xf32, #tpu.memory_space<vmem_shared>>)
        tpu.yield
      }) : () -> ()
      "tpu.region"() ({
        %run_scoped3A = tpu.sem_alloc : memref<!tpu.dma_semaphore, #tpu.memory_space<semaphore_mem>>
        %dma_start3A_248 = arith.constant 12000 : i32
        %dma_start3A_249 = tpu.memref_slice %arg33[%dma_start3A_248] : memref<40000xf32, #tpu.memory_space<vmem_shared>> -> memref<2000xf32, #tpu.memory_space<vmem_shared>>
        %dma_start3A_250 = arith.constant 12000 : i32
        %dma_start3A_251 = tpu.memref_slice %arg33[%dma_start3A_250] : memref<40000xf32, #tpu.memory_space<vmem_shared>> -> memref<2000xf32, #tpu.memory_space<vmem_shared>>
        tpu.enqueue_dma source(%arg32 : memref<2000xf32, #tpu.memory_space<vmem>>) target(%dma_start3A_251 : memref<2000xf32, #tpu.memory_space<vmem_shared>>) target_semaphore(%run_scoped3A : memref<!tpu.dma_semaphore, #tpu.memory_space<semaphore_mem>>)
        %dma_wait3A_252 = arith.constant 12000 : i32
        %dma_wait3A_253 = tpu.memref_slice %arg33[%dma_wait3A_252] : memref<40000xf32, #tpu.memory_space<vmem_shared>> -> memref<2000xf32, #tpu.memory_space<vmem_shared>>
        %dma_wait3A_254 = arith.constant 12000 : i32
        %dma_wait3A_255 = tpu.memref_slice %arg33[%dma_wait3A_254] : memref<40000xf32, #tpu.memory_space<vmem_shared>> -> memref<2000xf32, #tpu.memory_space<vmem_shared>>
        tpu.wait_dma2 semaphore(%run_scoped3A : memref<!tpu.dma_semaphore, #tpu.memory_space<semaphore_mem>>) src(%arg32 : memref<2000xf32, #tpu.memory_space<vmem>>) dst(%dma_wait3A_255 : memref<2000xf32, #tpu.memory_space<vmem_shared>>)
        tpu.yield
      }) : () -> ()
      "tpu.region"() ({
        %run_scoped3A = tpu.sem_alloc : memref<!tpu.dma_semaphore, #tpu.memory_space<semaphore_mem>>
        %dma_start3A_248 = arith.constant 14000 : i32
        %dma_start3A_249 = tpu.memref_slice %arg33[%dma_start3A_248] : memref<40000xf32, #tpu.memory_space<vmem_shared>> -> memref<2000xf32, #tpu.memory_space<vmem_shared>>
        %dma_start3A_250 = arith.constant 14000 : i32
        %dma_start3A_251 = tpu.memref_slice %arg33[%dma_start3A_250] : memref<40000xf32, #tpu.memory_space<vmem_shared>> -> memref<2000xf32, #tpu.memory_space<vmem_shared>>
        tpu.enqueue_dma source(%arg32 : memref<2000xf32, #tpu.memory_space<vmem>>) target(%dma_start3A_251 : memref<2000xf32, #tpu.memory_space<vmem_shared>>) target_semaphore(%run_scoped3A : memref<!tpu.dma_semaphore, #tpu.memory_space<semaphore_mem>>)
        %dma_wait3A_252 = arith.constant 14000 : i32
        %dma_wait3A_253 = tpu.memref_slice %arg33[%dma_wait3A_252] : memref<40000xf32, #tpu.memory_space<vmem_shared>> -> memref<2000xf32, #tpu.memory_space<vmem_shared>>
        %dma_wait3A_254 = arith.constant 14000 : i32
        %dma_wait3A_255 = tpu.memref_slice %arg33[%dma_wait3A_254] : memref<40000xf32, #tpu.memory_space<vmem_shared>> -> memref<2000xf32, #tpu.memory_space<vmem_shared>>
        tpu.wait_dma2 semaphore(%run_scoped3A : memref<!tpu.dma_semaphore, #tpu.memory_space<semaphore_mem>>) src(%arg32 : memref<2000xf32, #tpu.memory_space<vmem>>) dst(%dma_wait3A_255 : memref<2000xf32, #tpu.memory_space<vmem_shared>>)
        tpu.yield
      }) : () -> ()
      "tpu.region"() ({
        %run_scoped3A = tpu.sem_alloc : memref<!tpu.dma_semaphore, #tpu.memory_space<semaphore_mem>>
        %dma_start3A_248 = arith.constant 16000 : i32
        %dma_start3A_249 = tpu.memref_slice %arg33[%dma_start3A_248] : memref<40000xf32, #tpu.memory_space<vmem_shared>> -> memref<2000xf32, #tpu.memory_space<vmem_shared>>
        %dma_start3A_250 = arith.constant 16000 : i32
        %dma_start3A_251 = tpu.memref_slice %arg33[%dma_start3A_250] : memref<40000xf32, #tpu.memory_space<vmem_shared>> -> memref<2000xf32, #tpu.memory_space<vmem_shared>>
        tpu.enqueue_dma source(%arg32 : memref<2000xf32, #tpu.memory_space<vmem>>) target(%dma_start3A_251 : memref<2000xf32, #tpu.memory_space<vmem_shared>>) target_semaphore(%run_scoped3A : memref<!tpu.dma_semaphore, #tpu.memory_space<semaphore_mem>>)
        %dma_wait3A_252 = arith.constant 16000 : i32
        %dma_wait3A_253 = tpu.memref_slice %arg33[%dma_wait3A_252] : memref<40000xf32, #tpu.memory_space<vmem_shared>> -> memref<2000xf32, #tpu.memory_space<vmem_shared>>
        %dma_wait3A_254 = arith.constant 16000 : i32
        %dma_wait3A_255 = tpu.memref_slice %arg33[%dma_wait3A_254] : memref<40000xf32, #tpu.memory_space<vmem_shared>> -> memref<2000xf32, #tpu.memory_space<vmem_shared>>
        tpu.wait_dma2 semaphore(%run_scoped3A : memref<!tpu.dma_semaphore, #tpu.memory_space<semaphore_mem>>) src(%arg32 : memref<2000xf32, #tpu.memory_space<vmem>>) dst(%dma_wait3A_255 : memref<2000xf32, #tpu.memory_space<vmem_shared>>)
        tpu.yield
      }) : () -> ()
      "tpu.region"() ({
        %run_scoped3A = tpu.sem_alloc : memref<!tpu.dma_semaphore, #tpu.memory_space<semaphore_mem>>
        %dma_start3A_248 = arith.constant 18000 : i32
        %dma_start3A_249 = tpu.memref_slice %arg33[%dma_start3A_248] : memref<40000xf32, #tpu.memory_space<vmem_shared>> -> memref<2000xf32, #tpu.memory_space<vmem_shared>>
        %dma_start3A_250 = arith.constant 18000 : i32
        %dma_start3A_251 = tpu.memref_slice %arg33[%dma_start3A_250] : memref<40000xf32, #tpu.memory_space<vmem_shared>> -> memref<2000xf32, #tpu.memory_space<vmem_shared>>
        tpu.enqueue_dma source(%arg32 : memref<2000xf32, #tpu.memory_space<vmem>>) target(%dma_start3A_251 : memref<2000xf32, #tpu.memory_space<vmem_shared>>) target_semaphore(%run_scoped3A : memref<!tpu.dma_semaphore, #tpu.memory_space<semaphore_mem>>)
        %dma_wait3A_252 = arith.constant 18000 : i32
        %dma_wait3A_253 = tpu.memref_slice %arg33[%dma_wait3A_252] : memref<40000xf32, #tpu.memory_space<vmem_shared>> -> memref<2000xf32, #tpu.memory_space<vmem_shared>>
        %dma_wait3A_254 = arith.constant 18000 : i32
        %dma_wait3A_255 = tpu.memref_slice %arg33[%dma_wait3A_254] : memref<40000xf32, #tpu.memory_space<vmem_shared>> -> memref<2000xf32, #tpu.memory_space<vmem_shared>>
        tpu.wait_dma2 semaphore(%run_scoped3A : memref<!tpu.dma_semaphore, #tpu.memory_space<semaphore_mem>>) src(%arg32 : memref<2000xf32, #tpu.memory_space<vmem>>) dst(%dma_wait3A_255 : memref<2000xf32, #tpu.memory_space<vmem_shared>>)
        tpu.yield
      }) : () -> ()
      "tpu.region"() ({
        %run_scoped3A = tpu.sem_alloc : memref<!tpu.dma_semaphore, #tpu.memory_space<semaphore_mem>>
        %dma_start3A_248 = arith.constant 20000 : i32
        %dma_start3A_249 = tpu.memref_slice %arg33[%dma_start3A_248] : memref<40000xf32, #tpu.memory_space<vmem_shared>> -> memref<2000xf32, #tpu.memory_space<vmem_shared>>
        %dma_start3A_250 = arith.constant 20000 : i32
        %dma_start3A_251 = tpu.memref_slice %arg33[%dma_start3A_250] : memref<40000xf32, #tpu.memory_space<vmem_shared>> -> memref<2000xf32, #tpu.memory_space<vmem_shared>>
        tpu.enqueue_dma source(%arg32 : memref<2000xf32, #tpu.memory_space<vmem>>) target(%dma_start3A_251 : memref<2000xf32, #tpu.memory_space<vmem_shared>>) target_semaphore(%run_scoped3A : memref<!tpu.dma_semaphore, #tpu.memory_space<semaphore_mem>>)
        %dma_wait3A_252 = arith.constant 20000 : i32
        %dma_wait3A_253 = tpu.memref_slice %arg33[%dma_wait3A_252] : memref<40000xf32, #tpu.memory_space<vmem_shared>> -> memref<2000xf32, #tpu.memory_space<vmem_shared>>
        %dma_wait3A_254 = arith.constant 20000 : i32
        %dma_wait3A_255 = tpu.memref_slice %arg33[%dma_wait3A_254] : memref<40000xf32, #tpu.memory_space<vmem_shared>> -> memref<2000xf32, #tpu.memory_space<vmem_shared>>
        tpu.wait_dma2 semaphore(%run_scoped3A : memref<!tpu.dma_semaphore, #tpu.memory_space<semaphore_mem>>) src(%arg32 : memref<2000xf32, #tpu.memory_space<vmem>>) dst(%dma_wait3A_255 : memref<2000xf32, #tpu.memory_space<vmem_shared>>)
        tpu.yield
      }) : () -> ()
      "tpu.region"() ({
        %run_scoped3A = tpu.sem_alloc : memref<!tpu.dma_semaphore, #tpu.memory_space<semaphore_mem>>
        %dma_start3A_248 = arith.constant 22000 : i32
        %dma_start3A_249 = tpu.memref_slice %arg33[%dma_start3A_248] : memref<40000xf32, #tpu.memory_space<vmem_shared>> -> memref<2000xf32, #tpu.memory_space<vmem_shared>>
        %dma_start3A_250 = arith.constant 22000 : i32
        %dma_start3A_251 = tpu.memref_slice %arg33[%dma_start3A_250] : memref<40000xf32, #tpu.memory_space<vmem_shared>> -> memref<2000xf32, #tpu.memory_space<vmem_shared>>
        tpu.enqueue_dma source(%arg32 : memref<2000xf32, #tpu.memory_space<vmem>>) target(%dma_start3A_251 : memref<2000xf32, #tpu.memory_space<vmem_shared>>) target_semaphore(%run_scoped3A : memref<!tpu.dma_semaphore, #tpu.memory_space<semaphore_mem>>)
        %dma_wait3A_252 = arith.constant 22000 : i32
        %dma_wait3A_253 = tpu.memref_slice %arg33[%dma_wait3A_252] : memref<40000xf32, #tpu.memory_space<vmem_shared>> -> memref<2000xf32, #tpu.memory_space<vmem_shared>>
        %dma_wait3A_254 = arith.constant 22000 : i32
        %dma_wait3A_255 = tpu.memref_slice %arg33[%dma_wait3A_254] : memref<40000xf32, #tpu.memory_space<vmem_shared>> -> memref<2000xf32, #tpu.memory_space<vmem_shared>>
        tpu.wait_dma2 semaphore(%run_scoped3A : memref<!tpu.dma_semaphore, #tpu.memory_space<semaphore_mem>>) src(%arg32 : memref<2000xf32, #tpu.memory_space<vmem>>) dst(%dma_wait3A_255 : memref<2000xf32, #tpu.memory_space<vmem_shared>>)
        tpu.yield
      }) : () -> ()
      "tpu.region"() ({
        %run_scoped3A = tpu.sem_alloc : memref<!tpu.dma_semaphore, #tpu.memory_space<semaphore_mem>>
        %dma_start3A_248 = arith.constant 24000 : i32
        %dma_start3A_249 = tpu.memref_slice %arg33[%dma_start3A_248] : memref<40000xf32, #tpu.memory_space<vmem_shared>> -> memref<2000xf32, #tpu.memory_space<vmem_shared>>
        %dma_start3A_250 = arith.constant 24000 : i32
        %dma_start3A_251 = tpu.memref_slice %arg33[%dma_start3A_250] : memref<40000xf32, #tpu.memory_space<vmem_shared>> -> memref<2000xf32, #tpu.memory_space<vmem_shared>>
        tpu.enqueue_dma source(%arg32 : memref<2000xf32, #tpu.memory_space<vmem>>) target(%dma_start3A_251 : memref<2000xf32, #tpu.memory_space<vmem_shared>>) target_semaphore(%run_scoped3A : memref<!tpu.dma_semaphore, #tpu.memory_space<semaphore_mem>>)
        %dma_wait3A_252 = arith.constant 24000 : i32
        %dma_wait3A_253 = tpu.memref_slice %arg33[%dma_wait3A_252] : memref<40000xf32, #tpu.memory_space<vmem_shared>> -> memref<2000xf32, #tpu.memory_space<vmem_shared>>
        %dma_wait3A_254 = arith.constant 24000 : i32
        %dma_wait3A_255 = tpu.memref_slice %arg33[%dma_wait3A_254] : memref<40000xf32, #tpu.memory_space<vmem_shared>> -> memref<2000xf32, #tpu.memory_space<vmem_shared>>
        tpu.wait_dma2 semaphore(%run_scoped3A : memref<!tpu.dma_semaphore, #tpu.memory_space<semaphore_mem>>) src(%arg32 : memref<2000xf32, #tpu.memory_space<vmem>>) dst(%dma_wait3A_255 : memref<2000xf32, #tpu.memory_space<vmem_shared>>)
        tpu.yield
      }) : () -> ()
      "tpu.region"() ({
        %run_scoped3A = tpu.sem_alloc : memref<!tpu.dma_semaphore, #tpu.memory_space<semaphore_mem>>
        %dma_start3A_248 = arith.constant 26000 : i32
        %dma_start3A_249 = tpu.memref_slice %arg33[%dma_start3A_248] : memref<40000xf32, #tpu.memory_space<vmem_shared>> -> memref<2000xf32, #tpu.memory_space<vmem_shared>>
        %dma_start3A_250 = arith.constant 26000 : i32
        %dma_start3A_251 = tpu.memref_slice %arg33[%dma_start3A_250] : memref<40000xf32, #tpu.memory_space<vmem_shared>> -> memref<2000xf32, #tpu.memory_space<vmem_shared>>
        tpu.enqueue_dma source(%arg32 : memref<2000xf32, #tpu.memory_space<vmem>>) target(%dma_start3A_251 : memref<2000xf32, #tpu.memory_space<vmem_shared>>) target_semaphore(%run_scoped3A : memref<!tpu.dma_semaphore, #tpu.memory_space<semaphore_mem>>)
        %dma_wait3A_252 = arith.constant 26000 : i32
        %dma_wait3A_253 = tpu.memref_slice %arg33[%dma_wait3A_252] : memref<40000xf32, #tpu.memory_space<vmem_shared>> -> memref<2000xf32, #tpu.memory_space<vmem_shared>>
        %dma_wait3A_254 = arith.constant 26000 : i32
        %dma_wait3A_255 = tpu.memref_slice %arg33[%dma_wait3A_254] : memref<40000xf32, #tpu.memory_space<vmem_shared>> -> memref<2000xf32, #tpu.memory_space<vmem_shared>>
        tpu.wait_dma2 semaphore(%run_scoped3A : memref<!tpu.dma_semaphore, #tpu.memory_space<semaphore_mem>>) src(%arg32 : memref<2000xf32, #tpu.memory_space<vmem>>) dst(%dma_wait3A_255 : memref<2000xf32, #tpu.memory_space<vmem_shared>>)
        tpu.yield
      }) : () -> ()
      "tpu.region"() ({
        %run_scoped3A = tpu.sem_alloc : memref<!tpu.dma_semaphore, #tpu.memory_space<semaphore_mem>>
        %dma_start3A_248 = arith.constant 28000 : i32
        %dma_start3A_249 = tpu.memref_slice %arg33[%dma_start3A_248] : memref<40000xf32, #tpu.memory_space<vmem_shared>> -> memref<2000xf32, #tpu.memory_space<vmem_shared>>
        %dma_start3A_250 = arith.constant 28000 : i32
        %dma_start3A_251 = tpu.memref_slice %arg33[%dma_start3A_250] : memref<40000xf32, #tpu.memory_space<vmem_shared>> -> memref<2000xf32, #tpu.memory_space<vmem_shared>>
        tpu.enqueue_dma source(%arg32 : memref<2000xf32, #tpu.memory_space<vmem>>) target(%dma_start3A_251 : memref<2000xf32, #tpu.memory_space<vmem_shared>>) target_semaphore(%run_scoped3A : memref<!tpu.dma_semaphore, #tpu.memory_space<semaphore_mem>>)
        %dma_wait3A_252 = arith.constant 28000 : i32
        %dma_wait3A_253 = tpu.memref_slice %arg33[%dma_wait3A_252] : memref<40000xf32, #tpu.memory_space<vmem_shared>> -> memref<2000xf32, #tpu.memory_space<vmem_shared>>
        %dma_wait3A_254 = arith.constant 28000 : i32
        %dma_wait3A_255 = tpu.memref_slice %arg33[%dma_wait3A_254] : memref<40000xf32, #tpu.memory_space<vmem_shared>> -> memref<2000xf32, #tpu.memory_space<vmem_shared>>
        tpu.wait_dma2 semaphore(%run_scoped3A : memref<!tpu.dma_semaphore, #tpu.memory_space<semaphore_mem>>) src(%arg32 : memref<2000xf32, #tpu.memory_space<vmem>>) dst(%dma_wait3A_255 : memref<2000xf32, #tpu.memory_space<vmem_shared>>)
        tpu.yield
      }) : () -> ()
      "tpu.region"() ({
        %run_scoped3A = tpu.sem_alloc : memref<!tpu.dma_semaphore, #tpu.memory_space<semaphore_mem>>
        %dma_start3A_248 = arith.constant 30000 : i32
        %dma_start3A_249 = tpu.memref_slice %arg33[%dma_start3A_248] : memref<40000xf32, #tpu.memory_space<vmem_shared>> -> memref<2000xf32, #tpu.memory_space<vmem_shared>>
        %dma_start3A_250 = arith.constant 30000 : i32
        %dma_start3A_251 = tpu.memref_slice %arg33[%dma_start3A_250] : memref<40000xf32, #tpu.memory_space<vmem_shared>> -> memref<2000xf32, #tpu.memory_space<vmem_shared>>
        tpu.enqueue_dma source(%arg32 : memref<2000xf32, #tpu.memory_space<vmem>>) target(%dma_start3A_251 : memref<2000xf32, #tpu.memory_space<vmem_shared>>) target_semaphore(%run_scoped3A : memref<!tpu.dma_semaphore, #tpu.memory_space<semaphore_mem>>)
        %dma_wait3A_252 = arith.constant 30000 : i32
        %dma_wait3A_253 = tpu.memref_slice %arg33[%dma_wait3A_252] : memref<40000xf32, #tpu.memory_space<vmem_shared>> -> memref<2000xf32, #tpu.memory_space<vmem_shared>>
        %dma_wait3A_254 = arith.constant 30000 : i32
        %dma_wait3A_255 = tpu.memref_slice %arg33[%dma_wait3A_254] : memref<40000xf32, #tpu.memory_space<vmem_shared>> -> memref<2000xf32, #tpu.memory_space<vmem_shared>>
        tpu.wait_dma2 semaphore(%run_scoped3A : memref<!tpu.dma_semaphore, #tpu.memory_space<semaphore_mem>>) src(%arg32 : memref<2000xf32, #tpu.memory_space<vmem>>) dst(%dma_wait3A_255 : memref<2000xf32, #tpu.memory_space<vmem_shared>>)
        tpu.yield
      }) : () -> ()
      "tpu.region"() ({
        %run_scoped3A = tpu.sem_alloc : memref<!tpu.dma_semaphore, #tpu.memory_space<semaphore_mem>>
        %dma_start3A_248 = arith.constant 32000 : i32
        %dma_start3A_249 = tpu.memref_slice %arg33[%dma_start3A_248] : memref<40000xf32, #tpu.memory_space<vmem_shared>> -> memref<2000xf32, #tpu.memory_space<vmem_shared>>
        %dma_start3A_250 = arith.constant 32000 : i32
        %dma_start3A_251 = tpu.memref_slice %arg33[%dma_start3A_250] : memref<40000xf32, #tpu.memory_space<vmem_shared>> -> memref<2000xf32, #tpu.memory_space<vmem_shared>>
        tpu.enqueue_dma source(%arg32 : memref<2000xf32, #tpu.memory_space<vmem>>) target(%dma_start3A_251 : memref<2000xf32, #tpu.memory_space<vmem_shared>>) target_semaphore(%run_scoped3A : memref<!tpu.dma_semaphore, #tpu.memory_space<semaphore_mem>>)
        %dma_wait3A_252 = arith.constant 32000 : i32
        %dma_wait3A_253 = tpu.memref_slice %arg33[%dma_wait3A_252] : memref<40000xf32, #tpu.memory_space<vmem_shared>> -> memref<2000xf32, #tpu.memory_space<vmem_shared>>
        %dma_wait3A_254 = arith.constant 32000 : i32
        %dma_wait3A_255 = tpu.memref_slice %arg33[%dma_wait3A_254] : memref<40000xf32, #tpu.memory_space<vmem_shared>> -> memref<2000xf32, #tpu.memory_space<vmem_shared>>
        tpu.wait_dma2 semaphore(%run_scoped3A : memref<!tpu.dma_semaphore, #tpu.memory_space<semaphore_mem>>) src(%arg32 : memref<2000xf32, #tpu.memory_space<vmem>>) dst(%dma_wait3A_255 : memref<2000xf32, #tpu.memory_space<vmem_shared>>)
        tpu.yield
      }) : () -> ()
      "tpu.region"() ({
        %run_scoped3A = tpu.sem_alloc : memref<!tpu.dma_semaphore, #tpu.memory_space<semaphore_mem>>
        %dma_start3A_248 = arith.constant 34000 : i32
        %dma_start3A_249 = tpu.memref_slice %arg33[%dma_start3A_248] : memref<40000xf32, #tpu.memory_space<vmem_shared>> -> memref<2000xf32, #tpu.memory_space<vmem_shared>>
        %dma_start3A_250 = arith.constant 34000 : i32
        %dma_start3A_251 = tpu.memref_slice %arg33[%dma_start3A_250] : memref<40000xf32, #tpu.memory_space<vmem_shared>> -> memref<2000xf32, #tpu.memory_space<vmem_shared>>
        tpu.enqueue_dma source(%arg32 : memref<2000xf32, #tpu.memory_space<vmem>>) target(%dma_start3A_251 : memref<2000xf32, #tpu.memory_space<vmem_shared>>) target_semaphore(%run_scoped3A : memref<!tpu.dma_semaphore, #tpu.memory_space<semaphore_mem>>)
        %dma_wait3A_252 = arith.constant 34000 : i32
        %dma_wait3A_253 = tpu.memref_slice %arg33[%dma_wait3A_252] : memref<40000xf32, #tpu.memory_space<vmem_shared>> -> memref<2000xf32, #tpu.memory_space<vmem_shared>>
        %dma_wait3A_254 = arith.constant 34000 : i32
        %dma_wait3A_255 = tpu.memref_slice %arg33[%dma_wait3A_254] : memref<40000xf32, #tpu.memory_space<vmem_shared>> -> memref<2000xf32, #tpu.memory_space<vmem_shared>>
        tpu.wait_dma2 semaphore(%run_scoped3A : memref<!tpu.dma_semaphore, #tpu.memory_space<semaphore_mem>>) src(%arg32 : memref<2000xf32, #tpu.memory_space<vmem>>) dst(%dma_wait3A_255 : memref<2000xf32, #tpu.memory_space<vmem_shared>>)
        tpu.yield
      }) : () -> ()
      "tpu.region"() ({
        %run_scoped3A = tpu.sem_alloc : memref<!tpu.dma_semaphore, #tpu.memory_space<semaphore_mem>>
        %dma_start3A_248 = arith.constant 36000 : i32
        %dma_start3A_249 = tpu.memref_slice %arg33[%dma_start3A_248] : memref<40000xf32, #tpu.memory_space<vmem_shared>> -> memref<2000xf32, #tpu.memory_space<vmem_shared>>
        %dma_start3A_250 = arith.constant 36000 : i32
        %dma_start3A_251 = tpu.memref_slice %arg33[%dma_start3A_250] : memref<40000xf32, #tpu.memory_space<vmem_shared>> -> memref<2000xf32, #tpu.memory_space<vmem_shared>>
        tpu.enqueue_dma source(%arg32 : memref<2000xf32, #tpu.memory_space<vmem>>) target(%dma_start3A_251 : memref<2000xf32, #tpu.memory_space<vmem_shared>>) target_semaphore(%run_scoped3A : memref<!tpu.dma_semaphore, #tpu.memory_space<semaphore_mem>>)
        %dma_wait3A_252 = arith.constant 36000 : i32
        %dma_wait3A_253 = tpu.memref_slice %arg33[%dma_wait3A_252] : memref<40000xf32, #tpu.memory_space<vmem_shared>> -> memref<2000xf32, #tpu.memory_space<vmem_shared>>
        %dma_wait3A_254 = arith.constant 36000 : i32
        %dma_wait3A_255 = tpu.memref_slice %arg33[%dma_wait3A_254] : memref<40000xf32, #tpu.memory_space<vmem_shared>> -> memref<2000xf32, #tpu.memory_space<vmem_shared>>
        tpu.wait_dma2 semaphore(%run_scoped3A : memref<!tpu.dma_semaphore, #tpu.memory_space<semaphore_mem>>) src(%arg32 : memref<2000xf32, #tpu.memory_space<vmem>>) dst(%dma_wait3A_255 : memref<2000xf32, #tpu.memory_space<vmem_shared>>)
        tpu.yield
      }) : () -> ()
      "tpu.region"() ({
        %run_scoped3A = tpu.sem_alloc : memref<!tpu.dma_semaphore, #tpu.memory_space<semaphore_mem>>
        %dma_start3A_248 = arith.constant 38000 : i32
        %dma_start3A_249 = tpu.memref_slice %arg33[%dma_start3A_248] : memref<40000xf32, #tpu.memory_space<vmem_shared>> -> memref<2000xf32, #tpu.memory_space<vmem_shared>>
        %dma_start3A_250 = arith.constant 38000 : i32
        %dma_start3A_251 = tpu.memref_slice %arg33[%dma_start3A_250] : memref<40000xf32, #tpu.memory_space<vmem_shared>> -> memref<2000xf32, #tpu.memory_space<vmem_shared>>
        tpu.enqueue_dma source(%arg32 : memref<2000xf32, #tpu.memory_space<vmem>>) target(%dma_start3A_251 : memref<2000xf32, #tpu.memory_space<vmem_shared>>) target_semaphore(%run_scoped3A : memref<!tpu.dma_semaphore, #tpu.memory_space<semaphore_mem>>)
        %dma_wait3A_252 = arith.constant 38000 : i32
        %dma_wait3A_253 = tpu.memref_slice %arg33[%dma_wait3A_252] : memref<40000xf32, #tpu.memory_space<vmem_shared>> -> memref<2000xf32, #tpu.memory_space<vmem_shared>>
        %dma_wait3A_254 = arith.constant 38000 : i32
        %dma_wait3A_255 = tpu.memref_slice %arg33[%dma_wait3A_254] : memref<40000xf32, #tpu.memory_space<vmem_shared>> -> memref<2000xf32, #tpu.memory_space<vmem_shared>>
        tpu.wait_dma2 semaphore(%run_scoped3A : memref<!tpu.dma_semaphore, #tpu.memory_space<semaphore_mem>>) src(%arg32 : memref<2000xf32, #tpu.memory_space<vmem>>) dst(%dma_wait3A_255 : memref<2000xf32, #tpu.memory_space<vmem_shared>>)
        tpu.yield
      }) : () -> ()
    } else {
    }
    %mul3A_23 = arith.constant 624 : i32
    %mul3A_24 = arith.muli %arg1, %mul3A_23 : i32
    %lt3A = arith.constant 15 : i32
    %lt3A_25 = arith.cmpi slt, %arg1, %lt3A : i32
    %convert_element_type3A_26 = arith.extui %lt3A_25 : i1 to i32
    %cond3A_27 = arith.constant 0 : i32
    %cond3A_28 = arith.cmpi ne, %convert_element_type3A_26, %cond3A_27 : i32
    scf.if %cond3A_28 {
      %add3A_248 = arith.constant 0 : i32
      %add3A_249 = arith.addi %mul3A_24, %add3A_248 : i32
      "tpu.region"() ({
        %run_scoped3A = tpu.sem_alloc : memref<!tpu.dma_semaphore, #tpu.memory_space<semaphore_mem>>
        %dma_start3A_264 = arith.constant 0 : i32
        %dma_start3A_265 = arith.constant 0 : i32
        %dma_start3A_266 = tpu.memref_slice %arg27[%dma_start3A_264, %dma_start3A_265] : memref<80x128xf32, #tpu.memory_space<vmem>> -> memref<80x128xf32, #tpu.memory_space<vmem>>
        %dma_start3A_267 = arith.constant 0 : i32
        %dma_start3A_268 = tpu.memref_slice %arg34[%add3A_249, %dma_start3A_267] : memref<10000x128xf32, #tpu.memory_space<vmem_shared>> -> memref<80x128xf32, #tpu.memory_space<vmem_shared>>
        %dma_start3A_269 = arith.constant 0 : i32
        %dma_start3A_270 = tpu.memref_slice %arg34[%add3A_249, %dma_start3A_269] : memref<10000x128xf32, #tpu.memory_space<vmem_shared>> -> memref<80x128xf32, #tpu.memory_space<vmem_shared>>
        %dma_start3A_271 = arith.constant 0 : i32
        %dma_start3A_272 = arith.constant 0 : i32
        %dma_start3A_273 = tpu.memref_slice %arg27[%dma_start3A_271, %dma_start3A_272] : memref<80x128xf32, #tpu.memory_space<vmem>> -> memref<80x128xf32, #tpu.memory_space<vmem>>
        tpu.enqueue_dma source(%dma_start3A_273 : memref<80x128xf32, #tpu.memory_space<vmem>>) target(%dma_start3A_270 : memref<80x128xf32, #tpu.memory_space<vmem_shared>>) target_semaphore(%run_scoped3A : memref<!tpu.dma_semaphore, #tpu.memory_space<semaphore_mem>>)
        %dma_wait3A_274 = arith.constant 0 : i32
        %dma_wait3A_275 = arith.constant 0 : i32
        %dma_wait3A_276 = tpu.memref_slice %arg27[%dma_wait3A_274, %dma_wait3A_275] : memref<80x128xf32, #tpu.memory_space<vmem>> -> memref<80x128xf32, #tpu.memory_space<vmem>>
        %dma_wait3A_277 = arith.constant 0 : i32
        %dma_wait3A_278 = tpu.memref_slice %arg34[%add3A_249, %dma_wait3A_277] : memref<10000x128xf32, #tpu.memory_space<vmem_shared>> -> memref<80x128xf32, #tpu.memory_space<vmem_shared>>
        %dma_wait3A_279 = arith.constant 0 : i32
        %dma_wait3A_280 = tpu.memref_slice %arg34[%add3A_249, %dma_wait3A_279] : memref<10000x128xf32, #tpu.memory_space<vmem_shared>> -> memref<80x128xf32, #tpu.memory_space<vmem_shared>>
        %dma_wait3A_281 = arith.constant 0 : i32
        %dma_wait3A_282 = arith.constant 0 : i32
        %dma_wait3A_283 = tpu.memref_slice %arg27[%dma_wait3A_281, %dma_wait3A_282] : memref<80x128xf32, #tpu.memory_space<vmem>> -> memref<80x128xf32, #tpu.memory_space<vmem>>
        tpu.wait_dma2 semaphore(%run_scoped3A : memref<!tpu.dma_semaphore, #tpu.memory_space<semaphore_mem>>) src(%dma_wait3A_283 : memref<80x128xf32, #tpu.memory_space<vmem>>) dst(%dma_wait3A_280 : memref<80x128xf32, #tpu.memory_space<vmem_shared>>)
        tpu.yield
      }) : () -> ()
      %add3A_250 = arith.constant 80 : i32
      %add3A_251 = arith.addi %mul3A_24, %add3A_250 : i32
      "tpu.region"() ({
        %run_scoped3A = tpu.sem_alloc : memref<!tpu.dma_semaphore, #tpu.memory_space<semaphore_mem>>
        %dma_start3A_264 = arith.constant 0 : i32
        %dma_start3A_265 = arith.constant 0 : i32
        %dma_start3A_266 = tpu.memref_slice %arg27[%dma_start3A_264, %dma_start3A_265] : memref<80x128xf32, #tpu.memory_space<vmem>> -> memref<80x128xf32, #tpu.memory_space<vmem>>
        %dma_start3A_267 = arith.constant 0 : i32
        %dma_start3A_268 = tpu.memref_slice %arg34[%add3A_251, %dma_start3A_267] : memref<10000x128xf32, #tpu.memory_space<vmem_shared>> -> memref<80x128xf32, #tpu.memory_space<vmem_shared>>
        %dma_start3A_269 = arith.constant 0 : i32
        %dma_start3A_270 = tpu.memref_slice %arg34[%add3A_251, %dma_start3A_269] : memref<10000x128xf32, #tpu.memory_space<vmem_shared>> -> memref<80x128xf32, #tpu.memory_space<vmem_shared>>
        %dma_start3A_271 = arith.constant 0 : i32
        %dma_start3A_272 = arith.constant 0 : i32
        %dma_start3A_273 = tpu.memref_slice %arg27[%dma_start3A_271, %dma_start3A_272] : memref<80x128xf32, #tpu.memory_space<vmem>> -> memref<80x128xf32, #tpu.memory_space<vmem>>
        tpu.enqueue_dma source(%dma_start3A_273 : memref<80x128xf32, #tpu.memory_space<vmem>>) target(%dma_start3A_270 : memref<80x128xf32, #tpu.memory_space<vmem_shared>>) target_semaphore(%run_scoped3A : memref<!tpu.dma_semaphore, #tpu.memory_space<semaphore_mem>>)
        %dma_wait3A_274 = arith.constant 0 : i32
        %dma_wait3A_275 = arith.constant 0 : i32
        %dma_wait3A_276 = tpu.memref_slice %arg27[%dma_wait3A_274, %dma_wait3A_275] : memref<80x128xf32, #tpu.memory_space<vmem>> -> memref<80x128xf32, #tpu.memory_space<vmem>>
        %dma_wait3A_277 = arith.constant 0 : i32
        %dma_wait3A_278 = tpu.memref_slice %arg34[%add3A_251, %dma_wait3A_277] : memref<10000x128xf32, #tpu.memory_space<vmem_shared>> -> memref<80x128xf32, #tpu.memory_space<vmem_shared>>
        %dma_wait3A_279 = arith.constant 0 : i32
        %dma_wait3A_280 = tpu.memref_slice %arg34[%add3A_251, %dma_wait3A_279] : memref<10000x128xf32, #tpu.memory_space<vmem_shared>> -> memref<80x128xf32, #tpu.memory_space<vmem_shared>>
        %dma_wait3A_281 = arith.constant 0 : i32
        %dma_wait3A_282 = arith.constant 0 : i32
        %dma_wait3A_283 = tpu.memref_slice %arg27[%dma_wait3A_281, %dma_wait3A_282] : memref<80x128xf32, #tpu.memory_space<vmem>> -> memref<80x128xf32, #tpu.memory_space<vmem>>
        tpu.wait_dma2 semaphore(%run_scoped3A : memref<!tpu.dma_semaphore, #tpu.memory_space<semaphore_mem>>) src(%dma_wait3A_283 : memref<80x128xf32, #tpu.memory_space<vmem>>) dst(%dma_wait3A_280 : memref<80x128xf32, #tpu.memory_space<vmem_shared>>)
        tpu.yield
      }) : () -> ()
      %add3A_252 = arith.constant 160 : i32
      %add3A_253 = arith.addi %mul3A_24, %add3A_252 : i32
      "tpu.region"() ({
        %run_scoped3A = tpu.sem_alloc : memref<!tpu.dma_semaphore, #tpu.memory_space<semaphore_mem>>
        %dma_start3A_264 = arith.constant 0 : i32
        %dma_start3A_265 = arith.constant 0 : i32
        %dma_start3A_266 = tpu.memref_slice %arg27[%dma_start3A_264, %dma_start3A_265] : memref<80x128xf32, #tpu.memory_space<vmem>> -> memref<80x128xf32, #tpu.memory_space<vmem>>
        %dma_start3A_267 = arith.constant 0 : i32
        %dma_start3A_268 = tpu.memref_slice %arg34[%add3A_253, %dma_start3A_267] : memref<10000x128xf32, #tpu.memory_space<vmem_shared>> -> memref<80x128xf32, #tpu.memory_space<vmem_shared>>
        %dma_start3A_269 = arith.constant 0 : i32
        %dma_start3A_270 = tpu.memref_slice %arg34[%add3A_253, %dma_start3A_269] : memref<10000x128xf32, #tpu.memory_space<vmem_shared>> -> memref<80x128xf32, #tpu.memory_space<vmem_shared>>
        %dma_start3A_271 = arith.constant 0 : i32
        %dma_start3A_272 = arith.constant 0 : i32
        %dma_start3A_273 = tpu.memref_slice %arg27[%dma_start3A_271, %dma_start3A_272] : memref<80x128xf32, #tpu.memory_space<vmem>> -> memref<80x128xf32, #tpu.memory_space<vmem>>
        tpu.enqueue_dma source(%dma_start3A_273 : memref<80x128xf32, #tpu.memory_space<vmem>>) target(%dma_start3A_270 : memref<80x128xf32, #tpu.memory_space<vmem_shared>>) target_semaphore(%run_scoped3A : memref<!tpu.dma_semaphore, #tpu.memory_space<semaphore_mem>>)
        %dma_wait3A_274 = arith.constant 0 : i32
        %dma_wait3A_275 = arith.constant 0 : i32
        %dma_wait3A_276 = tpu.memref_slice %arg27[%dma_wait3A_274, %dma_wait3A_275] : memref<80x128xf32, #tpu.memory_space<vmem>> -> memref<80x128xf32, #tpu.memory_space<vmem>>
        %dma_wait3A_277 = arith.constant 0 : i32
        %dma_wait3A_278 = tpu.memref_slice %arg34[%add3A_253, %dma_wait3A_277] : memref<10000x128xf32, #tpu.memory_space<vmem_shared>> -> memref<80x128xf32, #tpu.memory_space<vmem_shared>>
        %dma_wait3A_279 = arith.constant 0 : i32
        %dma_wait3A_280 = tpu.memref_slice %arg34[%add3A_253, %dma_wait3A_279] : memref<10000x128xf32, #tpu.memory_space<vmem_shared>> -> memref<80x128xf32, #tpu.memory_space<vmem_shared>>
        %dma_wait3A_281 = arith.constant 0 : i32
        %dma_wait3A_282 = arith.constant 0 : i32
        %dma_wait3A_283 = tpu.memref_slice %arg27[%dma_wait3A_281, %dma_wait3A_282] : memref<80x128xf32, #tpu.memory_space<vmem>> -> memref<80x128xf32, #tpu.memory_space<vmem>>
        tpu.wait_dma2 semaphore(%run_scoped3A : memref<!tpu.dma_semaphore, #tpu.memory_space<semaphore_mem>>) src(%dma_wait3A_283 : memref<80x128xf32, #tpu.memory_space<vmem>>) dst(%dma_wait3A_280 : memref<80x128xf32, #tpu.memory_space<vmem_shared>>)
        tpu.yield
      }) : () -> ()
      %add3A_254 = arith.constant 240 : i32
      %add3A_255 = arith.addi %mul3A_24, %add3A_254 : i32
      "tpu.region"() ({
        %run_scoped3A = tpu.sem_alloc : memref<!tpu.dma_semaphore, #tpu.memory_space<semaphore_mem>>
        %dma_start3A_264 = arith.constant 0 : i32
        %dma_start3A_265 = arith.constant 0 : i32
        %dma_start3A_266 = tpu.memref_slice %arg27[%dma_start3A_264, %dma_start3A_265] : memref<80x128xf32, #tpu.memory_space<vmem>> -> memref<80x128xf32, #tpu.memory_space<vmem>>
        %dma_start3A_267 = arith.constant 0 : i32
        %dma_start3A_268 = tpu.memref_slice %arg34[%add3A_255, %dma_start3A_267] : memref<10000x128xf32, #tpu.memory_space<vmem_shared>> -> memref<80x128xf32, #tpu.memory_space<vmem_shared>>
        %dma_start3A_269 = arith.constant 0 : i32
        %dma_start3A_270 = tpu.memref_slice %arg34[%add3A_255, %dma_start3A_269] : memref<10000x128xf32, #tpu.memory_space<vmem_shared>> -> memref<80x128xf32, #tpu.memory_space<vmem_shared>>
        %dma_start3A_271 = arith.constant 0 : i32
        %dma_start3A_272 = arith.constant 0 : i32
        %dma_start3A_273 = tpu.memref_slice %arg27[%dma_start3A_271, %dma_start3A_272] : memref<80x128xf32, #tpu.memory_space<vmem>> -> memref<80x128xf32, #tpu.memory_space<vmem>>
        tpu.enqueue_dma source(%dma_start3A_273 : memref<80x128xf32, #tpu.memory_space<vmem>>) target(%dma_start3A_270 : memref<80x128xf32, #tpu.memory_space<vmem_shared>>) target_semaphore(%run_scoped3A : memref<!tpu.dma_semaphore, #tpu.memory_space<semaphore_mem>>)
        %dma_wait3A_274 = arith.constant 0 : i32
        %dma_wait3A_275 = arith.constant 0 : i32
        %dma_wait3A_276 = tpu.memref_slice %arg27[%dma_wait3A_274, %dma_wait3A_275] : memref<80x128xf32, #tpu.memory_space<vmem>> -> memref<80x128xf32, #tpu.memory_space<vmem>>
        %dma_wait3A_277 = arith.constant 0 : i32
        %dma_wait3A_278 = tpu.memref_slice %arg34[%add3A_255, %dma_wait3A_277] : memref<10000x128xf32, #tpu.memory_space<vmem_shared>> -> memref<80x128xf32, #tpu.memory_space<vmem_shared>>
        %dma_wait3A_279 = arith.constant 0 : i32
        %dma_wait3A_280 = tpu.memref_slice %arg34[%add3A_255, %dma_wait3A_279] : memref<10000x128xf32, #tpu.memory_space<vmem_shared>> -> memref<80x128xf32, #tpu.memory_space<vmem_shared>>
        %dma_wait3A_281 = arith.constant 0 : i32
        %dma_wait3A_282 = arith.constant 0 : i32
        %dma_wait3A_283 = tpu.memref_slice %arg27[%dma_wait3A_281, %dma_wait3A_282] : memref<80x128xf32, #tpu.memory_space<vmem>> -> memref<80x128xf32, #tpu.memory_space<vmem>>
        tpu.wait_dma2 semaphore(%run_scoped3A : memref<!tpu.dma_semaphore, #tpu.memory_space<semaphore_mem>>) src(%dma_wait3A_283 : memref<80x128xf32, #tpu.memory_space<vmem>>) dst(%dma_wait3A_280 : memref<80x128xf32, #tpu.memory_space<vmem_shared>>)
        tpu.yield
      }) : () -> ()
      %add3A_256 = arith.constant 320 : i32
      %add3A_257 = arith.addi %mul3A_24, %add3A_256 : i32
      "tpu.region"() ({
        %run_scoped3A = tpu.sem_alloc : memref<!tpu.dma_semaphore, #tpu.memory_space<semaphore_mem>>
        %dma_start3A_264 = arith.constant 0 : i32
        %dma_start3A_265 = arith.constant 0 : i32
        %dma_start3A_266 = tpu.memref_slice %arg27[%dma_start3A_264, %dma_start3A_265] : memref<80x128xf32, #tpu.memory_space<vmem>> -> memref<80x128xf32, #tpu.memory_space<vmem>>
        %dma_start3A_267 = arith.constant 0 : i32
        %dma_start3A_268 = tpu.memref_slice %arg34[%add3A_257, %dma_start3A_267] : memref<10000x128xf32, #tpu.memory_space<vmem_shared>> -> memref<80x128xf32, #tpu.memory_space<vmem_shared>>
        %dma_start3A_269 = arith.constant 0 : i32
        %dma_start3A_270 = tpu.memref_slice %arg34[%add3A_257, %dma_start3A_269] : memref<10000x128xf32, #tpu.memory_space<vmem_shared>> -> memref<80x128xf32, #tpu.memory_space<vmem_shared>>
        %dma_start3A_271 = arith.constant 0 : i32
        %dma_start3A_272 = arith.constant 0 : i32
        %dma_start3A_273 = tpu.memref_slice %arg27[%dma_start3A_271, %dma_start3A_272] : memref<80x128xf32, #tpu.memory_space<vmem>> -> memref<80x128xf32, #tpu.memory_space<vmem>>
        tpu.enqueue_dma source(%dma_start3A_273 : memref<80x128xf32, #tpu.memory_space<vmem>>) target(%dma_start3A_270 : memref<80x128xf32, #tpu.memory_space<vmem_shared>>) target_semaphore(%run_scoped3A : memref<!tpu.dma_semaphore, #tpu.memory_space<semaphore_mem>>)
        %dma_wait3A_274 = arith.constant 0 : i32
        %dma_wait3A_275 = arith.constant 0 : i32
        %dma_wait3A_276 = tpu.memref_slice %arg27[%dma_wait3A_274, %dma_wait3A_275] : memref<80x128xf32, #tpu.memory_space<vmem>> -> memref<80x128xf32, #tpu.memory_space<vmem>>
        %dma_wait3A_277 = arith.constant 0 : i32
        %dma_wait3A_278 = tpu.memref_slice %arg34[%add3A_257, %dma_wait3A_277] : memref<10000x128xf32, #tpu.memory_space<vmem_shared>> -> memref<80x128xf32, #tpu.memory_space<vmem_shared>>
        %dma_wait3A_279 = arith.constant 0 : i32
        %dma_wait3A_280 = tpu.memref_slice %arg34[%add3A_257, %dma_wait3A_279] : memref<10000x128xf32, #tpu.memory_space<vmem_shared>> -> memref<80x128xf32, #tpu.memory_space<vmem_shared>>
        %dma_wait3A_281 = arith.constant 0 : i32
        %dma_wait3A_282 = arith.constant 0 : i32
        %dma_wait3A_283 = tpu.memref_slice %arg27[%dma_wait3A_281, %dma_wait3A_282] : memref<80x128xf32, #tpu.memory_space<vmem>> -> memref<80x128xf32, #tpu.memory_space<vmem>>
        tpu.wait_dma2 semaphore(%run_scoped3A : memref<!tpu.dma_semaphore, #tpu.memory_space<semaphore_mem>>) src(%dma_wait3A_283 : memref<80x128xf32, #tpu.memory_space<vmem>>) dst(%dma_wait3A_280 : memref<80x128xf32, #tpu.memory_space<vmem_shared>>)
        tpu.yield
      }) : () -> ()
      %add3A_258 = arith.constant 400 : i32
      %add3A_259 = arith.addi %mul3A_24, %add3A_258 : i32
      "tpu.region"() ({
        %run_scoped3A = tpu.sem_alloc : memref<!tpu.dma_semaphore, #tpu.memory_space<semaphore_mem>>
        %dma_start3A_264 = arith.constant 0 : i32
        %dma_start3A_265 = arith.constant 0 : i32
        %dma_start3A_266 = tpu.memref_slice %arg27[%dma_start3A_264, %dma_start3A_265] : memref<80x128xf32, #tpu.memory_space<vmem>> -> memref<80x128xf32, #tpu.memory_space<vmem>>
        %dma_start3A_267 = arith.constant 0 : i32
        %dma_start3A_268 = tpu.memref_slice %arg34[%add3A_259, %dma_start3A_267] : memref<10000x128xf32, #tpu.memory_space<vmem_shared>> -> memref<80x128xf32, #tpu.memory_space<vmem_shared>>
        %dma_start3A_269 = arith.constant 0 : i32
        %dma_start3A_270 = tpu.memref_slice %arg34[%add3A_259, %dma_start3A_269] : memref<10000x128xf32, #tpu.memory_space<vmem_shared>> -> memref<80x128xf32, #tpu.memory_space<vmem_shared>>
        %dma_start3A_271 = arith.constant 0 : i32
        %dma_start3A_272 = arith.constant 0 : i32
        %dma_start3A_273 = tpu.memref_slice %arg27[%dma_start3A_271, %dma_start3A_272] : memref<80x128xf32, #tpu.memory_space<vmem>> -> memref<80x128xf32, #tpu.memory_space<vmem>>
        tpu.enqueue_dma source(%dma_start3A_273 : memref<80x128xf32, #tpu.memory_space<vmem>>) target(%dma_start3A_270 : memref<80x128xf32, #tpu.memory_space<vmem_shared>>) target_semaphore(%run_scoped3A : memref<!tpu.dma_semaphore, #tpu.memory_space<semaphore_mem>>)
        %dma_wait3A_274 = arith.constant 0 : i32
        %dma_wait3A_275 = arith.constant 0 : i32
        %dma_wait3A_276 = tpu.memref_slice %arg27[%dma_wait3A_274, %dma_wait3A_275] : memref<80x128xf32, #tpu.memory_space<vmem>> -> memref<80x128xf32, #tpu.memory_space<vmem>>
        %dma_wait3A_277 = arith.constant 0 : i32
        %dma_wait3A_278 = tpu.memref_slice %arg34[%add3A_259, %dma_wait3A_277] : memref<10000x128xf32, #tpu.memory_space<vmem_shared>> -> memref<80x128xf32, #tpu.memory_space<vmem_shared>>
        %dma_wait3A_279 = arith.constant 0 : i32
        %dma_wait3A_280 = tpu.memref_slice %arg34[%add3A_259, %dma_wait3A_279] : memref<10000x128xf32, #tpu.memory_space<vmem_shared>> -> memref<80x128xf32, #tpu.memory_space<vmem_shared>>
        %dma_wait3A_281 = arith.constant 0 : i32
        %dma_wait3A_282 = arith.constant 0 : i32
        %dma_wait3A_283 = tpu.memref_slice %arg27[%dma_wait3A_281, %dma_wait3A_282] : memref<80x128xf32, #tpu.memory_space<vmem>> -> memref<80x128xf32, #tpu.memory_space<vmem>>
        tpu.wait_dma2 semaphore(%run_scoped3A : memref<!tpu.dma_semaphore, #tpu.memory_space<semaphore_mem>>) src(%dma_wait3A_283 : memref<80x128xf32, #tpu.memory_space<vmem>>) dst(%dma_wait3A_280 : memref<80x128xf32, #tpu.memory_space<vmem_shared>>)
        tpu.yield
      }) : () -> ()
      %add3A_260 = arith.constant 480 : i32
      %add3A_261 = arith.addi %mul3A_24, %add3A_260 : i32
      "tpu.region"() ({
        %run_scoped3A = tpu.sem_alloc : memref<!tpu.dma_semaphore, #tpu.memory_space<semaphore_mem>>
        %dma_start3A_264 = arith.constant 0 : i32
        %dma_start3A_265 = arith.constant 0 : i32
        %dma_start3A_266 = tpu.memref_slice %arg27[%dma_start3A_264, %dma_start3A_265] : memref<80x128xf32, #tpu.memory_space<vmem>> -> memref<80x128xf32, #tpu.memory_space<vmem>>
        %dma_start3A_267 = arith.constant 0 : i32
        %dma_start3A_268 = tpu.memref_slice %arg34[%add3A_261, %dma_start3A_267] : memref<10000x128xf32, #tpu.memory_space<vmem_shared>> -> memref<80x128xf32, #tpu.memory_space<vmem_shared>>
        %dma_start3A_269 = arith.constant 0 : i32
        %dma_start3A_270 = tpu.memref_slice %arg34[%add3A_261, %dma_start3A_269] : memref<10000x128xf32, #tpu.memory_space<vmem_shared>> -> memref<80x128xf32, #tpu.memory_space<vmem_shared>>
        %dma_start3A_271 = arith.constant 0 : i32
        %dma_start3A_272 = arith.constant 0 : i32
        %dma_start3A_273 = tpu.memref_slice %arg27[%dma_start3A_271, %dma_start3A_272] : memref<80x128xf32, #tpu.memory_space<vmem>> -> memref<80x128xf32, #tpu.memory_space<vmem>>
        tpu.enqueue_dma source(%dma_start3A_273 : memref<80x128xf32, #tpu.memory_space<vmem>>) target(%dma_start3A_270 : memref<80x128xf32, #tpu.memory_space<vmem_shared>>) target_semaphore(%run_scoped3A : memref<!tpu.dma_semaphore, #tpu.memory_space<semaphore_mem>>)
        %dma_wait3A_274 = arith.constant 0 : i32
        %dma_wait3A_275 = arith.constant 0 : i32
        %dma_wait3A_276 = tpu.memref_slice %arg27[%dma_wait3A_274, %dma_wait3A_275] : memref<80x128xf32, #tpu.memory_space<vmem>> -> memref<80x128xf32, #tpu.memory_space<vmem>>
        %dma_wait3A_277 = arith.constant 0 : i32
        %dma_wait3A_278 = tpu.memref_slice %arg34[%add3A_261, %dma_wait3A_277] : memref<10000x128xf32, #tpu.memory_space<vmem_shared>> -> memref<80x128xf32, #tpu.memory_space<vmem_shared>>
        %dma_wait3A_279 = arith.constant 0 : i32
        %dma_wait3A_280 = tpu.memref_slice %arg34[%add3A_261, %dma_wait3A_279] : memref<10000x128xf32, #tpu.memory_space<vmem_shared>> -> memref<80x128xf32, #tpu.memory_space<vmem_shared>>
        %dma_wait3A_281 = arith.constant 0 : i32
        %dma_wait3A_282 = arith.constant 0 : i32
        %dma_wait3A_283 = tpu.memref_slice %arg27[%dma_wait3A_281, %dma_wait3A_282] : memref<80x128xf32, #tpu.memory_space<vmem>> -> memref<80x128xf32, #tpu.memory_space<vmem>>
        tpu.wait_dma2 semaphore(%run_scoped3A : memref<!tpu.dma_semaphore, #tpu.memory_space<semaphore_mem>>) src(%dma_wait3A_283 : memref<80x128xf32, #tpu.memory_space<vmem>>) dst(%dma_wait3A_280 : memref<80x128xf32, #tpu.memory_space<vmem_shared>>)
        tpu.yield
      }) : () -> ()
      %add3A_262 = arith.constant 560 : i32
      %add3A_263 = arith.addi %mul3A_24, %add3A_262 : i32
      "tpu.region"() ({
        %run_scoped3A = tpu.sem_alloc : memref<!tpu.dma_semaphore, #tpu.memory_space<semaphore_mem>>
        %dma_start3A_264 = arith.constant 0 : i32
        %dma_start3A_265 = arith.constant 0 : i32
        %dma_start3A_266 = tpu.memref_slice %arg27[%dma_start3A_264, %dma_start3A_265] : memref<80x128xf32, #tpu.memory_space<vmem>> -> memref<64x128xf32, #tpu.memory_space<vmem>>
        %dma_start3A_267 = arith.constant 0 : i32
        %dma_start3A_268 = tpu.memref_slice %arg34[%add3A_263, %dma_start3A_267] : memref<10000x128xf32, #tpu.memory_space<vmem_shared>> -> memref<64x128xf32, #tpu.memory_space<vmem_shared>>
        %dma_start3A_269 = arith.constant 0 : i32
        %dma_start3A_270 = tpu.memref_slice %arg34[%add3A_263, %dma_start3A_269] : memref<10000x128xf32, #tpu.memory_space<vmem_shared>> -> memref<64x128xf32, #tpu.memory_space<vmem_shared>>
        %dma_start3A_271 = arith.constant 0 : i32
        %dma_start3A_272 = arith.constant 0 : i32
        %dma_start3A_273 = tpu.memref_slice %arg27[%dma_start3A_271, %dma_start3A_272] : memref<80x128xf32, #tpu.memory_space<vmem>> -> memref<64x128xf32, #tpu.memory_space<vmem>>
        tpu.enqueue_dma source(%dma_start3A_273 : memref<64x128xf32, #tpu.memory_space<vmem>>) target(%dma_start3A_270 : memref<64x128xf32, #tpu.memory_space<vmem_shared>>) target_semaphore(%run_scoped3A : memref<!tpu.dma_semaphore, #tpu.memory_space<semaphore_mem>>)
        %dma_wait3A_274 = arith.constant 0 : i32
        %dma_wait3A_275 = arith.constant 0 : i32
        %dma_wait3A_276 = tpu.memref_slice %arg27[%dma_wait3A_274, %dma_wait3A_275] : memref<80x128xf32, #tpu.memory_space<vmem>> -> memref<64x128xf32, #tpu.memory_space<vmem>>
        %dma_wait3A_277 = arith.constant 0 : i32
        %dma_wait3A_278 = tpu.memref_slice %arg34[%add3A_263, %dma_wait3A_277] : memref<10000x128xf32, #tpu.memory_space<vmem_shared>> -> memref<64x128xf32, #tpu.memory_space<vmem_shared>>
        %dma_wait3A_279 = arith.constant 0 : i32
        %dma_wait3A_280 = tpu.memref_slice %arg34[%add3A_263, %dma_wait3A_279] : memref<10000x128xf32, #tpu.memory_space<vmem_shared>> -> memref<64x128xf32, #tpu.memory_space<vmem_shared>>
        %dma_wait3A_281 = arith.constant 0 : i32
        %dma_wait3A_282 = arith.constant 0 : i32
        %dma_wait3A_283 = tpu.memref_slice %arg27[%dma_wait3A_281, %dma_wait3A_282] : memref<80x128xf32, #tpu.memory_space<vmem>> -> memref<64x128xf32, #tpu.memory_space<vmem>>
        tpu.wait_dma2 semaphore(%run_scoped3A : memref<!tpu.dma_semaphore, #tpu.memory_space<semaphore_mem>>) src(%dma_wait3A_283 : memref<64x128xf32, #tpu.memory_space<vmem>>) dst(%dma_wait3A_280 : memref<64x128xf32, #tpu.memory_space<vmem_shared>>)
        tpu.yield
      }) : () -> ()
    } else {
    }
    %eq3A_29 = arith.constant 15 : i32
    %eq3A_30 = arith.cmpi eq, %arg1, %eq3A_29 : i32
    %convert_element_type3A_31 = arith.extui %eq3A_30 : i1 to i32
    %cond3A_32 = arith.constant 0 : i32
    %cond3A_33 = arith.cmpi ne, %convert_element_type3A_31, %cond3A_32 : i32
    scf.if %cond3A_33 {
      %add3A_248 = arith.constant 0 : i32
      %add3A_249 = arith.addi %mul3A_24, %add3A_248 : i32
      "tpu.region"() ({
        %run_scoped3A = tpu.sem_alloc : memref<!tpu.dma_semaphore, #tpu.memory_space<semaphore_mem>>
        %dma_start3A_264 = arith.constant 0 : i32
        %dma_start3A_265 = arith.constant 0 : i32
        %dma_start3A_266 = tpu.memref_slice %arg27[%dma_start3A_264, %dma_start3A_265] : memref<80x128xf32, #tpu.memory_space<vmem>> -> memref<80x128xf32, #tpu.memory_space<vmem>>
        %dma_start3A_267 = arith.constant 0 : i32
        %dma_start3A_268 = tpu.memref_slice %arg34[%add3A_249, %dma_start3A_267] : memref<10000x128xf32, #tpu.memory_space<vmem_shared>> -> memref<80x128xf32, #tpu.memory_space<vmem_shared>>
        %dma_start3A_269 = arith.constant 0 : i32
        %dma_start3A_270 = tpu.memref_slice %arg34[%add3A_249, %dma_start3A_269] : memref<10000x128xf32, #tpu.memory_space<vmem_shared>> -> memref<80x128xf32, #tpu.memory_space<vmem_shared>>
        %dma_start3A_271 = arith.constant 0 : i32
        %dma_start3A_272 = arith.constant 0 : i32
        %dma_start3A_273 = tpu.memref_slice %arg27[%dma_start3A_271, %dma_start3A_272] : memref<80x128xf32, #tpu.memory_space<vmem>> -> memref<80x128xf32, #tpu.memory_space<vmem>>
        tpu.enqueue_dma source(%dma_start3A_273 : memref<80x128xf32, #tpu.memory_space<vmem>>) target(%dma_start3A_270 : memref<80x128xf32, #tpu.memory_space<vmem_shared>>) target_semaphore(%run_scoped3A : memref<!tpu.dma_semaphore, #tpu.memory_space<semaphore_mem>>)
        %dma_wait3A_274 = arith.constant 0 : i32
        %dma_wait3A_275 = arith.constant 0 : i32
        %dma_wait3A_276 = tpu.memref_slice %arg27[%dma_wait3A_274, %dma_wait3A_275] : memref<80x128xf32, #tpu.memory_space<vmem>> -> memref<80x128xf32, #tpu.memory_space<vmem>>
        %dma_wait3A_277 = arith.constant 0 : i32
        %dma_wait3A_278 = tpu.memref_slice %arg34[%add3A_249, %dma_wait3A_277] : memref<10000x128xf32, #tpu.memory_space<vmem_shared>> -> memref<80x128xf32, #tpu.memory_space<vmem_shared>>
        %dma_wait3A_279 = arith.constant 0 : i32
        %dma_wait3A_280 = tpu.memref_slice %arg34[%add3A_249, %dma_wait3A_279] : memref<10000x128xf32, #tpu.memory_space<vmem_shared>> -> memref<80x128xf32, #tpu.memory_space<vmem_shared>>
        %dma_wait3A_281 = arith.constant 0 : i32
        %dma_wait3A_282 = arith.constant 0 : i32
        %dma_wait3A_283 = tpu.memref_slice %arg27[%dma_wait3A_281, %dma_wait3A_282] : memref<80x128xf32, #tpu.memory_space<vmem>> -> memref<80x128xf32, #tpu.memory_space<vmem>>
        tpu.wait_dma2 semaphore(%run_scoped3A : memref<!tpu.dma_semaphore, #tpu.memory_space<semaphore_mem>>) src(%dma_wait3A_283 : memref<80x128xf32, #tpu.memory_space<vmem>>) dst(%dma_wait3A_280 : memref<80x128xf32, #tpu.memory_space<vmem_shared>>)
        tpu.yield
      }) : () -> ()
      %add3A_250 = arith.constant 80 : i32
      %add3A_251 = arith.addi %mul3A_24, %add3A_250 : i32
      "tpu.region"() ({
        %run_scoped3A = tpu.sem_alloc : memref<!tpu.dma_semaphore, #tpu.memory_space<semaphore_mem>>
        %dma_start3A_264 = arith.constant 0 : i32
        %dma_start3A_265 = arith.constant 0 : i32
        %dma_start3A_266 = tpu.memref_slice %arg27[%dma_start3A_264, %dma_start3A_265] : memref<80x128xf32, #tpu.memory_space<vmem>> -> memref<80x128xf32, #tpu.memory_space<vmem>>
        %dma_start3A_267 = arith.constant 0 : i32
        %dma_start3A_268 = tpu.memref_slice %arg34[%add3A_251, %dma_start3A_267] : memref<10000x128xf32, #tpu.memory_space<vmem_shared>> -> memref<80x128xf32, #tpu.memory_space<vmem_shared>>
        %dma_start3A_269 = arith.constant 0 : i32
        %dma_start3A_270 = tpu.memref_slice %arg34[%add3A_251, %dma_start3A_269] : memref<10000x128xf32, #tpu.memory_space<vmem_shared>> -> memref<80x128xf32, #tpu.memory_space<vmem_shared>>
        %dma_start3A_271 = arith.constant 0 : i32
        %dma_start3A_272 = arith.constant 0 : i32
        %dma_start3A_273 = tpu.memref_slice %arg27[%dma_start3A_271, %dma_start3A_272] : memref<80x128xf32, #tpu.memory_space<vmem>> -> memref<80x128xf32, #tpu.memory_space<vmem>>
        tpu.enqueue_dma source(%dma_start3A_273 : memref<80x128xf32, #tpu.memory_space<vmem>>) target(%dma_start3A_270 : memref<80x128xf32, #tpu.memory_space<vmem_shared>>) target_semaphore(%run_scoped3A : memref<!tpu.dma_semaphore, #tpu.memory_space<semaphore_mem>>)
        %dma_wait3A_274 = arith.constant 0 : i32
        %dma_wait3A_275 = arith.constant 0 : i32
        %dma_wait3A_276 = tpu.memref_slice %arg27[%dma_wait3A_274, %dma_wait3A_275] : memref<80x128xf32, #tpu.memory_space<vmem>> -> memref<80x128xf32, #tpu.memory_space<vmem>>
        %dma_wait3A_277 = arith.constant 0 : i32
        %dma_wait3A_278 = tpu.memref_slice %arg34[%add3A_251, %dma_wait3A_277] : memref<10000x128xf32, #tpu.memory_space<vmem_shared>> -> memref<80x128xf32, #tpu.memory_space<vmem_shared>>
        %dma_wait3A_279 = arith.constant 0 : i32
        %dma_wait3A_280 = tpu.memref_slice %arg34[%add3A_251, %dma_wait3A_279] : memref<10000x128xf32, #tpu.memory_space<vmem_shared>> -> memref<80x128xf32, #tpu.memory_space<vmem_shared>>
        %dma_wait3A_281 = arith.constant 0 : i32
        %dma_wait3A_282 = arith.constant 0 : i32
        %dma_wait3A_283 = tpu.memref_slice %arg27[%dma_wait3A_281, %dma_wait3A_282] : memref<80x128xf32, #tpu.memory_space<vmem>> -> memref<80x128xf32, #tpu.memory_space<vmem>>
        tpu.wait_dma2 semaphore(%run_scoped3A : memref<!tpu.dma_semaphore, #tpu.memory_space<semaphore_mem>>) src(%dma_wait3A_283 : memref<80x128xf32, #tpu.memory_space<vmem>>) dst(%dma_wait3A_280 : memref<80x128xf32, #tpu.memory_space<vmem_shared>>)
        tpu.yield
      }) : () -> ()
      %add3A_252 = arith.constant 160 : i32
      %add3A_253 = arith.addi %mul3A_24, %add3A_252 : i32
      "tpu.region"() ({
        %run_scoped3A = tpu.sem_alloc : memref<!tpu.dma_semaphore, #tpu.memory_space<semaphore_mem>>
        %dma_start3A_264 = arith.constant 0 : i32
        %dma_start3A_265 = arith.constant 0 : i32
        %dma_start3A_266 = tpu.memref_slice %arg27[%dma_start3A_264, %dma_start3A_265] : memref<80x128xf32, #tpu.memory_space<vmem>> -> memref<80x128xf32, #tpu.memory_space<vmem>>
        %dma_start3A_267 = arith.constant 0 : i32
        %dma_start3A_268 = tpu.memref_slice %arg34[%add3A_253, %dma_start3A_267] : memref<10000x128xf32, #tpu.memory_space<vmem_shared>> -> memref<80x128xf32, #tpu.memory_space<vmem_shared>>
        %dma_start3A_269 = arith.constant 0 : i32
        %dma_start3A_270 = tpu.memref_slice %arg34[%add3A_253, %dma_start3A_269] : memref<10000x128xf32, #tpu.memory_space<vmem_shared>> -> memref<80x128xf32, #tpu.memory_space<vmem_shared>>
        %dma_start3A_271 = arith.constant 0 : i32
        %dma_start3A_272 = arith.constant 0 : i32
        %dma_start3A_273 = tpu.memref_slice %arg27[%dma_start3A_271, %dma_start3A_272] : memref<80x128xf32, #tpu.memory_space<vmem>> -> memref<80x128xf32, #tpu.memory_space<vmem>>
        tpu.enqueue_dma source(%dma_start3A_273 : memref<80x128xf32, #tpu.memory_space<vmem>>) target(%dma_start3A_270 : memref<80x128xf32, #tpu.memory_space<vmem_shared>>) target_semaphore(%run_scoped3A : memref<!tpu.dma_semaphore, #tpu.memory_space<semaphore_mem>>)
        %dma_wait3A_274 = arith.constant 0 : i32
        %dma_wait3A_275 = arith.constant 0 : i32
        %dma_wait3A_276 = tpu.memref_slice %arg27[%dma_wait3A_274, %dma_wait3A_275] : memref<80x128xf32, #tpu.memory_space<vmem>> -> memref<80x128xf32, #tpu.memory_space<vmem>>
        %dma_wait3A_277 = arith.constant 0 : i32
        %dma_wait3A_278 = tpu.memref_slice %arg34[%add3A_253, %dma_wait3A_277] : memref<10000x128xf32, #tpu.memory_space<vmem_shared>> -> memref<80x128xf32, #tpu.memory_space<vmem_shared>>
        %dma_wait3A_279 = arith.constant 0 : i32
        %dma_wait3A_280 = tpu.memref_slice %arg34[%add3A_253, %dma_wait3A_279] : memref<10000x128xf32, #tpu.memory_space<vmem_shared>> -> memref<80x128xf32, #tpu.memory_space<vmem_shared>>
        %dma_wait3A_281 = arith.constant 0 : i32
        %dma_wait3A_282 = arith.constant 0 : i32
        %dma_wait3A_283 = tpu.memref_slice %arg27[%dma_wait3A_281, %dma_wait3A_282] : memref<80x128xf32, #tpu.memory_space<vmem>> -> memref<80x128xf32, #tpu.memory_space<vmem>>
        tpu.wait_dma2 semaphore(%run_scoped3A : memref<!tpu.dma_semaphore, #tpu.memory_space<semaphore_mem>>) src(%dma_wait3A_283 : memref<80x128xf32, #tpu.memory_space<vmem>>) dst(%dma_wait3A_280 : memref<80x128xf32, #tpu.memory_space<vmem_shared>>)
        tpu.yield
      }) : () -> ()
      %add3A_254 = arith.constant 240 : i32
      %add3A_255 = arith.addi %mul3A_24, %add3A_254 : i32
      "tpu.region"() ({
        %run_scoped3A = tpu.sem_alloc : memref<!tpu.dma_semaphore, #tpu.memory_space<semaphore_mem>>
        %dma_start3A_264 = arith.constant 0 : i32
        %dma_start3A_265 = arith.constant 0 : i32
        %dma_start3A_266 = tpu.memref_slice %arg27[%dma_start3A_264, %dma_start3A_265] : memref<80x128xf32, #tpu.memory_space<vmem>> -> memref<80x128xf32, #tpu.memory_space<vmem>>
        %dma_start3A_267 = arith.constant 0 : i32
        %dma_start3A_268 = tpu.memref_slice %arg34[%add3A_255, %dma_start3A_267] : memref<10000x128xf32, #tpu.memory_space<vmem_shared>> -> memref<80x128xf32, #tpu.memory_space<vmem_shared>>
        %dma_start3A_269 = arith.constant 0 : i32
        %dma_start3A_270 = tpu.memref_slice %arg34[%add3A_255, %dma_start3A_269] : memref<10000x128xf32, #tpu.memory_space<vmem_shared>> -> memref<80x128xf32, #tpu.memory_space<vmem_shared>>
        %dma_start3A_271 = arith.constant 0 : i32
        %dma_start3A_272 = arith.constant 0 : i32
        %dma_start3A_273 = tpu.memref_slice %arg27[%dma_start3A_271, %dma_start3A_272] : memref<80x128xf32, #tpu.memory_space<vmem>> -> memref<80x128xf32, #tpu.memory_space<vmem>>
        tpu.enqueue_dma source(%dma_start3A_273 : memref<80x128xf32, #tpu.memory_space<vmem>>) target(%dma_start3A_270 : memref<80x128xf32, #tpu.memory_space<vmem_shared>>) target_semaphore(%run_scoped3A : memref<!tpu.dma_semaphore, #tpu.memory_space<semaphore_mem>>)
        %dma_wait3A_274 = arith.constant 0 : i32
        %dma_wait3A_275 = arith.constant 0 : i32
        %dma_wait3A_276 = tpu.memref_slice %arg27[%dma_wait3A_274, %dma_wait3A_275] : memref<80x128xf32, #tpu.memory_space<vmem>> -> memref<80x128xf32, #tpu.memory_space<vmem>>
        %dma_wait3A_277 = arith.constant 0 : i32
        %dma_wait3A_278 = tpu.memref_slice %arg34[%add3A_255, %dma_wait3A_277] : memref<10000x128xf32, #tpu.memory_space<vmem_shared>> -> memref<80x128xf32, #tpu.memory_space<vmem_shared>>
        %dma_wait3A_279 = arith.constant 0 : i32
        %dma_wait3A_280 = tpu.memref_slice %arg34[%add3A_255, %dma_wait3A_279] : memref<10000x128xf32, #tpu.memory_space<vmem_shared>> -> memref<80x128xf32, #tpu.memory_space<vmem_shared>>
        %dma_wait3A_281 = arith.constant 0 : i32
        %dma_wait3A_282 = arith.constant 0 : i32
        %dma_wait3A_283 = tpu.memref_slice %arg27[%dma_wait3A_281, %dma_wait3A_282] : memref<80x128xf32, #tpu.memory_space<vmem>> -> memref<80x128xf32, #tpu.memory_space<vmem>>
        tpu.wait_dma2 semaphore(%run_scoped3A : memref<!tpu.dma_semaphore, #tpu.memory_space<semaphore_mem>>) src(%dma_wait3A_283 : memref<80x128xf32, #tpu.memory_space<vmem>>) dst(%dma_wait3A_280 : memref<80x128xf32, #tpu.memory_space<vmem_shared>>)
        tpu.yield
      }) : () -> ()
      %add3A_256 = arith.constant 320 : i32
      %add3A_257 = arith.addi %mul3A_24, %add3A_256 : i32
      "tpu.region"() ({
        %run_scoped3A = tpu.sem_alloc : memref<!tpu.dma_semaphore, #tpu.memory_space<semaphore_mem>>
        %dma_start3A_264 = arith.constant 0 : i32
        %dma_start3A_265 = arith.constant 0 : i32
        %dma_start3A_266 = tpu.memref_slice %arg27[%dma_start3A_264, %dma_start3A_265] : memref<80x128xf32, #tpu.memory_space<vmem>> -> memref<80x128xf32, #tpu.memory_space<vmem>>
        %dma_start3A_267 = arith.constant 0 : i32
        %dma_start3A_268 = tpu.memref_slice %arg34[%add3A_257, %dma_start3A_267] : memref<10000x128xf32, #tpu.memory_space<vmem_shared>> -> memref<80x128xf32, #tpu.memory_space<vmem_shared>>
        %dma_start3A_269 = arith.constant 0 : i32
        %dma_start3A_270 = tpu.memref_slice %arg34[%add3A_257, %dma_start3A_269] : memref<10000x128xf32, #tpu.memory_space<vmem_shared>> -> memref<80x128xf32, #tpu.memory_space<vmem_shared>>
        %dma_start3A_271 = arith.constant 0 : i32
        %dma_start3A_272 = arith.constant 0 : i32
        %dma_start3A_273 = tpu.memref_slice %arg27[%dma_start3A_271, %dma_start3A_272] : memref<80x128xf32, #tpu.memory_space<vmem>> -> memref<80x128xf32, #tpu.memory_space<vmem>>
        tpu.enqueue_dma source(%dma_start3A_273 : memref<80x128xf32, #tpu.memory_space<vmem>>) target(%dma_start3A_270 : memref<80x128xf32, #tpu.memory_space<vmem_shared>>) target_semaphore(%run_scoped3A : memref<!tpu.dma_semaphore, #tpu.memory_space<semaphore_mem>>)
        %dma_wait3A_274 = arith.constant 0 : i32
        %dma_wait3A_275 = arith.constant 0 : i32
        %dma_wait3A_276 = tpu.memref_slice %arg27[%dma_wait3A_274, %dma_wait3A_275] : memref<80x128xf32, #tpu.memory_space<vmem>> -> memref<80x128xf32, #tpu.memory_space<vmem>>
        %dma_wait3A_277 = arith.constant 0 : i32
        %dma_wait3A_278 = tpu.memref_slice %arg34[%add3A_257, %dma_wait3A_277] : memref<10000x128xf32, #tpu.memory_space<vmem_shared>> -> memref<80x128xf32, #tpu.memory_space<vmem_shared>>
        %dma_wait3A_279 = arith.constant 0 : i32
        %dma_wait3A_280 = tpu.memref_slice %arg34[%add3A_257, %dma_wait3A_279] : memref<10000x128xf32, #tpu.memory_space<vmem_shared>> -> memref<80x128xf32, #tpu.memory_space<vmem_shared>>
        %dma_wait3A_281 = arith.constant 0 : i32
        %dma_wait3A_282 = arith.constant 0 : i32
        %dma_wait3A_283 = tpu.memref_slice %arg27[%dma_wait3A_281, %dma_wait3A_282] : memref<80x128xf32, #tpu.memory_space<vmem>> -> memref<80x128xf32, #tpu.memory_space<vmem>>
        tpu.wait_dma2 semaphore(%run_scoped3A : memref<!tpu.dma_semaphore, #tpu.memory_space<semaphore_mem>>) src(%dma_wait3A_283 : memref<80x128xf32, #tpu.memory_space<vmem>>) dst(%dma_wait3A_280 : memref<80x128xf32, #tpu.memory_space<vmem_shared>>)
        tpu.yield
      }) : () -> ()
      %add3A_258 = arith.constant 400 : i32
      %add3A_259 = arith.addi %mul3A_24, %add3A_258 : i32
      "tpu.region"() ({
        %run_scoped3A = tpu.sem_alloc : memref<!tpu.dma_semaphore, #tpu.memory_space<semaphore_mem>>
        %dma_start3A_264 = arith.constant 0 : i32
        %dma_start3A_265 = arith.constant 0 : i32
        %dma_start3A_266 = tpu.memref_slice %arg27[%dma_start3A_264, %dma_start3A_265] : memref<80x128xf32, #tpu.memory_space<vmem>> -> memref<80x128xf32, #tpu.memory_space<vmem>>
        %dma_start3A_267 = arith.constant 0 : i32
        %dma_start3A_268 = tpu.memref_slice %arg34[%add3A_259, %dma_start3A_267] : memref<10000x128xf32, #tpu.memory_space<vmem_shared>> -> memref<80x128xf32, #tpu.memory_space<vmem_shared>>
        %dma_start3A_269 = arith.constant 0 : i32
        %dma_start3A_270 = tpu.memref_slice %arg34[%add3A_259, %dma_start3A_269] : memref<10000x128xf32, #tpu.memory_space<vmem_shared>> -> memref<80x128xf32, #tpu.memory_space<vmem_shared>>
        %dma_start3A_271 = arith.constant 0 : i32
        %dma_start3A_272 = arith.constant 0 : i32
        %dma_start3A_273 = tpu.memref_slice %arg27[%dma_start3A_271, %dma_start3A_272] : memref<80x128xf32, #tpu.memory_space<vmem>> -> memref<80x128xf32, #tpu.memory_space<vmem>>
        tpu.enqueue_dma source(%dma_start3A_273 : memref<80x128xf32, #tpu.memory_space<vmem>>) target(%dma_start3A_270 : memref<80x128xf32, #tpu.memory_space<vmem_shared>>) target_semaphore(%run_scoped3A : memref<!tpu.dma_semaphore, #tpu.memory_space<semaphore_mem>>)
        %dma_wait3A_274 = arith.constant 0 : i32
        %dma_wait3A_275 = arith.constant 0 : i32
        %dma_wait3A_276 = tpu.memref_slice %arg27[%dma_wait3A_274, %dma_wait3A_275] : memref<80x128xf32, #tpu.memory_space<vmem>> -> memref<80x128xf32, #tpu.memory_space<vmem>>
        %dma_wait3A_277 = arith.constant 0 : i32
        %dma_wait3A_278 = tpu.memref_slice %arg34[%add3A_259, %dma_wait3A_277] : memref<10000x128xf32, #tpu.memory_space<vmem_shared>> -> memref<80x128xf32, #tpu.memory_space<vmem_shared>>
        %dma_wait3A_279 = arith.constant 0 : i32
        %dma_wait3A_280 = tpu.memref_slice %arg34[%add3A_259, %dma_wait3A_279] : memref<10000x128xf32, #tpu.memory_space<vmem_shared>> -> memref<80x128xf32, #tpu.memory_space<vmem_shared>>
        %dma_wait3A_281 = arith.constant 0 : i32
        %dma_wait3A_282 = arith.constant 0 : i32
        %dma_wait3A_283 = tpu.memref_slice %arg27[%dma_wait3A_281, %dma_wait3A_282] : memref<80x128xf32, #tpu.memory_space<vmem>> -> memref<80x128xf32, #tpu.memory_space<vmem>>
        tpu.wait_dma2 semaphore(%run_scoped3A : memref<!tpu.dma_semaphore, #tpu.memory_space<semaphore_mem>>) src(%dma_wait3A_283 : memref<80x128xf32, #tpu.memory_space<vmem>>) dst(%dma_wait3A_280 : memref<80x128xf32, #tpu.memory_space<vmem_shared>>)
        tpu.yield
      }) : () -> ()
      %add3A_260 = arith.constant 480 : i32
      %add3A_261 = arith.addi %mul3A_24, %add3A_260 : i32
      "tpu.region"() ({
        %run_scoped3A = tpu.sem_alloc : memref<!tpu.dma_semaphore, #tpu.memory_space<semaphore_mem>>
        %dma_start3A_264 = arith.constant 0 : i32
        %dma_start3A_265 = arith.constant 0 : i32
        %dma_start3A_266 = tpu.memref_slice %arg27[%dma_start3A_264, %dma_start3A_265] : memref<80x128xf32, #tpu.memory_space<vmem>> -> memref<80x128xf32, #tpu.memory_space<vmem>>
        %dma_start3A_267 = arith.constant 0 : i32
        %dma_start3A_268 = tpu.memref_slice %arg34[%add3A_261, %dma_start3A_267] : memref<10000x128xf32, #tpu.memory_space<vmem_shared>> -> memref<80x128xf32, #tpu.memory_space<vmem_shared>>
        %dma_start3A_269 = arith.constant 0 : i32
        %dma_start3A_270 = tpu.memref_slice %arg34[%add3A_261, %dma_start3A_269] : memref<10000x128xf32, #tpu.memory_space<vmem_shared>> -> memref<80x128xf32, #tpu.memory_space<vmem_shared>>
        %dma_start3A_271 = arith.constant 0 : i32
        %dma_start3A_272 = arith.constant 0 : i32
        %dma_start3A_273 = tpu.memref_slice %arg27[%dma_start3A_271, %dma_start3A_272] : memref<80x128xf32, #tpu.memory_space<vmem>> -> memref<80x128xf32, #tpu.memory_space<vmem>>
        tpu.enqueue_dma source(%dma_start3A_273 : memref<80x128xf32, #tpu.memory_space<vmem>>) target(%dma_start3A_270 : memref<80x128xf32, #tpu.memory_space<vmem_shared>>) target_semaphore(%run_scoped3A : memref<!tpu.dma_semaphore, #tpu.memory_space<semaphore_mem>>)
        %dma_wait3A_274 = arith.constant 0 : i32
        %dma_wait3A_275 = arith.constant 0 : i32
        %dma_wait3A_276 = tpu.memref_slice %arg27[%dma_wait3A_274, %dma_wait3A_275] : memref<80x128xf32, #tpu.memory_space<vmem>> -> memref<80x128xf32, #tpu.memory_space<vmem>>
        %dma_wait3A_277 = arith.constant 0 : i32
        %dma_wait3A_278 = tpu.memref_slice %arg34[%add3A_261, %dma_wait3A_277] : memref<10000x128xf32, #tpu.memory_space<vmem_shared>> -> memref<80x128xf32, #tpu.memory_space<vmem_shared>>
        %dma_wait3A_279 = arith.constant 0 : i32
        %dma_wait3A_280 = tpu.memref_slice %arg34[%add3A_261, %dma_wait3A_279] : memref<10000x128xf32, #tpu.memory_space<vmem_shared>> -> memref<80x128xf32, #tpu.memory_space<vmem_shared>>
        %dma_wait3A_281 = arith.constant 0 : i32
        %dma_wait3A_282 = arith.constant 0 : i32
        %dma_wait3A_283 = tpu.memref_slice %arg27[%dma_wait3A_281, %dma_wait3A_282] : memref<80x128xf32, #tpu.memory_space<vmem>> -> memref<80x128xf32, #tpu.memory_space<vmem>>
        tpu.wait_dma2 semaphore(%run_scoped3A : memref<!tpu.dma_semaphore, #tpu.memory_space<semaphore_mem>>) src(%dma_wait3A_283 : memref<80x128xf32, #tpu.memory_space<vmem>>) dst(%dma_wait3A_280 : memref<80x128xf32, #tpu.memory_space<vmem_shared>>)
        tpu.yield
      }) : () -> ()
      %add3A_262 = arith.constant 560 : i32
      %add3A_263 = arith.addi %mul3A_24, %add3A_262 : i32
      "tpu.region"() ({
        %run_scoped3A = tpu.sem_alloc : memref<!tpu.dma_semaphore, #tpu.memory_space<semaphore_mem>>
        %dma_start3A_264 = arith.constant 0 : i32
        %dma_start3A_265 = arith.constant 0 : i32
        %dma_start3A_266 = tpu.memref_slice %arg27[%dma_start3A_264, %dma_start3A_265] : memref<80x128xf32, #tpu.memory_space<vmem>> -> memref<80x128xf32, #tpu.memory_space<vmem>>
        %dma_start3A_267 = arith.constant 0 : i32
        %dma_start3A_268 = tpu.memref_slice %arg34[%add3A_263, %dma_start3A_267] : memref<10000x128xf32, #tpu.memory_space<vmem_shared>> -> memref<80x128xf32, #tpu.memory_space<vmem_shared>>
        %dma_start3A_269 = arith.constant 0 : i32
        %dma_start3A_270 = tpu.memref_slice %arg34[%add3A_263, %dma_start3A_269] : memref<10000x128xf32, #tpu.memory_space<vmem_shared>> -> memref<80x128xf32, #tpu.memory_space<vmem_shared>>
        %dma_start3A_271 = arith.constant 0 : i32
        %dma_start3A_272 = arith.constant 0 : i32
        %dma_start3A_273 = tpu.memref_slice %arg27[%dma_start3A_271, %dma_start3A_272] : memref<80x128xf32, #tpu.memory_space<vmem>> -> memref<80x128xf32, #tpu.memory_space<vmem>>
        tpu.enqueue_dma source(%dma_start3A_273 : memref<80x128xf32, #tpu.memory_space<vmem>>) target(%dma_start3A_270 : memref<80x128xf32, #tpu.memory_space<vmem_shared>>) target_semaphore(%run_scoped3A : memref<!tpu.dma_semaphore, #tpu.memory_space<semaphore_mem>>)
        %dma_wait3A_274 = arith.constant 0 : i32
        %dma_wait3A_275 = arith.constant 0 : i32
        %dma_wait3A_276 = tpu.memref_slice %arg27[%dma_wait3A_274, %dma_wait3A_275] : memref<80x128xf32, #tpu.memory_space<vmem>> -> memref<80x128xf32, #tpu.memory_space<vmem>>
        %dma_wait3A_277 = arith.constant 0 : i32
        %dma_wait3A_278 = tpu.memref_slice %arg34[%add3A_263, %dma_wait3A_277] : memref<10000x128xf32, #tpu.memory_space<vmem_shared>> -> memref<80x128xf32, #tpu.memory_space<vmem_shared>>
        %dma_wait3A_279 = arith.constant 0 : i32
        %dma_wait3A_280 = tpu.memref_slice %arg34[%add3A_263, %dma_wait3A_279] : memref<10000x128xf32, #tpu.memory_space<vmem_shared>> -> memref<80x128xf32, #tpu.memory_space<vmem_shared>>
        %dma_wait3A_281 = arith.constant 0 : i32
        %dma_wait3A_282 = arith.constant 0 : i32
        %dma_wait3A_283 = tpu.memref_slice %arg27[%dma_wait3A_281, %dma_wait3A_282] : memref<80x128xf32, #tpu.memory_space<vmem>> -> memref<80x128xf32, #tpu.memory_space<vmem>>
        tpu.wait_dma2 semaphore(%run_scoped3A : memref<!tpu.dma_semaphore, #tpu.memory_space<semaphore_mem>>) src(%dma_wait3A_283 : memref<80x128xf32, #tpu.memory_space<vmem>>) dst(%dma_wait3A_280 : memref<80x128xf32, #tpu.memory_space<vmem_shared>>)
        tpu.yield
      }) : () -> ()
    } else {
    }
    %barrier3A = arith.constant 0 : index
    tpu.barrier barrier_id(%barrier3A)
    %mul3A_34 = arith.constant 20000 : i32
    %mul3A_35 = arith.muli %arg1, %mul3A_34 : i32
    %add3A_36 = arith.constant 0 : i32
    %add3A_37 = arith.addi %mul3A_35, %add3A_36 : i32
    %dma_start3A = arith.constant 0 : i32
    %dma_start3A_38 = tpu.memref_slice %arg11[%dma_start3A] : memref<640xi32, #tpu.memory_space<vmem>> -> memref<160xi32, #tpu.memory_space<vmem>>
    %dma_start3A_39 = tpu.memref_slice %arg4[%add3A_37] : memref<320000xi32, #tpu.memory_space<hbm>> -> memref<160xi32, #tpu.memory_space<hbm>>
    %dma_start3A_40 = arith.constant 0 : i32
    %dma_start3A_41 = tpu.memref_slice %arg11[%dma_start3A_40] : memref<640xi32, #tpu.memory_space<vmem>> -> memref<160xi32, #tpu.memory_space<vmem>>
    %dma_start3A_42 = tpu.memref_slice %arg4[%add3A_37] : memref<320000xi32, #tpu.memory_space<hbm>> -> memref<160xi32, #tpu.memory_space<hbm>>
    tpu.enqueue_dma source(%dma_start3A_42 : memref<160xi32, #tpu.memory_space<hbm>>) target(%dma_start3A_41 : memref<160xi32, #tpu.memory_space<vmem>>) target_semaphore(%arg35 : memref<!tpu.dma_semaphore, #tpu.memory_space<semaphore_mem>>)
    %mul3A_43 = arith.constant 20000 : i32
    %mul3A_44 = arith.muli %arg1, %mul3A_43 : i32
    %add3A_45 = arith.constant 0 : i32
    %add3A_46 = arith.addi %mul3A_44, %add3A_45 : i32
    %dma_start3A_47 = arith.constant 160 : i32
    %dma_start3A_48 = tpu.memref_slice %arg11[%dma_start3A_47] : memref<640xi32, #tpu.memory_space<vmem>> -> memref<160xi32, #tpu.memory_space<vmem>>
    %dma_start3A_49 = tpu.memref_slice %arg5[%add3A_46] : memref<320000xi32, #tpu.memory_space<hbm>> -> memref<160xi32, #tpu.memory_space<hbm>>
    %dma_start3A_50 = arith.constant 160 : i32
    %dma_start3A_51 = tpu.memref_slice %arg11[%dma_start3A_50] : memref<640xi32, #tpu.memory_space<vmem>> -> memref<160xi32, #tpu.memory_space<vmem>>
    %dma_start3A_52 = tpu.memref_slice %arg5[%add3A_46] : memref<320000xi32, #tpu.memory_space<hbm>> -> memref<160xi32, #tpu.memory_space<hbm>>
    tpu.enqueue_dma source(%dma_start3A_52 : memref<160xi32, #tpu.memory_space<hbm>>) target(%dma_start3A_51 : memref<160xi32, #tpu.memory_space<vmem>>) target_semaphore(%arg35 : memref<!tpu.dma_semaphore, #tpu.memory_space<semaphore_mem>>)
    %mul3A_53 = arith.constant 20000 : i32
    %mul3A_54 = arith.muli %arg1, %mul3A_53 : i32
    %add3A_55 = arith.constant 160 : i32
    %add3A_56 = arith.addi %mul3A_54, %add3A_55 : i32
    %dma_start3A_57 = arith.constant 0 : i32
    %dma_start3A_58 = tpu.memref_slice %arg12[%dma_start3A_57] : memref<640xi32, #tpu.memory_space<vmem>> -> memref<160xi32, #tpu.memory_space<vmem>>
    %dma_start3A_59 = tpu.memref_slice %arg4[%add3A_56] : memref<320000xi32, #tpu.memory_space<hbm>> -> memref<160xi32, #tpu.memory_space<hbm>>
    %dma_start3A_60 = arith.constant 0 : i32
    %dma_start3A_61 = tpu.memref_slice %arg12[%dma_start3A_60] : memref<640xi32, #tpu.memory_space<vmem>> -> memref<160xi32, #tpu.memory_space<vmem>>
    %dma_start3A_62 = tpu.memref_slice %arg4[%add3A_56] : memref<320000xi32, #tpu.memory_space<hbm>> -> memref<160xi32, #tpu.memory_space<hbm>>
    tpu.enqueue_dma source(%dma_start3A_62 : memref<160xi32, #tpu.memory_space<hbm>>) target(%dma_start3A_61 : memref<160xi32, #tpu.memory_space<vmem>>) target_semaphore(%arg36 : memref<!tpu.dma_semaphore, #tpu.memory_space<semaphore_mem>>)
    %mul3A_63 = arith.constant 20000 : i32
    %mul3A_64 = arith.muli %arg1, %mul3A_63 : i32
    %add3A_65 = arith.constant 160 : i32
    %add3A_66 = arith.addi %mul3A_64, %add3A_65 : i32
    %dma_start3A_67 = arith.constant 160 : i32
    %dma_start3A_68 = tpu.memref_slice %arg12[%dma_start3A_67] : memref<640xi32, #tpu.memory_space<vmem>> -> memref<160xi32, #tpu.memory_space<vmem>>
    %dma_start3A_69 = tpu.memref_slice %arg5[%add3A_66] : memref<320000xi32, #tpu.memory_space<hbm>> -> memref<160xi32, #tpu.memory_space<hbm>>
    %dma_start3A_70 = arith.constant 160 : i32
    %dma_start3A_71 = tpu.memref_slice %arg12[%dma_start3A_70] : memref<640xi32, #tpu.memory_space<vmem>> -> memref<160xi32, #tpu.memory_space<vmem>>
    %dma_start3A_72 = tpu.memref_slice %arg5[%add3A_66] : memref<320000xi32, #tpu.memory_space<hbm>> -> memref<160xi32, #tpu.memory_space<hbm>>
    tpu.enqueue_dma source(%dma_start3A_72 : memref<160xi32, #tpu.memory_space<hbm>>) target(%dma_start3A_71 : memref<160xi32, #tpu.memory_space<vmem>>) target_semaphore(%arg36 : memref<!tpu.dma_semaphore, #tpu.memory_space<semaphore_mem>>)
    %scan3A_73 = arith.constant 0 : i32
    %scan3A_74 = arith.constant 0 : i32
    %scan3A_75 = arith.constant 63 : i32
    %scan3A_76 = arith.addi %scan3A_74, %scan3A_75 : i32
    %scan3A_77 = arith.constant 1 : i32
    %scan3A_78 = scf.for %scan3A_248 = %scan3A_74 to %scan3A_76 step %scan3A_77 iter_args(%scan3A_249 = %scan3A_73) -> (i32)  : i32 {
      %mul3A_250 = arith.constant 2 : i32
      %mul3A_251 = arith.muli %mul3A_250, %scan3A_248 : i32
      %lt3A_252 = arith.constant 125 : i32
      %lt3A_253 = arith.cmpi slt, %mul3A_251, %lt3A_252 : i32
      %convert_element_type3A_254 = arith.extui %lt3A_253 : i1 to i32
      %cond3A_255 = arith.constant 0 : i32
      %cond3A_256 = arith.cmpi ne, %convert_element_type3A_254, %cond3A_255 : i32
      scf.if %cond3A_256 {
        %mul3A_279 = arith.constant 20000 : i32
        %mul3A_280 = arith.muli %arg1, %mul3A_279 : i32
        %mul3A_281 = arith.constant 2 : i32
        %mul3A_282 = arith.muli %mul3A_251, %mul3A_281 : i32
        %mul3A_283 = arith.constant 80 : i32
        %mul3A_284 = arith.muli %mul3A_282, %mul3A_283 : i32
        %add3A_285 = arith.addi %mul3A_280, %mul3A_284 : i32
        %dma_wait3A_286 = arith.constant 0 : i32
        %dma_wait3A_287 = tpu.memref_slice %arg11[%dma_wait3A_286] : memref<640xi32, #tpu.memory_space<vmem>> -> memref<160xi32, #tpu.memory_space<vmem>>
        %dma_wait3A_288 = tpu.memref_slice %arg4[%add3A_285] : memref<320000xi32, #tpu.memory_space<hbm>> -> memref<160xi32, #tpu.memory_space<hbm>>
        %dma_wait3A_289 = arith.constant 0 : i32
        %dma_wait3A_290 = tpu.memref_slice %arg11[%dma_wait3A_289] : memref<640xi32, #tpu.memory_space<vmem>> -> memref<160xi32, #tpu.memory_space<vmem>>
        %dma_wait3A_291 = tpu.memref_slice %arg4[%add3A_285] : memref<320000xi32, #tpu.memory_space<hbm>> -> memref<160xi32, #tpu.memory_space<hbm>>
        tpu.wait_dma2 semaphore(%arg35 : memref<!tpu.dma_semaphore, #tpu.memory_space<semaphore_mem>>) src(%dma_wait3A_291 : memref<160xi32, #tpu.memory_space<hbm>>) dst(%dma_wait3A_290 : memref<160xi32, #tpu.memory_space<vmem>>)
        %mul3A_292 = arith.constant 20000 : i32
        %mul3A_293 = arith.muli %arg1, %mul3A_292 : i32
        %mul3A_294 = arith.constant 2 : i32
        %mul3A_295 = arith.muli %mul3A_251, %mul3A_294 : i32
        %mul3A_296 = arith.constant 80 : i32
        %mul3A_297 = arith.muli %mul3A_295, %mul3A_296 : i32
        %add3A_298 = arith.addi %mul3A_293, %mul3A_297 : i32
        %dma_wait3A_299 = arith.constant 160 : i32
        %dma_wait3A_300 = tpu.memref_slice %arg11[%dma_wait3A_299] : memref<640xi32, #tpu.memory_space<vmem>> -> memref<160xi32, #tpu.memory_space<vmem>>
        %dma_wait3A_301 = tpu.memref_slice %arg5[%add3A_298] : memref<320000xi32, #tpu.memory_space<hbm>> -> memref<160xi32, #tpu.memory_space<hbm>>
        %dma_wait3A_302 = arith.constant 160 : i32
        %dma_wait3A_303 = tpu.memref_slice %arg11[%dma_wait3A_302] : memref<640xi32, #tpu.memory_space<vmem>> -> memref<160xi32, #tpu.memory_space<vmem>>
        %dma_wait3A_304 = tpu.memref_slice %arg5[%add3A_298] : memref<320000xi32, #tpu.memory_space<hbm>> -> memref<160xi32, #tpu.memory_space<hbm>>
        tpu.wait_dma2 semaphore(%arg35 : memref<!tpu.dma_semaphore, #tpu.memory_space<semaphore_mem>>) src(%dma_wait3A_304 : memref<160xi32, #tpu.memory_space<hbm>>) dst(%dma_wait3A_303 : memref<160xi32, #tpu.memory_space<vmem>>)
        %scan3A_305 = arith.constant 0 : i32
        %scan3A_306 = arith.constant 0 : i32
        %scan3A_307 = arith.constant 5 : i32
        %scan3A_308 = arith.addi %scan3A_306, %scan3A_307 : i32
        %scan3A_309 = arith.constant 1 : i32
        %scan3A_310 = scf.for %scan3A_319 = %scan3A_306 to %scan3A_308 step %scan3A_309 iter_args(%scan3A_320 = %scan3A_305) -> (i32)  : i32 {
          %mul3A_321 = arith.constant 16 : i32
          %mul3A_322 = arith.muli %scan3A_319, %mul3A_321 : i32
          %add3A_323 = arith.constant 160 : i32
          %add3A_324 = arith.addi %add3A_323, %mul3A_322 : i32
          %get3A = arith.index_cast %add3A_324 : i32 to index
          %get3A_325 = tpu.vector_load %arg11[%get3A] {strides = array<i32>} : memref<640xi32, #tpu.memory_space<vmem>>, vector<16xi32>,
          %get3A_326 = vector.shape_cast %get3A_325 : vector<16xi32> to vector<16xi32>
          %mul3A_327 = arith.constant 16 : i32
          %mul3A_328 = arith.muli %scan3A_319, %mul3A_327 : i32
          %add3A_329 = arith.constant 0 : i32
          %add3A_330 = arith.addi %add3A_329, %mul3A_328 : i32
          %get3A_331 = arith.index_cast %add3A_330 : i32 to index
          %get3A_332 = tpu.vector_load %arg11[%get3A_331] {strides = array<i32>} : memref<640xi32, #tpu.memory_space<vmem>>, vector<16xi32>,
          %get3A_333 = vector.shape_cast %get3A_332 : vector<16xi32> to vector<16xi32>
          %mul3A_334 = arith.constant 10000 : i32
          %mul3A_335 = vector.broadcast %mul3A_334 : i32 to vector<16xi32>
          %mul3A_336 = arith.muli %get3A_326, %mul3A_335 : vector<16xi32>
          %add3A_337 = arith.addi %mul3A_336, %get3A_333 : vector<16xi32>
          %mul3A_338 = arith.constant 16 : i32
          %mul3A_339 = arith.muli %scan3A_319, %mul3A_338 : i32
          %swap3A = arith.index_cast %mul3A_339 : i32 to index
          %swap3A_340 = tpu.vector_load %arg13[%swap3A] {strides = array<i32>} : memref<80xi32, #tpu.memory_space<vmem>>, vector<16xi32>,
          %swap3A_341 = vector.shape_cast %swap3A_340 : vector<16xi32> to vector<16xi32>
          %swap3A_342 = vector.shape_cast %add3A_337 : vector<16xi32> to vector<16xi32>
          tpu.vector_store %arg13[%swap3A], %swap3A_342 {strides = array<i32>} : memref<80xi32, #tpu.memory_space<vmem>>, vector<16xi32>,
          %scan3A_343 = arith.constant 0 : i32
          scf.yield %scan3A_343 : i32
        }
        %scan3A_311 = arith.constant 5 : i32
        %scan3A_312 = arith.constant 0 : i32
        %scan3A_313 = arith.constant 0 : i32
        %scan3A_314 = arith.constant 5 : i32
        %scan3A_315 = arith.addi %scan3A_313, %scan3A_314 : i32
        %scan3A_316 = arith.constant 1 : i32
        %scan3A_317 = scf.for %scan3A_319 = %scan3A_313 to %scan3A_315 step %scan3A_316 iter_args(%scan3A_320 = %scan3A_312) -> (i32)  : i32 {
          %mul3A_321 = arith.constant 16 : i32
          %mul3A_322 = arith.muli %scan3A_319, %mul3A_321 : i32
          %add3A_323 = arith.constant 240 : i32
          %add3A_324 = arith.addi %add3A_323, %mul3A_322 : i32
          %get3A = arith.index_cast %add3A_324 : i32 to index
          %get3A_325 = tpu.vector_load %arg11[%get3A] {strides = array<i32>} : memref<640xi32, #tpu.memory_space<vmem>>, vector<16xi32>,
          %get3A_326 = vector.shape_cast %get3A_325 : vector<16xi32> to vector<16xi32>
          %mul3A_327 = arith.constant 16 : i32
          %mul3A_328 = arith.muli %scan3A_319, %mul3A_327 : i32
          %add3A_329 = arith.constant 80 : i32
          %add3A_330 = arith.addi %add3A_329, %mul3A_328 : i32
          %get3A_331 = arith.index_cast %add3A_330 : i32 to index
          %get3A_332 = tpu.vector_load %arg11[%get3A_331] {strides = array<i32>} : memref<640xi32, #tpu.memory_space<vmem>>, vector<16xi32>,
          %get3A_333 = vector.shape_cast %get3A_332 : vector<16xi32> to vector<16xi32>
          %mul3A_334 = arith.constant 10000 : i32
          %mul3A_335 = vector.broadcast %mul3A_334 : i32 to vector<16xi32>
          %mul3A_336 = arith.muli %get3A_326, %mul3A_335 : vector<16xi32>
          %add3A_337 = arith.addi %mul3A_336, %get3A_333 : vector<16xi32>
          %mul3A_338 = arith.constant 16 : i32
          %mul3A_339 = arith.muli %scan3A_319, %mul3A_338 : i32
          %swap3A = arith.index_cast %mul3A_339 : i32 to index
          %swap3A_340 = tpu.vector_load %arg15[%swap3A] {strides = array<i32>} : memref<80xi32, #tpu.memory_space<vmem>>, vector<16xi32>,
          %swap3A_341 = vector.shape_cast %swap3A_340 : vector<16xi32> to vector<16xi32>
          %swap3A_342 = vector.shape_cast %add3A_337 : vector<16xi32> to vector<16xi32>
          tpu.vector_store %arg15[%swap3A], %swap3A_342 {strides = array<i32>} : memref<80xi32, #tpu.memory_space<vmem>>, vector<16xi32>,
          %scan3A_343 = arith.constant 0 : i32
          scf.yield %scan3A_343 : i32
        }
        %scan3A_318 = arith.constant 5 : i32
        "tpu.region"() ({
          %run_scoped3A = tpu.sem_alloc : memref<!tpu.dma_semaphore, #tpu.memory_space<semaphore_mem>>
          %dma_start3A_319 = arith.constant 0 : i32
          %dma_start3A_320 = tpu.memref_slice %arg33[%dma_start3A_319] : memref<40000xf32, #tpu.memory_space<vmem_shared>> -> memref<40000xf32, #tpu.memory_space<vmem_shared>>
          tpu.enqueue_indirect_dma source(%arg31 : memref<80xf32, #tpu.memory_space<vmem>>) target(%dma_start3A_320 : memref<40000xf32, #tpu.memory_space<vmem_shared>>) offsets(%arg13 : memref<80xi32, #tpu.memory_space<vmem>>) semaphore(%run_scoped3A : memref<!tpu.dma_semaphore, #tpu.memory_space<semaphore_mem>>) {add = true}
          %dma_wait3A_321 = arith.constant 0 : i32
          %dma_wait3A_322 = tpu.memref_slice %arg33[%dma_wait3A_321] : memref<40000xf32, #tpu.memory_space<vmem_shared>> -> memref<40000xf32, #tpu.memory_space<vmem_shared>>
          tpu.wait_indirect_dma semaphore(%run_scoped3A : memref<!tpu.dma_semaphore, #tpu.memory_space<semaphore_mem>>) src(%arg31 : memref<80xf32, #tpu.memory_space<vmem>>) dst(%dma_wait3A_322 : memref<40000xf32, #tpu.memory_space<vmem_shared>>)
          tpu.yield
        }) : () -> ()
        "tpu.region"() ({
          %run_scoped3A = tpu.sem_alloc : memref<!tpu.dma_semaphore, #tpu.memory_space<semaphore_mem>>
          %dma_start3A_319 = arith.constant 0 : i32
          %dma_start3A_320 = tpu.memref_slice %arg33[%dma_start3A_319] : memref<40000xf32, #tpu.memory_space<vmem_shared>> -> memref<40000xf32, #tpu.memory_space<vmem_shared>>
          tpu.enqueue_indirect_dma source(%arg31 : memref<80xf32, #tpu.memory_space<vmem>>) target(%dma_start3A_320 : memref<40000xf32, #tpu.memory_space<vmem_shared>>) offsets(%arg15 : memref<80xi32, #tpu.memory_space<vmem>>) semaphore(%run_scoped3A : memref<!tpu.dma_semaphore, #tpu.memory_space<semaphore_mem>>) {add = true}
          %dma_wait3A_321 = arith.constant 0 : i32
          %dma_wait3A_322 = tpu.memref_slice %arg33[%dma_wait3A_321] : memref<40000xf32, #tpu.memory_space<vmem_shared>> -> memref<40000xf32, #tpu.memory_space<vmem_shared>>
          tpu.wait_indirect_dma semaphore(%run_scoped3A : memref<!tpu.dma_semaphore, #tpu.memory_space<semaphore_mem>>) src(%arg31 : memref<80xf32, #tpu.memory_space<vmem>>) dst(%dma_wait3A_322 : memref<40000xf32, #tpu.memory_space<vmem_shared>>)
          tpu.yield
        }) : () -> ()
      } else {
      }
      %add3A_257 = arith.constant 2 : i32
      %add3A_258 = arith.addi %mul3A_251, %add3A_257 : i32
      %lt3A_259 = arith.constant 125 : i32
      %lt3A_260 = arith.cmpi slt, %add3A_258, %lt3A_259 : i32
      %convert_element_type3A_261 = arith.extui %lt3A_260 : i1 to i32
      %cond3A_262 = arith.constant 0 : i32
      %cond3A_263 = arith.cmpi ne, %convert_element_type3A_261, %cond3A_262 : i32
      scf.if %cond3A_263 {
        %mul3A_279 = arith.constant 20000 : i32
        %mul3A_280 = arith.muli %arg1, %mul3A_279 : i32
        %mul3A_281 = arith.constant 2 : i32
        %mul3A_282 = arith.muli %add3A_258, %mul3A_281 : i32
        %mul3A_283 = arith.constant 80 : i32
        %mul3A_284 = arith.muli %mul3A_282, %mul3A_283 : i32
        %add3A_285 = arith.addi %mul3A_280, %mul3A_284 : i32
        %dma_start3A_286 = arith.constant 0 : i32
        %dma_start3A_287 = tpu.memref_slice %arg11[%dma_start3A_286] : memref<640xi32, #tpu.memory_space<vmem>> -> memref<160xi32, #tpu.memory_space<vmem>>
        %dma_start3A_288 = tpu.memref_slice %arg4[%add3A_285] : memref<320000xi32, #tpu.memory_space<hbm>> -> memref<160xi32, #tpu.memory_space<hbm>>
        %dma_start3A_289 = arith.constant 0 : i32
        %dma_start3A_290 = tpu.memref_slice %arg11[%dma_start3A_289] : memref<640xi32, #tpu.memory_space<vmem>> -> memref<160xi32, #tpu.memory_space<vmem>>
        %dma_start3A_291 = tpu.memref_slice %arg4[%add3A_285] : memref<320000xi32, #tpu.memory_space<hbm>> -> memref<160xi32, #tpu.memory_space<hbm>>
        tpu.enqueue_dma source(%dma_start3A_291 : memref<160xi32, #tpu.memory_space<hbm>>) target(%dma_start3A_290 : memref<160xi32, #tpu.memory_space<vmem>>) target_semaphore(%arg35 : memref<!tpu.dma_semaphore, #tpu.memory_space<semaphore_mem>>)
        %mul3A_292 = arith.constant 20000 : i32
        %mul3A_293 = arith.muli %arg1, %mul3A_292 : i32
        %mul3A_294 = arith.constant 2 : i32
        %mul3A_295 = arith.muli %add3A_258, %mul3A_294 : i32
        %mul3A_296 = arith.constant 80 : i32
        %mul3A_297 = arith.muli %mul3A_295, %mul3A_296 : i32
        %add3A_298 = arith.addi %mul3A_293, %mul3A_297 : i32
        %dma_start3A_299 = arith.constant 160 : i32
        %dma_start3A_300 = tpu.memref_slice %arg11[%dma_start3A_299] : memref<640xi32, #tpu.memory_space<vmem>> -> memref<160xi32, #tpu.memory_space<vmem>>
        %dma_start3A_301 = tpu.memref_slice %arg5[%add3A_298] : memref<320000xi32, #tpu.memory_space<hbm>> -> memref<160xi32, #tpu.memory_space<hbm>>
        %dma_start3A_302 = arith.constant 160 : i32
        %dma_start3A_303 = tpu.memref_slice %arg11[%dma_start3A_302] : memref<640xi32, #tpu.memory_space<vmem>> -> memref<160xi32, #tpu.memory_space<vmem>>
        %dma_start3A_304 = tpu.memref_slice %arg5[%add3A_298] : memref<320000xi32, #tpu.memory_space<hbm>> -> memref<160xi32, #tpu.memory_space<hbm>>
        tpu.enqueue_dma source(%dma_start3A_304 : memref<160xi32, #tpu.memory_space<hbm>>) target(%dma_start3A_303 : memref<160xi32, #tpu.memory_space<vmem>>) target_semaphore(%arg35 : memref<!tpu.dma_semaphore, #tpu.memory_space<semaphore_mem>>)
      } else {
      }
      %add3A_264 = arith.constant 1 : i32
      %add3A_265 = arith.addi %mul3A_251, %add3A_264 : i32
      %lt3A_266 = arith.constant 125 : i32
      %lt3A_267 = arith.cmpi slt, %add3A_265, %lt3A_266 : i32
      %convert_element_type3A_268 = arith.extui %lt3A_267 : i1 to i32
      %cond3A_269 = arith.constant 0 : i32
      %cond3A_270 = arith.cmpi ne, %convert_element_type3A_268, %cond3A_269 : i32
      scf.if %cond3A_270 {
        %mul3A_279 = arith.constant 20000 : i32
        %mul3A_280 = arith.muli %arg1, %mul3A_279 : i32
        %mul3A_281 = arith.constant 2 : i32
        %mul3A_282 = arith.muli %add3A_265, %mul3A_281 : i32
        %mul3A_283 = arith.constant 80 : i32
        %mul3A_284 = arith.muli %mul3A_282, %mul3A_283 : i32
        %add3A_285 = arith.addi %mul3A_280, %mul3A_284 : i32
        %dma_wait3A_286 = arith.constant 0 : i32
        %dma_wait3A_287 = tpu.memref_slice %arg12[%dma_wait3A_286] : memref<640xi32, #tpu.memory_space<vmem>> -> memref<160xi32, #tpu.memory_space<vmem>>
        %dma_wait3A_288 = tpu.memref_slice %arg4[%add3A_285] : memref<320000xi32, #tpu.memory_space<hbm>> -> memref<160xi32, #tpu.memory_space<hbm>>
        %dma_wait3A_289 = arith.constant 0 : i32
        %dma_wait3A_290 = tpu.memref_slice %arg12[%dma_wait3A_289] : memref<640xi32, #tpu.memory_space<vmem>> -> memref<160xi32, #tpu.memory_space<vmem>>
        %dma_wait3A_291 = tpu.memref_slice %arg4[%add3A_285] : memref<320000xi32, #tpu.memory_space<hbm>> -> memref<160xi32, #tpu.memory_space<hbm>>
        tpu.wait_dma2 semaphore(%arg36 : memref<!tpu.dma_semaphore, #tpu.memory_space<semaphore_mem>>) src(%dma_wait3A_291 : memref<160xi32, #tpu.memory_space<hbm>>) dst(%dma_wait3A_290 : memref<160xi32, #tpu.memory_space<vmem>>)
        %mul3A_292 = arith.constant 20000 : i32
        %mul3A_293 = arith.muli %arg1, %mul3A_292 : i32
        %mul3A_294 = arith.constant 2 : i32
        %mul3A_295 = arith.muli %add3A_265, %mul3A_294 : i32
        %mul3A_296 = arith.constant 80 : i32
        %mul3A_297 = arith.muli %mul3A_295, %mul3A_296 : i32
        %add3A_298 = arith.addi %mul3A_293, %mul3A_297 : i32
        %dma_wait3A_299 = arith.constant 160 : i32
        %dma_wait3A_300 = tpu.memref_slice %arg12[%dma_wait3A_299] : memref<640xi32, #tpu.memory_space<vmem>> -> memref<160xi32, #tpu.memory_space<vmem>>
        %dma_wait3A_301 = tpu.memref_slice %arg5[%add3A_298] : memref<320000xi32, #tpu.memory_space<hbm>> -> memref<160xi32, #tpu.memory_space<hbm>>
        %dma_wait3A_302 = arith.constant 160 : i32
        %dma_wait3A_303 = tpu.memref_slice %arg12[%dma_wait3A_302] : memref<640xi32, #tpu.memory_space<vmem>> -> memref<160xi32, #tpu.memory_space<vmem>>
        %dma_wait3A_304 = tpu.memref_slice %arg5[%add3A_298] : memref<320000xi32, #tpu.memory_space<hbm>> -> memref<160xi32, #tpu.memory_space<hbm>>
        tpu.wait_dma2 semaphore(%arg36 : memref<!tpu.dma_semaphore, #tpu.memory_space<semaphore_mem>>) src(%dma_wait3A_304 : memref<160xi32, #tpu.memory_space<hbm>>) dst(%dma_wait3A_303 : memref<160xi32, #tpu.memory_space<vmem>>)
        %scan3A_305 = arith.constant 0 : i32
        %scan3A_306 = arith.constant 0 : i32
        %scan3A_307 = arith.constant 5 : i32
        %scan3A_308 = arith.addi %scan3A_306, %scan3A_307 : i32
        %scan3A_309 = arith.constant 1 : i32
        %scan3A_310 = scf.for %scan3A_319 = %scan3A_306 to %scan3A_308 step %scan3A_309 iter_args(%scan3A_320 = %scan3A_305) -> (i32)  : i32 {
          %mul3A_321 = arith.constant 16 : i32
          %mul3A_322 = arith.muli %scan3A_319, %mul3A_321 : i32
          %add3A_323 = arith.constant 160 : i32
          %add3A_324 = arith.addi %add3A_323, %mul3A_322 : i32
          %get3A = arith.index_cast %add3A_324 : i32 to index
          %get3A_325 = tpu.vector_load %arg12[%get3A] {strides = array<i32>} : memref<640xi32, #tpu.memory_space<vmem>>, vector<16xi32>,
          %get3A_326 = vector.shape_cast %get3A_325 : vector<16xi32> to vector<16xi32>
          %mul3A_327 = arith.constant 16 : i32
          %mul3A_328 = arith.muli %scan3A_319, %mul3A_327 : i32
          %add3A_329 = arith.constant 0 : i32
          %add3A_330 = arith.addi %add3A_329, %mul3A_328 : i32
          %get3A_331 = arith.index_cast %add3A_330 : i32 to index
          %get3A_332 = tpu.vector_load %arg12[%get3A_331] {strides = array<i32>} : memref<640xi32, #tpu.memory_space<vmem>>, vector<16xi32>,
          %get3A_333 = vector.shape_cast %get3A_332 : vector<16xi32> to vector<16xi32>
          %mul3A_334 = arith.constant 10000 : i32
          %mul3A_335 = vector.broadcast %mul3A_334 : i32 to vector<16xi32>
          %mul3A_336 = arith.muli %get3A_326, %mul3A_335 : vector<16xi32>
          %add3A_337 = arith.addi %mul3A_336, %get3A_333 : vector<16xi32>
          %mul3A_338 = arith.constant 16 : i32
          %mul3A_339 = arith.muli %scan3A_319, %mul3A_338 : i32
          %swap3A = arith.index_cast %mul3A_339 : i32 to index
          %swap3A_340 = tpu.vector_load %arg14[%swap3A] {strides = array<i32>} : memref<80xi32, #tpu.memory_space<vmem>>, vector<16xi32>,
          %swap3A_341 = vector.shape_cast %swap3A_340 : vector<16xi32> to vector<16xi32>
          %swap3A_342 = vector.shape_cast %add3A_337 : vector<16xi32> to vector<16xi32>
          tpu.vector_store %arg14[%swap3A], %swap3A_342 {strides = array<i32>} : memref<80xi32, #tpu.memory_space<vmem>>, vector<16xi32>,
          %scan3A_343 = arith.constant 0 : i32
          scf.yield %scan3A_343 : i32
        }
        %scan3A_311 = arith.constant 5 : i32
        %scan3A_312 = arith.constant 0 : i32
        %scan3A_313 = arith.constant 0 : i32
        %scan3A_314 = arith.constant 5 : i32
        %scan3A_315 = arith.addi %scan3A_313, %scan3A_314 : i32
        %scan3A_316 = arith.constant 1 : i32
        %scan3A_317 = scf.for %scan3A_319 = %scan3A_313 to %scan3A_315 step %scan3A_316 iter_args(%scan3A_320 = %scan3A_312) -> (i32)  : i32 {
          %mul3A_321 = arith.constant 16 : i32
          %mul3A_322 = arith.muli %scan3A_319, %mul3A_321 : i32
          %add3A_323 = arith.constant 240 : i32
          %add3A_324 = arith.addi %add3A_323, %mul3A_322 : i32
          %get3A = arith.index_cast %add3A_324 : i32 to index
          %get3A_325 = tpu.vector_load %arg12[%get3A] {strides = array<i32>} : memref<640xi32, #tpu.memory_space<vmem>>, vector<16xi32>,
          %get3A_326 = vector.shape_cast %get3A_325 : vector<16xi32> to vector<16xi32>
          %mul3A_327 = arith.constant 16 : i32
          %mul3A_328 = arith.muli %scan3A_319, %mul3A_327 : i32
          %add3A_329 = arith.constant 80 : i32
          %add3A_330 = arith.addi %add3A_329, %mul3A_328 : i32
          %get3A_331 = arith.index_cast %add3A_330 : i32 to index
          %get3A_332 = tpu.vector_load %arg12[%get3A_331] {strides = array<i32>} : memref<640xi32, #tpu.memory_space<vmem>>, vector<16xi32>,
          %get3A_333 = vector.shape_cast %get3A_332 : vector<16xi32> to vector<16xi32>
          %mul3A_334 = arith.constant 10000 : i32
          %mul3A_335 = vector.broadcast %mul3A_334 : i32 to vector<16xi32>
          %mul3A_336 = arith.muli %get3A_326, %mul3A_335 : vector<16xi32>
          %add3A_337 = arith.addi %mul3A_336, %get3A_333 : vector<16xi32>
          %mul3A_338 = arith.constant 16 : i32
          %mul3A_339 = arith.muli %scan3A_319, %mul3A_338 : i32
          %swap3A = arith.index_cast %mul3A_339 : i32 to index
          %swap3A_340 = tpu.vector_load %arg16[%swap3A] {strides = array<i32>} : memref<80xi32, #tpu.memory_space<vmem>>, vector<16xi32>,
          %swap3A_341 = vector.shape_cast %swap3A_340 : vector<16xi32> to vector<16xi32>
          %swap3A_342 = vector.shape_cast %add3A_337 : vector<16xi32> to vector<16xi32>
          tpu.vector_store %arg16[%swap3A], %swap3A_342 {strides = array<i32>} : memref<80xi32, #tpu.memory_space<vmem>>, vector<16xi32>,
          %scan3A_343 = arith.constant 0 : i32
          scf.yield %scan3A_343 : i32
        }
        %scan3A_318 = arith.constant 5 : i32
        "tpu.region"() ({
          %run_scoped3A = tpu.sem_alloc : memref<!tpu.dma_semaphore, #tpu.memory_space<semaphore_mem>>
          %dma_start3A_319 = arith.constant 0 : i32
          %dma_start3A_320 = tpu.memref_slice %arg33[%dma_start3A_319] : memref<40000xf32, #tpu.memory_space<vmem_shared>> -> memref<40000xf32, #tpu.memory_space<vmem_shared>>
          tpu.enqueue_indirect_dma source(%arg31 : memref<80xf32, #tpu.memory_space<vmem>>) target(%dma_start3A_320 : memref<40000xf32, #tpu.memory_space<vmem_shared>>) offsets(%arg14 : memref<80xi32, #tpu.memory_space<vmem>>) semaphore(%run_scoped3A : memref<!tpu.dma_semaphore, #tpu.memory_space<semaphore_mem>>) {add = true}
          %dma_wait3A_321 = arith.constant 0 : i32
          %dma_wait3A_322 = tpu.memref_slice %arg33[%dma_wait3A_321] : memref<40000xf32, #tpu.memory_space<vmem_shared>> -> memref<40000xf32, #tpu.memory_space<vmem_shared>>
          tpu.wait_indirect_dma semaphore(%run_scoped3A : memref<!tpu.dma_semaphore, #tpu.memory_space<semaphore_mem>>) src(%arg31 : memref<80xf32, #tpu.memory_space<vmem>>) dst(%dma_wait3A_322 : memref<40000xf32, #tpu.memory_space<vmem_shared>>)
          tpu.yield
        }) : () -> ()
        "tpu.region"() ({
          %run_scoped3A = tpu.sem_alloc : memref<!tpu.dma_semaphore, #tpu.memory_space<semaphore_mem>>
          %dma_start3A_319 = arith.constant 0 : i32
          %dma_start3A_320 = tpu.memref_slice %arg33[%dma_start3A_319] : memref<40000xf32, #tpu.memory_space<vmem_shared>> -> memref<40000xf32, #tpu.memory_space<vmem_shared>>
          tpu.enqueue_indirect_dma source(%arg31 : memref<80xf32, #tpu.memory_space<vmem>>) target(%dma_start3A_320 : memref<40000xf32, #tpu.memory_space<vmem_shared>>) offsets(%arg16 : memref<80xi32, #tpu.memory_space<vmem>>) semaphore(%run_scoped3A : memref<!tpu.dma_semaphore, #tpu.memory_space<semaphore_mem>>) {add = true}
          %dma_wait3A_321 = arith.constant 0 : i32
          %dma_wait3A_322 = tpu.memref_slice %arg33[%dma_wait3A_321] : memref<40000xf32, #tpu.memory_space<vmem_shared>> -> memref<40000xf32, #tpu.memory_space<vmem_shared>>
          tpu.wait_indirect_dma semaphore(%run_scoped3A : memref<!tpu.dma_semaphore, #tpu.memory_space<semaphore_mem>>) src(%arg31 : memref<80xf32, #tpu.memory_space<vmem>>) dst(%dma_wait3A_322 : memref<40000xf32, #tpu.memory_space<vmem_shared>>)
          tpu.yield
        }) : () -> ()
      } else {
      }
      %add3A_271 = arith.constant 3 : i32
      %add3A_272 = arith.addi %mul3A_251, %add3A_271 : i32
      %lt3A_273 = arith.constant 125 : i32
      %lt3A_274 = arith.cmpi slt, %add3A_272, %lt3A_273 : i32
      %convert_element_type3A_275 = arith.extui %lt3A_274 : i1 to i32
      %cond3A_276 = arith.constant 0 : i32
      %cond3A_277 = arith.cmpi ne, %convert_element_type3A_275, %cond3A_276 : i32
      scf.if %cond3A_277 {
        %mul3A_279 = arith.constant 20000 : i32
        %mul3A_280 = arith.muli %arg1, %mul3A_279 : i32
        %mul3A_281 = arith.constant 2 : i32
        %mul3A_282 = arith.muli %add3A_272, %mul3A_281 : i32
        %mul3A_283 = arith.constant 80 : i32
        %mul3A_284 = arith.muli %mul3A_282, %mul3A_283 : i32
        %add3A_285 = arith.addi %mul3A_280, %mul3A_284 : i32
        %dma_start3A_286 = arith.constant 0 : i32
        %dma_start3A_287 = tpu.memref_slice %arg12[%dma_start3A_286] : memref<640xi32, #tpu.memory_space<vmem>> -> memref<160xi32, #tpu.memory_space<vmem>>
        %dma_start3A_288 = tpu.memref_slice %arg4[%add3A_285] : memref<320000xi32, #tpu.memory_space<hbm>> -> memref<160xi32, #tpu.memory_space<hbm>>
        %dma_start3A_289 = arith.constant 0 : i32
        %dma_start3A_290 = tpu.memref_slice %arg12[%dma_start3A_289] : memref<640xi32, #tpu.memory_space<vmem>> -> memref<160xi32, #tpu.memory_space<vmem>>
        %dma_start3A_291 = tpu.memref_slice %arg4[%add3A_285] : memref<320000xi32, #tpu.memory_space<hbm>> -> memref<160xi32, #tpu.memory_space<hbm>>
        tpu.enqueue_dma source(%dma_start3A_291 : memref<160xi32, #tpu.memory_space<hbm>>) target(%dma_start3A_290 : memref<160xi32, #tpu.memory_space<vmem>>) target_semaphore(%arg36 : memref<!tpu.dma_semaphore, #tpu.memory_space<semaphore_mem>>)
        %mul3A_292 = arith.constant 20000 : i32
        %mul3A_293 = arith.muli %arg1, %mul3A_292 : i32
        %mul3A_294 = arith.constant 2 : i32
        %mul3A_295 = arith.muli %add3A_272, %mul3A_294 : i32
        %mul3A_296 = arith.constant 80 : i32
        %mul3A_297 = arith.muli %mul3A_295, %mul3A_296 : i32
        %add3A_298 = arith.addi %mul3A_293, %mul3A_297 : i32
        %dma_start3A_299 = arith.constant 160 : i32
        %dma_start3A_300 = tpu.memref_slice %arg12[%dma_start3A_299] : memref<640xi32, #tpu.memory_space<vmem>> -> memref<160xi32, #tpu.memory_space<vmem>>
        %dma_start3A_301 = tpu.memref_slice %arg5[%add3A_298] : memref<320000xi32, #tpu.memory_space<hbm>> -> memref<160xi32, #tpu.memory_space<hbm>>
        %dma_start3A_302 = arith.constant 160 : i32
        %dma_start3A_303 = tpu.memref_slice %arg12[%dma_start3A_302] : memref<640xi32, #tpu.memory_space<vmem>> -> memref<160xi32, #tpu.memory_space<vmem>>
        %dma_start3A_304 = tpu.memref_slice %arg5[%add3A_298] : memref<320000xi32, #tpu.memory_space<hbm>> -> memref<160xi32, #tpu.memory_space<hbm>>
        tpu.enqueue_dma source(%dma_start3A_304 : memref<160xi32, #tpu.memory_space<hbm>>) target(%dma_start3A_303 : memref<160xi32, #tpu.memory_space<vmem>>) target_semaphore(%arg36 : memref<!tpu.dma_semaphore, #tpu.memory_space<semaphore_mem>>)
      } else {
      }
      %scan3A_278 = arith.constant 0 : i32
      scf.yield %scan3A_278 : i32
    }
    %scan3A_79 = arith.constant 63 : i32
    %barrier3A_80 = arith.constant 0 : index
    tpu.barrier barrier_id(%barrier3A_80)
    %mul3A_81 = arith.constant 2000 : i32
    %mul3A_82 = arith.muli %arg1, %mul3A_81 : i32
    "tpu.region"() ({
      %run_scoped3A = tpu.sem_alloc : memref<!tpu.dma_semaphore, #tpu.memory_space<semaphore_mem>>
      %dma_start3A_248 = tpu.memref_slice %arg33[%mul3A_82] : memref<40000xf32, #tpu.memory_space<vmem_shared>> -> memref<2000xf32, #tpu.memory_space<vmem_shared>>
      %dma_start3A_249 = tpu.memref_slice %arg33[%mul3A_82] : memref<40000xf32, #tpu.memory_space<vmem_shared>> -> memref<2000xf32, #tpu.memory_space<vmem_shared>>
      tpu.enqueue_dma source(%dma_start3A_249 : memref<2000xf32, #tpu.memory_space<vmem_shared>>) target(%arg32 : memref<2000xf32, #tpu.memory_space<vmem>>) target_semaphore(%run_scoped3A : memref<!tpu.dma_semaphore, #tpu.memory_space<semaphore_mem>>)
      %dma_wait3A_250 = tpu.memref_slice %arg33[%mul3A_82] : memref<40000xf32, #tpu.memory_space<vmem_shared>> -> memref<2000xf32, #tpu.memory_space<vmem_shared>>
      %dma_wait3A_251 = tpu.memref_slice %arg33[%mul3A_82] : memref<40000xf32, #tpu.memory_space<vmem_shared>> -> memref<2000xf32, #tpu.memory_space<vmem_shared>>
      tpu.wait_dma2 semaphore(%run_scoped3A : memref<!tpu.dma_semaphore, #tpu.memory_space<semaphore_mem>>) src(%dma_wait3A_251 : memref<2000xf32, #tpu.memory_space<vmem_shared>>) dst(%arg32 : memref<2000xf32, #tpu.memory_space<vmem>>)
      tpu.yield
    }) : () -> ()
    %scan3A_83 = arith.constant 0 : i32
    %scan3A_84 = arith.constant 0 : i32
    %scan3A_85 = arith.constant 125 : i32
    %scan3A_86 = arith.addi %scan3A_84, %scan3A_85 : i32
    %scan3A_87 = arith.constant 1 : i32
    %scan3A_88 = scf.for %scan3A_248 = %scan3A_84 to %scan3A_86 step %scan3A_87 iter_args(%scan3A_249 = %scan3A_83) -> (i32)  : i32 {
      %mul3A_250 = arith.constant 16 : i32
      %mul3A_251 = arith.muli %scan3A_248, %mul3A_250 : i32
      %get3A = arith.index_cast %mul3A_251 : i32 to index
      %get3A_252 = tpu.vector_load %arg32[%get3A] {strides = array<i32>} : memref<2000xf32, #tpu.memory_space<vmem>>, vector<16xf32>,
      %get3A_253 = vector.shape_cast %get3A_252 : vector<16xf32> to vector<16xf32>
      %max3A = arith.constant 1.000000e+00 : f32
      %max3A_254 = vector.broadcast %max3A : f32 to vector<16xf32>
      %max3A_255 = arith.maximumf %get3A_253, %max3A_254 : vector<16xf32>
      %div3A = arith.constant 1.000000e+00 : f32
      %div3A_256 = vector.broadcast %div3A : f32 to vector<16xf32>
      %div3A_257 = arith.divf %div3A_256, %max3A_255 : vector<16xf32>
      %mul3A_258 = arith.constant 16 : i32
      %mul3A_259 = arith.muli %scan3A_248, %mul3A_258 : i32
      %swap3A = arith.index_cast %mul3A_259 : i32 to index
      %swap3A_260 = tpu.vector_load %arg32[%swap3A] {strides = array<i32>} : memref<2000xf32, #tpu.memory_space<vmem>>, vector<16xf32>,
      %swap3A_261 = vector.shape_cast %swap3A_260 : vector<16xf32> to vector<16xf32>
      %swap3A_262 = vector.shape_cast %div3A_257 : vector<16xf32> to vector<16xf32>
      tpu.vector_store %arg32[%swap3A], %swap3A_262 {strides = array<i32>} : memref<2000xf32, #tpu.memory_space<vmem>>, vector<16xf32>,
      %scan3A_263 = arith.constant 0 : i32
      scf.yield %scan3A_263 : i32
    }
    %scan3A_89 = arith.constant 125 : i32
    "tpu.region"() ({
      %run_scoped3A = tpu.sem_alloc : memref<!tpu.dma_semaphore, #tpu.memory_space<semaphore_mem>>
      %dma_start3A_248 = tpu.memref_slice %arg33[%mul3A_82] : memref<40000xf32, #tpu.memory_space<vmem_shared>> -> memref<2000xf32, #tpu.memory_space<vmem_shared>>
      %dma_start3A_249 = tpu.memref_slice %arg33[%mul3A_82] : memref<40000xf32, #tpu.memory_space<vmem_shared>> -> memref<2000xf32, #tpu.memory_space<vmem_shared>>
      tpu.enqueue_dma source(%arg32 : memref<2000xf32, #tpu.memory_space<vmem>>) target(%dma_start3A_249 : memref<2000xf32, #tpu.memory_space<vmem_shared>>) target_semaphore(%run_scoped3A : memref<!tpu.dma_semaphore, #tpu.memory_space<semaphore_mem>>)
      %dma_wait3A_250 = tpu.memref_slice %arg33[%mul3A_82] : memref<40000xf32, #tpu.memory_space<vmem_shared>> -> memref<2000xf32, #tpu.memory_space<vmem_shared>>
      %dma_wait3A_251 = tpu.memref_slice %arg33[%mul3A_82] : memref<40000xf32, #tpu.memory_space<vmem_shared>> -> memref<2000xf32, #tpu.memory_space<vmem_shared>>
      tpu.wait_dma2 semaphore(%run_scoped3A : memref<!tpu.dma_semaphore, #tpu.memory_space<semaphore_mem>>) src(%arg32 : memref<2000xf32, #tpu.memory_space<vmem>>) dst(%dma_wait3A_251 : memref<2000xf32, #tpu.memory_space<vmem_shared>>)
      tpu.yield
    }) : () -> ()
    %lt3A_90 = arith.constant 4 : i32
    %lt3A_91 = arith.cmpi slt, %arg1, %lt3A_90 : i32
    %convert_element_type3A_92 = arith.extui %lt3A_91 : i1 to i32
    %cond3A_93 = arith.constant 0 : i32
    %cond3A_94 = arith.cmpi ne, %convert_element_type3A_92, %cond3A_93 : i32
    scf.if %cond3A_94 {
      %add3A_248 = arith.constant 16 : i32
      %add3A_249 = arith.addi %add3A_248, %arg1 : i32
      %mul3A_250 = arith.constant 2000 : i32
      %mul3A_251 = arith.muli %add3A_249, %mul3A_250 : i32
      "tpu.region"() ({
        %run_scoped3A = tpu.sem_alloc : memref<!tpu.dma_semaphore, #tpu.memory_space<semaphore_mem>>
        %dma_start3A_259 = tpu.memref_slice %arg33[%mul3A_251] : memref<40000xf32, #tpu.memory_space<vmem_shared>> -> memref<2000xf32, #tpu.memory_space<vmem_shared>>
        %dma_start3A_260 = tpu.memref_slice %arg33[%mul3A_251] : memref<40000xf32, #tpu.memory_space<vmem_shared>> -> memref<2000xf32, #tpu.memory_space<vmem_shared>>
        tpu.enqueue_dma source(%dma_start3A_260 : memref<2000xf32, #tpu.memory_space<vmem_shared>>) target(%arg32 : memref<2000xf32, #tpu.memory_space<vmem>>) target_semaphore(%run_scoped3A : memref<!tpu.dma_semaphore, #tpu.memory_space<semaphore_mem>>)
        %dma_wait3A_261 = tpu.memref_slice %arg33[%mul3A_251] : memref<40000xf32, #tpu.memory_space<vmem_shared>> -> memref<2000xf32, #tpu.memory_space<vmem_shared>>
        %dma_wait3A_262 = tpu.memref_slice %arg33[%mul3A_251] : memref<40000xf32, #tpu.memory_space<vmem_shared>> -> memref<2000xf32, #tpu.memory_space<vmem_shared>>
        tpu.wait_dma2 semaphore(%run_scoped3A : memref<!tpu.dma_semaphore, #tpu.memory_space<semaphore_mem>>) src(%dma_wait3A_262 : memref<2000xf32, #tpu.memory_space<vmem_shared>>) dst(%arg32 : memref<2000xf32, #tpu.memory_space<vmem>>)
        tpu.yield
      }) : () -> ()
      %scan3A_252 = arith.constant 0 : i32
      %scan3A_253 = arith.constant 0 : i32
      %scan3A_254 = arith.constant 125 : i32
      %scan3A_255 = arith.addi %scan3A_253, %scan3A_254 : i32
      %scan3A_256 = arith.constant 1 : i32
      %scan3A_257 = scf.for %scan3A_259 = %scan3A_253 to %scan3A_255 step %scan3A_256 iter_args(%scan3A_260 = %scan3A_252) -> (i32)  : i32 {
        %mul3A_261 = arith.constant 16 : i32
        %mul3A_262 = arith.muli %scan3A_259, %mul3A_261 : i32
        %get3A = arith.index_cast %mul3A_262 : i32 to index
        %get3A_263 = tpu.vector_load %arg32[%get3A] {strides = array<i32>} : memref<2000xf32, #tpu.memory_space<vmem>>, vector<16xf32>,
        %get3A_264 = vector.shape_cast %get3A_263 : vector<16xf32> to vector<16xf32>
        %max3A = arith.constant 1.000000e+00 : f32
        %max3A_265 = vector.broadcast %max3A : f32 to vector<16xf32>
        %max3A_266 = arith.maximumf %get3A_264, %max3A_265 : vector<16xf32>
        %div3A = arith.constant 1.000000e+00 : f32
        %div3A_267 = vector.broadcast %div3A : f32 to vector<16xf32>
        %div3A_268 = arith.divf %div3A_267, %max3A_266 : vector<16xf32>
        %mul3A_269 = arith.constant 16 : i32
        %mul3A_270 = arith.muli %scan3A_259, %mul3A_269 : i32
        %swap3A = arith.index_cast %mul3A_270 : i32 to index
        %swap3A_271 = tpu.vector_load %arg32[%swap3A] {strides = array<i32>} : memref<2000xf32, #tpu.memory_space<vmem>>, vector<16xf32>,
        %swap3A_272 = vector.shape_cast %swap3A_271 : vector<16xf32> to vector<16xf32>
        %swap3A_273 = vector.shape_cast %div3A_268 : vector<16xf32> to vector<16xf32>
        tpu.vector_store %arg32[%swap3A], %swap3A_273 {strides = array<i32>} : memref<2000xf32, #tpu.memory_space<vmem>>, vector<16xf32>,
        %scan3A_274 = arith.constant 0 : i32
        scf.yield %scan3A_274 : i32
      }
      %scan3A_258 = arith.constant 125 : i32
      "tpu.region"() ({
        %run_scoped3A = tpu.sem_alloc : memref<!tpu.dma_semaphore, #tpu.memory_space<semaphore_mem>>
        %dma_start3A_259 = tpu.memref_slice %arg33[%mul3A_251] : memref<40000xf32, #tpu.memory_space<vmem_shared>> -> memref<2000xf32, #tpu.memory_space<vmem_shared>>
        %dma_start3A_260 = tpu.memref_slice %arg33[%mul3A_251] : memref<40000xf32, #tpu.memory_space<vmem_shared>> -> memref<2000xf32, #tpu.memory_space<vmem_shared>>
        tpu.enqueue_dma source(%arg32 : memref<2000xf32, #tpu.memory_space<vmem>>) target(%dma_start3A_260 : memref<2000xf32, #tpu.memory_space<vmem_shared>>) target_semaphore(%run_scoped3A : memref<!tpu.dma_semaphore, #tpu.memory_space<semaphore_mem>>)
        %dma_wait3A_261 = tpu.memref_slice %arg33[%mul3A_251] : memref<40000xf32, #tpu.memory_space<vmem_shared>> -> memref<2000xf32, #tpu.memory_space<vmem_shared>>
        %dma_wait3A_262 = tpu.memref_slice %arg33[%mul3A_251] : memref<40000xf32, #tpu.memory_space<vmem_shared>> -> memref<2000xf32, #tpu.memory_space<vmem_shared>>
        tpu.wait_dma2 semaphore(%run_scoped3A : memref<!tpu.dma_semaphore, #tpu.memory_space<semaphore_mem>>) src(%arg32 : memref<2000xf32, #tpu.memory_space<vmem>>) dst(%dma_wait3A_262 : memref<2000xf32, #tpu.memory_space<vmem_shared>>)
        tpu.yield
      }) : () -> ()
    } else {
    }
    %barrier3A_95 = arith.constant 0 : index
    tpu.barrier barrier_id(%barrier3A_95)
    %mul3A_96 = arith.constant 10000 : i32
    %mul3A_97 = arith.muli %add3A, %mul3A_96 : i32
    %add3A_98 = arith.constant 0 : i32
    %add3A_99 = arith.addi %mul3A_97, %add3A_98 : i32
    %dma_start3A_100 = arith.constant 0 : i32
    %dma_start3A_101 = tpu.memref_slice %arg9[%dma_start3A_100] : memref<320xi32, #tpu.memory_space<vmem>> -> memref<80xi32, #tpu.memory_space<vmem>>
    %dma_start3A_102 = tpu.memref_slice %arg2[%add3A_99] : memref<320000xi32, #tpu.memory_space<hbm>> -> memref<80xi32, #tpu.memory_space<hbm>>
    %dma_start3A_103 = arith.constant 0 : i32
    %dma_start3A_104 = tpu.memref_slice %arg9[%dma_start3A_103] : memref<320xi32, #tpu.memory_space<vmem>> -> memref<80xi32, #tpu.memory_space<vmem>>
    %dma_start3A_105 = tpu.memref_slice %arg2[%add3A_99] : memref<320000xi32, #tpu.memory_space<hbm>> -> memref<80xi32, #tpu.memory_space<hbm>>
    tpu.enqueue_dma source(%dma_start3A_105 : memref<80xi32, #tpu.memory_space<hbm>>) target(%dma_start3A_104 : memref<80xi32, #tpu.memory_space<vmem>>) target_semaphore(%arg35 : memref<!tpu.dma_semaphore, #tpu.memory_space<semaphore_mem>>)
    %mul3A_106 = arith.constant 10000 : i32
    %mul3A_107 = arith.muli %add3A, %mul3A_106 : i32
    %add3A_108 = arith.constant 0 : i32
    %add3A_109 = arith.addi %mul3A_107, %add3A_108 : i32
    %dma_start3A_110 = arith.constant 80 : i32
    %dma_start3A_111 = tpu.memref_slice %arg9[%dma_start3A_110] : memref<320xi32, #tpu.memory_space<vmem>> -> memref<80xi32, #tpu.memory_space<vmem>>
    %dma_start3A_112 = tpu.memref_slice %arg3[%add3A_109] : memref<320000xi32, #tpu.memory_space<hbm>> -> memref<80xi32, #tpu.memory_space<hbm>>
    %dma_start3A_113 = arith.constant 80 : i32
    %dma_start3A_114 = tpu.memref_slice %arg9[%dma_start3A_113] : memref<320xi32, #tpu.memory_space<vmem>> -> memref<80xi32, #tpu.memory_space<vmem>>
    %dma_start3A_115 = tpu.memref_slice %arg3[%add3A_109] : memref<320000xi32, #tpu.memory_space<hbm>> -> memref<80xi32, #tpu.memory_space<hbm>>
    tpu.enqueue_dma source(%dma_start3A_115 : memref<80xi32, #tpu.memory_space<hbm>>) target(%dma_start3A_114 : memref<80xi32, #tpu.memory_space<vmem>>) target_semaphore(%arg35 : memref<!tpu.dma_semaphore, #tpu.memory_space<semaphore_mem>>)
    %mul3A_116 = arith.constant 10000 : i32
    %mul3A_117 = arith.muli %add3A, %mul3A_116 : i32
    %add3A_118 = arith.constant 0 : i32
    %add3A_119 = arith.addi %mul3A_117, %add3A_118 : i32
    %dma_start3A_120 = arith.constant 160 : i32
    %dma_start3A_121 = tpu.memref_slice %arg9[%dma_start3A_120] : memref<320xi32, #tpu.memory_space<vmem>> -> memref<80xi32, #tpu.memory_space<vmem>>
    %dma_start3A_122 = tpu.memref_slice %arg4[%add3A_119] : memref<320000xi32, #tpu.memory_space<hbm>> -> memref<80xi32, #tpu.memory_space<hbm>>
    %dma_start3A_123 = arith.constant 160 : i32
    %dma_start3A_124 = tpu.memref_slice %arg9[%dma_start3A_123] : memref<320xi32, #tpu.memory_space<vmem>> -> memref<80xi32, #tpu.memory_space<vmem>>
    %dma_start3A_125 = tpu.memref_slice %arg4[%add3A_119] : memref<320000xi32, #tpu.memory_space<hbm>> -> memref<80xi32, #tpu.memory_space<hbm>>
    tpu.enqueue_dma source(%dma_start3A_125 : memref<80xi32, #tpu.memory_space<hbm>>) target(%dma_start3A_124 : memref<80xi32, #tpu.memory_space<vmem>>) target_semaphore(%arg35 : memref<!tpu.dma_semaphore, #tpu.memory_space<semaphore_mem>>)
    %mul3A_126 = arith.constant 10000 : i32
    %mul3A_127 = arith.muli %add3A, %mul3A_126 : i32
    %add3A_128 = arith.constant 0 : i32
    %add3A_129 = arith.addi %mul3A_127, %add3A_128 : i32
    %dma_start3A_130 = arith.constant 240 : i32
    %dma_start3A_131 = tpu.memref_slice %arg9[%dma_start3A_130] : memref<320xi32, #tpu.memory_space<vmem>> -> memref<80xi32, #tpu.memory_space<vmem>>
    %dma_start3A_132 = tpu.memref_slice %arg5[%add3A_129] : memref<320000xi32, #tpu.memory_space<hbm>> -> memref<80xi32, #tpu.memory_space<hbm>>
    %dma_start3A_133 = arith.constant 240 : i32
    %dma_start3A_134 = tpu.memref_slice %arg9[%dma_start3A_133] : memref<320xi32, #tpu.memory_space<vmem>> -> memref<80xi32, #tpu.memory_space<vmem>>
    %dma_start3A_135 = tpu.memref_slice %arg5[%add3A_129] : memref<320000xi32, #tpu.memory_space<hbm>> -> memref<80xi32, #tpu.memory_space<hbm>>
    tpu.enqueue_dma source(%dma_start3A_135 : memref<80xi32, #tpu.memory_space<hbm>>) target(%dma_start3A_134 : memref<80xi32, #tpu.memory_space<vmem>>) target_semaphore(%arg35 : memref<!tpu.dma_semaphore, #tpu.memory_space<semaphore_mem>>)
    %mul3A_136 = arith.constant 10000 : i32
    %mul3A_137 = arith.muli %add3A, %mul3A_136 : i32
    %add3A_138 = arith.constant 0 : i32
    %add3A_139 = arith.addi %mul3A_137, %add3A_138 : i32
    %dma_wait3A = arith.constant 0 : i32
    %dma_wait3A_140 = tpu.memref_slice %arg9[%dma_wait3A] : memref<320xi32, #tpu.memory_space<vmem>> -> memref<80xi32, #tpu.memory_space<vmem>>
    %dma_wait3A_141 = tpu.memref_slice %arg2[%add3A_139] : memref<320000xi32, #tpu.memory_space<hbm>> -> memref<80xi32, #tpu.memory_space<hbm>>
    %dma_wait3A_142 = arith.constant 0 : i32
    %dma_wait3A_143 = tpu.memref_slice %arg9[%dma_wait3A_142] : memref<320xi32, #tpu.memory_space<vmem>> -> memref<80xi32, #tpu.memory_space<vmem>>
    %dma_wait3A_144 = tpu.memref_slice %arg2[%add3A_139] : memref<320000xi32, #tpu.memory_space<hbm>> -> memref<80xi32, #tpu.memory_space<hbm>>
    tpu.wait_dma2 semaphore(%arg35 : memref<!tpu.dma_semaphore, #tpu.memory_space<semaphore_mem>>) src(%dma_wait3A_144 : memref<80xi32, #tpu.memory_space<hbm>>) dst(%dma_wait3A_143 : memref<80xi32, #tpu.memory_space<vmem>>)
    %mul3A_145 = arith.constant 10000 : i32
    %mul3A_146 = arith.muli %add3A, %mul3A_145 : i32
    %add3A_147 = arith.constant 0 : i32
    %add3A_148 = arith.addi %mul3A_146, %add3A_147 : i32
    %dma_wait3A_149 = arith.constant 80 : i32
    %dma_wait3A_150 = tpu.memref_slice %arg9[%dma_wait3A_149] : memref<320xi32, #tpu.memory_space<vmem>> -> memref<80xi32, #tpu.memory_space<vmem>>
    %dma_wait3A_151 = tpu.memref_slice %arg3[%add3A_148] : memref<320000xi32, #tpu.memory_space<hbm>> -> memref<80xi32, #tpu.memory_space<hbm>>
    %dma_wait3A_152 = arith.constant 80 : i32
    %dma_wait3A_153 = tpu.memref_slice %arg9[%dma_wait3A_152] : memref<320xi32, #tpu.memory_space<vmem>> -> memref<80xi32, #tpu.memory_space<vmem>>
    %dma_wait3A_154 = tpu.memref_slice %arg3[%add3A_148] : memref<320000xi32, #tpu.memory_space<hbm>> -> memref<80xi32, #tpu.memory_space<hbm>>
    tpu.wait_dma2 semaphore(%arg35 : memref<!tpu.dma_semaphore, #tpu.memory_space<semaphore_mem>>) src(%dma_wait3A_154 : memref<80xi32, #tpu.memory_space<hbm>>) dst(%dma_wait3A_153 : memref<80xi32, #tpu.memory_space<vmem>>)
    %mul3A_155 = arith.constant 10000 : i32
    %mul3A_156 = arith.muli %add3A, %mul3A_155 : i32
    %add3A_157 = arith.constant 0 : i32
    %add3A_158 = arith.addi %mul3A_156, %add3A_157 : i32
    %dma_wait3A_159 = arith.constant 160 : i32
    %dma_wait3A_160 = tpu.memref_slice %arg9[%dma_wait3A_159] : memref<320xi32, #tpu.memory_space<vmem>> -> memref<80xi32, #tpu.memory_space<vmem>>
    %dma_wait3A_161 = tpu.memref_slice %arg4[%add3A_158] : memref<320000xi32, #tpu.memory_space<hbm>> -> memref<80xi32, #tpu.memory_space<hbm>>
    %dma_wait3A_162 = arith.constant 160 : i32
    %dma_wait3A_163 = tpu.memref_slice %arg9[%dma_wait3A_162] : memref<320xi32, #tpu.memory_space<vmem>> -> memref<80xi32, #tpu.memory_space<vmem>>
    %dma_wait3A_164 = tpu.memref_slice %arg4[%add3A_158] : memref<320000xi32, #tpu.memory_space<hbm>> -> memref<80xi32, #tpu.memory_space<hbm>>
    tpu.wait_dma2 semaphore(%arg35 : memref<!tpu.dma_semaphore, #tpu.memory_space<semaphore_mem>>) src(%dma_wait3A_164 : memref<80xi32, #tpu.memory_space<hbm>>) dst(%dma_wait3A_163 : memref<80xi32, #tpu.memory_space<vmem>>)
    %mul3A_165 = arith.constant 10000 : i32
    %mul3A_166 = arith.muli %add3A, %mul3A_165 : i32
    %add3A_167 = arith.constant 0 : i32
    %add3A_168 = arith.addi %mul3A_166, %add3A_167 : i32
    %dma_wait3A_169 = arith.constant 240 : i32
    %dma_wait3A_170 = tpu.memref_slice %arg9[%dma_wait3A_169] : memref<320xi32, #tpu.memory_space<vmem>> -> memref<80xi32, #tpu.memory_space<vmem>>
    %dma_wait3A_171 = tpu.memref_slice %arg5[%add3A_168] : memref<320000xi32, #tpu.memory_space<hbm>> -> memref<80xi32, #tpu.memory_space<hbm>>
    %dma_wait3A_172 = arith.constant 240 : i32
    %dma_wait3A_173 = tpu.memref_slice %arg9[%dma_wait3A_172] : memref<320xi32, #tpu.memory_space<vmem>> -> memref<80xi32, #tpu.memory_space<vmem>>
    %dma_wait3A_174 = tpu.memref_slice %arg5[%add3A_168] : memref<320000xi32, #tpu.memory_space<hbm>> -> memref<80xi32, #tpu.memory_space<hbm>>
    tpu.wait_dma2 semaphore(%arg35 : memref<!tpu.dma_semaphore, #tpu.memory_space<semaphore_mem>>) src(%dma_wait3A_174 : memref<80xi32, #tpu.memory_space<hbm>>) dst(%dma_wait3A_173 : memref<80xi32, #tpu.memory_space<vmem>>)
    %scan3A_175 = arith.constant 0 : i32
    %scan3A_176 = arith.constant 0 : i32
    %scan3A_177 = arith.constant 5 : i32
    %scan3A_178 = arith.addi %scan3A_176, %scan3A_177 : i32
    %scan3A_179 = arith.constant 1 : i32
    %scan3A_180 = scf.for %scan3A_248 = %scan3A_176 to %scan3A_178 step %scan3A_179 iter_args(%scan3A_249 = %scan3A_175) -> (i32)  : i32 {
      %mul3A_250 = arith.constant 16 : i32
      %mul3A_251 = arith.muli %scan3A_248, %mul3A_250 : i32
      %add3A_252 = arith.constant 240 : i32
      %add3A_253 = arith.addi %add3A_252, %mul3A_251 : i32
      %get3A = arith.index_cast %add3A_253 : i32 to index
      %get3A_254 = tpu.vector_load %arg9[%get3A] {strides = array<i32>} : memref<320xi32, #tpu.memory_space<vmem>>, vector<16xi32>,
      %get3A_255 = vector.shape_cast %get3A_254 : vector<16xi32> to vector<16xi32>
      %mul3A_256 = arith.constant 10000 : i32
      %mul3A_257 = vector.broadcast %mul3A_256 : i32 to vector<16xi32>
      %mul3A_258 = arith.muli %get3A_255, %mul3A_257 : vector<16xi32>
      %mul3A_259 = arith.constant 16 : i32
      %mul3A_260 = arith.muli %scan3A_248, %mul3A_259 : i32
      %get3A_261 = arith.index_cast %mul3A_260 : i32 to index
      %get3A_262 = tpu.vector_load %arg9[%get3A_261] {strides = array<i32>} : memref<320xi32, #tpu.memory_space<vmem>>, vector<16xi32>,
      %get3A_263 = vector.shape_cast %get3A_262 : vector<16xi32> to vector<16xi32>
      %add3A_264 = arith.addi %mul3A_258, %get3A_263 : vector<16xi32>
      %mul3A_265 = arith.constant 16 : i32
      %mul3A_266 = arith.muli %scan3A_248, %mul3A_265 : i32
      %swap3A = arith.index_cast %mul3A_266 : i32 to index
      %swap3A_267 = tpu.vector_load %arg17[%swap3A] {strides = array<i32>} : memref<80xi32, #tpu.memory_space<vmem>>, vector<16xi32>,
      %swap3A_268 = vector.shape_cast %swap3A_267 : vector<16xi32> to vector<16xi32>
      %swap3A_269 = vector.shape_cast %add3A_264 : vector<16xi32> to vector<16xi32>
      tpu.vector_store %arg17[%swap3A], %swap3A_269 {strides = array<i32>} : memref<80xi32, #tpu.memory_space<vmem>>, vector<16xi32>,
      %mul3A_270 = arith.constant 16 : i32
      %mul3A_271 = arith.muli %scan3A_248, %mul3A_270 : i32
      %add3A_272 = arith.constant 80 : i32
      %add3A_273 = arith.addi %add3A_272, %mul3A_271 : i32
      %get3A_274 = arith.index_cast %add3A_273 : i32 to index
      %get3A_275 = tpu.vector_load %arg9[%get3A_274] {strides = array<i32>} : memref<320xi32, #tpu.memory_space<vmem>>, vector<16xi32>,
      %get3A_276 = vector.shape_cast %get3A_275 : vector<16xi32> to vector<16xi32>
      %add3A_277 = arith.addi %mul3A_258, %get3A_276 : vector<16xi32>
      %mul3A_278 = arith.constant 16 : i32
      %mul3A_279 = arith.muli %scan3A_248, %mul3A_278 : i32
      %swap3A_280 = arith.index_cast %mul3A_279 : i32 to index
      %swap3A_281 = tpu.vector_load %arg19[%swap3A_280] {strides = array<i32>} : memref<80xi32, #tpu.memory_space<vmem>>, vector<16xi32>,
      %swap3A_282 = vector.shape_cast %swap3A_281 : vector<16xi32> to vector<16xi32>
      %swap3A_283 = vector.shape_cast %add3A_277 : vector<16xi32> to vector<16xi32>
      tpu.vector_store %arg19[%swap3A_280], %swap3A_283 {strides = array<i32>} : memref<80xi32, #tpu.memory_space<vmem>>, vector<16xi32>,
      %mul3A_284 = arith.constant 16 : i32
      %mul3A_285 = arith.muli %scan3A_248, %mul3A_284 : i32
      %add3A_286 = arith.constant 160 : i32
      %add3A_287 = arith.addi %add3A_286, %mul3A_285 : i32
      %get3A_288 = arith.index_cast %add3A_287 : i32 to index
      %get3A_289 = tpu.vector_load %arg9[%get3A_288] {strides = array<i32>} : memref<320xi32, #tpu.memory_space<vmem>>, vector<16xi32>,
      %get3A_290 = vector.shape_cast %get3A_289 : vector<16xi32> to vector<16xi32>
      %mul3A_291 = arith.constant 16 : i32
      %mul3A_292 = arith.muli %scan3A_248, %mul3A_291 : i32
      %swap3A_293 = arith.index_cast %mul3A_292 : i32 to index
      %swap3A_294 = tpu.vector_load %arg23[%swap3A_293] {strides = array<i32>} : memref<80xi32, #tpu.memory_space<vmem>>, vector<16xi32>,
      %swap3A_295 = vector.shape_cast %swap3A_294 : vector<16xi32> to vector<16xi32>
      %swap3A_296 = vector.shape_cast %get3A_290 : vector<16xi32> to vector<16xi32>
      tpu.vector_store %arg23[%swap3A_293], %swap3A_296 {strides = array<i32>} : memref<80xi32, #tpu.memory_space<vmem>>, vector<16xi32>,
      %add3A_297 = arith.addi %mul3A_258, %get3A_290 : vector<16xi32>
      %mul3A_298 = arith.constant 16 : i32
      %mul3A_299 = arith.muli %scan3A_248, %mul3A_298 : i32
      %swap3A_300 = arith.index_cast %mul3A_299 : i32 to index
      %swap3A_301 = tpu.vector_load %arg21[%swap3A_300] {strides = array<i32>} : memref<80xi32, #tpu.memory_space<vmem>>, vector<16xi32>,
      %swap3A_302 = vector.shape_cast %swap3A_301 : vector<16xi32> to vector<16xi32>
      %swap3A_303 = vector.shape_cast %add3A_297 : vector<16xi32> to vector<16xi32>
      tpu.vector_store %arg21[%swap3A_300], %swap3A_303 {strides = array<i32>} : memref<80xi32, #tpu.memory_space<vmem>>, vector<16xi32>,
      %scan3A_304 = arith.constant 0 : i32
      scf.yield %scan3A_304 : i32
    }
    %scan3A_181 = arith.constant 5 : i32
    %dma_start3A_182 = arith.constant 0 : i32
    %dma_start3A_183 = tpu.memref_slice %arg33[%dma_start3A_182] : memref<40000xf32, #tpu.memory_space<vmem_shared>> -> memref<40000xf32, #tpu.memory_space<vmem_shared>>
    tpu.enqueue_indirect_dma source(%dma_start3A_183 : memref<40000xf32, #tpu.memory_space<vmem_shared>>) target(%arg25 : memref<80xf32, #tpu.memory_space<vmem>>) offsets(%arg21 : memref<80xi32, #tpu.memory_space<vmem>>) semaphore(%arg41 : memref<!tpu.dma_semaphore, #tpu.memory_space<semaphore_mem>>)
    %dma_start3A_184 = arith.constant 0 : i32
    %dma_start3A_185 = arith.constant 0 : i32
    %dma_start3A_186 = tpu.memref_slice %arg6[%dma_start3A_184, %dma_start3A_185] : memref<40000x128xf32, #tpu.memory_space<hbm>> -> memref<40000x128xf32, #tpu.memory_space<hbm>>
    tpu.enqueue_indirect_dma source(%dma_start3A_186 : memref<40000x128xf32, #tpu.memory_space<hbm>>) target(%arg27 : memref<80x128xf32, #tpu.memory_space<vmem>>) offsets(%arg17 : memref<80xi32, #tpu.memory_space<vmem>>) semaphore(%arg37 : memref<!tpu.dma_semaphore, #tpu.memory_space<semaphore_mem>>)
    %dma_start3A_187 = arith.constant 0 : i32
    %dma_start3A_188 = arith.constant 0 : i32
    %dma_start3A_189 = tpu.memref_slice %arg7[%dma_start3A_187, %dma_start3A_188] : memref<40000x128xf32, #tpu.memory_space<hbm>> -> memref<40000x128xf32, #tpu.memory_space<hbm>>
    tpu.enqueue_indirect_dma source(%dma_start3A_189 : memref<40000x128xf32, #tpu.memory_space<hbm>>) target(%arg29 : memref<80x128xf32, #tpu.memory_space<vmem>>) offsets(%arg19 : memref<80xi32, #tpu.memory_space<vmem>>) semaphore(%arg37 : memref<!tpu.dma_semaphore, #tpu.memory_space<semaphore_mem>>)
    %mul3A_190 = arith.constant 10000 : i32
    %mul3A_191 = arith.muli %add3A, %mul3A_190 : i32
    %add3A_192 = arith.constant 80 : i32
    %add3A_193 = arith.addi %mul3A_191, %add3A_192 : i32
    %dma_start3A_194 = arith.constant 0 : i32
    %dma_start3A_195 = tpu.memref_slice %arg10[%dma_start3A_194] : memref<320xi32, #tpu.memory_space<vmem>> -> memref<80xi32, #tpu.memory_space<vmem>>
    %dma_start3A_196 = tpu.memref_slice %arg2[%add3A_193] : memref<320000xi32, #tpu.memory_space<hbm>> -> memref<80xi32, #tpu.memory_space<hbm>>
    %dma_start3A_197 = arith.constant 0 : i32
    %dma_start3A_198 = tpu.memref_slice %arg10[%dma_start3A_197] : memref<320xi32, #tpu.memory_space<vmem>> -> memref<80xi32, #tpu.memory_space<vmem>>
    %dma_start3A_199 = tpu.memref_slice %arg2[%add3A_193] : memref<320000xi32, #tpu.memory_space<hbm>> -> memref<80xi32, #tpu.memory_space<hbm>>
    tpu.enqueue_dma source(%dma_start3A_199 : memref<80xi32, #tpu.memory_space<hbm>>) target(%dma_start3A_198 : memref<80xi32, #tpu.memory_space<vmem>>) target_semaphore(%arg36 : memref<!tpu.dma_semaphore, #tpu.memory_space<semaphore_mem>>)
    %mul3A_200 = arith.constant 10000 : i32
    %mul3A_201 = arith.muli %add3A, %mul3A_200 : i32
    %add3A_202 = arith.constant 80 : i32
    %add3A_203 = arith.addi %mul3A_201, %add3A_202 : i32
    %dma_start3A_204 = arith.constant 80 : i32
    %dma_start3A_205 = tpu.memref_slice %arg10[%dma_start3A_204] : memref<320xi32, #tpu.memory_space<vmem>> -> memref<80xi32, #tpu.memory_space<vmem>>
    %dma_start3A_206 = tpu.memref_slice %arg3[%add3A_203] : memref<320000xi32, #tpu.memory_space<hbm>> -> memref<80xi32, #tpu.memory_space<hbm>>
    %dma_start3A_207 = arith.constant 80 : i32
    %dma_start3A_208 = tpu.memref_slice %arg10[%dma_start3A_207] : memref<320xi32, #tpu.memory_space<vmem>> -> memref<80xi32, #tpu.memory_space<vmem>>
    %dma_start3A_209 = tpu.memref_slice %arg3[%add3A_203] : memref<320000xi32, #tpu.memory_space<hbm>> -> memref<80xi32, #tpu.memory_space<hbm>>
    tpu.enqueue_dma source(%dma_start3A_209 : memref<80xi32, #tpu.memory_space<hbm>>) target(%dma_start3A_208 : memref<80xi32, #tpu.memory_space<vmem>>) target_semaphore(%arg36 : memref<!tpu.dma_semaphore, #tpu.memory_space<semaphore_mem>>)
    %mul3A_210 = arith.constant 10000 : i32
    %mul3A_211 = arith.muli %add3A, %mul3A_210 : i32
    %add3A_212 = arith.constant 80 : i32
    %add3A_213 = arith.addi %mul3A_211, %add3A_212 : i32
    %dma_start3A_214 = arith.constant 160 : i32
    %dma_start3A_215 = tpu.memref_slice %arg10[%dma_start3A_214] : memref<320xi32, #tpu.memory_space<vmem>> -> memref<80xi32, #tpu.memory_space<vmem>>
    %dma_start3A_216 = tpu.memref_slice %arg4[%add3A_213] : memref<320000xi32, #tpu.memory_space<hbm>> -> memref<80xi32, #tpu.memory_space<hbm>>
    %dma_start3A_217 = arith.constant 160 : i32
    %dma_start3A_218 = tpu.memref_slice %arg10[%dma_start3A_217] : memref<320xi32, #tpu.memory_space<vmem>> -> memref<80xi32, #tpu.memory_space<vmem>>
    %dma_start3A_219 = tpu.memref_slice %arg4[%add3A_213] : memref<320000xi32, #tpu.memory_space<hbm>> -> memref<80xi32, #tpu.memory_space<hbm>>
    tpu.enqueue_dma source(%dma_start3A_219 : memref<80xi32, #tpu.memory_space<hbm>>) target(%dma_start3A_218 : memref<80xi32, #tpu.memory_space<vmem>>) target_semaphore(%arg36 : memref<!tpu.dma_semaphore, #tpu.memory_space<semaphore_mem>>)
    %mul3A_220 = arith.constant 10000 : i32
    %mul3A_221 = arith.muli %add3A, %mul3A_220 : i32
    %add3A_222 = arith.constant 80 : i32
    %add3A_223 = arith.addi %mul3A_221, %add3A_222 : i32
    %dma_start3A_224 = arith.constant 240 : i32
    %dma_start3A_225 = tpu.memref_slice %arg10[%dma_start3A_224] : memref<320xi32, #tpu.memory_space<vmem>> -> memref<80xi32, #tpu.memory_space<vmem>>
    %dma_start3A_226 = tpu.memref_slice %arg5[%add3A_223] : memref<320000xi32, #tpu.memory_space<hbm>> -> memref<80xi32, #tpu.memory_space<hbm>>
    %dma_start3A_227 = arith.constant 240 : i32
    %dma_start3A_228 = tpu.memref_slice %arg10[%dma_start3A_227] : memref<320xi32, #tpu.memory_space<vmem>> -> memref<80xi32, #tpu.memory_space<vmem>>
    %dma_start3A_229 = tpu.memref_slice %arg5[%add3A_223] : memref<320000xi32, #tpu.memory_space<hbm>> -> memref<80xi32, #tpu.memory_space<hbm>>
    tpu.enqueue_dma source(%dma_start3A_229 : memref<80xi32, #tpu.memory_space<hbm>>) target(%dma_start3A_228 : memref<80xi32, #tpu.memory_space<vmem>>) target_semaphore(%arg36 : memref<!tpu.dma_semaphore, #tpu.memory_space<semaphore_mem>>)
    %scan3A_230 = arith.constant 0 : i32
    %scan3A_231 = arith.constant 0 : i32
    %scan3A_232 = arith.constant 63 : i32
    %scan3A_233 = arith.addi %scan3A_231, %scan3A_232 : i32
    %scan3A_234 = arith.constant 1 : i32
    %scan3A_235 = scf.for %scan3A_248 = %scan3A_231 to %scan3A_233 step %scan3A_234 iter_args(%scan3A_249 = %scan3A_230) -> (i32)  : i32 {
      %mul3A_250 = arith.constant 2 : i32
      %mul3A_251 = arith.muli %mul3A_250, %scan3A_248 : i32
      %sub3A = arith.constant 1 : i32
      %sub3A_252 = arith.subi %mul3A_251, %sub3A : i32
      %ge3A = arith.constant 0 : i32
      %ge3A_253 = arith.cmpi sge, %sub3A_252, %ge3A : i32
      %lt3A_254 = arith.constant 125 : i32
      %lt3A_255 = arith.cmpi slt, %sub3A_252, %lt3A_254 : i32
      %and3A = arith.andi %ge3A_253, %lt3A_255 : i1
      %convert_element_type3A_256 = arith.extui %and3A : i1 to i32
      %cond3A_257 = arith.constant 0 : i32
      %cond3A_258 = arith.cmpi ne, %convert_element_type3A_256, %cond3A_257 : i32
      scf.if %cond3A_258 {
        %dma_wait3A_308 = arith.constant 0 : i32
        %dma_wait3A_309 = arith.constant 0 : i32
        %dma_wait3A_310 = tpu.memref_slice %arg34[%dma_wait3A_308, %dma_wait3A_309] : memref<10000x128xf32, #tpu.memory_space<vmem_shared>> -> memref<10000x128xf32, #tpu.memory_space<vmem_shared>>
        tpu.wait_indirect_dma semaphore(%arg40 : memref<!tpu.dma_semaphore, #tpu.memory_space<semaphore_mem>>) src(%arg28 : memref<80x128xf32, #tpu.memory_space<vmem>>) dst(%dma_wait3A_310 : memref<10000x128xf32, #tpu.memory_space<vmem_shared>>)
      } else {
      }
      %add3A_259 = arith.constant 1 : i32
      %add3A_260 = arith.addi %mul3A_251, %add3A_259 : i32
      %lt3A_261 = arith.constant 125 : i32
      %lt3A_262 = arith.cmpi slt, %add3A_260, %lt3A_261 : i32
      %convert_element_type3A_263 = arith.extui %lt3A_262 : i1 to i32
      %cond3A_264 = arith.constant 0 : i32
      %cond3A_265 = arith.cmpi ne, %convert_element_type3A_263, %cond3A_264 : i32
      scf.if %cond3A_265 {
        %mul3A_308 = arith.constant 10000 : i32
        %mul3A_309 = arith.muli %add3A, %mul3A_308 : i32
        %mul3A_310 = arith.constant 80 : i32
        %mul3A_311 = arith.muli %add3A_260, %mul3A_310 : i32
        %add3A_312 = arith.addi %mul3A_309, %mul3A_311 : i32
        %dma_wait3A_313 = arith.constant 0 : i32
        %dma_wait3A_314 = tpu.memref_slice %arg10[%dma_wait3A_313] : memref<320xi32, #tpu.memory_space<vmem>> -> memref<80xi32, #tpu.memory_space<vmem>>
        %dma_wait3A_315 = tpu.memref_slice %arg2[%add3A_312] : memref<320000xi32, #tpu.memory_space<hbm>> -> memref<80xi32, #tpu.memory_space<hbm>>
        %dma_wait3A_316 = arith.constant 0 : i32
        %dma_wait3A_317 = tpu.memref_slice %arg10[%dma_wait3A_316] : memref<320xi32, #tpu.memory_space<vmem>> -> memref<80xi32, #tpu.memory_space<vmem>>
        %dma_wait3A_318 = tpu.memref_slice %arg2[%add3A_312] : memref<320000xi32, #tpu.memory_space<hbm>> -> memref<80xi32, #tpu.memory_space<hbm>>
        tpu.wait_dma2 semaphore(%arg36 : memref<!tpu.dma_semaphore, #tpu.memory_space<semaphore_mem>>) src(%dma_wait3A_318 : memref<80xi32, #tpu.memory_space<hbm>>) dst(%dma_wait3A_317 : memref<80xi32, #tpu.memory_space<vmem>>)
        %mul3A_319 = arith.constant 10000 : i32
        %mul3A_320 = arith.muli %add3A, %mul3A_319 : i32
        %mul3A_321 = arith.constant 80 : i32
        %mul3A_322 = arith.muli %add3A_260, %mul3A_321 : i32
        %add3A_323 = arith.addi %mul3A_320, %mul3A_322 : i32
        %dma_wait3A_324 = arith.constant 80 : i32
        %dma_wait3A_325 = tpu.memref_slice %arg10[%dma_wait3A_324] : memref<320xi32, #tpu.memory_space<vmem>> -> memref<80xi32, #tpu.memory_space<vmem>>
        %dma_wait3A_326 = tpu.memref_slice %arg3[%add3A_323] : memref<320000xi32, #tpu.memory_space<hbm>> -> memref<80xi32, #tpu.memory_space<hbm>>
        %dma_wait3A_327 = arith.constant 80 : i32
        %dma_wait3A_328 = tpu.memref_slice %arg10[%dma_wait3A_327] : memref<320xi32, #tpu.memory_space<vmem>> -> memref<80xi32, #tpu.memory_space<vmem>>
        %dma_wait3A_329 = tpu.memref_slice %arg3[%add3A_323] : memref<320000xi32, #tpu.memory_space<hbm>> -> memref<80xi32, #tpu.memory_space<hbm>>
        tpu.wait_dma2 semaphore(%arg36 : memref<!tpu.dma_semaphore, #tpu.memory_space<semaphore_mem>>) src(%dma_wait3A_329 : memref<80xi32, #tpu.memory_space<hbm>>) dst(%dma_wait3A_328 : memref<80xi32, #tpu.memory_space<vmem>>)
        %mul3A_330 = arith.constant 10000 : i32
        %mul3A_331 = arith.muli %add3A, %mul3A_330 : i32
        %mul3A_332 = arith.constant 80 : i32
        %mul3A_333 = arith.muli %add3A_260, %mul3A_332 : i32
        %add3A_334 = arith.addi %mul3A_331, %mul3A_333 : i32
        %dma_wait3A_335 = arith.constant 160 : i32
        %dma_wait3A_336 = tpu.memref_slice %arg10[%dma_wait3A_335] : memref<320xi32, #tpu.memory_space<vmem>> -> memref<80xi32, #tpu.memory_space<vmem>>
        %dma_wait3A_337 = tpu.memref_slice %arg4[%add3A_334] : memref<320000xi32, #tpu.memory_space<hbm>> -> memref<80xi32, #tpu.memory_space<hbm>>
        %dma_wait3A_338 = arith.constant 160 : i32
        %dma_wait3A_339 = tpu.memref_slice %arg10[%dma_wait3A_338] : memref<320xi32, #tpu.memory_space<vmem>> -> memref<80xi32, #tpu.memory_space<vmem>>
        %dma_wait3A_340 = tpu.memref_slice %arg4[%add3A_334] : memref<320000xi32, #tpu.memory_space<hbm>> -> memref<80xi32, #tpu.memory_space<hbm>>
        tpu.wait_dma2 semaphore(%arg36 : memref<!tpu.dma_semaphore, #tpu.memory_space<semaphore_mem>>) src(%dma_wait3A_340 : memref<80xi32, #tpu.memory_space<hbm>>) dst(%dma_wait3A_339 : memref<80xi32, #tpu.memory_space<vmem>>)
        %mul3A_341 = arith.constant 10000 : i32
        %mul3A_342 = arith.muli %add3A, %mul3A_341 : i32
        %mul3A_343 = arith.constant 80 : i32
        %mul3A_344 = arith.muli %add3A_260, %mul3A_343 : i32
        %add3A_345 = arith.addi %mul3A_342, %mul3A_344 : i32
        %dma_wait3A_346 = arith.constant 240 : i32
        %dma_wait3A_347 = tpu.memref_slice %arg10[%dma_wait3A_346] : memref<320xi32, #tpu.memory_space<vmem>> -> memref<80xi32, #tpu.memory_space<vmem>>
        %dma_wait3A_348 = tpu.memref_slice %arg5[%add3A_345] : memref<320000xi32, #tpu.memory_space<hbm>> -> memref<80xi32, #tpu.memory_space<hbm>>
        %dma_wait3A_349 = arith.constant 240 : i32
        %dma_wait3A_350 = tpu.memref_slice %arg10[%dma_wait3A_349] : memref<320xi32, #tpu.memory_space<vmem>> -> memref<80xi32, #tpu.memory_space<vmem>>
        %dma_wait3A_351 = tpu.memref_slice %arg5[%add3A_345] : memref<320000xi32, #tpu.memory_space<hbm>> -> memref<80xi32, #tpu.memory_space<hbm>>
        tpu.wait_dma2 semaphore(%arg36 : memref<!tpu.dma_semaphore, #tpu.memory_space<semaphore_mem>>) src(%dma_wait3A_351 : memref<80xi32, #tpu.memory_space<hbm>>) dst(%dma_wait3A_350 : memref<80xi32, #tpu.memory_space<vmem>>)
        %scan3A_352 = arith.constant 0 : i32
        %scan3A_353 = arith.constant 0 : i32
        %scan3A_354 = arith.constant 5 : i32
        %scan3A_355 = arith.addi %scan3A_353, %scan3A_354 : i32
        %scan3A_356 = arith.constant 1 : i32
        %scan3A_357 = scf.for %scan3A_367 = %scan3A_353 to %scan3A_355 step %scan3A_356 iter_args(%scan3A_368 = %scan3A_352) -> (i32)  : i32 {
          %mul3A_369 = arith.constant 16 : i32
          %mul3A_370 = arith.muli %scan3A_367, %mul3A_369 : i32
          %add3A_371 = arith.constant 240 : i32
          %add3A_372 = arith.addi %add3A_371, %mul3A_370 : i32
          %get3A = arith.index_cast %add3A_372 : i32 to index
          %get3A_373 = tpu.vector_load %arg10[%get3A] {strides = array<i32>} : memref<320xi32, #tpu.memory_space<vmem>>, vector<16xi32>,
          %get3A_374 = vector.shape_cast %get3A_373 : vector<16xi32> to vector<16xi32>
          %mul3A_375 = arith.constant 10000 : i32
          %mul3A_376 = vector.broadcast %mul3A_375 : i32 to vector<16xi32>
          %mul3A_377 = arith.muli %get3A_374, %mul3A_376 : vector<16xi32>
          %mul3A_378 = arith.constant 16 : i32
          %mul3A_379 = arith.muli %scan3A_367, %mul3A_378 : i32
          %get3A_380 = arith.index_cast %mul3A_379 : i32 to index
          %get3A_381 = tpu.vector_load %arg10[%get3A_380] {strides = array<i32>} : memref<320xi32, #tpu.memory_space<vmem>>, vector<16xi32>,
          %get3A_382 = vector.shape_cast %get3A_381 : vector<16xi32> to vector<16xi32>
          %add3A_383 = arith.addi %mul3A_377, %get3A_382 : vector<16xi32>
          %mul3A_384 = arith.constant 16 : i32
          %mul3A_385 = arith.muli %scan3A_367, %mul3A_384 : i32
          %swap3A = arith.index_cast %mul3A_385 : i32 to index
          %swap3A_386 = tpu.vector_load %arg18[%swap3A] {strides = array<i32>} : memref<80xi32, #tpu.memory_space<vmem>>, vector<16xi32>,
          %swap3A_387 = vector.shape_cast %swap3A_386 : vector<16xi32> to vector<16xi32>
          %swap3A_388 = vector.shape_cast %add3A_383 : vector<16xi32> to vector<16xi32>
          tpu.vector_store %arg18[%swap3A], %swap3A_388 {strides = array<i32>} : memref<80xi32, #tpu.memory_space<vmem>>, vector<16xi32>,
          %mul3A_389 = arith.constant 16 : i32
          %mul3A_390 = arith.muli %scan3A_367, %mul3A_389 : i32
          %add3A_391 = arith.constant 80 : i32
          %add3A_392 = arith.addi %add3A_391, %mul3A_390 : i32
          %get3A_393 = arith.index_cast %add3A_392 : i32 to index
          %get3A_394 = tpu.vector_load %arg10[%get3A_393] {strides = array<i32>} : memref<320xi32, #tpu.memory_space<vmem>>, vector<16xi32>,
          %get3A_395 = vector.shape_cast %get3A_394 : vector<16xi32> to vector<16xi32>
          %add3A_396 = arith.addi %mul3A_377, %get3A_395 : vector<16xi32>
          %mul3A_397 = arith.constant 16 : i32
          %mul3A_398 = arith.muli %scan3A_367, %mul3A_397 : i32
          %swap3A_399 = arith.index_cast %mul3A_398 : i32 to index
          %swap3A_400 = tpu.vector_load %arg20[%swap3A_399] {strides = array<i32>} : memref<80xi32, #tpu.memory_space<vmem>>, vector<16xi32>,
          %swap3A_401 = vector.shape_cast %swap3A_400 : vector<16xi32> to vector<16xi32>
          %swap3A_402 = vector.shape_cast %add3A_396 : vector<16xi32> to vector<16xi32>
          tpu.vector_store %arg20[%swap3A_399], %swap3A_402 {strides = array<i32>} : memref<80xi32, #tpu.memory_space<vmem>>, vector<16xi32>,
          %mul3A_403 = arith.constant 16 : i32
          %mul3A_404 = arith.muli %scan3A_367, %mul3A_403 : i32
          %add3A_405 = arith.constant 160 : i32
          %add3A_406 = arith.addi %add3A_405, %mul3A_404 : i32
          %get3A_407 = arith.index_cast %add3A_406 : i32 to index
          %get3A_408 = tpu.vector_load %arg10[%get3A_407] {strides = array<i32>} : memref<320xi32, #tpu.memory_space<vmem>>, vector<16xi32>,
          %get3A_409 = vector.shape_cast %get3A_408 : vector<16xi32> to vector<16xi32>
          %mul3A_410 = arith.constant 16 : i32
          %mul3A_411 = arith.muli %scan3A_367, %mul3A_410 : i32
          %swap3A_412 = arith.index_cast %mul3A_411 : i32 to index
          %swap3A_413 = tpu.vector_load %arg24[%swap3A_412] {strides = array<i32>} : memref<80xi32, #tpu.memory_space<vmem>>, vector<16xi32>,
          %swap3A_414 = vector.shape_cast %swap3A_413 : vector<16xi32> to vector<16xi32>
          %swap3A_415 = vector.shape_cast %get3A_409 : vector<16xi32> to vector<16xi32>
          tpu.vector_store %arg24[%swap3A_412], %swap3A_415 {strides = array<i32>} : memref<80xi32, #tpu.memory_space<vmem>>, vector<16xi32>,
          %add3A_416 = arith.addi %mul3A_377, %get3A_409 : vector<16xi32>
          %mul3A_417 = arith.constant 16 : i32
          %mul3A_418 = arith.muli %scan3A_367, %mul3A_417 : i32
          %swap3A_419 = arith.index_cast %mul3A_418 : i32 to index
          %swap3A_420 = tpu.vector_load %arg22[%swap3A_419] {strides = array<i32>} : memref<80xi32, #tpu.memory_space<vmem>>, vector<16xi32>,
          %swap3A_421 = vector.shape_cast %swap3A_420 : vector<16xi32> to vector<16xi32>
          %swap3A_422 = vector.shape_cast %add3A_416 : vector<16xi32> to vector<16xi32>
          tpu.vector_store %arg22[%swap3A_419], %swap3A_422 {strides = array<i32>} : memref<80xi32, #tpu.memory_space<vmem>>, vector<16xi32>,
          %scan3A_423 = arith.constant 0 : i32
          scf.yield %scan3A_423 : i32
        }
        %scan3A_358 = arith.constant 5 : i32
        %dma_start3A_359 = arith.constant 0 : i32
        %dma_start3A_360 = tpu.memref_slice %arg33[%dma_start3A_359] : memref<40000xf32, #tpu.memory_space<vmem_shared>> -> memref<40000xf32, #tpu.memory_space<vmem_shared>>
        tpu.enqueue_indirect_dma source(%dma_start3A_360 : memref<40000xf32, #tpu.memory_space<vmem_shared>>) target(%arg26 : memref<80xf32, #tpu.memory_space<vmem>>) offsets(%arg22 : memref<80xi32, #tpu.memory_space<vmem>>) semaphore(%arg42 : memref<!tpu.dma_semaphore, #tpu.memory_space<semaphore_mem>>)
        %dma_start3A_361 = arith.constant 0 : i32
        %dma_start3A_362 = arith.constant 0 : i32
        %dma_start3A_363 = tpu.memref_slice %arg6[%dma_start3A_361, %dma_start3A_362] : memref<40000x128xf32, #tpu.memory_space<hbm>> -> memref<40000x128xf32, #tpu.memory_space<hbm>>
        tpu.enqueue_indirect_dma source(%dma_start3A_363 : memref<40000x128xf32, #tpu.memory_space<hbm>>) target(%arg28 : memref<80x128xf32, #tpu.memory_space<vmem>>) offsets(%arg18 : memref<80xi32, #tpu.memory_space<vmem>>) semaphore(%arg38 : memref<!tpu.dma_semaphore, #tpu.memory_space<semaphore_mem>>)
        %dma_start3A_364 = arith.constant 0 : i32
        %dma_start3A_365 = arith.constant 0 : i32
        %dma_start3A_366 = tpu.memref_slice %arg7[%dma_start3A_364, %dma_start3A_365] : memref<40000x128xf32, #tpu.memory_space<hbm>> -> memref<40000x128xf32, #tpu.memory_space<hbm>>
        tpu.enqueue_indirect_dma source(%dma_start3A_366 : memref<40000x128xf32, #tpu.memory_space<hbm>>) target(%arg30 : memref<80x128xf32, #tpu.memory_space<vmem>>) offsets(%arg20 : memref<80xi32, #tpu.memory_space<vmem>>) semaphore(%arg38 : memref<!tpu.dma_semaphore, #tpu.memory_space<semaphore_mem>>)
      } else {
      }
      %lt3A_266 = arith.constant 125 : i32
      %lt3A_267 = arith.cmpi slt, %mul3A_251, %lt3A_266 : i32
      %convert_element_type3A_268 = arith.extui %lt3A_267 : i1 to i32
      %cond3A_269 = arith.constant 0 : i32
      %cond3A_270 = arith.cmpi ne, %convert_element_type3A_268, %cond3A_269 : i32
      scf.if %cond3A_270 {
        %dma_wait3A_308 = arith.constant 0 : i32
        %dma_wait3A_309 = tpu.memref_slice %arg33[%dma_wait3A_308] : memref<40000xf32, #tpu.memory_space<vmem_shared>> -> memref<40000xf32, #tpu.memory_space<vmem_shared>>
        tpu.wait_indirect_dma semaphore(%arg41 : memref<!tpu.dma_semaphore, #tpu.memory_space<semaphore_mem>>) src(%dma_wait3A_309 : memref<40000xf32, #tpu.memory_space<vmem_shared>>) dst(%arg25 : memref<80xf32, #tpu.memory_space<vmem>>)
        %dma_wait3A_310 = arith.constant 0 : i32
        %dma_wait3A_311 = arith.constant 0 : i32
        %dma_wait3A_312 = tpu.memref_slice %arg6[%dma_wait3A_310, %dma_wait3A_311] : memref<40000x128xf32, #tpu.memory_space<hbm>> -> memref<40000x128xf32, #tpu.memory_space<hbm>>
        tpu.wait_indirect_dma semaphore(%arg37 : memref<!tpu.dma_semaphore, #tpu.memory_space<semaphore_mem>>) src(%dma_wait3A_312 : memref<40000x128xf32, #tpu.memory_space<hbm>>) dst(%arg27 : memref<80x128xf32, #tpu.memory_space<vmem>>)
        %dma_wait3A_313 = arith.constant 0 : i32
        %dma_wait3A_314 = arith.constant 0 : i32
        %dma_wait3A_315 = tpu.memref_slice %arg7[%dma_wait3A_313, %dma_wait3A_314] : memref<40000x128xf32, #tpu.memory_space<hbm>> -> memref<40000x128xf32, #tpu.memory_space<hbm>>
        tpu.wait_indirect_dma semaphore(%arg37 : memref<!tpu.dma_semaphore, #tpu.memory_space<semaphore_mem>>) src(%dma_wait3A_315 : memref<40000x128xf32, #tpu.memory_space<hbm>>) dst(%arg29 : memref<80x128xf32, #tpu.memory_space<vmem>>)
        %scan3A_316 = arith.constant 0 : i32
        %scan3A_317 = arith.constant 0 : i32
        %scan3A_318 = arith.constant 5 : i32
        %scan3A_319 = arith.addi %scan3A_317, %scan3A_318 : i32
        %scan3A_320 = arith.constant 1 : i32
        %scan3A_321 = scf.for %scan3A_326 = %scan3A_317 to %scan3A_319 step %scan3A_320 iter_args(%scan3A_327 = %scan3A_316) -> (i32)  : i32 {
          %mul3A_328 = arith.constant 16 : i32
          %mul3A_329 = arith.muli %scan3A_326, %mul3A_328 : i32
          %get3A = arith.index_cast %mul3A_329 : i32 to index
          %get3A_330 = tpu.vector_load %arg25[%get3A] {strides = array<i32>} : memref<80xf32, #tpu.memory_space<vmem>>, vector<16xf32>,
          %get3A_331 = vector.shape_cast %get3A_330 : vector<16xf32> to vector<16xf32>
          %scan3A_332 = arith.constant 0 : i32
          %scan3A_333 = arith.constant 0 : i32
          %scan3A_334 = arith.constant 4 : i32
          %scan3A_335 = arith.addi %scan3A_333, %scan3A_334 : i32
          %scan3A_336 = arith.constant 1 : i32
          %scan3A_337 = scf.for %scan3A_340 = %scan3A_333 to %scan3A_335 step %scan3A_336 iter_args(%scan3A_341 = %scan3A_332) -> (i32)  : i32 {
            %mul3A_342 = arith.constant 4 : i32
            %mul3A_343 = arith.muli %scan3A_340, %mul3A_342 : i32
            %add3A_344 = arith.constant 0 : i32
            %add3A_345 = arith.addi %mul3A_343, %add3A_344 : i32
            %mul3A_346 = arith.constant 16 : i32
            %mul3A_347 = arith.muli %scan3A_326, %mul3A_346 : i32
            %add3A_348 = arith.addi %mul3A_347, %add3A_345 : i32
            %broadcast_in_dim3A = vector.broadcast %add3A_345 : i32 to vector<16x1xi32>
            %gather3A = vector.shape_cast %broadcast_in_dim3A : vector<16x1xi32> to vector<16xi32>
            %gather3A_349 = tpu.dynamic_gather %get3A_331[%gather3A] in [0] : vector<16xf32>, vector<16xi32> -> vector<16xf32>
            %get3A_350 = arith.index_cast %add3A_348 : i32 to index
            %get3A_351 = arith.constant 0 : index
            %get3A_352 = tpu.vector_load %arg27[%get3A_350, %get3A_351] {strides = array<i32>} : memref<80x128xf32, #tpu.memory_space<vmem>>, vector<1x16xf32>,
            %get3A_353 = vector.shape_cast %get3A_352 : vector<1x16xf32> to vector<16xf32>
            %get3A_354 = arith.index_cast %add3A_348 : i32 to index
            %get3A_355 = arith.constant 0 : index
            %get3A_356 = tpu.vector_load %arg29[%get3A_354, %get3A_355] {strides = array<i32>} : memref<80x128xf32, #tpu.memory_space<vmem>>, vector<1x16xf32>,
            %get3A_357 = vector.shape_cast %get3A_356 : vector<1x16xf32> to vector<16xf32>
            %add3A_358 = arith.addf %get3A_353, %get3A_357 : vector<16xf32>
            %mul3A_359 = arith.mulf %add3A_358, %gather3A_349 : vector<16xf32>
            %swap3A = arith.index_cast %add3A_348 : i32 to index
            %swap3A_360 = arith.constant 0 : index
            %swap3A_361 = tpu.vector_load %arg27[%swap3A, %swap3A_360] {strides = array<i32>} : memref<80x128xf32, #tpu.memory_space<vmem>>, vector<1x16xf32>,
            %swap3A_362 = vector.shape_cast %swap3A_361 : vector<1x16xf32> to vector<16xf32>
            %swap3A_363 = vector.shape_cast %mul3A_359 : vector<16xf32> to vector<1x16xf32>
            tpu.vector_store %arg27[%swap3A, %swap3A_360], %swap3A_363 {strides = array<i32>} : memref<80x128xf32, #tpu.memory_space<vmem>>, vector<1x16xf32>,
            %get3A_364 = arith.index_cast %add3A_348 : i32 to index
            %get3A_365 = arith.constant 16 : index
            %get3A_366 = tpu.vector_load %arg27[%get3A_364, %get3A_365] {strides = array<i32>} : memref<80x128xf32, #tpu.memory_space<vmem>>, vector<1x16xf32>,
            %get3A_367 = vector.shape_cast %get3A_366 : vector<1x16xf32> to vector<16xf32>
            %get3A_368 = arith.index_cast %add3A_348 : i32 to index
            %get3A_369 = arith.constant 16 : index
            %get3A_370 = tpu.vector_load %arg29[%get3A_368, %get3A_369] {strides = array<i32>} : memref<80x128xf32, #tpu.memory_space<vmem>>, vector<1x16xf32>,
            %get3A_371 = vector.shape_cast %get3A_370 : vector<1x16xf32> to vector<16xf32>
            %add3A_372 = arith.addf %get3A_367, %get3A_371 : vector<16xf32>
            %mul3A_373 = arith.mulf %add3A_372, %gather3A_349 : vector<16xf32>
            %swap3A_374 = arith.index_cast %add3A_348 : i32 to index
            %swap3A_375 = arith.constant 16 : index
            %swap3A_376 = tpu.vector_load %arg27[%swap3A_374, %swap3A_375] {strides = array<i32>} : memref<80x128xf32, #tpu.memory_space<vmem>>, vector<1x16xf32>,
            %swap3A_377 = vector.shape_cast %swap3A_376 : vector<1x16xf32> to vector<16xf32>
            %swap3A_378 = vector.shape_cast %mul3A_373 : vector<16xf32> to vector<1x16xf32>
            tpu.vector_store %arg27[%swap3A_374, %swap3A_375], %swap3A_378 {strides = array<i32>} : memref<80x128xf32, #tpu.memory_space<vmem>>, vector<1x16xf32>,
            %get3A_379 = arith.index_cast %add3A_348 : i32 to index
            %get3A_380 = arith.constant 32 : index
            %get3A_381 = tpu.vector_load %arg27[%get3A_379, %get3A_380] {strides = array<i32>} : memref<80x128xf32, #tpu.memory_space<vmem>>, vector<1x16xf32>,
            %get3A_382 = vector.shape_cast %get3A_381 : vector<1x16xf32> to vector<16xf32>
            %get3A_383 = arith.index_cast %add3A_348 : i32 to index
            %get3A_384 = arith.constant 32 : index
            %get3A_385 = tpu.vector_load %arg29[%get3A_383, %get3A_384] {strides = array<i32>} : memref<80x128xf32, #tpu.memory_space<vmem>>, vector<1x16xf32>,
            %get3A_386 = vector.shape_cast %get3A_385 : vector<1x16xf32> to vector<16xf32>
            %add3A_387 = arith.addf %get3A_382, %get3A_386 : vector<16xf32>
            %mul3A_388 = arith.mulf %add3A_387, %gather3A_349 : vector<16xf32>
            %swap3A_389 = arith.index_cast %add3A_348 : i32 to index
            %swap3A_390 = arith.constant 32 : index
            %swap3A_391 = tpu.vector_load %arg27[%swap3A_389, %swap3A_390] {strides = array<i32>} : memref<80x128xf32, #tpu.memory_space<vmem>>, vector<1x16xf32>,
            %swap3A_392 = vector.shape_cast %swap3A_391 : vector<1x16xf32> to vector<16xf32>
            %swap3A_393 = vector.shape_cast %mul3A_388 : vector<16xf32> to vector<1x16xf32>
            tpu.vector_store %arg27[%swap3A_389, %swap3A_390], %swap3A_393 {strides = array<i32>} : memref<80x128xf32, #tpu.memory_space<vmem>>, vector<1x16xf32>,
            %get3A_394 = arith.index_cast %add3A_348 : i32 to index
            %get3A_395 = arith.constant 48 : index
            %get3A_396 = tpu.vector_load %arg27[%get3A_394, %get3A_395] {strides = array<i32>} : memref<80x128xf32, #tpu.memory_space<vmem>>, vector<1x16xf32>,
            %get3A_397 = vector.shape_cast %get3A_396 : vector<1x16xf32> to vector<16xf32>
            %get3A_398 = arith.index_cast %add3A_348 : i32 to index
            %get3A_399 = arith.constant 48 : index
            %get3A_400 = tpu.vector_load %arg29[%get3A_398, %get3A_399] {strides = array<i32>} : memref<80x128xf32, #tpu.memory_space<vmem>>, vector<1x16xf32>,
            %get3A_401 = vector.shape_cast %get3A_400 : vector<1x16xf32> to vector<16xf32>
            %add3A_402 = arith.addf %get3A_397, %get3A_401 : vector<16xf32>
            %mul3A_403 = arith.mulf %add3A_402, %gather3A_349 : vector<16xf32>
            %swap3A_404 = arith.index_cast %add3A_348 : i32 to index
            %swap3A_405 = arith.constant 48 : index
            %swap3A_406 = tpu.vector_load %arg27[%swap3A_404, %swap3A_405] {strides = array<i32>} : memref<80x128xf32, #tpu.memory_space<vmem>>, vector<1x16xf32>,
            %swap3A_407 = vector.shape_cast %swap3A_406 : vector<1x16xf32> to vector<16xf32>
            %swap3A_408 = vector.shape_cast %mul3A_403 : vector<16xf32> to vector<1x16xf32>
            tpu.vector_store %arg27[%swap3A_404, %swap3A_405], %swap3A_408 {strides = array<i32>} : memref<80x128xf32, #tpu.memory_space<vmem>>, vector<1x16xf32>,
            %get3A_409 = arith.index_cast %add3A_348 : i32 to index
            %get3A_410 = arith.constant 64 : index
            %get3A_411 = tpu.vector_load %arg27[%get3A_409, %get3A_410] {strides = array<i32>} : memref<80x128xf32, #tpu.memory_space<vmem>>, vector<1x16xf32>,
            %get3A_412 = vector.shape_cast %get3A_411 : vector<1x16xf32> to vector<16xf32>
            %get3A_413 = arith.index_cast %add3A_348 : i32 to index
            %get3A_414 = arith.constant 64 : index
            %get3A_415 = tpu.vector_load %arg29[%get3A_413, %get3A_414] {strides = array<i32>} : memref<80x128xf32, #tpu.memory_space<vmem>>, vector<1x16xf32>,
            %get3A_416 = vector.shape_cast %get3A_415 : vector<1x16xf32> to vector<16xf32>
            %add3A_417 = arith.addf %get3A_412, %get3A_416 : vector<16xf32>
            %mul3A_418 = arith.mulf %add3A_417, %gather3A_349 : vector<16xf32>
            %swap3A_419 = arith.index_cast %add3A_348 : i32 to index
            %swap3A_420 = arith.constant 64 : index
            %swap3A_421 = tpu.vector_load %arg27[%swap3A_419, %swap3A_420] {strides = array<i32>} : memref<80x128xf32, #tpu.memory_space<vmem>>, vector<1x16xf32>,
            %swap3A_422 = vector.shape_cast %swap3A_421 : vector<1x16xf32> to vector<16xf32>
            %swap3A_423 = vector.shape_cast %mul3A_418 : vector<16xf32> to vector<1x16xf32>
            tpu.vector_store %arg27[%swap3A_419, %swap3A_420], %swap3A_423 {strides = array<i32>} : memref<80x128xf32, #tpu.memory_space<vmem>>, vector<1x16xf32>,
            %get3A_424 = arith.index_cast %add3A_348 : i32 to index
            %get3A_425 = arith.constant 80 : index
            %get3A_426 = tpu.vector_load %arg27[%get3A_424, %get3A_425] {strides = array<i32>} : memref<80x128xf32, #tpu.memory_space<vmem>>, vector<1x16xf32>,
            %get3A_427 = vector.shape_cast %get3A_426 : vector<1x16xf32> to vector<16xf32>
            %get3A_428 = arith.index_cast %add3A_348 : i32 to index
            %get3A_429 = arith.constant 80 : index
            %get3A_430 = tpu.vector_load %arg29[%get3A_428, %get3A_429] {strides = array<i32>} : memref<80x128xf32, #tpu.memory_space<vmem>>, vector<1x16xf32>,
            %get3A_431 = vector.shape_cast %get3A_430 : vector<1x16xf32> to vector<16xf32>
            %add3A_432 = arith.addf %get3A_427, %get3A_431 : vector<16xf32>
            %mul3A_433 = arith.mulf %add3A_432, %gather3A_349 : vector<16xf32>
            %swap3A_434 = arith.index_cast %add3A_348 : i32 to index
            %swap3A_435 = arith.constant 80 : index
            %swap3A_436 = tpu.vector_load %arg27[%swap3A_434, %swap3A_435] {strides = array<i32>} : memref<80x128xf32, #tpu.memory_space<vmem>>, vector<1x16xf32>,
            %swap3A_437 = vector.shape_cast %swap3A_436 : vector<1x16xf32> to vector<16xf32>
            %swap3A_438 = vector.shape_cast %mul3A_433 : vector<16xf32> to vector<1x16xf32>
            tpu.vector_store %arg27[%swap3A_434, %swap3A_435], %swap3A_438 {strides = array<i32>} : memref<80x128xf32, #tpu.memory_space<vmem>>, vector<1x16xf32>,
            %get3A_439 = arith.index_cast %add3A_348 : i32 to index
            %get3A_440 = arith.constant 96 : index
            %get3A_441 = tpu.vector_load %arg27[%get3A_439, %get3A_440] {strides = array<i32>} : memref<80x128xf32, #tpu.memory_space<vmem>>, vector<1x16xf32>,
            %get3A_442 = vector.shape_cast %get3A_441 : vector<1x16xf32> to vector<16xf32>
            %get3A_443 = arith.index_cast %add3A_348 : i32 to index
            %get3A_444 = arith.constant 96 : index
            %get3A_445 = tpu.vector_load %arg29[%get3A_443, %get3A_444] {strides = array<i32>} : memref<80x128xf32, #tpu.memory_space<vmem>>, vector<1x16xf32>,
            %get3A_446 = vector.shape_cast %get3A_445 : vector<1x16xf32> to vector<16xf32>
            %add3A_447 = arith.addf %get3A_442, %get3A_446 : vector<16xf32>
            %mul3A_448 = arith.mulf %add3A_447, %gather3A_349 : vector<16xf32>
            %swap3A_449 = arith.index_cast %add3A_348 : i32 to index
            %swap3A_450 = arith.constant 96 : index
            %swap3A_451 = tpu.vector_load %arg27[%swap3A_449, %swap3A_450] {strides = array<i32>} : memref<80x128xf32, #tpu.memory_space<vmem>>, vector<1x16xf32>,
            %swap3A_452 = vector.shape_cast %swap3A_451 : vector<1x16xf32> to vector<16xf32>
            %swap3A_453 = vector.shape_cast %mul3A_448 : vector<16xf32> to vector<1x16xf32>
            tpu.vector_store %arg27[%swap3A_449, %swap3A_450], %swap3A_453 {strides = array<i32>} : memref<80x128xf32, #tpu.memory_space<vmem>>, vector<1x16xf32>,
            %get3A_454 = arith.index_cast %add3A_348 : i32 to index
            %get3A_455 = arith.constant 112 : index
            %get3A_456 = tpu.vector_load %arg27[%get3A_454, %get3A_455] {strides = array<i32>} : memref<80x128xf32, #tpu.memory_space<vmem>>, vector<1x16xf32>,
            %get3A_457 = vector.shape_cast %get3A_456 : vector<1x16xf32> to vector<16xf32>
            %get3A_458 = arith.index_cast %add3A_348 : i32 to index
            %get3A_459 = arith.constant 112 : index
            %get3A_460 = tpu.vector_load %arg29[%get3A_458, %get3A_459] {strides = array<i32>} : memref<80x128xf32, #tpu.memory_space<vmem>>, vector<1x16xf32>,
            %get3A_461 = vector.shape_cast %get3A_460 : vector<1x16xf32> to vector<16xf32>
            %add3A_462 = arith.addf %get3A_457, %get3A_461 : vector<16xf32>
            %mul3A_463 = arith.mulf %add3A_462, %gather3A_349 : vector<16xf32>
            %swap3A_464 = arith.index_cast %add3A_348 : i32 to index
            %swap3A_465 = arith.constant 112 : index
            %swap3A_466 = tpu.vector_load %arg27[%swap3A_464, %swap3A_465] {strides = array<i32>} : memref<80x128xf32, #tpu.memory_space<vmem>>, vector<1x16xf32>,
            %swap3A_467 = vector.shape_cast %swap3A_466 : vector<1x16xf32> to vector<16xf32>
            %swap3A_468 = vector.shape_cast %mul3A_463 : vector<16xf32> to vector<1x16xf32>
            tpu.vector_store %arg27[%swap3A_464, %swap3A_465], %swap3A_468 {strides = array<i32>} : memref<80x128xf32, #tpu.memory_space<vmem>>, vector<1x16xf32>,
            %mul3A_469 = arith.constant 4 : i32
            %mul3A_470 = arith.muli %scan3A_340, %mul3A_469 : i32
            %add3A_471 = arith.constant 1 : i32
            %add3A_472 = arith.addi %mul3A_470, %add3A_471 : i32
            %mul3A_473 = arith.constant 16 : i32
            %mul3A_474 = arith.muli %scan3A_326, %mul3A_473 : i32
            %add3A_475 = arith.addi %mul3A_474, %add3A_472 : i32
            %broadcast_in_dim3A_476 = vector.broadcast %add3A_472 : i32 to vector<16x1xi32>
            %gather3A_477 = vector.shape_cast %broadcast_in_dim3A_476 : vector<16x1xi32> to vector<16xi32>
            %gather3A_478 = tpu.dynamic_gather %get3A_331[%gather3A_477] in [0] : vector<16xf32>, vector<16xi32> -> vector<16xf32>
            %get3A_479 = arith.index_cast %add3A_475 : i32 to index
            %get3A_480 = arith.constant 0 : index
            %get3A_481 = tpu.vector_load %arg27[%get3A_479, %get3A_480] {strides = array<i32>} : memref<80x128xf32, #tpu.memory_space<vmem>>, vector<1x16xf32>,
            %get3A_482 = vector.shape_cast %get3A_481 : vector<1x16xf32> to vector<16xf32>
            %get3A_483 = arith.index_cast %add3A_475 : i32 to index
            %get3A_484 = arith.constant 0 : index
            %get3A_485 = tpu.vector_load %arg29[%get3A_483, %get3A_484] {strides = array<i32>} : memref<80x128xf32, #tpu.memory_space<vmem>>, vector<1x16xf32>,
            %get3A_486 = vector.shape_cast %get3A_485 : vector<1x16xf32> to vector<16xf32>
            %add3A_487 = arith.addf %get3A_482, %get3A_486 : vector<16xf32>
            %mul3A_488 = arith.mulf %add3A_487, %gather3A_478 : vector<16xf32>
            %swap3A_489 = arith.index_cast %add3A_475 : i32 to index
            %swap3A_490 = arith.constant 0 : index
            %swap3A_491 = tpu.vector_load %arg27[%swap3A_489, %swap3A_490] {strides = array<i32>} : memref<80x128xf32, #tpu.memory_space<vmem>>, vector<1x16xf32>,
            %swap3A_492 = vector.shape_cast %swap3A_491 : vector<1x16xf32> to vector<16xf32>
            %swap3A_493 = vector.shape_cast %mul3A_488 : vector<16xf32> to vector<1x16xf32>
            tpu.vector_store %arg27[%swap3A_489, %swap3A_490], %swap3A_493 {strides = array<i32>} : memref<80x128xf32, #tpu.memory_space<vmem>>, vector<1x16xf32>,
            %get3A_494 = arith.index_cast %add3A_475 : i32 to index
            %get3A_495 = arith.constant 16 : index
            %get3A_496 = tpu.vector_load %arg27[%get3A_494, %get3A_495] {strides = array<i32>} : memref<80x128xf32, #tpu.memory_space<vmem>>, vector<1x16xf32>,
            %get3A_497 = vector.shape_cast %get3A_496 : vector<1x16xf32> to vector<16xf32>
            %get3A_498 = arith.index_cast %add3A_475 : i32 to index
            %get3A_499 = arith.constant 16 : index
            %get3A_500 = tpu.vector_load %arg29[%get3A_498, %get3A_499] {strides = array<i32>} : memref<80x128xf32, #tpu.memory_space<vmem>>, vector<1x16xf32>,
            %get3A_501 = vector.shape_cast %get3A_500 : vector<1x16xf32> to vector<16xf32>
            %add3A_502 = arith.addf %get3A_497, %get3A_501 : vector<16xf32>
            %mul3A_503 = arith.mulf %add3A_502, %gather3A_478 : vector<16xf32>
            %swap3A_504 = arith.index_cast %add3A_475 : i32 to index
            %swap3A_505 = arith.constant 16 : index
            %swap3A_506 = tpu.vector_load %arg27[%swap3A_504, %swap3A_505] {strides = array<i32>} : memref<80x128xf32, #tpu.memory_space<vmem>>, vector<1x16xf32>,
            %swap3A_507 = vector.shape_cast %swap3A_506 : vector<1x16xf32> to vector<16xf32>
            %swap3A_508 = vector.shape_cast %mul3A_503 : vector<16xf32> to vector<1x16xf32>
            tpu.vector_store %arg27[%swap3A_504, %swap3A_505], %swap3A_508 {strides = array<i32>} : memref<80x128xf32, #tpu.memory_space<vmem>>, vector<1x16xf32>,
            %get3A_509 = arith.index_cast %add3A_475 : i32 to index
            %get3A_510 = arith.constant 32 : index
            %get3A_511 = tpu.vector_load %arg27[%get3A_509, %get3A_510] {strides = array<i32>} : memref<80x128xf32, #tpu.memory_space<vmem>>, vector<1x16xf32>,
            %get3A_512 = vector.shape_cast %get3A_511 : vector<1x16xf32> to vector<16xf32>
            %get3A_513 = arith.index_cast %add3A_475 : i32 to index
            %get3A_514 = arith.constant 32 : index
            %get3A_515 = tpu.vector_load %arg29[%get3A_513, %get3A_514] {strides = array<i32>} : memref<80x128xf32, #tpu.memory_space<vmem>>, vector<1x16xf32>,
            %get3A_516 = vector.shape_cast %get3A_515 : vector<1x16xf32> to vector<16xf32>
            %add3A_517 = arith.addf %get3A_512, %get3A_516 : vector<16xf32>
            %mul3A_518 = arith.mulf %add3A_517, %gather3A_478 : vector<16xf32>
            %swap3A_519 = arith.index_cast %add3A_475 : i32 to index
            %swap3A_520 = arith.constant 32 : index
            %swap3A_521 = tpu.vector_load %arg27[%swap3A_519, %swap3A_520] {strides = array<i32>} : memref<80x128xf32, #tpu.memory_space<vmem>>, vector<1x16xf32>,
            %swap3A_522 = vector.shape_cast %swap3A_521 : vector<1x16xf32> to vector<16xf32>
            %swap3A_523 = vector.shape_cast %mul3A_518 : vector<16xf32> to vector<1x16xf32>
            tpu.vector_store %arg27[%swap3A_519, %swap3A_520], %swap3A_523 {strides = array<i32>} : memref<80x128xf32, #tpu.memory_space<vmem>>, vector<1x16xf32>,
            %get3A_524 = arith.index_cast %add3A_475 : i32 to index
            %get3A_525 = arith.constant 48 : index
            %get3A_526 = tpu.vector_load %arg27[%get3A_524, %get3A_525] {strides = array<i32>} : memref<80x128xf32, #tpu.memory_space<vmem>>, vector<1x16xf32>,
            %get3A_527 = vector.shape_cast %get3A_526 : vector<1x16xf32> to vector<16xf32>
            %get3A_528 = arith.index_cast %add3A_475 : i32 to index
            %get3A_529 = arith.constant 48 : index
            %get3A_530 = tpu.vector_load %arg29[%get3A_528, %get3A_529] {strides = array<i32>} : memref<80x128xf32, #tpu.memory_space<vmem>>, vector<1x16xf32>,
            %get3A_531 = vector.shape_cast %get3A_530 : vector<1x16xf32> to vector<16xf32>
            %add3A_532 = arith.addf %get3A_527, %get3A_531 : vector<16xf32>
            %mul3A_533 = arith.mulf %add3A_532, %gather3A_478 : vector<16xf32>
            %swap3A_534 = arith.index_cast %add3A_475 : i32 to index
            %swap3A_535 = arith.constant 48 : index
            %swap3A_536 = tpu.vector_load %arg27[%swap3A_534, %swap3A_535] {strides = array<i32>} : memref<80x128xf32, #tpu.memory_space<vmem>>, vector<1x16xf32>,
            %swap3A_537 = vector.shape_cast %swap3A_536 : vector<1x16xf32> to vector<16xf32>
            %swap3A_538 = vector.shape_cast %mul3A_533 : vector<16xf32> to vector<1x16xf32>
            tpu.vector_store %arg27[%swap3A_534, %swap3A_535], %swap3A_538 {strides = array<i32>} : memref<80x128xf32, #tpu.memory_space<vmem>>, vector<1x16xf32>,
            %get3A_539 = arith.index_cast %add3A_475 : i32 to index
            %get3A_540 = arith.constant 64 : index
            %get3A_541 = tpu.vector_load %arg27[%get3A_539, %get3A_540] {strides = array<i32>} : memref<80x128xf32, #tpu.memory_space<vmem>>, vector<1x16xf32>,
            %get3A_542 = vector.shape_cast %get3A_541 : vector<1x16xf32> to vector<16xf32>
            %get3A_543 = arith.index_cast %add3A_475 : i32 to index
            %get3A_544 = arith.constant 64 : index
            %get3A_545 = tpu.vector_load %arg29[%get3A_543, %get3A_544] {strides = array<i32>} : memref<80x128xf32, #tpu.memory_space<vmem>>, vector<1x16xf32>,
            %get3A_546 = vector.shape_cast %get3A_545 : vector<1x16xf32> to vector<16xf32>
            %add3A_547 = arith.addf %get3A_542, %get3A_546 : vector<16xf32>
            %mul3A_548 = arith.mulf %add3A_547, %gather3A_478 : vector<16xf32>
            %swap3A_549 = arith.index_cast %add3A_475 : i32 to index
            %swap3A_550 = arith.constant 64 : index
            %swap3A_551 = tpu.vector_load %arg27[%swap3A_549, %swap3A_550] {strides = array<i32>} : memref<80x128xf32, #tpu.memory_space<vmem>>, vector<1x16xf32>,
            %swap3A_552 = vector.shape_cast %swap3A_551 : vector<1x16xf32> to vector<16xf32>
            %swap3A_553 = vector.shape_cast %mul3A_548 : vector<16xf32> to vector<1x16xf32>
            tpu.vector_store %arg27[%swap3A_549, %swap3A_550], %swap3A_553 {strides = array<i32>} : memref<80x128xf32, #tpu.memory_space<vmem>>, vector<1x16xf32>,
            %get3A_554 = arith.index_cast %add3A_475 : i32 to index
            %get3A_555 = arith.constant 80 : index
            %get3A_556 = tpu.vector_load %arg27[%get3A_554, %get3A_555] {strides = array<i32>} : memref<80x128xf32, #tpu.memory_space<vmem>>, vector<1x16xf32>,
            %get3A_557 = vector.shape_cast %get3A_556 : vector<1x16xf32> to vector<16xf32>
            %get3A_558 = arith.index_cast %add3A_475 : i32 to index
            %get3A_559 = arith.constant 80 : index
            %get3A_560 = tpu.vector_load %arg29[%get3A_558, %get3A_559] {strides = array<i32>} : memref<80x128xf32, #tpu.memory_space<vmem>>, vector<1x16xf32>,
            %get3A_561 = vector.shape_cast %get3A_560 : vector<1x16xf32> to vector<16xf32>
            %add3A_562 = arith.addf %get3A_557, %get3A_561 : vector<16xf32>
            %mul3A_563 = arith.mulf %add3A_562, %gather3A_478 : vector<16xf32>
            %swap3A_564 = arith.index_cast %add3A_475 : i32 to index
            %swap3A_565 = arith.constant 80 : index
            %swap3A_566 = tpu.vector_load %arg27[%swap3A_564, %swap3A_565] {strides = array<i32>} : memref<80x128xf32, #tpu.memory_space<vmem>>, vector<1x16xf32>,
            %swap3A_567 = vector.shape_cast %swap3A_566 : vector<1x16xf32> to vector<16xf32>
            %swap3A_568 = vector.shape_cast %mul3A_563 : vector<16xf32> to vector<1x16xf32>
            tpu.vector_store %arg27[%swap3A_564, %swap3A_565], %swap3A_568 {strides = array<i32>} : memref<80x128xf32, #tpu.memory_space<vmem>>, vector<1x16xf32>,
            %get3A_569 = arith.index_cast %add3A_475 : i32 to index
            %get3A_570 = arith.constant 96 : index
            %get3A_571 = tpu.vector_load %arg27[%get3A_569, %get3A_570] {strides = array<i32>} : memref<80x128xf32, #tpu.memory_space<vmem>>, vector<1x16xf32>,
            %get3A_572 = vector.shape_cast %get3A_571 : vector<1x16xf32> to vector<16xf32>
            %get3A_573 = arith.index_cast %add3A_475 : i32 to index
            %get3A_574 = arith.constant 96 : index
            %get3A_575 = tpu.vector_load %arg29[%get3A_573, %get3A_574] {strides = array<i32>} : memref<80x128xf32, #tpu.memory_space<vmem>>, vector<1x16xf32>,
            %get3A_576 = vector.shape_cast %get3A_575 : vector<1x16xf32> to vector<16xf32>
            %add3A_577 = arith.addf %get3A_572, %get3A_576 : vector<16xf32>
            %mul3A_578 = arith.mulf %add3A_577, %gather3A_478 : vector<16xf32>
            %swap3A_579 = arith.index_cast %add3A_475 : i32 to index
            %swap3A_580 = arith.constant 96 : index
            %swap3A_581 = tpu.vector_load %arg27[%swap3A_579, %swap3A_580] {strides = array<i32>} : memref<80x128xf32, #tpu.memory_space<vmem>>, vector<1x16xf32>,
            %swap3A_582 = vector.shape_cast %swap3A_581 : vector<1x16xf32> to vector<16xf32>
            %swap3A_583 = vector.shape_cast %mul3A_578 : vector<16xf32> to vector<1x16xf32>
            tpu.vector_store %arg27[%swap3A_579, %swap3A_580], %swap3A_583 {strides = array<i32>} : memref<80x128xf32, #tpu.memory_space<vmem>>, vector<1x16xf32>,
            %get3A_584 = arith.index_cast %add3A_475 : i32 to index
            %get3A_585 = arith.constant 112 : index
            %get3A_586 = tpu.vector_load %arg27[%get3A_584, %get3A_585] {strides = array<i32>} : memref<80x128xf32, #tpu.memory_space<vmem>>, vector<1x16xf32>,
            %get3A_587 = vector.shape_cast %get3A_586 : vector<1x16xf32> to vector<16xf32>
            %get3A_588 = arith.index_cast %add3A_475 : i32 to index
            %get3A_589 = arith.constant 112 : index
            %get3A_590 = tpu.vector_load %arg29[%get3A_588, %get3A_589] {strides = array<i32>} : memref<80x128xf32, #tpu.memory_space<vmem>>, vector<1x16xf32>,
            %get3A_591 = vector.shape_cast %get3A_590 : vector<1x16xf32> to vector<16xf32>
            %add3A_592 = arith.addf %get3A_587, %get3A_591 : vector<16xf32>
            %mul3A_593 = arith.mulf %add3A_592, %gather3A_478 : vector<16xf32>
            %swap3A_594 = arith.index_cast %add3A_475 : i32 to index
            %swap3A_595 = arith.constant 112 : index
            %swap3A_596 = tpu.vector_load %arg27[%swap3A_594, %swap3A_595] {strides = array<i32>} : memref<80x128xf32, #tpu.memory_space<vmem>>, vector<1x16xf32>,
            %swap3A_597 = vector.shape_cast %swap3A_596 : vector<1x16xf32> to vector<16xf32>
            %swap3A_598 = vector.shape_cast %mul3A_593 : vector<16xf32> to vector<1x16xf32>
            tpu.vector_store %arg27[%swap3A_594, %swap3A_595], %swap3A_598 {strides = array<i32>} : memref<80x128xf32, #tpu.memory_space<vmem>>, vector<1x16xf32>,
            %mul3A_599 = arith.constant 4 : i32
            %mul3A_600 = arith.muli %scan3A_340, %mul3A_599 : i32
            %add3A_601 = arith.constant 2 : i32
            %add3A_602 = arith.addi %mul3A_600, %add3A_601 : i32
            %mul3A_603 = arith.constant 16 : i32
            %mul3A_604 = arith.muli %scan3A_326, %mul3A_603 : i32
            %add3A_605 = arith.addi %mul3A_604, %add3A_602 : i32
            %broadcast_in_dim3A_606 = vector.broadcast %add3A_602 : i32 to vector<16x1xi32>
            %gather3A_607 = vector.shape_cast %broadcast_in_dim3A_606 : vector<16x1xi32> to vector<16xi32>
            %gather3A_608 = tpu.dynamic_gather %get3A_331[%gather3A_607] in [0] : vector<16xf32>, vector<16xi32> -> vector<16xf32>
            %get3A_609 = arith.index_cast %add3A_605 : i32 to index
            %get3A_610 = arith.constant 0 : index
            %get3A_611 = tpu.vector_load %arg27[%get3A_609, %get3A_610] {strides = array<i32>} : memref<80x128xf32, #tpu.memory_space<vmem>>, vector<1x16xf32>,
            %get3A_612 = vector.shape_cast %get3A_611 : vector<1x16xf32> to vector<16xf32>
            %get3A_613 = arith.index_cast %add3A_605 : i32 to index
            %get3A_614 = arith.constant 0 : index
            %get3A_615 = tpu.vector_load %arg29[%get3A_613, %get3A_614] {strides = array<i32>} : memref<80x128xf32, #tpu.memory_space<vmem>>, vector<1x16xf32>,
            %get3A_616 = vector.shape_cast %get3A_615 : vector<1x16xf32> to vector<16xf32>
            %add3A_617 = arith.addf %get3A_612, %get3A_616 : vector<16xf32>
            %mul3A_618 = arith.mulf %add3A_617, %gather3A_608 : vector<16xf32>
            %swap3A_619 = arith.index_cast %add3A_605 : i32 to index
            %swap3A_620 = arith.constant 0 : index
            %swap3A_621 = tpu.vector_load %arg27[%swap3A_619, %swap3A_620] {strides = array<i32>} : memref<80x128xf32, #tpu.memory_space<vmem>>, vector<1x16xf32>,
            %swap3A_622 = vector.shape_cast %swap3A_621 : vector<1x16xf32> to vector<16xf32>
            %swap3A_623 = vector.shape_cast %mul3A_618 : vector<16xf32> to vector<1x16xf32>
            tpu.vector_store %arg27[%swap3A_619, %swap3A_620], %swap3A_623 {strides = array<i32>} : memref<80x128xf32, #tpu.memory_space<vmem>>, vector<1x16xf32>,
            %get3A_624 = arith.index_cast %add3A_605 : i32 to index
            %get3A_625 = arith.constant 16 : index
            %get3A_626 = tpu.vector_load %arg27[%get3A_624, %get3A_625] {strides = array<i32>} : memref<80x128xf32, #tpu.memory_space<vmem>>, vector<1x16xf32>,
            %get3A_627 = vector.shape_cast %get3A_626 : vector<1x16xf32> to vector<16xf32>
            %get3A_628 = arith.index_cast %add3A_605 : i32 to index
            %get3A_629 = arith.constant 16 : index
            %get3A_630 = tpu.vector_load %arg29[%get3A_628, %get3A_629] {strides = array<i32>} : memref<80x128xf32, #tpu.memory_space<vmem>>, vector<1x16xf32>,
            %get3A_631 = vector.shape_cast %get3A_630 : vector<1x16xf32> to vector<16xf32>
            %add3A_632 = arith.addf %get3A_627, %get3A_631 : vector<16xf32>
            %mul3A_633 = arith.mulf %add3A_632, %gather3A_608 : vector<16xf32>
            %swap3A_634 = arith.index_cast %add3A_605 : i32 to index
            %swap3A_635 = arith.constant 16 : index
            %swap3A_636 = tpu.vector_load %arg27[%swap3A_634, %swap3A_635] {strides = array<i32>} : memref<80x128xf32, #tpu.memory_space<vmem>>, vector<1x16xf32>,
            %swap3A_637 = vector.shape_cast %swap3A_636 : vector<1x16xf32> to vector<16xf32>
            %swap3A_638 = vector.shape_cast %mul3A_633 : vector<16xf32> to vector<1x16xf32>
            tpu.vector_store %arg27[%swap3A_634, %swap3A_635], %swap3A_638 {strides = array<i32>} : memref<80x128xf32, #tpu.memory_space<vmem>>, vector<1x16xf32>,
            %get3A_639 = arith.index_cast %add3A_605 : i32 to index
            %get3A_640 = arith.constant 32 : index
            %get3A_641 = tpu.vector_load %arg27[%get3A_639, %get3A_640] {strides = array<i32>} : memref<80x128xf32, #tpu.memory_space<vmem>>, vector<1x16xf32>,
            %get3A_642 = vector.shape_cast %get3A_641 : vector<1x16xf32> to vector<16xf32>
            %get3A_643 = arith.index_cast %add3A_605 : i32 to index
            %get3A_644 = arith.constant 32 : index
            %get3A_645 = tpu.vector_load %arg29[%get3A_643, %get3A_644] {strides = array<i32>} : memref<80x128xf32, #tpu.memory_space<vmem>>, vector<1x16xf32>,
            %get3A_646 = vector.shape_cast %get3A_645 : vector<1x16xf32> to vector<16xf32>
            %add3A_647 = arith.addf %get3A_642, %get3A_646 : vector<16xf32>
            %mul3A_648 = arith.mulf %add3A_647, %gather3A_608 : vector<16xf32>
            %swap3A_649 = arith.index_cast %add3A_605 : i32 to index
            %swap3A_650 = arith.constant 32 : index
            %swap3A_651 = tpu.vector_load %arg27[%swap3A_649, %swap3A_650] {strides = array<i32>} : memref<80x128xf32, #tpu.memory_space<vmem>>, vector<1x16xf32>,
            %swap3A_652 = vector.shape_cast %swap3A_651 : vector<1x16xf32> to vector<16xf32>
            %swap3A_653 = vector.shape_cast %mul3A_648 : vector<16xf32> to vector<1x16xf32>
            tpu.vector_store %arg27[%swap3A_649, %swap3A_650], %swap3A_653 {strides = array<i32>} : memref<80x128xf32, #tpu.memory_space<vmem>>, vector<1x16xf32>,
            %get3A_654 = arith.index_cast %add3A_605 : i32 to index
            %get3A_655 = arith.constant 48 : index
            %get3A_656 = tpu.vector_load %arg27[%get3A_654, %get3A_655] {strides = array<i32>} : memref<80x128xf32, #tpu.memory_space<vmem>>, vector<1x16xf32>,
            %get3A_657 = vector.shape_cast %get3A_656 : vector<1x16xf32> to vector<16xf32>
            %get3A_658 = arith.index_cast %add3A_605 : i32 to index
            %get3A_659 = arith.constant 48 : index
            %get3A_660 = tpu.vector_load %arg29[%get3A_658, %get3A_659] {strides = array<i32>} : memref<80x128xf32, #tpu.memory_space<vmem>>, vector<1x16xf32>,
            %get3A_661 = vector.shape_cast %get3A_660 : vector<1x16xf32> to vector<16xf32>
            %add3A_662 = arith.addf %get3A_657, %get3A_661 : vector<16xf32>
            %mul3A_663 = arith.mulf %add3A_662, %gather3A_608 : vector<16xf32>
            %swap3A_664 = arith.index_cast %add3A_605 : i32 to index
            %swap3A_665 = arith.constant 48 : index
            %swap3A_666 = tpu.vector_load %arg27[%swap3A_664, %swap3A_665] {strides = array<i32>} : memref<80x128xf32, #tpu.memory_space<vmem>>, vector<1x16xf32>,
            %swap3A_667 = vector.shape_cast %swap3A_666 : vector<1x16xf32> to vector<16xf32>
            %swap3A_668 = vector.shape_cast %mul3A_663 : vector<16xf32> to vector<1x16xf32>
            tpu.vector_store %arg27[%swap3A_664, %swap3A_665], %swap3A_668 {strides = array<i32>} : memref<80x128xf32, #tpu.memory_space<vmem>>, vector<1x16xf32>,
            %get3A_669 = arith.index_cast %add3A_605 : i32 to index
            %get3A_670 = arith.constant 64 : index
            %get3A_671 = tpu.vector_load %arg27[%get3A_669, %get3A_670] {strides = array<i32>} : memref<80x128xf32, #tpu.memory_space<vmem>>, vector<1x16xf32>,
            %get3A_672 = vector.shape_cast %get3A_671 : vector<1x16xf32> to vector<16xf32>
            %get3A_673 = arith.index_cast %add3A_605 : i32 to index
            %get3A_674 = arith.constant 64 : index
            %get3A_675 = tpu.vector_load %arg29[%get3A_673, %get3A_674] {strides = array<i32>} : memref<80x128xf32, #tpu.memory_space<vmem>>, vector<1x16xf32>,
            %get3A_676 = vector.shape_cast %get3A_675 : vector<1x16xf32> to vector<16xf32>
            %add3A_677 = arith.addf %get3A_672, %get3A_676 : vector<16xf32>
            %mul3A_678 = arith.mulf %add3A_677, %gather3A_608 : vector<16xf32>
            %swap3A_679 = arith.index_cast %add3A_605 : i32 to index
            %swap3A_680 = arith.constant 64 : index
            %swap3A_681 = tpu.vector_load %arg27[%swap3A_679, %swap3A_680] {strides = array<i32>} : memref<80x128xf32, #tpu.memory_space<vmem>>, vector<1x16xf32>,
            %swap3A_682 = vector.shape_cast %swap3A_681 : vector<1x16xf32> to vector<16xf32>
            %swap3A_683 = vector.shape_cast %mul3A_678 : vector<16xf32> to vector<1x16xf32>
            tpu.vector_store %arg27[%swap3A_679, %swap3A_680], %swap3A_683 {strides = array<i32>} : memref<80x128xf32, #tpu.memory_space<vmem>>, vector<1x16xf32>,
            %get3A_684 = arith.index_cast %add3A_605 : i32 to index
            %get3A_685 = arith.constant 80 : index
            %get3A_686 = tpu.vector_load %arg27[%get3A_684, %get3A_685] {strides = array<i32>} : memref<80x128xf32, #tpu.memory_space<vmem>>, vector<1x16xf32>,
            %get3A_687 = vector.shape_cast %get3A_686 : vector<1x16xf32> to vector<16xf32>
            %get3A_688 = arith.index_cast %add3A_605 : i32 to index
            %get3A_689 = arith.constant 80 : index
            %get3A_690 = tpu.vector_load %arg29[%get3A_688, %get3A_689] {strides = array<i32>} : memref<80x128xf32, #tpu.memory_space<vmem>>, vector<1x16xf32>,
            %get3A_691 = vector.shape_cast %get3A_690 : vector<1x16xf32> to vector<16xf32>
            %add3A_692 = arith.addf %get3A_687, %get3A_691 : vector<16xf32>
            %mul3A_693 = arith.mulf %add3A_692, %gather3A_608 : vector<16xf32>
            %swap3A_694 = arith.index_cast %add3A_605 : i32 to index
            %swap3A_695 = arith.constant 80 : index
            %swap3A_696 = tpu.vector_load %arg27[%swap3A_694, %swap3A_695] {strides = array<i32>} : memref<80x128xf32, #tpu.memory_space<vmem>>, vector<1x16xf32>,
            %swap3A_697 = vector.shape_cast %swap3A_696 : vector<1x16xf32> to vector<16xf32>
            %swap3A_698 = vector.shape_cast %mul3A_693 : vector<16xf32> to vector<1x16xf32>
            tpu.vector_store %arg27[%swap3A_694, %swap3A_695], %swap3A_698 {strides = array<i32>} : memref<80x128xf32, #tpu.memory_space<vmem>>, vector<1x16xf32>,
            %get3A_699 = arith.index_cast %add3A_605 : i32 to index
            %get3A_700 = arith.constant 96 : index
            %get3A_701 = tpu.vector_load %arg27[%get3A_699, %get3A_700] {strides = array<i32>} : memref<80x128xf32, #tpu.memory_space<vmem>>, vector<1x16xf32>,
            %get3A_702 = vector.shape_cast %get3A_701 : vector<1x16xf32> to vector<16xf32>
            %get3A_703 = arith.index_cast %add3A_605 : i32 to index
            %get3A_704 = arith.constant 96 : index
            %get3A_705 = tpu.vector_load %arg29[%get3A_703, %get3A_704] {strides = array<i32>} : memref<80x128xf32, #tpu.memory_space<vmem>>, vector<1x16xf32>,
            %get3A_706 = vector.shape_cast %get3A_705 : vector<1x16xf32> to vector<16xf32>
            %add3A_707 = arith.addf %get3A_702, %get3A_706 : vector<16xf32>
            %mul3A_708 = arith.mulf %add3A_707, %gather3A_608 : vector<16xf32>
            %swap3A_709 = arith.index_cast %add3A_605 : i32 to index
            %swap3A_710 = arith.constant 96 : index
            %swap3A_711 = tpu.vector_load %arg27[%swap3A_709, %swap3A_710] {strides = array<i32>} : memref<80x128xf32, #tpu.memory_space<vmem>>, vector<1x16xf32>,
            %swap3A_712 = vector.shape_cast %swap3A_711 : vector<1x16xf32> to vector<16xf32>
            %swap3A_713 = vector.shape_cast %mul3A_708 : vector<16xf32> to vector<1x16xf32>
            tpu.vector_store %arg27[%swap3A_709, %swap3A_710], %swap3A_713 {strides = array<i32>} : memref<80x128xf32, #tpu.memory_space<vmem>>, vector<1x16xf32>,
            %get3A_714 = arith.index_cast %add3A_605 : i32 to index
            %get3A_715 = arith.constant 112 : index
            %get3A_716 = tpu.vector_load %arg27[%get3A_714, %get3A_715] {strides = array<i32>} : memref<80x128xf32, #tpu.memory_space<vmem>>, vector<1x16xf32>,
            %get3A_717 = vector.shape_cast %get3A_716 : vector<1x16xf32> to vector<16xf32>
            %get3A_718 = arith.index_cast %add3A_605 : i32 to index
            %get3A_719 = arith.constant 112 : index
            %get3A_720 = tpu.vector_load %arg29[%get3A_718, %get3A_719] {strides = array<i32>} : memref<80x128xf32, #tpu.memory_space<vmem>>, vector<1x16xf32>,
            %get3A_721 = vector.shape_cast %get3A_720 : vector<1x16xf32> to vector<16xf32>
            %add3A_722 = arith.addf %get3A_717, %get3A_721 : vector<16xf32>
            %mul3A_723 = arith.mulf %add3A_722, %gather3A_608 : vector<16xf32>
            %swap3A_724 = arith.index_cast %add3A_605 : i32 to index
            %swap3A_725 = arith.constant 112 : index
            %swap3A_726 = tpu.vector_load %arg27[%swap3A_724, %swap3A_725] {strides = array<i32>} : memref<80x128xf32, #tpu.memory_space<vmem>>, vector<1x16xf32>,
            %swap3A_727 = vector.shape_cast %swap3A_726 : vector<1x16xf32> to vector<16xf32>
            %swap3A_728 = vector.shape_cast %mul3A_723 : vector<16xf32> to vector<1x16xf32>
            tpu.vector_store %arg27[%swap3A_724, %swap3A_725], %swap3A_728 {strides = array<i32>} : memref<80x128xf32, #tpu.memory_space<vmem>>, vector<1x16xf32>,
            %mul3A_729 = arith.constant 4 : i32
            %mul3A_730 = arith.muli %scan3A_340, %mul3A_729 : i32
            %add3A_731 = arith.constant 3 : i32
            %add3A_732 = arith.addi %mul3A_730, %add3A_731 : i32
            %mul3A_733 = arith.constant 16 : i32
            %mul3A_734 = arith.muli %scan3A_326, %mul3A_733 : i32
            %add3A_735 = arith.addi %mul3A_734, %add3A_732 : i32
            %broadcast_in_dim3A_736 = vector.broadcast %add3A_732 : i32 to vector<16x1xi32>
            %gather3A_737 = vector.shape_cast %broadcast_in_dim3A_736 : vector<16x1xi32> to vector<16xi32>
            %gather3A_738 = tpu.dynamic_gather %get3A_331[%gather3A_737] in [0] : vector<16xf32>, vector<16xi32> -> vector<16xf32>
            %get3A_739 = arith.index_cast %add3A_735 : i32 to index
            %get3A_740 = arith.constant 0 : index
            %get3A_741 = tpu.vector_load %arg27[%get3A_739, %get3A_740] {strides = array<i32>} : memref<80x128xf32, #tpu.memory_space<vmem>>, vector<1x16xf32>,
            %get3A_742 = vector.shape_cast %get3A_741 : vector<1x16xf32> to vector<16xf32>
            %get3A_743 = arith.index_cast %add3A_735 : i32 to index
            %get3A_744 = arith.constant 0 : index
            %get3A_745 = tpu.vector_load %arg29[%get3A_743, %get3A_744] {strides = array<i32>} : memref<80x128xf32, #tpu.memory_space<vmem>>, vector<1x16xf32>,
            %get3A_746 = vector.shape_cast %get3A_745 : vector<1x16xf32> to vector<16xf32>
            %add3A_747 = arith.addf %get3A_742, %get3A_746 : vector<16xf32>
            %mul3A_748 = arith.mulf %add3A_747, %gather3A_738 : vector<16xf32>
            %swap3A_749 = arith.index_cast %add3A_735 : i32 to index
            %swap3A_750 = arith.constant 0 : index
            %swap3A_751 = tpu.vector_load %arg27[%swap3A_749, %swap3A_750] {strides = array<i32>} : memref<80x128xf32, #tpu.memory_space<vmem>>, vector<1x16xf32>,
            %swap3A_752 = vector.shape_cast %swap3A_751 : vector<1x16xf32> to vector<16xf32>
            %swap3A_753 = vector.shape_cast %mul3A_748 : vector<16xf32> to vector<1x16xf32>
            tpu.vector_store %arg27[%swap3A_749, %swap3A_750], %swap3A_753 {strides = array<i32>} : memref<80x128xf32, #tpu.memory_space<vmem>>, vector<1x16xf32>,
            %get3A_754 = arith.index_cast %add3A_735 : i32 to index
            %get3A_755 = arith.constant 16 : index
            %get3A_756 = tpu.vector_load %arg27[%get3A_754, %get3A_755] {strides = array<i32>} : memref<80x128xf32, #tpu.memory_space<vmem>>, vector<1x16xf32>,
            %get3A_757 = vector.shape_cast %get3A_756 : vector<1x16xf32> to vector<16xf32>
            %get3A_758 = arith.index_cast %add3A_735 : i32 to index
            %get3A_759 = arith.constant 16 : index
            %get3A_760 = tpu.vector_load %arg29[%get3A_758, %get3A_759] {strides = array<i32>} : memref<80x128xf32, #tpu.memory_space<vmem>>, vector<1x16xf32>,
            %get3A_761 = vector.shape_cast %get3A_760 : vector<1x16xf32> to vector<16xf32>
            %add3A_762 = arith.addf %get3A_757, %get3A_761 : vector<16xf32>
            %mul3A_763 = arith.mulf %add3A_762, %gather3A_738 : vector<16xf32>
            %swap3A_764 = arith.index_cast %add3A_735 : i32 to index
            %swap3A_765 = arith.constant 16 : index
            %swap3A_766 = tpu.vector_load %arg27[%swap3A_764, %swap3A_765] {strides = array<i32>} : memref<80x128xf32, #tpu.memory_space<vmem>>, vector<1x16xf32>,
            %swap3A_767 = vector.shape_cast %swap3A_766 : vector<1x16xf32> to vector<16xf32>
            %swap3A_768 = vector.shape_cast %mul3A_763 : vector<16xf32> to vector<1x16xf32>
            tpu.vector_store %arg27[%swap3A_764, %swap3A_765], %swap3A_768 {strides = array<i32>} : memref<80x128xf32, #tpu.memory_space<vmem>>, vector<1x16xf32>,
            %get3A_769 = arith.index_cast %add3A_735 : i32 to index
            %get3A_770 = arith.constant 32 : index
            %get3A_771 = tpu.vector_load %arg27[%get3A_769, %get3A_770] {strides = array<i32>} : memref<80x128xf32, #tpu.memory_space<vmem>>, vector<1x16xf32>,
            %get3A_772 = vector.shape_cast %get3A_771 : vector<1x16xf32> to vector<16xf32>
            %get3A_773 = arith.index_cast %add3A_735 : i32 to index
            %get3A_774 = arith.constant 32 : index
            %get3A_775 = tpu.vector_load %arg29[%get3A_773, %get3A_774] {strides = array<i32>} : memref<80x128xf32, #tpu.memory_space<vmem>>, vector<1x16xf32>,
            %get3A_776 = vector.shape_cast %get3A_775 : vector<1x16xf32> to vector<16xf32>
            %add3A_777 = arith.addf %get3A_772, %get3A_776 : vector<16xf32>
            %mul3A_778 = arith.mulf %add3A_777, %gather3A_738 : vector<16xf32>
            %swap3A_779 = arith.index_cast %add3A_735 : i32 to index
            %swap3A_780 = arith.constant 32 : index
            %swap3A_781 = tpu.vector_load %arg27[%swap3A_779, %swap3A_780] {strides = array<i32>} : memref<80x128xf32, #tpu.memory_space<vmem>>, vector<1x16xf32>,
            %swap3A_782 = vector.shape_cast %swap3A_781 : vector<1x16xf32> to vector<16xf32>
            %swap3A_783 = vector.shape_cast %mul3A_778 : vector<16xf32> to vector<1x16xf32>
            tpu.vector_store %arg27[%swap3A_779, %swap3A_780], %swap3A_783 {strides = array<i32>} : memref<80x128xf32, #tpu.memory_space<vmem>>, vector<1x16xf32>,
            %get3A_784 = arith.index_cast %add3A_735 : i32 to index
            %get3A_785 = arith.constant 48 : index
            %get3A_786 = tpu.vector_load %arg27[%get3A_784, %get3A_785] {strides = array<i32>} : memref<80x128xf32, #tpu.memory_space<vmem>>, vector<1x16xf32>,
            %get3A_787 = vector.shape_cast %get3A_786 : vector<1x16xf32> to vector<16xf32>
            %get3A_788 = arith.index_cast %add3A_735 : i32 to index
            %get3A_789 = arith.constant 48 : index
            %get3A_790 = tpu.vector_load %arg29[%get3A_788, %get3A_789] {strides = array<i32>} : memref<80x128xf32, #tpu.memory_space<vmem>>, vector<1x16xf32>,
            %get3A_791 = vector.shape_cast %get3A_790 : vector<1x16xf32> to vector<16xf32>
            %add3A_792 = arith.addf %get3A_787, %get3A_791 : vector<16xf32>
            %mul3A_793 = arith.mulf %add3A_792, %gather3A_738 : vector<16xf32>
            %swap3A_794 = arith.index_cast %add3A_735 : i32 to index
            %swap3A_795 = arith.constant 48 : index
            %swap3A_796 = tpu.vector_load %arg27[%swap3A_794, %swap3A_795] {strides = array<i32>} : memref<80x128xf32, #tpu.memory_space<vmem>>, vector<1x16xf32>,
            %swap3A_797 = vector.shape_cast %swap3A_796 : vector<1x16xf32> to vector<16xf32>
            %swap3A_798 = vector.shape_cast %mul3A_793 : vector<16xf32> to vector<1x16xf32>
            tpu.vector_store %arg27[%swap3A_794, %swap3A_795], %swap3A_798 {strides = array<i32>} : memref<80x128xf32, #tpu.memory_space<vmem>>, vector<1x16xf32>,
            %get3A_799 = arith.index_cast %add3A_735 : i32 to index
            %get3A_800 = arith.constant 64 : index
            %get3A_801 = tpu.vector_load %arg27[%get3A_799, %get3A_800] {strides = array<i32>} : memref<80x128xf32, #tpu.memory_space<vmem>>, vector<1x16xf32>,
            %get3A_802 = vector.shape_cast %get3A_801 : vector<1x16xf32> to vector<16xf32>
            %get3A_803 = arith.index_cast %add3A_735 : i32 to index
            %get3A_804 = arith.constant 64 : index
            %get3A_805 = tpu.vector_load %arg29[%get3A_803, %get3A_804] {strides = array<i32>} : memref<80x128xf32, #tpu.memory_space<vmem>>, vector<1x16xf32>,
            %get3A_806 = vector.shape_cast %get3A_805 : vector<1x16xf32> to vector<16xf32>
            %add3A_807 = arith.addf %get3A_802, %get3A_806 : vector<16xf32>
            %mul3A_808 = arith.mulf %add3A_807, %gather3A_738 : vector<16xf32>
            %swap3A_809 = arith.index_cast %add3A_735 : i32 to index
            %swap3A_810 = arith.constant 64 : index
            %swap3A_811 = tpu.vector_load %arg27[%swap3A_809, %swap3A_810] {strides = array<i32>} : memref<80x128xf32, #tpu.memory_space<vmem>>, vector<1x16xf32>,
            %swap3A_812 = vector.shape_cast %swap3A_811 : vector<1x16xf32> to vector<16xf32>
            %swap3A_813 = vector.shape_cast %mul3A_808 : vector<16xf32> to vector<1x16xf32>
            tpu.vector_store %arg27[%swap3A_809, %swap3A_810], %swap3A_813 {strides = array<i32>} : memref<80x128xf32, #tpu.memory_space<vmem>>, vector<1x16xf32>,
            %get3A_814 = arith.index_cast %add3A_735 : i32 to index
            %get3A_815 = arith.constant 80 : index
            %get3A_816 = tpu.vector_load %arg27[%get3A_814, %get3A_815] {strides = array<i32>} : memref<80x128xf32, #tpu.memory_space<vmem>>, vector<1x16xf32>,
            %get3A_817 = vector.shape_cast %get3A_816 : vector<1x16xf32> to vector<16xf32>
            %get3A_818 = arith.index_cast %add3A_735 : i32 to index
            %get3A_819 = arith.constant 80 : index
            %get3A_820 = tpu.vector_load %arg29[%get3A_818, %get3A_819] {strides = array<i32>} : memref<80x128xf32, #tpu.memory_space<vmem>>, vector<1x16xf32>,
            %get3A_821 = vector.shape_cast %get3A_820 : vector<1x16xf32> to vector<16xf32>
            %add3A_822 = arith.addf %get3A_817, %get3A_821 : vector<16xf32>
            %mul3A_823 = arith.mulf %add3A_822, %gather3A_738 : vector<16xf32>
            %swap3A_824 = arith.index_cast %add3A_735 : i32 to index
            %swap3A_825 = arith.constant 80 : index
            %swap3A_826 = tpu.vector_load %arg27[%swap3A_824, %swap3A_825] {strides = array<i32>} : memref<80x128xf32, #tpu.memory_space<vmem>>, vector<1x16xf32>,
            %swap3A_827 = vector.shape_cast %swap3A_826 : vector<1x16xf32> to vector<16xf32>
            %swap3A_828 = vector.shape_cast %mul3A_823 : vector<16xf32> to vector<1x16xf32>
            tpu.vector_store %arg27[%swap3A_824, %swap3A_825], %swap3A_828 {strides = array<i32>} : memref<80x128xf32, #tpu.memory_space<vmem>>, vector<1x16xf32>,
            %get3A_829 = arith.index_cast %add3A_735 : i32 to index
            %get3A_830 = arith.constant 96 : index
            %get3A_831 = tpu.vector_load %arg27[%get3A_829, %get3A_830] {strides = array<i32>} : memref<80x128xf32, #tpu.memory_space<vmem>>, vector<1x16xf32>,
            %get3A_832 = vector.shape_cast %get3A_831 : vector<1x16xf32> to vector<16xf32>
            %get3A_833 = arith.index_cast %add3A_735 : i32 to index
            %get3A_834 = arith.constant 96 : index
            %get3A_835 = tpu.vector_load %arg29[%get3A_833, %get3A_834] {strides = array<i32>} : memref<80x128xf32, #tpu.memory_space<vmem>>, vector<1x16xf32>,
            %get3A_836 = vector.shape_cast %get3A_835 : vector<1x16xf32> to vector<16xf32>
            %add3A_837 = arith.addf %get3A_832, %get3A_836 : vector<16xf32>
            %mul3A_838 = arith.mulf %add3A_837, %gather3A_738 : vector<16xf32>
            %swap3A_839 = arith.index_cast %add3A_735 : i32 to index
            %swap3A_840 = arith.constant 96 : index
            %swap3A_841 = tpu.vector_load %arg27[%swap3A_839, %swap3A_840] {strides = array<i32>} : memref<80x128xf32, #tpu.memory_space<vmem>>, vector<1x16xf32>,
            %swap3A_842 = vector.shape_cast %swap3A_841 : vector<1x16xf32> to vector<16xf32>
            %swap3A_843 = vector.shape_cast %mul3A_838 : vector<16xf32> to vector<1x16xf32>
            tpu.vector_store %arg27[%swap3A_839, %swap3A_840], %swap3A_843 {strides = array<i32>} : memref<80x128xf32, #tpu.memory_space<vmem>>, vector<1x16xf32>,
            %get3A_844 = arith.index_cast %add3A_735 : i32 to index
            %get3A_845 = arith.constant 112 : index
            %get3A_846 = tpu.vector_load %arg27[%get3A_844, %get3A_845] {strides = array<i32>} : memref<80x128xf32, #tpu.memory_space<vmem>>, vector<1x16xf32>,
            %get3A_847 = vector.shape_cast %get3A_846 : vector<1x16xf32> to vector<16xf32>
            %get3A_848 = arith.index_cast %add3A_735 : i32 to index
            %get3A_849 = arith.constant 112 : index
            %get3A_850 = tpu.vector_load %arg29[%get3A_848, %get3A_849] {strides = array<i32>} : memref<80x128xf32, #tpu.memory_space<vmem>>, vector<1x16xf32>,
            %get3A_851 = vector.shape_cast %get3A_850 : vector<1x16xf32> to vector<16xf32>
            %add3A_852 = arith.addf %get3A_847, %get3A_851 : vector<16xf32>
            %mul3A_853 = arith.mulf %add3A_852, %gather3A_738 : vector<16xf32>
            %swap3A_854 = arith.index_cast %add3A_735 : i32 to index
            %swap3A_855 = arith.constant 112 : index
            %swap3A_856 = tpu.vector_load %arg27[%swap3A_854, %swap3A_855] {strides = array<i32>} : memref<80x128xf32, #tpu.memory_space<vmem>>, vector<1x16xf32>,
            %swap3A_857 = vector.shape_cast %swap3A_856 : vector<1x16xf32> to vector<16xf32>
            %swap3A_858 = vector.shape_cast %mul3A_853 : vector<16xf32> to vector<1x16xf32>
            tpu.vector_store %arg27[%swap3A_854, %swap3A_855], %swap3A_858 {strides = array<i32>} : memref<80x128xf32, #tpu.memory_space<vmem>>, vector<1x16xf32>,
            %scan3A_859 = arith.constant 0 : i32
            scf.yield %scan3A_859 : i32
          }
          %scan3A_338 = arith.constant 4 : i32
          %scan3A_339 = arith.constant 0 : i32
          scf.yield %scan3A_339 : i32
        }
        %scan3A_322 = arith.constant 5 : i32
        %dma_start3A_323 = arith.constant 0 : i32
        %dma_start3A_324 = arith.constant 0 : i32
        %dma_start3A_325 = tpu.memref_slice %arg34[%dma_start3A_323, %dma_start3A_324] : memref<10000x128xf32, #tpu.memory_space<vmem_shared>> -> memref<10000x128xf32, #tpu.memory_space<vmem_shared>>
        tpu.enqueue_indirect_dma source(%arg27 : memref<80x128xf32, #tpu.memory_space<vmem>>) target(%dma_start3A_325 : memref<10000x128xf32, #tpu.memory_space<vmem_shared>>) offsets(%arg23 : memref<80xi32, #tpu.memory_space<vmem>>) semaphore(%arg39 : memref<!tpu.dma_semaphore, #tpu.memory_space<semaphore_mem>>) {add = true}
      } else {
      }
      %add3A_271 = arith.constant 2 : i32
      %add3A_272 = arith.addi %mul3A_251, %add3A_271 : i32
      %lt3A_273 = arith.constant 125 : i32
      %lt3A_274 = arith.cmpi slt, %add3A_272, %lt3A_273 : i32
      %convert_element_type3A_275 = arith.extui %lt3A_274 : i1 to i32
      %cond3A_276 = arith.constant 0 : i32
      %cond3A_277 = arith.cmpi ne, %convert_element_type3A_275, %cond3A_276 : i32
      scf.if %cond3A_277 {
        %mul3A_308 = arith.constant 10000 : i32
        %mul3A_309 = arith.muli %add3A, %mul3A_308 : i32
        %mul3A_310 = arith.constant 80 : i32
        %mul3A_311 = arith.muli %add3A_272, %mul3A_310 : i32
        %add3A_312 = arith.addi %mul3A_309, %mul3A_311 : i32
        %dma_start3A_313 = arith.constant 0 : i32
        %dma_start3A_314 = tpu.memref_slice %arg9[%dma_start3A_313] : memref<320xi32, #tpu.memory_space<vmem>> -> memref<80xi32, #tpu.memory_space<vmem>>
        %dma_start3A_315 = tpu.memref_slice %arg2[%add3A_312] : memref<320000xi32, #tpu.memory_space<hbm>> -> memref<80xi32, #tpu.memory_space<hbm>>
        %dma_start3A_316 = arith.constant 0 : i32
        %dma_start3A_317 = tpu.memref_slice %arg9[%dma_start3A_316] : memref<320xi32, #tpu.memory_space<vmem>> -> memref<80xi32, #tpu.memory_space<vmem>>
        %dma_start3A_318 = tpu.memref_slice %arg2[%add3A_312] : memref<320000xi32, #tpu.memory_space<hbm>> -> memref<80xi32, #tpu.memory_space<hbm>>
        tpu.enqueue_dma source(%dma_start3A_318 : memref<80xi32, #tpu.memory_space<hbm>>) target(%dma_start3A_317 : memref<80xi32, #tpu.memory_space<vmem>>) target_semaphore(%arg35 : memref<!tpu.dma_semaphore, #tpu.memory_space<semaphore_mem>>)
        %mul3A_319 = arith.constant 10000 : i32
        %mul3A_320 = arith.muli %add3A, %mul3A_319 : i32
        %mul3A_321 = arith.constant 80 : i32
        %mul3A_322 = arith.muli %add3A_272, %mul3A_321 : i32
        %add3A_323 = arith.addi %mul3A_320, %mul3A_322 : i32
        %dma_start3A_324 = arith.constant 80 : i32
        %dma_start3A_325 = tpu.memref_slice %arg9[%dma_start3A_324] : memref<320xi32, #tpu.memory_space<vmem>> -> memref<80xi32, #tpu.memory_space<vmem>>
        %dma_start3A_326 = tpu.memref_slice %arg3[%add3A_323] : memref<320000xi32, #tpu.memory_space<hbm>> -> memref<80xi32, #tpu.memory_space<hbm>>
        %dma_start3A_327 = arith.constant 80 : i32
        %dma_start3A_328 = tpu.memref_slice %arg9[%dma_start3A_327] : memref<320xi32, #tpu.memory_space<vmem>> -> memref<80xi32, #tpu.memory_space<vmem>>
        %dma_start3A_329 = tpu.memref_slice %arg3[%add3A_323] : memref<320000xi32, #tpu.memory_space<hbm>> -> memref<80xi32, #tpu.memory_space<hbm>>
        tpu.enqueue_dma source(%dma_start3A_329 : memref<80xi32, #tpu.memory_space<hbm>>) target(%dma_start3A_328 : memref<80xi32, #tpu.memory_space<vmem>>) target_semaphore(%arg35 : memref<!tpu.dma_semaphore, #tpu.memory_space<semaphore_mem>>)
        %mul3A_330 = arith.constant 10000 : i32
        %mul3A_331 = arith.muli %add3A, %mul3A_330 : i32
        %mul3A_332 = arith.constant 80 : i32
        %mul3A_333 = arith.muli %add3A_272, %mul3A_332 : i32
        %add3A_334 = arith.addi %mul3A_331, %mul3A_333 : i32
        %dma_start3A_335 = arith.constant 160 : i32
        %dma_start3A_336 = tpu.memref_slice %arg9[%dma_start3A_335] : memref<320xi32, #tpu.memory_space<vmem>> -> memref<80xi32, #tpu.memory_space<vmem>>
        %dma_start3A_337 = tpu.memref_slice %arg4[%add3A_334] : memref<320000xi32, #tpu.memory_space<hbm>> -> memref<80xi32, #tpu.memory_space<hbm>>
        %dma_start3A_338 = arith.constant 160 : i32
        %dma_start3A_339 = tpu.memref_slice %arg9[%dma_start3A_338] : memref<320xi32, #tpu.memory_space<vmem>> -> memref<80xi32, #tpu.memory_space<vmem>>
        %dma_start3A_340 = tpu.memref_slice %arg4[%add3A_334] : memref<320000xi32, #tpu.memory_space<hbm>> -> memref<80xi32, #tpu.memory_space<hbm>>
        tpu.enqueue_dma source(%dma_start3A_340 : memref<80xi32, #tpu.memory_space<hbm>>) target(%dma_start3A_339 : memref<80xi32, #tpu.memory_space<vmem>>) target_semaphore(%arg35 : memref<!tpu.dma_semaphore, #tpu.memory_space<semaphore_mem>>)
        %mul3A_341 = arith.constant 10000 : i32
        %mul3A_342 = arith.muli %add3A, %mul3A_341 : i32
        %mul3A_343 = arith.constant 80 : i32
        %mul3A_344 = arith.muli %add3A_272, %mul3A_343 : i32
        %add3A_345 = arith.addi %mul3A_342, %mul3A_344 : i32
        %dma_start3A_346 = arith.constant 240 : i32
        %dma_start3A_347 = tpu.memref_slice %arg9[%dma_start3A_346] : memref<320xi32, #tpu.memory_space<vmem>> -> memref<80xi32, #tpu.memory_space<vmem>>
        %dma_start3A_348 = tpu.memref_slice %arg5[%add3A_345] : memref<320000xi32, #tpu.memory_space<hbm>> -> memref<80xi32, #tpu.memory_space<hbm>>
        %dma_start3A_349 = arith.constant 240 : i32
        %dma_start3A_350 = tpu.memref_slice %arg9[%dma_start3A_349] : memref<320xi32, #tpu.memory_space<vmem>> -> memref<80xi32, #tpu.memory_space<vmem>>
        %dma_start3A_351 = tpu.memref_slice %arg5[%add3A_345] : memref<320000xi32, #tpu.memory_space<hbm>> -> memref<80xi32, #tpu.memory_space<hbm>>
        tpu.enqueue_dma source(%dma_start3A_351 : memref<80xi32, #tpu.memory_space<hbm>>) target(%dma_start3A_350 : memref<80xi32, #tpu.memory_space<vmem>>) target_semaphore(%arg35 : memref<!tpu.dma_semaphore, #tpu.memory_space<semaphore_mem>>)
      } else {
      }
      %add3A_278 = arith.constant 1 : i32
      %add3A_279 = arith.addi %mul3A_251, %add3A_278 : i32
      %lt3A_280 = arith.constant 125 : i32
      %lt3A_281 = arith.cmpi slt, %add3A_279, %lt3A_280 : i32
      %convert_element_type3A_282 = arith.extui %lt3A_281 : i1 to i32
      %cond3A_283 = arith.constant 0 : i32
      %cond3A_284 = arith.cmpi ne, %convert_element_type3A_282, %cond3A_283 : i32
      scf.if %cond3A_284 {
        %dma_wait3A_308 = arith.constant 0 : i32
        %dma_wait3A_309 = tpu.memref_slice %arg33[%dma_wait3A_308] : memref<40000xf32, #tpu.memory_space<vmem_shared>> -> memref<40000xf32, #tpu.memory_space<vmem_shared>>
        tpu.wait_indirect_dma semaphore(%arg42 : memref<!tpu.dma_semaphore, #tpu.memory_space<semaphore_mem>>) src(%dma_wait3A_309 : memref<40000xf32, #tpu.memory_space<vmem_shared>>) dst(%arg26 : memref<80xf32, #tpu.memory_space<vmem>>)
        %dma_wait3A_310 = arith.constant 0 : i32
        %dma_wait3A_311 = arith.constant 0 : i32
        %dma_wait3A_312 = tpu.memref_slice %arg6[%dma_wait3A_310, %dma_wait3A_311] : memref<40000x128xf32, #tpu.memory_space<hbm>> -> memref<40000x128xf32, #tpu.memory_space<hbm>>
        tpu.wait_indirect_dma semaphore(%arg38 : memref<!tpu.dma_semaphore, #tpu.memory_space<semaphore_mem>>) src(%dma_wait3A_312 : memref<40000x128xf32, #tpu.memory_space<hbm>>) dst(%arg28 : memref<80x128xf32, #tpu.memory_space<vmem>>)
        %dma_wait3A_313 = arith.constant 0 : i32
        %dma_wait3A_314 = arith.constant 0 : i32
        %dma_wait3A_315 = tpu.memref_slice %arg7[%dma_wait3A_313, %dma_wait3A_314] : memref<40000x128xf32, #tpu.memory_space<hbm>> -> memref<40000x128xf32, #tpu.memory_space<hbm>>
        tpu.wait_indirect_dma semaphore(%arg38 : memref<!tpu.dma_semaphore, #tpu.memory_space<semaphore_mem>>) src(%dma_wait3A_315 : memref<40000x128xf32, #tpu.memory_space<hbm>>) dst(%arg30 : memref<80x128xf32, #tpu.memory_space<vmem>>)
        %scan3A_316 = arith.constant 0 : i32
        %scan3A_317 = arith.constant 0 : i32
        %scan3A_318 = arith.constant 5 : i32
        %scan3A_319 = arith.addi %scan3A_317, %scan3A_318 : i32
        %scan3A_320 = arith.constant 1 : i32
        %scan3A_321 = scf.for %scan3A_326 = %scan3A_317 to %scan3A_319 step %scan3A_320 iter_args(%scan3A_327 = %scan3A_316) -> (i32)  : i32 {
          %mul3A_328 = arith.constant 16 : i32
          %mul3A_329 = arith.muli %scan3A_326, %mul3A_328 : i32
          %get3A = arith.index_cast %mul3A_329 : i32 to index
          %get3A_330 = tpu.vector_load %arg26[%get3A] {strides = array<i32>} : memref<80xf32, #tpu.memory_space<vmem>>, vector<16xf32>,
          %get3A_331 = vector.shape_cast %get3A_330 : vector<16xf32> to vector<16xf32>
          %scan3A_332 = arith.constant 0 : i32
          %scan3A_333 = arith.constant 0 : i32
          %scan3A_334 = arith.constant 4 : i32
          %scan3A_335 = arith.addi %scan3A_333, %scan3A_334 : i32
          %scan3A_336 = arith.constant 1 : i32
          %scan3A_337 = scf.for %scan3A_340 = %scan3A_333 to %scan3A_335 step %scan3A_336 iter_args(%scan3A_341 = %scan3A_332) -> (i32)  : i32 {
            %mul3A_342 = arith.constant 4 : i32
            %mul3A_343 = arith.muli %scan3A_340, %mul3A_342 : i32
            %add3A_344 = arith.constant 0 : i32
            %add3A_345 = arith.addi %mul3A_343, %add3A_344 : i32
            %mul3A_346 = arith.constant 16 : i32
            %mul3A_347 = arith.muli %scan3A_326, %mul3A_346 : i32
            %add3A_348 = arith.addi %mul3A_347, %add3A_345 : i32
            %broadcast_in_dim3A = vector.broadcast %add3A_345 : i32 to vector<16x1xi32>
            %gather3A = vector.shape_cast %broadcast_in_dim3A : vector<16x1xi32> to vector<16xi32>
            %gather3A_349 = tpu.dynamic_gather %get3A_331[%gather3A] in [0] : vector<16xf32>, vector<16xi32> -> vector<16xf32>
            %get3A_350 = arith.index_cast %add3A_348 : i32 to index
            %get3A_351 = arith.constant 0 : index
            %get3A_352 = tpu.vector_load %arg28[%get3A_350, %get3A_351] {strides = array<i32>} : memref<80x128xf32, #tpu.memory_space<vmem>>, vector<1x16xf32>,
            %get3A_353 = vector.shape_cast %get3A_352 : vector<1x16xf32> to vector<16xf32>
            %get3A_354 = arith.index_cast %add3A_348 : i32 to index
            %get3A_355 = arith.constant 0 : index
            %get3A_356 = tpu.vector_load %arg30[%get3A_354, %get3A_355] {strides = array<i32>} : memref<80x128xf32, #tpu.memory_space<vmem>>, vector<1x16xf32>,
            %get3A_357 = vector.shape_cast %get3A_356 : vector<1x16xf32> to vector<16xf32>
            %add3A_358 = arith.addf %get3A_353, %get3A_357 : vector<16xf32>
            %mul3A_359 = arith.mulf %add3A_358, %gather3A_349 : vector<16xf32>
            %swap3A = arith.index_cast %add3A_348 : i32 to index
            %swap3A_360 = arith.constant 0 : index
            %swap3A_361 = tpu.vector_load %arg28[%swap3A, %swap3A_360] {strides = array<i32>} : memref<80x128xf32, #tpu.memory_space<vmem>>, vector<1x16xf32>,
            %swap3A_362 = vector.shape_cast %swap3A_361 : vector<1x16xf32> to vector<16xf32>
            %swap3A_363 = vector.shape_cast %mul3A_359 : vector<16xf32> to vector<1x16xf32>
            tpu.vector_store %arg28[%swap3A, %swap3A_360], %swap3A_363 {strides = array<i32>} : memref<80x128xf32, #tpu.memory_space<vmem>>, vector<1x16xf32>,
            %get3A_364 = arith.index_cast %add3A_348 : i32 to index
            %get3A_365 = arith.constant 16 : index
            %get3A_366 = tpu.vector_load %arg28[%get3A_364, %get3A_365] {strides = array<i32>} : memref<80x128xf32, #tpu.memory_space<vmem>>, vector<1x16xf32>,
            %get3A_367 = vector.shape_cast %get3A_366 : vector<1x16xf32> to vector<16xf32>
            %get3A_368 = arith.index_cast %add3A_348 : i32 to index
            %get3A_369 = arith.constant 16 : index
            %get3A_370 = tpu.vector_load %arg30[%get3A_368, %get3A_369] {strides = array<i32>} : memref<80x128xf32, #tpu.memory_space<vmem>>, vector<1x16xf32>,
            %get3A_371 = vector.shape_cast %get3A_370 : vector<1x16xf32> to vector<16xf32>
            %add3A_372 = arith.addf %get3A_367, %get3A_371 : vector<16xf32>
            %mul3A_373 = arith.mulf %add3A_372, %gather3A_349 : vector<16xf32>
            %swap3A_374 = arith.index_cast %add3A_348 : i32 to index
            %swap3A_375 = arith.constant 16 : index
            %swap3A_376 = tpu.vector_load %arg28[%swap3A_374, %swap3A_375] {strides = array<i32>} : memref<80x128xf32, #tpu.memory_space<vmem>>, vector<1x16xf32>,
            %swap3A_377 = vector.shape_cast %swap3A_376 : vector<1x16xf32> to vector<16xf32>
            %swap3A_378 = vector.shape_cast %mul3A_373 : vector<16xf32> to vector<1x16xf32>
            tpu.vector_store %arg28[%swap3A_374, %swap3A_375], %swap3A_378 {strides = array<i32>} : memref<80x128xf32, #tpu.memory_space<vmem>>, vector<1x16xf32>,
            %get3A_379 = arith.index_cast %add3A_348 : i32 to index
            %get3A_380 = arith.constant 32 : index
            %get3A_381 = tpu.vector_load %arg28[%get3A_379, %get3A_380] {strides = array<i32>} : memref<80x128xf32, #tpu.memory_space<vmem>>, vector<1x16xf32>,
            %get3A_382 = vector.shape_cast %get3A_381 : vector<1x16xf32> to vector<16xf32>
            %get3A_383 = arith.index_cast %add3A_348 : i32 to index
            %get3A_384 = arith.constant 32 : index
            %get3A_385 = tpu.vector_load %arg30[%get3A_383, %get3A_384] {strides = array<i32>} : memref<80x128xf32, #tpu.memory_space<vmem>>, vector<1x16xf32>,
            %get3A_386 = vector.shape_cast %get3A_385 : vector<1x16xf32> to vector<16xf32>
            %add3A_387 = arith.addf %get3A_382, %get3A_386 : vector<16xf32>
            %mul3A_388 = arith.mulf %add3A_387, %gather3A_349 : vector<16xf32>
            %swap3A_389 = arith.index_cast %add3A_348 : i32 to index
            %swap3A_390 = arith.constant 32 : index
            %swap3A_391 = tpu.vector_load %arg28[%swap3A_389, %swap3A_390] {strides = array<i32>} : memref<80x128xf32, #tpu.memory_space<vmem>>, vector<1x16xf32>,
            %swap3A_392 = vector.shape_cast %swap3A_391 : vector<1x16xf32> to vector<16xf32>
            %swap3A_393 = vector.shape_cast %mul3A_388 : vector<16xf32> to vector<1x16xf32>
            tpu.vector_store %arg28[%swap3A_389, %swap3A_390], %swap3A_393 {strides = array<i32>} : memref<80x128xf32, #tpu.memory_space<vmem>>, vector<1x16xf32>,
            %get3A_394 = arith.index_cast %add3A_348 : i32 to index
            %get3A_395 = arith.constant 48 : index
            %get3A_396 = tpu.vector_load %arg28[%get3A_394, %get3A_395] {strides = array<i32>} : memref<80x128xf32, #tpu.memory_space<vmem>>, vector<1x16xf32>,
            %get3A_397 = vector.shape_cast %get3A_396 : vector<1x16xf32> to vector<16xf32>
            %get3A_398 = arith.index_cast %add3A_348 : i32 to index
            %get3A_399 = arith.constant 48 : index
            %get3A_400 = tpu.vector_load %arg30[%get3A_398, %get3A_399] {strides = array<i32>} : memref<80x128xf32, #tpu.memory_space<vmem>>, vector<1x16xf32>,
            %get3A_401 = vector.shape_cast %get3A_400 : vector<1x16xf32> to vector<16xf32>
            %add3A_402 = arith.addf %get3A_397, %get3A_401 : vector<16xf32>
            %mul3A_403 = arith.mulf %add3A_402, %gather3A_349 : vector<16xf32>
            %swap3A_404 = arith.index_cast %add3A_348 : i32 to index
            %swap3A_405 = arith.constant 48 : index
            %swap3A_406 = tpu.vector_load %arg28[%swap3A_404, %swap3A_405] {strides = array<i32>} : memref<80x128xf32, #tpu.memory_space<vmem>>, vector<1x16xf32>,
            %swap3A_407 = vector.shape_cast %swap3A_406 : vector<1x16xf32> to vector<16xf32>
            %swap3A_408 = vector.shape_cast %mul3A_403 : vector<16xf32> to vector<1x16xf32>
            tpu.vector_store %arg28[%swap3A_404, %swap3A_405], %swap3A_408 {strides = array<i32>} : memref<80x128xf32, #tpu.memory_space<vmem>>, vector<1x16xf32>,
            %get3A_409 = arith.index_cast %add3A_348 : i32 to index
            %get3A_410 = arith.constant 64 : index
            %get3A_411 = tpu.vector_load %arg28[%get3A_409, %get3A_410] {strides = array<i32>} : memref<80x128xf32, #tpu.memory_space<vmem>>, vector<1x16xf32>,
            %get3A_412 = vector.shape_cast %get3A_411 : vector<1x16xf32> to vector<16xf32>
            %get3A_413 = arith.index_cast %add3A_348 : i32 to index
            %get3A_414 = arith.constant 64 : index
            %get3A_415 = tpu.vector_load %arg30[%get3A_413, %get3A_414] {strides = array<i32>} : memref<80x128xf32, #tpu.memory_space<vmem>>, vector<1x16xf32>,
            %get3A_416 = vector.shape_cast %get3A_415 : vector<1x16xf32> to vector<16xf32>
            %add3A_417 = arith.addf %get3A_412, %get3A_416 : vector<16xf32>
            %mul3A_418 = arith.mulf %add3A_417, %gather3A_349 : vector<16xf32>
            %swap3A_419 = arith.index_cast %add3A_348 : i32 to index
            %swap3A_420 = arith.constant 64 : index
            %swap3A_421 = tpu.vector_load %arg28[%swap3A_419, %swap3A_420] {strides = array<i32>} : memref<80x128xf32, #tpu.memory_space<vmem>>, vector<1x16xf32>,
            %swap3A_422 = vector.shape_cast %swap3A_421 : vector<1x16xf32> to vector<16xf32>
            %swap3A_423 = vector.shape_cast %mul3A_418 : vector<16xf32> to vector<1x16xf32>
            tpu.vector_store %arg28[%swap3A_419, %swap3A_420], %swap3A_423 {strides = array<i32>} : memref<80x128xf32, #tpu.memory_space<vmem>>, vector<1x16xf32>,
            %get3A_424 = arith.index_cast %add3A_348 : i32 to index
            %get3A_425 = arith.constant 80 : index
            %get3A_426 = tpu.vector_load %arg28[%get3A_424, %get3A_425] {strides = array<i32>} : memref<80x128xf32, #tpu.memory_space<vmem>>, vector<1x16xf32>,
            %get3A_427 = vector.shape_cast %get3A_426 : vector<1x16xf32> to vector<16xf32>
            %get3A_428 = arith.index_cast %add3A_348 : i32 to index
            %get3A_429 = arith.constant 80 : index
            %get3A_430 = tpu.vector_load %arg30[%get3A_428, %get3A_429] {strides = array<i32>} : memref<80x128xf32, #tpu.memory_space<vmem>>, vector<1x16xf32>,
            %get3A_431 = vector.shape_cast %get3A_430 : vector<1x16xf32> to vector<16xf32>
            %add3A_432 = arith.addf %get3A_427, %get3A_431 : vector<16xf32>
            %mul3A_433 = arith.mulf %add3A_432, %gather3A_349 : vector<16xf32>
            %swap3A_434 = arith.index_cast %add3A_348 : i32 to index
            %swap3A_435 = arith.constant 80 : index
            %swap3A_436 = tpu.vector_load %arg28[%swap3A_434, %swap3A_435] {strides = array<i32>} : memref<80x128xf32, #tpu.memory_space<vmem>>, vector<1x16xf32>,
            %swap3A_437 = vector.shape_cast %swap3A_436 : vector<1x16xf32> to vector<16xf32>
            %swap3A_438 = vector.shape_cast %mul3A_433 : vector<16xf32> to vector<1x16xf32>
            tpu.vector_store %arg28[%swap3A_434, %swap3A_435], %swap3A_438 {strides = array<i32>} : memref<80x128xf32, #tpu.memory_space<vmem>>, vector<1x16xf32>,
            %get3A_439 = arith.index_cast %add3A_348 : i32 to index
            %get3A_440 = arith.constant 96 : index
            %get3A_441 = tpu.vector_load %arg28[%get3A_439, %get3A_440] {strides = array<i32>} : memref<80x128xf32, #tpu.memory_space<vmem>>, vector<1x16xf32>,
            %get3A_442 = vector.shape_cast %get3A_441 : vector<1x16xf32> to vector<16xf32>
            %get3A_443 = arith.index_cast %add3A_348 : i32 to index
            %get3A_444 = arith.constant 96 : index
            %get3A_445 = tpu.vector_load %arg30[%get3A_443, %get3A_444] {strides = array<i32>} : memref<80x128xf32, #tpu.memory_space<vmem>>, vector<1x16xf32>,
            %get3A_446 = vector.shape_cast %get3A_445 : vector<1x16xf32> to vector<16xf32>
            %add3A_447 = arith.addf %get3A_442, %get3A_446 : vector<16xf32>
            %mul3A_448 = arith.mulf %add3A_447, %gather3A_349 : vector<16xf32>
            %swap3A_449 = arith.index_cast %add3A_348 : i32 to index
            %swap3A_450 = arith.constant 96 : index
            %swap3A_451 = tpu.vector_load %arg28[%swap3A_449, %swap3A_450] {strides = array<i32>} : memref<80x128xf32, #tpu.memory_space<vmem>>, vector<1x16xf32>,
            %swap3A_452 = vector.shape_cast %swap3A_451 : vector<1x16xf32> to vector<16xf32>
            %swap3A_453 = vector.shape_cast %mul3A_448 : vector<16xf32> to vector<1x16xf32>
            tpu.vector_store %arg28[%swap3A_449, %swap3A_450], %swap3A_453 {strides = array<i32>} : memref<80x128xf32, #tpu.memory_space<vmem>>, vector<1x16xf32>,
            %get3A_454 = arith.index_cast %add3A_348 : i32 to index
            %get3A_455 = arith.constant 112 : index
            %get3A_456 = tpu.vector_load %arg28[%get3A_454, %get3A_455] {strides = array<i32>} : memref<80x128xf32, #tpu.memory_space<vmem>>, vector<1x16xf32>,
            %get3A_457 = vector.shape_cast %get3A_456 : vector<1x16xf32> to vector<16xf32>
            %get3A_458 = arith.index_cast %add3A_348 : i32 to index
            %get3A_459 = arith.constant 112 : index
            %get3A_460 = tpu.vector_load %arg30[%get3A_458, %get3A_459] {strides = array<i32>} : memref<80x128xf32, #tpu.memory_space<vmem>>, vector<1x16xf32>,
            %get3A_461 = vector.shape_cast %get3A_460 : vector<1x16xf32> to vector<16xf32>
            %add3A_462 = arith.addf %get3A_457, %get3A_461 : vector<16xf32>
            %mul3A_463 = arith.mulf %add3A_462, %gather3A_349 : vector<16xf32>
            %swap3A_464 = arith.index_cast %add3A_348 : i32 to index
            %swap3A_465 = arith.constant 112 : index
            %swap3A_466 = tpu.vector_load %arg28[%swap3A_464, %swap3A_465] {strides = array<i32>} : memref<80x128xf32, #tpu.memory_space<vmem>>, vector<1x16xf32>,
            %swap3A_467 = vector.shape_cast %swap3A_466 : vector<1x16xf32> to vector<16xf32>
            %swap3A_468 = vector.shape_cast %mul3A_463 : vector<16xf32> to vector<1x16xf32>
            tpu.vector_store %arg28[%swap3A_464, %swap3A_465], %swap3A_468 {strides = array<i32>} : memref<80x128xf32, #tpu.memory_space<vmem>>, vector<1x16xf32>,
            %mul3A_469 = arith.constant 4 : i32
            %mul3A_470 = arith.muli %scan3A_340, %mul3A_469 : i32
            %add3A_471 = arith.constant 1 : i32
            %add3A_472 = arith.addi %mul3A_470, %add3A_471 : i32
            %mul3A_473 = arith.constant 16 : i32
            %mul3A_474 = arith.muli %scan3A_326, %mul3A_473 : i32
            %add3A_475 = arith.addi %mul3A_474, %add3A_472 : i32
            %broadcast_in_dim3A_476 = vector.broadcast %add3A_472 : i32 to vector<16x1xi32>
            %gather3A_477 = vector.shape_cast %broadcast_in_dim3A_476 : vector<16x1xi32> to vector<16xi32>
            %gather3A_478 = tpu.dynamic_gather %get3A_331[%gather3A_477] in [0] : vector<16xf32>, vector<16xi32> -> vector<16xf32>
            %get3A_479 = arith.index_cast %add3A_475 : i32 to index
            %get3A_480 = arith.constant 0 : index
            %get3A_481 = tpu.vector_load %arg28[%get3A_479, %get3A_480] {strides = array<i32>} : memref<80x128xf32, #tpu.memory_space<vmem>>, vector<1x16xf32>,
            %get3A_482 = vector.shape_cast %get3A_481 : vector<1x16xf32> to vector<16xf32>
            %get3A_483 = arith.index_cast %add3A_475 : i32 to index
            %get3A_484 = arith.constant 0 : index
            %get3A_485 = tpu.vector_load %arg30[%get3A_483, %get3A_484] {strides = array<i32>} : memref<80x128xf32, #tpu.memory_space<vmem>>, vector<1x16xf32>,
            %get3A_486 = vector.shape_cast %get3A_485 : vector<1x16xf32> to vector<16xf32>
            %add3A_487 = arith.addf %get3A_482, %get3A_486 : vector<16xf32>
            %mul3A_488 = arith.mulf %add3A_487, %gather3A_478 : vector<16xf32>
            %swap3A_489 = arith.index_cast %add3A_475 : i32 to index
            %swap3A_490 = arith.constant 0 : index
            %swap3A_491 = tpu.vector_load %arg28[%swap3A_489, %swap3A_490] {strides = array<i32>} : memref<80x128xf32, #tpu.memory_space<vmem>>, vector<1x16xf32>,
            %swap3A_492 = vector.shape_cast %swap3A_491 : vector<1x16xf32> to vector<16xf32>
            %swap3A_493 = vector.shape_cast %mul3A_488 : vector<16xf32> to vector<1x16xf32>
            tpu.vector_store %arg28[%swap3A_489, %swap3A_490], %swap3A_493 {strides = array<i32>} : memref<80x128xf32, #tpu.memory_space<vmem>>, vector<1x16xf32>,
            %get3A_494 = arith.index_cast %add3A_475 : i32 to index
            %get3A_495 = arith.constant 16 : index
            %get3A_496 = tpu.vector_load %arg28[%get3A_494, %get3A_495] {strides = array<i32>} : memref<80x128xf32, #tpu.memory_space<vmem>>, vector<1x16xf32>,
            %get3A_497 = vector.shape_cast %get3A_496 : vector<1x16xf32> to vector<16xf32>
            %get3A_498 = arith.index_cast %add3A_475 : i32 to index
            %get3A_499 = arith.constant 16 : index
            %get3A_500 = tpu.vector_load %arg30[%get3A_498, %get3A_499] {strides = array<i32>} : memref<80x128xf32, #tpu.memory_space<vmem>>, vector<1x16xf32>,
            %get3A_501 = vector.shape_cast %get3A_500 : vector<1x16xf32> to vector<16xf32>
            %add3A_502 = arith.addf %get3A_497, %get3A_501 : vector<16xf32>
            %mul3A_503 = arith.mulf %add3A_502, %gather3A_478 : vector<16xf32>
            %swap3A_504 = arith.index_cast %add3A_475 : i32 to index
            %swap3A_505 = arith.constant 16 : index
            %swap3A_506 = tpu.vector_load %arg28[%swap3A_504, %swap3A_505] {strides = array<i32>} : memref<80x128xf32, #tpu.memory_space<vmem>>, vector<1x16xf32>,
            %swap3A_507 = vector.shape_cast %swap3A_506 : vector<1x16xf32> to vector<16xf32>
            %swap3A_508 = vector.shape_cast %mul3A_503 : vector<16xf32> to vector<1x16xf32>
            tpu.vector_store %arg28[%swap3A_504, %swap3A_505], %swap3A_508 {strides = array<i32>} : memref<80x128xf32, #tpu.memory_space<vmem>>, vector<1x16xf32>,
            %get3A_509 = arith.index_cast %add3A_475 : i32 to index
            %get3A_510 = arith.constant 32 : index
            %get3A_511 = tpu.vector_load %arg28[%get3A_509, %get3A_510] {strides = array<i32>} : memref<80x128xf32, #tpu.memory_space<vmem>>, vector<1x16xf32>,
            %get3A_512 = vector.shape_cast %get3A_511 : vector<1x16xf32> to vector<16xf32>
            %get3A_513 = arith.index_cast %add3A_475 : i32 to index
            %get3A_514 = arith.constant 32 : index
            %get3A_515 = tpu.vector_load %arg30[%get3A_513, %get3A_514] {strides = array<i32>} : memref<80x128xf32, #tpu.memory_space<vmem>>, vector<1x16xf32>,
            %get3A_516 = vector.shape_cast %get3A_515 : vector<1x16xf32> to vector<16xf32>
            %add3A_517 = arith.addf %get3A_512, %get3A_516 : vector<16xf32>
            %mul3A_518 = arith.mulf %add3A_517, %gather3A_478 : vector<16xf32>
            %swap3A_519 = arith.index_cast %add3A_475 : i32 to index
            %swap3A_520 = arith.constant 32 : index
            %swap3A_521 = tpu.vector_load %arg28[%swap3A_519, %swap3A_520] {strides = array<i32>} : memref<80x128xf32, #tpu.memory_space<vmem>>, vector<1x16xf32>,
            %swap3A_522 = vector.shape_cast %swap3A_521 : vector<1x16xf32> to vector<16xf32>
            %swap3A_523 = vector.shape_cast %mul3A_518 : vector<16xf32> to vector<1x16xf32>
            tpu.vector_store %arg28[%swap3A_519, %swap3A_520], %swap3A_523 {strides = array<i32>} : memref<80x128xf32, #tpu.memory_space<vmem>>, vector<1x16xf32>,
            %get3A_524 = arith.index_cast %add3A_475 : i32 to index
            %get3A_525 = arith.constant 48 : index
            %get3A_526 = tpu.vector_load %arg28[%get3A_524, %get3A_525] {strides = array<i32>} : memref<80x128xf32, #tpu.memory_space<vmem>>, vector<1x16xf32>,
            %get3A_527 = vector.shape_cast %get3A_526 : vector<1x16xf32> to vector<16xf32>
            %get3A_528 = arith.index_cast %add3A_475 : i32 to index
            %get3A_529 = arith.constant 48 : index
            %get3A_530 = tpu.vector_load %arg30[%get3A_528, %get3A_529] {strides = array<i32>} : memref<80x128xf32, #tpu.memory_space<vmem>>, vector<1x16xf32>,
            %get3A_531 = vector.shape_cast %get3A_530 : vector<1x16xf32> to vector<16xf32>
            %add3A_532 = arith.addf %get3A_527, %get3A_531 : vector<16xf32>
            %mul3A_533 = arith.mulf %add3A_532, %gather3A_478 : vector<16xf32>
            %swap3A_534 = arith.index_cast %add3A_475 : i32 to index
            %swap3A_535 = arith.constant 48 : index
            %swap3A_536 = tpu.vector_load %arg28[%swap3A_534, %swap3A_535] {strides = array<i32>} : memref<80x128xf32, #tpu.memory_space<vmem>>, vector<1x16xf32>,
            %swap3A_537 = vector.shape_cast %swap3A_536 : vector<1x16xf32> to vector<16xf32>
            %swap3A_538 = vector.shape_cast %mul3A_533 : vector<16xf32> to vector<1x16xf32>
            tpu.vector_store %arg28[%swap3A_534, %swap3A_535], %swap3A_538 {strides = array<i32>} : memref<80x128xf32, #tpu.memory_space<vmem>>, vector<1x16xf32>,
            %get3A_539 = arith.index_cast %add3A_475 : i32 to index
            %get3A_540 = arith.constant 64 : index
            %get3A_541 = tpu.vector_load %arg28[%get3A_539, %get3A_540] {strides = array<i32>} : memref<80x128xf32, #tpu.memory_space<vmem>>, vector<1x16xf32>,
            %get3A_542 = vector.shape_cast %get3A_541 : vector<1x16xf32> to vector<16xf32>
            %get3A_543 = arith.index_cast %add3A_475 : i32 to index
            %get3A_544 = arith.constant 64 : index
            %get3A_545 = tpu.vector_load %arg30[%get3A_543, %get3A_544] {strides = array<i32>} : memref<80x128xf32, #tpu.memory_space<vmem>>, vector<1x16xf32>,
            %get3A_546 = vector.shape_cast %get3A_545 : vector<1x16xf32> to vector<16xf32>
            %add3A_547 = arith.addf %get3A_542, %get3A_546 : vector<16xf32>
            %mul3A_548 = arith.mulf %add3A_547, %gather3A_478 : vector<16xf32>
            %swap3A_549 = arith.index_cast %add3A_475 : i32 to index
            %swap3A_550 = arith.constant 64 : index
            %swap3A_551 = tpu.vector_load %arg28[%swap3A_549, %swap3A_550] {strides = array<i32>} : memref<80x128xf32, #tpu.memory_space<vmem>>, vector<1x16xf32>,
            %swap3A_552 = vector.shape_cast %swap3A_551 : vector<1x16xf32> to vector<16xf32>
            %swap3A_553 = vector.shape_cast %mul3A_548 : vector<16xf32> to vector<1x16xf32>
            tpu.vector_store %arg28[%swap3A_549, %swap3A_550], %swap3A_553 {strides = array<i32>} : memref<80x128xf32, #tpu.memory_space<vmem>>, vector<1x16xf32>,
            %get3A_554 = arith.index_cast %add3A_475 : i32 to index
            %get3A_555 = arith.constant 80 : index
            %get3A_556 = tpu.vector_load %arg28[%get3A_554, %get3A_555] {strides = array<i32>} : memref<80x128xf32, #tpu.memory_space<vmem>>, vector<1x16xf32>,
            %get3A_557 = vector.shape_cast %get3A_556 : vector<1x16xf32> to vector<16xf32>
            %get3A_558 = arith.index_cast %add3A_475 : i32 to index
            %get3A_559 = arith.constant 80 : index
            %get3A_560 = tpu.vector_load %arg30[%get3A_558, %get3A_559] {strides = array<i32>} : memref<80x128xf32, #tpu.memory_space<vmem>>, vector<1x16xf32>,
            %get3A_561 = vector.shape_cast %get3A_560 : vector<1x16xf32> to vector<16xf32>
            %add3A_562 = arith.addf %get3A_557, %get3A_561 : vector<16xf32>
            %mul3A_563 = arith.mulf %add3A_562, %gather3A_478 : vector<16xf32>
            %swap3A_564 = arith.index_cast %add3A_475 : i32 to index
            %swap3A_565 = arith.constant 80 : index
            %swap3A_566 = tpu.vector_load %arg28[%swap3A_564, %swap3A_565] {strides = array<i32>} : memref<80x128xf32, #tpu.memory_space<vmem>>, vector<1x16xf32>,
            %swap3A_567 = vector.shape_cast %swap3A_566 : vector<1x16xf32> to vector<16xf32>
            %swap3A_568 = vector.shape_cast %mul3A_563 : vector<16xf32> to vector<1x16xf32>
            tpu.vector_store %arg28[%swap3A_564, %swap3A_565], %swap3A_568 {strides = array<i32>} : memref<80x128xf32, #tpu.memory_space<vmem>>, vector<1x16xf32>,
            %get3A_569 = arith.index_cast %add3A_475 : i32 to index
            %get3A_570 = arith.constant 96 : index
            %get3A_571 = tpu.vector_load %arg28[%get3A_569, %get3A_570] {strides = array<i32>} : memref<80x128xf32, #tpu.memory_space<vmem>>, vector<1x16xf32>,
            %get3A_572 = vector.shape_cast %get3A_571 : vector<1x16xf32> to vector<16xf32>
            %get3A_573 = arith.index_cast %add3A_475 : i32 to index
            %get3A_574 = arith.constant 96 : index
            %get3A_575 = tpu.vector_load %arg30[%get3A_573, %get3A_574] {strides = array<i32>} : memref<80x128xf32, #tpu.memory_space<vmem>>, vector<1x16xf32>,
            %get3A_576 = vector.shape_cast %get3A_575 : vector<1x16xf32> to vector<16xf32>
            %add3A_577 = arith.addf %get3A_572, %get3A_576 : vector<16xf32>
            %mul3A_578 = arith.mulf %add3A_577, %gather3A_478 : vector<16xf32>
            %swap3A_579 = arith.index_cast %add3A_475 : i32 to index
            %swap3A_580 = arith.constant 96 : index
            %swap3A_581 = tpu.vector_load %arg28[%swap3A_579, %swap3A_580] {strides = array<i32>} : memref<80x128xf32, #tpu.memory_space<vmem>>, vector<1x16xf32>,
            %swap3A_582 = vector.shape_cast %swap3A_581 : vector<1x16xf32> to vector<16xf32>
            %swap3A_583 = vector.shape_cast %mul3A_578 : vector<16xf32> to vector<1x16xf32>
            tpu.vector_store %arg28[%swap3A_579, %swap3A_580], %swap3A_583 {strides = array<i32>} : memref<80x128xf32, #tpu.memory_space<vmem>>, vector<1x16xf32>,
            %get3A_584 = arith.index_cast %add3A_475 : i32 to index
            %get3A_585 = arith.constant 112 : index
            %get3A_586 = tpu.vector_load %arg28[%get3A_584, %get3A_585] {strides = array<i32>} : memref<80x128xf32, #tpu.memory_space<vmem>>, vector<1x16xf32>,
            %get3A_587 = vector.shape_cast %get3A_586 : vector<1x16xf32> to vector<16xf32>
            %get3A_588 = arith.index_cast %add3A_475 : i32 to index
            %get3A_589 = arith.constant 112 : index
            %get3A_590 = tpu.vector_load %arg30[%get3A_588, %get3A_589] {strides = array<i32>} : memref<80x128xf32, #tpu.memory_space<vmem>>, vector<1x16xf32>,
            %get3A_591 = vector.shape_cast %get3A_590 : vector<1x16xf32> to vector<16xf32>
            %add3A_592 = arith.addf %get3A_587, %get3A_591 : vector<16xf32>
            %mul3A_593 = arith.mulf %add3A_592, %gather3A_478 : vector<16xf32>
            %swap3A_594 = arith.index_cast %add3A_475 : i32 to index
            %swap3A_595 = arith.constant 112 : index
            %swap3A_596 = tpu.vector_load %arg28[%swap3A_594, %swap3A_595] {strides = array<i32>} : memref<80x128xf32, #tpu.memory_space<vmem>>, vector<1x16xf32>,
            %swap3A_597 = vector.shape_cast %swap3A_596 : vector<1x16xf32> to vector<16xf32>
            %swap3A_598 = vector.shape_cast %mul3A_593 : vector<16xf32> to vector<1x16xf32>
            tpu.vector_store %arg28[%swap3A_594, %swap3A_595], %swap3A_598 {strides = array<i32>} : memref<80x128xf32, #tpu.memory_space<vmem>>, vector<1x16xf32>,
            %mul3A_599 = arith.constant 4 : i32
            %mul3A_600 = arith.muli %scan3A_340, %mul3A_599 : i32
            %add3A_601 = arith.constant 2 : i32
            %add3A_602 = arith.addi %mul3A_600, %add3A_601 : i32
            %mul3A_603 = arith.constant 16 : i32
            %mul3A_604 = arith.muli %scan3A_326, %mul3A_603 : i32
            %add3A_605 = arith.addi %mul3A_604, %add3A_602 : i32
            %broadcast_in_dim3A_606 = vector.broadcast %add3A_602 : i32 to vector<16x1xi32>
            %gather3A_607 = vector.shape_cast %broadcast_in_dim3A_606 : vector<16x1xi32> to vector<16xi32>
            %gather3A_608 = tpu.dynamic_gather %get3A_331[%gather3A_607] in [0] : vector<16xf32>, vector<16xi32> -> vector<16xf32>
            %get3A_609 = arith.index_cast %add3A_605 : i32 to index
            %get3A_610 = arith.constant 0 : index
            %get3A_611 = tpu.vector_load %arg28[%get3A_609, %get3A_610] {strides = array<i32>} : memref<80x128xf32, #tpu.memory_space<vmem>>, vector<1x16xf32>,
            %get3A_612 = vector.shape_cast %get3A_611 : vector<1x16xf32> to vector<16xf32>
            %get3A_613 = arith.index_cast %add3A_605 : i32 to index
            %get3A_614 = arith.constant 0 : index
            %get3A_615 = tpu.vector_load %arg30[%get3A_613, %get3A_614] {strides = array<i32>} : memref<80x128xf32, #tpu.memory_space<vmem>>, vector<1x16xf32>,
            %get3A_616 = vector.shape_cast %get3A_615 : vector<1x16xf32> to vector<16xf32>
            %add3A_617 = arith.addf %get3A_612, %get3A_616 : vector<16xf32>
            %mul3A_618 = arith.mulf %add3A_617, %gather3A_608 : vector<16xf32>
            %swap3A_619 = arith.index_cast %add3A_605 : i32 to index
            %swap3A_620 = arith.constant 0 : index
            %swap3A_621 = tpu.vector_load %arg28[%swap3A_619, %swap3A_620] {strides = array<i32>} : memref<80x128xf32, #tpu.memory_space<vmem>>, vector<1x16xf32>,
            %swap3A_622 = vector.shape_cast %swap3A_621 : vector<1x16xf32> to vector<16xf32>
            %swap3A_623 = vector.shape_cast %mul3A_618 : vector<16xf32> to vector<1x16xf32>
            tpu.vector_store %arg28[%swap3A_619, %swap3A_620], %swap3A_623 {strides = array<i32>} : memref<80x128xf32, #tpu.memory_space<vmem>>, vector<1x16xf32>,
            %get3A_624 = arith.index_cast %add3A_605 : i32 to index
            %get3A_625 = arith.constant 16 : index
            %get3A_626 = tpu.vector_load %arg28[%get3A_624, %get3A_625] {strides = array<i32>} : memref<80x128xf32, #tpu.memory_space<vmem>>, vector<1x16xf32>,
            %get3A_627 = vector.shape_cast %get3A_626 : vector<1x16xf32> to vector<16xf32>
            %get3A_628 = arith.index_cast %add3A_605 : i32 to index
            %get3A_629 = arith.constant 16 : index
            %get3A_630 = tpu.vector_load %arg30[%get3A_628, %get3A_629] {strides = array<i32>} : memref<80x128xf32, #tpu.memory_space<vmem>>, vector<1x16xf32>,
            %get3A_631 = vector.shape_cast %get3A_630 : vector<1x16xf32> to vector<16xf32>
            %add3A_632 = arith.addf %get3A_627, %get3A_631 : vector<16xf32>
            %mul3A_633 = arith.mulf %add3A_632, %gather3A_608 : vector<16xf32>
            %swap3A_634 = arith.index_cast %add3A_605 : i32 to index
            %swap3A_635 = arith.constant 16 : index
            %swap3A_636 = tpu.vector_load %arg28[%swap3A_634, %swap3A_635] {strides = array<i32>} : memref<80x128xf32, #tpu.memory_space<vmem>>, vector<1x16xf32>,
            %swap3A_637 = vector.shape_cast %swap3A_636 : vector<1x16xf32> to vector<16xf32>
            %swap3A_638 = vector.shape_cast %mul3A_633 : vector<16xf32> to vector<1x16xf32>
            tpu.vector_store %arg28[%swap3A_634, %swap3A_635], %swap3A_638 {strides = array<i32>} : memref<80x128xf32, #tpu.memory_space<vmem>>, vector<1x16xf32>,
            %get3A_639 = arith.index_cast %add3A_605 : i32 to index
            %get3A_640 = arith.constant 32 : index
            %get3A_641 = tpu.vector_load %arg28[%get3A_639, %get3A_640] {strides = array<i32>} : memref<80x128xf32, #tpu.memory_space<vmem>>, vector<1x16xf32>,
            %get3A_642 = vector.shape_cast %get3A_641 : vector<1x16xf32> to vector<16xf32>
            %get3A_643 = arith.index_cast %add3A_605 : i32 to index
            %get3A_644 = arith.constant 32 : index
            %get3A_645 = tpu.vector_load %arg30[%get3A_643, %get3A_644] {strides = array<i32>} : memref<80x128xf32, #tpu.memory_space<vmem>>, vector<1x16xf32>,
            %get3A_646 = vector.shape_cast %get3A_645 : vector<1x16xf32> to vector<16xf32>
            %add3A_647 = arith.addf %get3A_642, %get3A_646 : vector<16xf32>
            %mul3A_648 = arith.mulf %add3A_647, %gather3A_608 : vector<16xf32>
            %swap3A_649 = arith.index_cast %add3A_605 : i32 to index
            %swap3A_650 = arith.constant 32 : index
            %swap3A_651 = tpu.vector_load %arg28[%swap3A_649, %swap3A_650] {strides = array<i32>} : memref<80x128xf32, #tpu.memory_space<vmem>>, vector<1x16xf32>,
            %swap3A_652 = vector.shape_cast %swap3A_651 : vector<1x16xf32> to vector<16xf32>
            %swap3A_653 = vector.shape_cast %mul3A_648 : vector<16xf32> to vector<1x16xf32>
            tpu.vector_store %arg28[%swap3A_649, %swap3A_650], %swap3A_653 {strides = array<i32>} : memref<80x128xf32, #tpu.memory_space<vmem>>, vector<1x16xf32>,
            %get3A_654 = arith.index_cast %add3A_605 : i32 to index
            %get3A_655 = arith.constant 48 : index
            %get3A_656 = tpu.vector_load %arg28[%get3A_654, %get3A_655] {strides = array<i32>} : memref<80x128xf32, #tpu.memory_space<vmem>>, vector<1x16xf32>,
            %get3A_657 = vector.shape_cast %get3A_656 : vector<1x16xf32> to vector<16xf32>
            %get3A_658 = arith.index_cast %add3A_605 : i32 to index
            %get3A_659 = arith.constant 48 : index
            %get3A_660 = tpu.vector_load %arg30[%get3A_658, %get3A_659] {strides = array<i32>} : memref<80x128xf32, #tpu.memory_space<vmem>>, vector<1x16xf32>,
            %get3A_661 = vector.shape_cast %get3A_660 : vector<1x16xf32> to vector<16xf32>
            %add3A_662 = arith.addf %get3A_657, %get3A_661 : vector<16xf32>
            %mul3A_663 = arith.mulf %add3A_662, %gather3A_608 : vector<16xf32>
            %swap3A_664 = arith.index_cast %add3A_605 : i32 to index
            %swap3A_665 = arith.constant 48 : index
            %swap3A_666 = tpu.vector_load %arg28[%swap3A_664, %swap3A_665] {strides = array<i32>} : memref<80x128xf32, #tpu.memory_space<vmem>>, vector<1x16xf32>,
            %swap3A_667 = vector.shape_cast %swap3A_666 : vector<1x16xf32> to vector<16xf32>
            %swap3A_668 = vector.shape_cast %mul3A_663 : vector<16xf32> to vector<1x16xf32>
            tpu.vector_store %arg28[%swap3A_664, %swap3A_665], %swap3A_668 {strides = array<i32>} : memref<80x128xf32, #tpu.memory_space<vmem>>, vector<1x16xf32>,
            %get3A_669 = arith.index_cast %add3A_605 : i32 to index
            %get3A_670 = arith.constant 64 : index
            %get3A_671 = tpu.vector_load %arg28[%get3A_669, %get3A_670] {strides = array<i32>} : memref<80x128xf32, #tpu.memory_space<vmem>>, vector<1x16xf32>,
            %get3A_672 = vector.shape_cast %get3A_671 : vector<1x16xf32> to vector<16xf32>
            %get3A_673 = arith.index_cast %add3A_605 : i32 to index
            %get3A_674 = arith.constant 64 : index
            %get3A_675 = tpu.vector_load %arg30[%get3A_673, %get3A_674] {strides = array<i32>} : memref<80x128xf32, #tpu.memory_space<vmem>>, vector<1x16xf32>,
            %get3A_676 = vector.shape_cast %get3A_675 : vector<1x16xf32> to vector<16xf32>
            %add3A_677 = arith.addf %get3A_672, %get3A_676 : vector<16xf32>
            %mul3A_678 = arith.mulf %add3A_677, %gather3A_608 : vector<16xf32>
            %swap3A_679 = arith.index_cast %add3A_605 : i32 to index
            %swap3A_680 = arith.constant 64 : index
            %swap3A_681 = tpu.vector_load %arg28[%swap3A_679, %swap3A_680] {strides = array<i32>} : memref<80x128xf32, #tpu.memory_space<vmem>>, vector<1x16xf32>,
            %swap3A_682 = vector.shape_cast %swap3A_681 : vector<1x16xf32> to vector<16xf32>
            %swap3A_683 = vector.shape_cast %mul3A_678 : vector<16xf32> to vector<1x16xf32>
            tpu.vector_store %arg28[%swap3A_679, %swap3A_680], %swap3A_683 {strides = array<i32>} : memref<80x128xf32, #tpu.memory_space<vmem>>, vector<1x16xf32>,
            %get3A_684 = arith.index_cast %add3A_605 : i32 to index
            %get3A_685 = arith.constant 80 : index
            %get3A_686 = tpu.vector_load %arg28[%get3A_684, %get3A_685] {strides = array<i32>} : memref<80x128xf32, #tpu.memory_space<vmem>>, vector<1x16xf32>,
            %get3A_687 = vector.shape_cast %get3A_686 : vector<1x16xf32> to vector<16xf32>
            %get3A_688 = arith.index_cast %add3A_605 : i32 to index
            %get3A_689 = arith.constant 80 : index
            %get3A_690 = tpu.vector_load %arg30[%get3A_688, %get3A_689] {strides = array<i32>} : memref<80x128xf32, #tpu.memory_space<vmem>>, vector<1x16xf32>,
            %get3A_691 = vector.shape_cast %get3A_690 : vector<1x16xf32> to vector<16xf32>
            %add3A_692 = arith.addf %get3A_687, %get3A_691 : vector<16xf32>
            %mul3A_693 = arith.mulf %add3A_692, %gather3A_608 : vector<16xf32>
            %swap3A_694 = arith.index_cast %add3A_605 : i32 to index
            %swap3A_695 = arith.constant 80 : index
            %swap3A_696 = tpu.vector_load %arg28[%swap3A_694, %swap3A_695] {strides = array<i32>} : memref<80x128xf32, #tpu.memory_space<vmem>>, vector<1x16xf32>,
            %swap3A_697 = vector.shape_cast %swap3A_696 : vector<1x16xf32> to vector<16xf32>
            %swap3A_698 = vector.shape_cast %mul3A_693 : vector<16xf32> to vector<1x16xf32>
            tpu.vector_store %arg28[%swap3A_694, %swap3A_695], %swap3A_698 {strides = array<i32>} : memref<80x128xf32, #tpu.memory_space<vmem>>, vector<1x16xf32>,
            %get3A_699 = arith.index_cast %add3A_605 : i32 to index
            %get3A_700 = arith.constant 96 : index
            %get3A_701 = tpu.vector_load %arg28[%get3A_699, %get3A_700] {strides = array<i32>} : memref<80x128xf32, #tpu.memory_space<vmem>>, vector<1x16xf32>,
            %get3A_702 = vector.shape_cast %get3A_701 : vector<1x16xf32> to vector<16xf32>
            %get3A_703 = arith.index_cast %add3A_605 : i32 to index
            %get3A_704 = arith.constant 96 : index
            %get3A_705 = tpu.vector_load %arg30[%get3A_703, %get3A_704] {strides = array<i32>} : memref<80x128xf32, #tpu.memory_space<vmem>>, vector<1x16xf32>,
            %get3A_706 = vector.shape_cast %get3A_705 : vector<1x16xf32> to vector<16xf32>
            %add3A_707 = arith.addf %get3A_702, %get3A_706 : vector<16xf32>
            %mul3A_708 = arith.mulf %add3A_707, %gather3A_608 : vector<16xf32>
            %swap3A_709 = arith.index_cast %add3A_605 : i32 to index
            %swap3A_710 = arith.constant 96 : index
            %swap3A_711 = tpu.vector_load %arg28[%swap3A_709, %swap3A_710] {strides = array<i32>} : memref<80x128xf32, #tpu.memory_space<vmem>>, vector<1x16xf32>,
            %swap3A_712 = vector.shape_cast %swap3A_711 : vector<1x16xf32> to vector<16xf32>
            %swap3A_713 = vector.shape_cast %mul3A_708 : vector<16xf32> to vector<1x16xf32>
            tpu.vector_store %arg28[%swap3A_709, %swap3A_710], %swap3A_713 {strides = array<i32>} : memref<80x128xf32, #tpu.memory_space<vmem>>, vector<1x16xf32>,
            %get3A_714 = arith.index_cast %add3A_605 : i32 to index
            %get3A_715 = arith.constant 112 : index
            %get3A_716 = tpu.vector_load %arg28[%get3A_714, %get3A_715] {strides = array<i32>} : memref<80x128xf32, #tpu.memory_space<vmem>>, vector<1x16xf32>,
            %get3A_717 = vector.shape_cast %get3A_716 : vector<1x16xf32> to vector<16xf32>
            %get3A_718 = arith.index_cast %add3A_605 : i32 to index
            %get3A_719 = arith.constant 112 : index
            %get3A_720 = tpu.vector_load %arg30[%get3A_718, %get3A_719] {strides = array<i32>} : memref<80x128xf32, #tpu.memory_space<vmem>>, vector<1x16xf32>,
            %get3A_721 = vector.shape_cast %get3A_720 : vector<1x16xf32> to vector<16xf32>
            %add3A_722 = arith.addf %get3A_717, %get3A_721 : vector<16xf32>
            %mul3A_723 = arith.mulf %add3A_722, %gather3A_608 : vector<16xf32>
            %swap3A_724 = arith.index_cast %add3A_605 : i32 to index
            %swap3A_725 = arith.constant 112 : index
            %swap3A_726 = tpu.vector_load %arg28[%swap3A_724, %swap3A_725] {strides = array<i32>} : memref<80x128xf32, #tpu.memory_space<vmem>>, vector<1x16xf32>,
            %swap3A_727 = vector.shape_cast %swap3A_726 : vector<1x16xf32> to vector<16xf32>
            %swap3A_728 = vector.shape_cast %mul3A_723 : vector<16xf32> to vector<1x16xf32>
            tpu.vector_store %arg28[%swap3A_724, %swap3A_725], %swap3A_728 {strides = array<i32>} : memref<80x128xf32, #tpu.memory_space<vmem>>, vector<1x16xf32>,
            %mul3A_729 = arith.constant 4 : i32
            %mul3A_730 = arith.muli %scan3A_340, %mul3A_729 : i32
            %add3A_731 = arith.constant 3 : i32
            %add3A_732 = arith.addi %mul3A_730, %add3A_731 : i32
            %mul3A_733 = arith.constant 16 : i32
            %mul3A_734 = arith.muli %scan3A_326, %mul3A_733 : i32
            %add3A_735 = arith.addi %mul3A_734, %add3A_732 : i32
            %broadcast_in_dim3A_736 = vector.broadcast %add3A_732 : i32 to vector<16x1xi32>
            %gather3A_737 = vector.shape_cast %broadcast_in_dim3A_736 : vector<16x1xi32> to vector<16xi32>
            %gather3A_738 = tpu.dynamic_gather %get3A_331[%gather3A_737] in [0] : vector<16xf32>, vector<16xi32> -> vector<16xf32>
            %get3A_739 = arith.index_cast %add3A_735 : i32 to index
            %get3A_740 = arith.constant 0 : index
            %get3A_741 = tpu.vector_load %arg28[%get3A_739, %get3A_740] {strides = array<i32>} : memref<80x128xf32, #tpu.memory_space<vmem>>, vector<1x16xf32>,
            %get3A_742 = vector.shape_cast %get3A_741 : vector<1x16xf32> to vector<16xf32>
            %get3A_743 = arith.index_cast %add3A_735 : i32 to index
            %get3A_744 = arith.constant 0 : index
            %get3A_745 = tpu.vector_load %arg30[%get3A_743, %get3A_744] {strides = array<i32>} : memref<80x128xf32, #tpu.memory_space<vmem>>, vector<1x16xf32>,
            %get3A_746 = vector.shape_cast %get3A_745 : vector<1x16xf32> to vector<16xf32>
            %add3A_747 = arith.addf %get3A_742, %get3A_746 : vector<16xf32>
            %mul3A_748 = arith.mulf %add3A_747, %gather3A_738 : vector<16xf32>
            %swap3A_749 = arith.index_cast %add3A_735 : i32 to index
            %swap3A_750 = arith.constant 0 : index
            %swap3A_751 = tpu.vector_load %arg28[%swap3A_749, %swap3A_750] {strides = array<i32>} : memref<80x128xf32, #tpu.memory_space<vmem>>, vector<1x16xf32>,
            %swap3A_752 = vector.shape_cast %swap3A_751 : vector<1x16xf32> to vector<16xf32>
            %swap3A_753 = vector.shape_cast %mul3A_748 : vector<16xf32> to vector<1x16xf32>
            tpu.vector_store %arg28[%swap3A_749, %swap3A_750], %swap3A_753 {strides = array<i32>} : memref<80x128xf32, #tpu.memory_space<vmem>>, vector<1x16xf32>,
            %get3A_754 = arith.index_cast %add3A_735 : i32 to index
            %get3A_755 = arith.constant 16 : index
            %get3A_756 = tpu.vector_load %arg28[%get3A_754, %get3A_755] {strides = array<i32>} : memref<80x128xf32, #tpu.memory_space<vmem>>, vector<1x16xf32>,
            %get3A_757 = vector.shape_cast %get3A_756 : vector<1x16xf32> to vector<16xf32>
            %get3A_758 = arith.index_cast %add3A_735 : i32 to index
            %get3A_759 = arith.constant 16 : index
            %get3A_760 = tpu.vector_load %arg30[%get3A_758, %get3A_759] {strides = array<i32>} : memref<80x128xf32, #tpu.memory_space<vmem>>, vector<1x16xf32>,
            %get3A_761 = vector.shape_cast %get3A_760 : vector<1x16xf32> to vector<16xf32>
            %add3A_762 = arith.addf %get3A_757, %get3A_761 : vector<16xf32>
            %mul3A_763 = arith.mulf %add3A_762, %gather3A_738 : vector<16xf32>
            %swap3A_764 = arith.index_cast %add3A_735 : i32 to index
            %swap3A_765 = arith.constant 16 : index
            %swap3A_766 = tpu.vector_load %arg28[%swap3A_764, %swap3A_765] {strides = array<i32>} : memref<80x128xf32, #tpu.memory_space<vmem>>, vector<1x16xf32>,
            %swap3A_767 = vector.shape_cast %swap3A_766 : vector<1x16xf32> to vector<16xf32>
            %swap3A_768 = vector.shape_cast %mul3A_763 : vector<16xf32> to vector<1x16xf32>
            tpu.vector_store %arg28[%swap3A_764, %swap3A_765], %swap3A_768 {strides = array<i32>} : memref<80x128xf32, #tpu.memory_space<vmem>>, vector<1x16xf32>,
            %get3A_769 = arith.index_cast %add3A_735 : i32 to index
            %get3A_770 = arith.constant 32 : index
            %get3A_771 = tpu.vector_load %arg28[%get3A_769, %get3A_770] {strides = array<i32>} : memref<80x128xf32, #tpu.memory_space<vmem>>, vector<1x16xf32>,
            %get3A_772 = vector.shape_cast %get3A_771 : vector<1x16xf32> to vector<16xf32>
            %get3A_773 = arith.index_cast %add3A_735 : i32 to index
            %get3A_774 = arith.constant 32 : index
            %get3A_775 = tpu.vector_load %arg30[%get3A_773, %get3A_774] {strides = array<i32>} : memref<80x128xf32, #tpu.memory_space<vmem>>, vector<1x16xf32>,
            %get3A_776 = vector.shape_cast %get3A_775 : vector<1x16xf32> to vector<16xf32>
            %add3A_777 = arith.addf %get3A_772, %get3A_776 : vector<16xf32>
            %mul3A_778 = arith.mulf %add3A_777, %gather3A_738 : vector<16xf32>
            %swap3A_779 = arith.index_cast %add3A_735 : i32 to index
            %swap3A_780 = arith.constant 32 : index
            %swap3A_781 = tpu.vector_load %arg28[%swap3A_779, %swap3A_780] {strides = array<i32>} : memref<80x128xf32, #tpu.memory_space<vmem>>, vector<1x16xf32>,
            %swap3A_782 = vector.shape_cast %swap3A_781 : vector<1x16xf32> to vector<16xf32>
            %swap3A_783 = vector.shape_cast %mul3A_778 : vector<16xf32> to vector<1x16xf32>
            tpu.vector_store %arg28[%swap3A_779, %swap3A_780], %swap3A_783 {strides = array<i32>} : memref<80x128xf32, #tpu.memory_space<vmem>>, vector<1x16xf32>,
            %get3A_784 = arith.index_cast %add3A_735 : i32 to index
            %get3A_785 = arith.constant 48 : index
            %get3A_786 = tpu.vector_load %arg28[%get3A_784, %get3A_785] {strides = array<i32>} : memref<80x128xf32, #tpu.memory_space<vmem>>, vector<1x16xf32>,
            %get3A_787 = vector.shape_cast %get3A_786 : vector<1x16xf32> to vector<16xf32>
            %get3A_788 = arith.index_cast %add3A_735 : i32 to index
            %get3A_789 = arith.constant 48 : index
            %get3A_790 = tpu.vector_load %arg30[%get3A_788, %get3A_789] {strides = array<i32>} : memref<80x128xf32, #tpu.memory_space<vmem>>, vector<1x16xf32>,
            %get3A_791 = vector.shape_cast %get3A_790 : vector<1x16xf32> to vector<16xf32>
            %add3A_792 = arith.addf %get3A_787, %get3A_791 : vector<16xf32>
            %mul3A_793 = arith.mulf %add3A_792, %gather3A_738 : vector<16xf32>
            %swap3A_794 = arith.index_cast %add3A_735 : i32 to index
            %swap3A_795 = arith.constant 48 : index
            %swap3A_796 = tpu.vector_load %arg28[%swap3A_794, %swap3A_795] {strides = array<i32>} : memref<80x128xf32, #tpu.memory_space<vmem>>, vector<1x16xf32>,
            %swap3A_797 = vector.shape_cast %swap3A_796 : vector<1x16xf32> to vector<16xf32>
            %swap3A_798 = vector.shape_cast %mul3A_793 : vector<16xf32> to vector<1x16xf32>
            tpu.vector_store %arg28[%swap3A_794, %swap3A_795], %swap3A_798 {strides = array<i32>} : memref<80x128xf32, #tpu.memory_space<vmem>>, vector<1x16xf32>,
            %get3A_799 = arith.index_cast %add3A_735 : i32 to index
            %get3A_800 = arith.constant 64 : index
            %get3A_801 = tpu.vector_load %arg28[%get3A_799, %get3A_800] {strides = array<i32>} : memref<80x128xf32, #tpu.memory_space<vmem>>, vector<1x16xf32>,
            %get3A_802 = vector.shape_cast %get3A_801 : vector<1x16xf32> to vector<16xf32>
            %get3A_803 = arith.index_cast %add3A_735 : i32 to index
            %get3A_804 = arith.constant 64 : index
            %get3A_805 = tpu.vector_load %arg30[%get3A_803, %get3A_804] {strides = array<i32>} : memref<80x128xf32, #tpu.memory_space<vmem>>, vector<1x16xf32>,
            %get3A_806 = vector.shape_cast %get3A_805 : vector<1x16xf32> to vector<16xf32>
            %add3A_807 = arith.addf %get3A_802, %get3A_806 : vector<16xf32>
            %mul3A_808 = arith.mulf %add3A_807, %gather3A_738 : vector<16xf32>
            %swap3A_809 = arith.index_cast %add3A_735 : i32 to index
            %swap3A_810 = arith.constant 64 : index
            %swap3A_811 = tpu.vector_load %arg28[%swap3A_809, %swap3A_810] {strides = array<i32>} : memref<80x128xf32, #tpu.memory_space<vmem>>, vector<1x16xf32>,
            %swap3A_812 = vector.shape_cast %swap3A_811 : vector<1x16xf32> to vector<16xf32>
            %swap3A_813 = vector.shape_cast %mul3A_808 : vector<16xf32> to vector<1x16xf32>
            tpu.vector_store %arg28[%swap3A_809, %swap3A_810], %swap3A_813 {strides = array<i32>} : memref<80x128xf32, #tpu.memory_space<vmem>>, vector<1x16xf32>,
            %get3A_814 = arith.index_cast %add3A_735 : i32 to index
            %get3A_815 = arith.constant 80 : index
            %get3A_816 = tpu.vector_load %arg28[%get3A_814, %get3A_815] {strides = array<i32>} : memref<80x128xf32, #tpu.memory_space<vmem>>, vector<1x16xf32>,
            %get3A_817 = vector.shape_cast %get3A_816 : vector<1x16xf32> to vector<16xf32>
            %get3A_818 = arith.index_cast %add3A_735 : i32 to index
            %get3A_819 = arith.constant 80 : index
            %get3A_820 = tpu.vector_load %arg30[%get3A_818, %get3A_819] {strides = array<i32>} : memref<80x128xf32, #tpu.memory_space<vmem>>, vector<1x16xf32>,
            %get3A_821 = vector.shape_cast %get3A_820 : vector<1x16xf32> to vector<16xf32>
            %add3A_822 = arith.addf %get3A_817, %get3A_821 : vector<16xf32>
            %mul3A_823 = arith.mulf %add3A_822, %gather3A_738 : vector<16xf32>
            %swap3A_824 = arith.index_cast %add3A_735 : i32 to index
            %swap3A_825 = arith.constant 80 : index
            %swap3A_826 = tpu.vector_load %arg28[%swap3A_824, %swap3A_825] {strides = array<i32>} : memref<80x128xf32, #tpu.memory_space<vmem>>, vector<1x16xf32>,
            %swap3A_827 = vector.shape_cast %swap3A_826 : vector<1x16xf32> to vector<16xf32>
            %swap3A_828 = vector.shape_cast %mul3A_823 : vector<16xf32> to vector<1x16xf32>
            tpu.vector_store %arg28[%swap3A_824, %swap3A_825], %swap3A_828 {strides = array<i32>} : memref<80x128xf32, #tpu.memory_space<vmem>>, vector<1x16xf32>,
            %get3A_829 = arith.index_cast %add3A_735 : i32 to index
            %get3A_830 = arith.constant 96 : index
            %get3A_831 = tpu.vector_load %arg28[%get3A_829, %get3A_830] {strides = array<i32>} : memref<80x128xf32, #tpu.memory_space<vmem>>, vector<1x16xf32>,
            %get3A_832 = vector.shape_cast %get3A_831 : vector<1x16xf32> to vector<16xf32>
            %get3A_833 = arith.index_cast %add3A_735 : i32 to index
            %get3A_834 = arith.constant 96 : index
            %get3A_835 = tpu.vector_load %arg30[%get3A_833, %get3A_834] {strides = array<i32>} : memref<80x128xf32, #tpu.memory_space<vmem>>, vector<1x16xf32>,
            %get3A_836 = vector.shape_cast %get3A_835 : vector<1x16xf32> to vector<16xf32>
            %add3A_837 = arith.addf %get3A_832, %get3A_836 : vector<16xf32>
            %mul3A_838 = arith.mulf %add3A_837, %gather3A_738 : vector<16xf32>
            %swap3A_839 = arith.index_cast %add3A_735 : i32 to index
            %swap3A_840 = arith.constant 96 : index
            %swap3A_841 = tpu.vector_load %arg28[%swap3A_839, %swap3A_840] {strides = array<i32>} : memref<80x128xf32, #tpu.memory_space<vmem>>, vector<1x16xf32>,
            %swap3A_842 = vector.shape_cast %swap3A_841 : vector<1x16xf32> to vector<16xf32>
            %swap3A_843 = vector.shape_cast %mul3A_838 : vector<16xf32> to vector<1x16xf32>
            tpu.vector_store %arg28[%swap3A_839, %swap3A_840], %swap3A_843 {strides = array<i32>} : memref<80x128xf32, #tpu.memory_space<vmem>>, vector<1x16xf32>,
            %get3A_844 = arith.index_cast %add3A_735 : i32 to index
            %get3A_845 = arith.constant 112 : index
            %get3A_846 = tpu.vector_load %arg28[%get3A_844, %get3A_845] {strides = array<i32>} : memref<80x128xf32, #tpu.memory_space<vmem>>, vector<1x16xf32>,
            %get3A_847 = vector.shape_cast %get3A_846 : vector<1x16xf32> to vector<16xf32>
            %get3A_848 = arith.index_cast %add3A_735 : i32 to index
            %get3A_849 = arith.constant 112 : index
            %get3A_850 = tpu.vector_load %arg30[%get3A_848, %get3A_849] {strides = array<i32>} : memref<80x128xf32, #tpu.memory_space<vmem>>, vector<1x16xf32>,
            %get3A_851 = vector.shape_cast %get3A_850 : vector<1x16xf32> to vector<16xf32>
            %add3A_852 = arith.addf %get3A_847, %get3A_851 : vector<16xf32>
            %mul3A_853 = arith.mulf %add3A_852, %gather3A_738 : vector<16xf32>
            %swap3A_854 = arith.index_cast %add3A_735 : i32 to index
            %swap3A_855 = arith.constant 112 : index
            %swap3A_856 = tpu.vector_load %arg28[%swap3A_854, %swap3A_855] {strides = array<i32>} : memref<80x128xf32, #tpu.memory_space<vmem>>, vector<1x16xf32>,
            %swap3A_857 = vector.shape_cast %swap3A_856 : vector<1x16xf32> to vector<16xf32>
            %swap3A_858 = vector.shape_cast %mul3A_853 : vector<16xf32> to vector<1x16xf32>
            tpu.vector_store %arg28[%swap3A_854, %swap3A_855], %swap3A_858 {strides = array<i32>} : memref<80x128xf32, #tpu.memory_space<vmem>>, vector<1x16xf32>,
            %scan3A_859 = arith.constant 0 : i32
            scf.yield %scan3A_859 : i32
          }
          %scan3A_338 = arith.constant 4 : i32
          %scan3A_339 = arith.constant 0 : i32
          scf.yield %scan3A_339 : i32
        }
        %scan3A_322 = arith.constant 5 : i32
        %dma_start3A_323 = arith.constant 0 : i32
        %dma_start3A_324 = arith.constant 0 : i32
        %dma_start3A_325 = tpu.memref_slice %arg34[%dma_start3A_323, %dma_start3A_324] : memref<10000x128xf32, #tpu.memory_space<vmem_shared>> -> memref<10000x128xf32, #tpu.memory_space<vmem_shared>>
        tpu.enqueue_indirect_dma source(%arg28 : memref<80x128xf32, #tpu.memory_space<vmem>>) target(%dma_start3A_325 : memref<10000x128xf32, #tpu.memory_space<vmem_shared>>) offsets(%arg24 : memref<80xi32, #tpu.memory_space<vmem>>) semaphore(%arg40 : memref<!tpu.dma_semaphore, #tpu.memory_space<semaphore_mem>>) {add = true}
      } else {
      }
      %add3A_285 = arith.constant 3 : i32
      %add3A_286 = arith.addi %mul3A_251, %add3A_285 : i32
      %lt3A_287 = arith.constant 125 : i32
      %lt3A_288 = arith.cmpi slt, %add3A_286, %lt3A_287 : i32
      %convert_element_type3A_289 = arith.extui %lt3A_288 : i1 to i32
      %cond3A_290 = arith.constant 0 : i32
      %cond3A_291 = arith.cmpi ne, %convert_element_type3A_289, %cond3A_290 : i32
      scf.if %cond3A_291 {
        %mul3A_308 = arith.constant 10000 : i32
        %mul3A_309 = arith.muli %add3A, %mul3A_308 : i32
        %mul3A_310 = arith.constant 80 : i32
        %mul3A_311 = arith.muli %add3A_286, %mul3A_310 : i32
        %add3A_312 = arith.addi %mul3A_309, %mul3A_311 : i32
        %dma_start3A_313 = arith.constant 0 : i32
        %dma_start3A_314 = tpu.memref_slice %arg10[%dma_start3A_313] : memref<320xi32, #tpu.memory_space<vmem>> -> memref<80xi32, #tpu.memory_space<vmem>>
        %dma_start3A_315 = tpu.memref_slice %arg2[%add3A_312] : memref<320000xi32, #tpu.memory_space<hbm>> -> memref<80xi32, #tpu.memory_space<hbm>>
        %dma_start3A_316 = arith.constant 0 : i32
        %dma_start3A_317 = tpu.memref_slice %arg10[%dma_start3A_316] : memref<320xi32, #tpu.memory_space<vmem>> -> memref<80xi32, #tpu.memory_space<vmem>>
        %dma_start3A_318 = tpu.memref_slice %arg2[%add3A_312] : memref<320000xi32, #tpu.memory_space<hbm>> -> memref<80xi32, #tpu.memory_space<hbm>>
        tpu.enqueue_dma source(%dma_start3A_318 : memref<80xi32, #tpu.memory_space<hbm>>) target(%dma_start3A_317 : memref<80xi32, #tpu.memory_space<vmem>>) target_semaphore(%arg36 : memref<!tpu.dma_semaphore, #tpu.memory_space<semaphore_mem>>)
        %mul3A_319 = arith.constant 10000 : i32
        %mul3A_320 = arith.muli %add3A, %mul3A_319 : i32
        %mul3A_321 = arith.constant 80 : i32
        %mul3A_322 = arith.muli %add3A_286, %mul3A_321 : i32
        %add3A_323 = arith.addi %mul3A_320, %mul3A_322 : i32
        %dma_start3A_324 = arith.constant 80 : i32
        %dma_start3A_325 = tpu.memref_slice %arg10[%dma_start3A_324] : memref<320xi32, #tpu.memory_space<vmem>> -> memref<80xi32, #tpu.memory_space<vmem>>
        %dma_start3A_326 = tpu.memref_slice %arg3[%add3A_323] : memref<320000xi32, #tpu.memory_space<hbm>> -> memref<80xi32, #tpu.memory_space<hbm>>
        %dma_start3A_327 = arith.constant 80 : i32
        %dma_start3A_328 = tpu.memref_slice %arg10[%dma_start3A_327] : memref<320xi32, #tpu.memory_space<vmem>> -> memref<80xi32, #tpu.memory_space<vmem>>
        %dma_start3A_329 = tpu.memref_slice %arg3[%add3A_323] : memref<320000xi32, #tpu.memory_space<hbm>> -> memref<80xi32, #tpu.memory_space<hbm>>
        tpu.enqueue_dma source(%dma_start3A_329 : memref<80xi32, #tpu.memory_space<hbm>>) target(%dma_start3A_328 : memref<80xi32, #tpu.memory_space<vmem>>) target_semaphore(%arg36 : memref<!tpu.dma_semaphore, #tpu.memory_space<semaphore_mem>>)
        %mul3A_330 = arith.constant 10000 : i32
        %mul3A_331 = arith.muli %add3A, %mul3A_330 : i32
        %mul3A_332 = arith.constant 80 : i32
        %mul3A_333 = arith.muli %add3A_286, %mul3A_332 : i32
        %add3A_334 = arith.addi %mul3A_331, %mul3A_333 : i32
        %dma_start3A_335 = arith.constant 160 : i32
        %dma_start3A_336 = tpu.memref_slice %arg10[%dma_start3A_335] : memref<320xi32, #tpu.memory_space<vmem>> -> memref<80xi32, #tpu.memory_space<vmem>>
        %dma_start3A_337 = tpu.memref_slice %arg4[%add3A_334] : memref<320000xi32, #tpu.memory_space<hbm>> -> memref<80xi32, #tpu.memory_space<hbm>>
        %dma_start3A_338 = arith.constant 160 : i32
        %dma_start3A_339 = tpu.memref_slice %arg10[%dma_start3A_338] : memref<320xi32, #tpu.memory_space<vmem>> -> memref<80xi32, #tpu.memory_space<vmem>>
        %dma_start3A_340 = tpu.memref_slice %arg4[%add3A_334] : memref<320000xi32, #tpu.memory_space<hbm>> -> memref<80xi32, #tpu.memory_space<hbm>>
        tpu.enqueue_dma source(%dma_start3A_340 : memref<80xi32, #tpu.memory_space<hbm>>) target(%dma_start3A_339 : memref<80xi32, #tpu.memory_space<vmem>>) target_semaphore(%arg36 : memref<!tpu.dma_semaphore, #tpu.memory_space<semaphore_mem>>)
        %mul3A_341 = arith.constant 10000 : i32
        %mul3A_342 = arith.muli %add3A, %mul3A_341 : i32
        %mul3A_343 = arith.constant 80 : i32
        %mul3A_344 = arith.muli %add3A_286, %mul3A_343 : i32
        %add3A_345 = arith.addi %mul3A_342, %mul3A_344 : i32
        %dma_start3A_346 = arith.constant 240 : i32
        %dma_start3A_347 = tpu.memref_slice %arg10[%dma_start3A_346] : memref<320xi32, #tpu.memory_space<vmem>> -> memref<80xi32, #tpu.memory_space<vmem>>
        %dma_start3A_348 = tpu.memref_slice %arg5[%add3A_345] : memref<320000xi32, #tpu.memory_space<hbm>> -> memref<80xi32, #tpu.memory_space<hbm>>
        %dma_start3A_349 = arith.constant 240 : i32
        %dma_start3A_350 = tpu.memref_slice %arg10[%dma_start3A_349] : memref<320xi32, #tpu.memory_space<vmem>> -> memref<80xi32, #tpu.memory_space<vmem>>
        %dma_start3A_351 = tpu.memref_slice %arg5[%add3A_345] : memref<320000xi32, #tpu.memory_space<hbm>> -> memref<80xi32, #tpu.memory_space<hbm>>
        tpu.enqueue_dma source(%dma_start3A_351 : memref<80xi32, #tpu.memory_space<hbm>>) target(%dma_start3A_350 : memref<80xi32, #tpu.memory_space<vmem>>) target_semaphore(%arg36 : memref<!tpu.dma_semaphore, #tpu.memory_space<semaphore_mem>>)
      } else {
      }
      %ge3A_292 = arith.constant 0 : i32
      %ge3A_293 = arith.cmpi sge, %mul3A_251, %ge3A_292 : i32
      %lt3A_294 = arith.constant 125 : i32
      %lt3A_295 = arith.cmpi slt, %mul3A_251, %lt3A_294 : i32
      %and3A_296 = arith.andi %ge3A_293, %lt3A_295 : i1
      %convert_element_type3A_297 = arith.extui %and3A_296 : i1 to i32
      %cond3A_298 = arith.constant 0 : i32
      %cond3A_299 = arith.cmpi ne, %convert_element_type3A_297, %cond3A_298 : i32
      scf.if %cond3A_299 {
        %dma_wait3A_308 = arith.constant 0 : i32
        %dma_wait3A_309 = arith.constant 0 : i32
        %dma_wait3A_310 = tpu.memref_slice %arg34[%dma_wait3A_308, %dma_wait3A_309] : memref<10000x128xf32, #tpu.memory_space<vmem_shared>> -> memref<10000x128xf32, #tpu.memory_space<vmem_shared>>
        tpu.wait_indirect_dma semaphore(%arg39 : memref<!tpu.dma_semaphore, #tpu.memory_space<semaphore_mem>>) src(%arg27 : memref<80x128xf32, #tpu.memory_space<vmem>>) dst(%dma_wait3A_310 : memref<10000x128xf32, #tpu.memory_space<vmem_shared>>)
      } else {
      }
      %add3A_300 = arith.constant 2 : i32
      %add3A_301 = arith.addi %mul3A_251, %add3A_300 : i32
      %lt3A_302 = arith.constant 125 : i32
      %lt3A_303 = arith.cmpi slt, %add3A_301, %lt3A_302 : i32
      %convert_element_type3A_304 = arith.extui %lt3A_303 : i1 to i32
      %cond3A_305 = arith.constant 0 : i32
      %cond3A_306 = arith.cmpi ne, %convert_element_type3A_304, %cond3A_305 : i32
      scf.if %cond3A_306 {
        %mul3A_308 = arith.constant 10000 : i32
        %mul3A_309 = arith.muli %add3A, %mul3A_308 : i32
        %mul3A_310 = arith.constant 80 : i32
        %mul3A_311 = arith.muli %add3A_301, %mul3A_310 : i32
        %add3A_312 = arith.addi %mul3A_309, %mul3A_311 : i32
        %dma_wait3A_313 = arith.constant 0 : i32
        %dma_wait3A_314 = tpu.memref_slice %arg9[%dma_wait3A_313] : memref<320xi32, #tpu.memory_space<vmem>> -> memref<80xi32, #tpu.memory_space<vmem>>
        %dma_wait3A_315 = tpu.memref_slice %arg2[%add3A_312] : memref<320000xi32, #tpu.memory_space<hbm>> -> memref<80xi32, #tpu.memory_space<hbm>>
        %dma_wait3A_316 = arith.constant 0 : i32
        %dma_wait3A_317 = tpu.memref_slice %arg9[%dma_wait3A_316] : memref<320xi32, #tpu.memory_space<vmem>> -> memref<80xi32, #tpu.memory_space<vmem>>
        %dma_wait3A_318 = tpu.memref_slice %arg2[%add3A_312] : memref<320000xi32, #tpu.memory_space<hbm>> -> memref<80xi32, #tpu.memory_space<hbm>>
        tpu.wait_dma2 semaphore(%arg35 : memref<!tpu.dma_semaphore, #tpu.memory_space<semaphore_mem>>) src(%dma_wait3A_318 : memref<80xi32, #tpu.memory_space<hbm>>) dst(%dma_wait3A_317 : memref<80xi32, #tpu.memory_space<vmem>>)
        %mul3A_319 = arith.constant 10000 : i32
        %mul3A_320 = arith.muli %add3A, %mul3A_319 : i32
        %mul3A_321 = arith.constant 80 : i32
        %mul3A_322 = arith.muli %add3A_301, %mul3A_321 : i32
        %add3A_323 = arith.addi %mul3A_320, %mul3A_322 : i32
        %dma_wait3A_324 = arith.constant 80 : i32
        %dma_wait3A_325 = tpu.memref_slice %arg9[%dma_wait3A_324] : memref<320xi32, #tpu.memory_space<vmem>> -> memref<80xi32, #tpu.memory_space<vmem>>
        %dma_wait3A_326 = tpu.memref_slice %arg3[%add3A_323] : memref<320000xi32, #tpu.memory_space<hbm>> -> memref<80xi32, #tpu.memory_space<hbm>>
        %dma_wait3A_327 = arith.constant 80 : i32
        %dma_wait3A_328 = tpu.memref_slice %arg9[%dma_wait3A_327] : memref<320xi32, #tpu.memory_space<vmem>> -> memref<80xi32, #tpu.memory_space<vmem>>
        %dma_wait3A_329 = tpu.memref_slice %arg3[%add3A_323] : memref<320000xi32, #tpu.memory_space<hbm>> -> memref<80xi32, #tpu.memory_space<hbm>>
        tpu.wait_dma2 semaphore(%arg35 : memref<!tpu.dma_semaphore, #tpu.memory_space<semaphore_mem>>) src(%dma_wait3A_329 : memref<80xi32, #tpu.memory_space<hbm>>) dst(%dma_wait3A_328 : memref<80xi32, #tpu.memory_space<vmem>>)
        %mul3A_330 = arith.constant 10000 : i32
        %mul3A_331 = arith.muli %add3A, %mul3A_330 : i32
        %mul3A_332 = arith.constant 80 : i32
        %mul3A_333 = arith.muli %add3A_301, %mul3A_332 : i32
        %add3A_334 = arith.addi %mul3A_331, %mul3A_333 : i32
        %dma_wait3A_335 = arith.constant 160 : i32
        %dma_wait3A_336 = tpu.memref_slice %arg9[%dma_wait3A_335] : memref<320xi32, #tpu.memory_space<vmem>> -> memref<80xi32, #tpu.memory_space<vmem>>
        %dma_wait3A_337 = tpu.memref_slice %arg4[%add3A_334] : memref<320000xi32, #tpu.memory_space<hbm>> -> memref<80xi32, #tpu.memory_space<hbm>>
        %dma_wait3A_338 = arith.constant 160 : i32
        %dma_wait3A_339 = tpu.memref_slice %arg9[%dma_wait3A_338] : memref<320xi32, #tpu.memory_space<vmem>> -> memref<80xi32, #tpu.memory_space<vmem>>
        %dma_wait3A_340 = tpu.memref_slice %arg4[%add3A_334] : memref<320000xi32, #tpu.memory_space<hbm>> -> memref<80xi32, #tpu.memory_space<hbm>>
        tpu.wait_dma2 semaphore(%arg35 : memref<!tpu.dma_semaphore, #tpu.memory_space<semaphore_mem>>) src(%dma_wait3A_340 : memref<80xi32, #tpu.memory_space<hbm>>) dst(%dma_wait3A_339 : memref<80xi32, #tpu.memory_space<vmem>>)
        %mul3A_341 = arith.constant 10000 : i32
        %mul3A_342 = arith.muli %add3A, %mul3A_341 : i32
        %mul3A_343 = arith.constant 80 : i32
        %mul3A_344 = arith.muli %add3A_301, %mul3A_343 : i32
        %add3A_345 = arith.addi %mul3A_342, %mul3A_344 : i32
        %dma_wait3A_346 = arith.constant 240 : i32
        %dma_wait3A_347 = tpu.memref_slice %arg9[%dma_wait3A_346] : memref<320xi32, #tpu.memory_space<vmem>> -> memref<80xi32, #tpu.memory_space<vmem>>
        %dma_wait3A_348 = tpu.memref_slice %arg5[%add3A_345] : memref<320000xi32, #tpu.memory_space<hbm>> -> memref<80xi32, #tpu.memory_space<hbm>>
        %dma_wait3A_349 = arith.constant 240 : i32
        %dma_wait3A_350 = tpu.memref_slice %arg9[%dma_wait3A_349] : memref<320xi32, #tpu.memory_space<vmem>> -> memref<80xi32, #tpu.memory_space<vmem>>
        %dma_wait3A_351 = tpu.memref_slice %arg5[%add3A_345] : memref<320000xi32, #tpu.memory_space<hbm>> -> memref<80xi32, #tpu.memory_space<hbm>>
        tpu.wait_dma2 semaphore(%arg35 : memref<!tpu.dma_semaphore, #tpu.memory_space<semaphore_mem>>) src(%dma_wait3A_351 : memref<80xi32, #tpu.memory_space<hbm>>) dst(%dma_wait3A_350 : memref<80xi32, #tpu.memory_space<vmem>>)
        %scan3A_352 = arith.constant 0 : i32
        %scan3A_353 = arith.constant 0 : i32
        %scan3A_354 = arith.constant 5 : i32
        %scan3A_355 = arith.addi %scan3A_353, %scan3A_354 : i32
        %scan3A_356 = arith.constant 1 : i32
        %scan3A_357 = scf.for %scan3A_367 = %scan3A_353 to %scan3A_355 step %scan3A_356 iter_args(%scan3A_368 = %scan3A_352) -> (i32)  : i32 {
          %mul3A_369 = arith.constant 16 : i32
          %mul3A_370 = arith.muli %scan3A_367, %mul3A_369 : i32
          %add3A_371 = arith.constant 240 : i32
          %add3A_372 = arith.addi %add3A_371, %mul3A_370 : i32
          %get3A = arith.index_cast %add3A_372 : i32 to index
          %get3A_373 = tpu.vector_load %arg9[%get3A] {strides = array<i32>} : memref<320xi32, #tpu.memory_space<vmem>>, vector<16xi32>,
          %get3A_374 = vector.shape_cast %get3A_373 : vector<16xi32> to vector<16xi32>
          %mul3A_375 = arith.constant 10000 : i32
          %mul3A_376 = vector.broadcast %mul3A_375 : i32 to vector<16xi32>
          %mul3A_377 = arith.muli %get3A_374, %mul3A_376 : vector<16xi32>
          %mul3A_378 = arith.constant 16 : i32
          %mul3A_379 = arith.muli %scan3A_367, %mul3A_378 : i32
          %get3A_380 = arith.index_cast %mul3A_379 : i32 to index
          %get3A_381 = tpu.vector_load %arg9[%get3A_380] {strides = array<i32>} : memref<320xi32, #tpu.memory_space<vmem>>, vector<16xi32>,
          %get3A_382 = vector.shape_cast %get3A_381 : vector<16xi32> to vector<16xi32>
          %add3A_383 = arith.addi %mul3A_377, %get3A_382 : vector<16xi32>
          %mul3A_384 = arith.constant 16 : i32
          %mul3A_385 = arith.muli %scan3A_367, %mul3A_384 : i32
          %swap3A = arith.index_cast %mul3A_385 : i32 to index
          %swap3A_386 = tpu.vector_load %arg17[%swap3A] {strides = array<i32>} : memref<80xi32, #tpu.memory_space<vmem>>, vector<16xi32>,
          %swap3A_387 = vector.shape_cast %swap3A_386 : vector<16xi32> to vector<16xi32>
          %swap3A_388 = vector.shape_cast %add3A_383 : vector<16xi32> to vector<16xi32>
          tpu.vector_store %arg17[%swap3A], %swap3A_388 {strides = array<i32>} : memref<80xi32, #tpu.memory_space<vmem>>, vector<16xi32>,
          %mul3A_389 = arith.constant 16 : i32
          %mul3A_390 = arith.muli %scan3A_367, %mul3A_389 : i32
          %add3A_391 = arith.constant 80 : i32
          %add3A_392 = arith.addi %add3A_391, %mul3A_390 : i32
          %get3A_393 = arith.index_cast %add3A_392 : i32 to index
          %get3A_394 = tpu.vector_load %arg9[%get3A_393] {strides = array<i32>} : memref<320xi32, #tpu.memory_space<vmem>>, vector<16xi32>,
          %get3A_395 = vector.shape_cast %get3A_394 : vector<16xi32> to vector<16xi32>
          %add3A_396 = arith.addi %mul3A_377, %get3A_395 : vector<16xi32>
          %mul3A_397 = arith.constant 16 : i32
          %mul3A_398 = arith.muli %scan3A_367, %mul3A_397 : i32
          %swap3A_399 = arith.index_cast %mul3A_398 : i32 to index
          %swap3A_400 = tpu.vector_load %arg19[%swap3A_399] {strides = array<i32>} : memref<80xi32, #tpu.memory_space<vmem>>, vector<16xi32>,
          %swap3A_401 = vector.shape_cast %swap3A_400 : vector<16xi32> to vector<16xi32>
          %swap3A_402 = vector.shape_cast %add3A_396 : vector<16xi32> to vector<16xi32>
          tpu.vector_store %arg19[%swap3A_399], %swap3A_402 {strides = array<i32>} : memref<80xi32, #tpu.memory_space<vmem>>, vector<16xi32>,
          %mul3A_403 = arith.constant 16 : i32
          %mul3A_404 = arith.muli %scan3A_367, %mul3A_403 : i32
          %add3A_405 = arith.constant 160 : i32
          %add3A_406 = arith.addi %add3A_405, %mul3A_404 : i32
          %get3A_407 = arith.index_cast %add3A_406 : i32 to index
          %get3A_408 = tpu.vector_load %arg9[%get3A_407] {strides = array<i32>} : memref<320xi32, #tpu.memory_space<vmem>>, vector<16xi32>,
          %get3A_409 = vector.shape_cast %get3A_408 : vector<16xi32> to vector<16xi32>
          %mul3A_410 = arith.constant 16 : i32
          %mul3A_411 = arith.muli %scan3A_367, %mul3A_410 : i32
          %swap3A_412 = arith.index_cast %mul3A_411 : i32 to index
          %swap3A_413 = tpu.vector_load %arg23[%swap3A_412] {strides = array<i32>} : memref<80xi32, #tpu.memory_space<vmem>>, vector<16xi32>,
          %swap3A_414 = vector.shape_cast %swap3A_413 : vector<16xi32> to vector<16xi32>
          %swap3A_415 = vector.shape_cast %get3A_409 : vector<16xi32> to vector<16xi32>
          tpu.vector_store %arg23[%swap3A_412], %swap3A_415 {strides = array<i32>} : memref<80xi32, #tpu.memory_space<vmem>>, vector<16xi32>,
          %add3A_416 = arith.addi %mul3A_377, %get3A_409 : vector<16xi32>
          %mul3A_417 = arith.constant 16 : i32
          %mul3A_418 = arith.muli %scan3A_367, %mul3A_417 : i32
          %swap3A_419 = arith.index_cast %mul3A_418 : i32 to index
          %swap3A_420 = tpu.vector_load %arg21[%swap3A_419] {strides = array<i32>} : memref<80xi32, #tpu.memory_space<vmem>>, vector<16xi32>,
          %swap3A_421 = vector.shape_cast %swap3A_420 : vector<16xi32> to vector<16xi32>
          %swap3A_422 = vector.shape_cast %add3A_416 : vector<16xi32> to vector<16xi32>
          tpu.vector_store %arg21[%swap3A_419], %swap3A_422 {strides = array<i32>} : memref<80xi32, #tpu.memory_space<vmem>>, vector<16xi32>,
          %scan3A_423 = arith.constant 0 : i32
          scf.yield %scan3A_423 : i32
        }
        %scan3A_358 = arith.constant 5 : i32
        %dma_start3A_359 = arith.constant 0 : i32
        %dma_start3A_360 = tpu.memref_slice %arg33[%dma_start3A_359] : memref<40000xf32, #tpu.memory_space<vmem_shared>> -> memref<40000xf32, #tpu.memory_space<vmem_shared>>
        tpu.enqueue_indirect_dma source(%dma_start3A_360 : memref<40000xf32, #tpu.memory_space<vmem_shared>>) target(%arg25 : memref<80xf32, #tpu.memory_space<vmem>>) offsets(%arg21 : memref<80xi32, #tpu.memory_space<vmem>>) semaphore(%arg41 : memref<!tpu.dma_semaphore, #tpu.memory_space<semaphore_mem>>)
        %dma_start3A_361 = arith.constant 0 : i32
        %dma_start3A_362 = arith.constant 0 : i32
        %dma_start3A_363 = tpu.memref_slice %arg6[%dma_start3A_361, %dma_start3A_362] : memref<40000x128xf32, #tpu.memory_space<hbm>> -> memref<40000x128xf32, #tpu.memory_space<hbm>>
        tpu.enqueue_indirect_dma source(%dma_start3A_363 : memref<40000x128xf32, #tpu.memory_space<hbm>>) target(%arg27 : memref<80x128xf32, #tpu.memory_space<vmem>>) offsets(%arg17 : memref<80xi32, #tpu.memory_space<vmem>>) semaphore(%arg37 : memref<!tpu.dma_semaphore, #tpu.memory_space<semaphore_mem>>)
        %dma_start3A_364 = arith.constant 0 : i32
        %dma_start3A_365 = arith.constant 0 : i32
        %dma_start3A_366 = tpu.memref_slice %arg7[%dma_start3A_364, %dma_start3A_365] : memref<40000x128xf32, #tpu.memory_space<hbm>> -> memref<40000x128xf32, #tpu.memory_space<hbm>>
        tpu.enqueue_indirect_dma source(%dma_start3A_366 : memref<40000x128xf32, #tpu.memory_space<hbm>>) target(%arg29 : memref<80x128xf32, #tpu.memory_space<vmem>>) offsets(%arg19 : memref<80xi32, #tpu.memory_space<vmem>>) semaphore(%arg37 : memref<!tpu.dma_semaphore, #tpu.memory_space<semaphore_mem>>)
      } else {
      }
      %scan3A_307 = arith.constant 0 : i32
      scf.yield %scan3A_307 : i32
    }
    %scan3A_236 = arith.constant 63 : i32
    %barrier3A_237 = arith.constant 0 : index
    tpu.barrier barrier_id(%barrier3A_237)
    %lt3A_238 = arith.constant 15 : i32
    %lt3A_239 = arith.cmpi slt, %arg1, %lt3A_238 : i32
    %convert_element_type3A_240 = arith.extui %lt3A_239 : i1 to i32
    %cond3A_241 = arith.constant 0 : i32
    %cond3A_242 = arith.cmpi ne, %convert_element_type3A_240, %cond3A_241 : i32
    scf.if %cond3A_242 {
      "tpu.region"() ({
        %run_scoped3A = tpu.sem_alloc : memref<!tpu.dma_semaphore, #tpu.memory_space<semaphore_mem>>
        %dma_start3A_248 = arith.constant 0 : i32
        %dma_start3A_249 = tpu.memref_slice %arg8[%arg0, %mul3A_24, %dma_start3A_248] : memref<2x10000x128xf32, #tpu.memory_space<hbm>> -> memref<1x624x128xf32, #tpu.memory_space<hbm>>
        %dma_start3A_250 = tpu.memref_squeeze %dma_start3A_249 : memref<1x624x128xf32, #tpu.memory_space<hbm>> -> memref<624x128xf32, #tpu.memory_space<hbm>>
        %dma_start3A_251 = arith.constant 0 : i32
        %dma_start3A_252 = tpu.memref_slice %arg34[%mul3A_24, %dma_start3A_251] : memref<10000x128xf32, #tpu.memory_space<vmem_shared>> -> memref<624x128xf32, #tpu.memory_space<vmem_shared>>
        tpu.enqueue_dma source(%dma_start3A_252 : memref<624x128xf32, #tpu.memory_space<vmem_shared>>) target(%dma_start3A_250 : memref<624x128xf32, #tpu.memory_space<hbm>>) target_semaphore(%run_scoped3A : memref<!tpu.dma_semaphore, #tpu.memory_space<semaphore_mem>>)
        %dma_wait3A_253 = arith.constant 0 : i32
        %dma_wait3A_254 = tpu.memref_slice %arg8[%arg0, %mul3A_24, %dma_wait3A_253] : memref<2x10000x128xf32, #tpu.memory_space<hbm>> -> memref<1x624x128xf32, #tpu.memory_space<hbm>>
        %dma_wait3A_255 = tpu.memref_squeeze %dma_wait3A_254 : memref<1x624x128xf32, #tpu.memory_space<hbm>> -> memref<624x128xf32, #tpu.memory_space<hbm>>
        %dma_wait3A_256 = arith.constant 0 : i32
        %dma_wait3A_257 = tpu.memref_slice %arg34[%mul3A_24, %dma_wait3A_256] : memref<10000x128xf32, #tpu.memory_space<vmem_shared>> -> memref<624x128xf32, #tpu.memory_space<vmem_shared>>
        tpu.wait_dma2 semaphore(%run_scoped3A : memref<!tpu.dma_semaphore, #tpu.memory_space<semaphore_mem>>) src(%dma_wait3A_257 : memref<624x128xf32, #tpu.memory_space<vmem_shared>>) dst(%dma_wait3A_255 : memref<624x128xf32, #tpu.memory_space<hbm>>)
        tpu.yield
      }) : () -> ()
    } else {
    }
    %eq3A_243 = arith.constant 15 : i32
    %eq3A_244 = arith.cmpi eq, %arg1, %eq3A_243 : i32
    %convert_element_type3A_245 = arith.extui %eq3A_244 : i1 to i32
    %cond3A_246 = arith.constant 0 : i32
    %cond3A_247 = arith.cmpi ne, %convert_element_type3A_245, %cond3A_246 : i32
    scf.if %cond3A_247 {
      "tpu.region"() ({
        %run_scoped3A = tpu.sem_alloc : memref<!tpu.dma_semaphore, #tpu.memory_space<semaphore_mem>>
        %dma_start3A_248 = arith.constant 0 : i32
        %dma_start3A_249 = tpu.memref_slice %arg8[%arg0, %mul3A_24, %dma_start3A_248] : memref<2x10000x128xf32, #tpu.memory_space<hbm>> -> memref<1x640x128xf32, #tpu.memory_space<hbm>>
        %dma_start3A_250 = tpu.memref_squeeze %dma_start3A_249 : memref<1x640x128xf32, #tpu.memory_space<hbm>> -> memref<640x128xf32, #tpu.memory_space<hbm>>
        %dma_start3A_251 = arith.constant 0 : i32
        %dma_start3A_252 = tpu.memref_slice %arg34[%mul3A_24, %dma_start3A_251] : memref<10000x128xf32, #tpu.memory_space<vmem_shared>> -> memref<640x128xf32, #tpu.memory_space<vmem_shared>>
        tpu.enqueue_dma source(%dma_start3A_252 : memref<640x128xf32, #tpu.memory_space<vmem_shared>>) target(%dma_start3A_250 : memref<640x128xf32, #tpu.memory_space<hbm>>) target_semaphore(%run_scoped3A : memref<!tpu.dma_semaphore, #tpu.memory_space<semaphore_mem>>)
        %dma_wait3A_253 = arith.constant 0 : i32
        %dma_wait3A_254 = tpu.memref_slice %arg8[%arg0, %mul3A_24, %dma_wait3A_253] : memref<2x10000x128xf32, #tpu.memory_space<hbm>> -> memref<1x640x128xf32, #tpu.memory_space<hbm>>
        %dma_wait3A_255 = tpu.memref_squeeze %dma_wait3A_254 : memref<1x640x128xf32, #tpu.memory_space<hbm>> -> memref<640x128xf32, #tpu.memory_space<hbm>>
        %dma_wait3A_256 = arith.constant 0 : i32
        %dma_wait3A_257 = tpu.memref_slice %arg34[%mul3A_24, %dma_wait3A_256] : memref<10000x128xf32, #tpu.memory_space<vmem_shared>> -> memref<640x128xf32, #tpu.memory_space<vmem_shared>>
        tpu.wait_dma2 semaphore(%run_scoped3A : memref<!tpu.dma_semaphore, #tpu.memory_space<semaphore_mem>>) src(%dma_wait3A_257 : memref<640x128xf32, #tpu.memory_space<vmem_shared>>) dst(%dma_wait3A_255 : memref<640x128xf32, #tpu.memory_space<hbm>>)
        tpu.yield
      }) : () -> ()
    } else {
    }
    return
  }
}

module attributes {stable_mosaic.version = 14 : i64} {
  func.func @_y_body(%arg0: i32, %arg1: i32, %arg2: memref<2000x128xf32, #tpu.memory_space<vmem>>, %arg3: memref<1x128x128xf32, #tpu.memory_space<vmem>>, %arg4: memref<1x128x128xf32, #tpu.memory_space<vmem>>, %arg5: memref<1x2000x128xf32, #tpu.memory_space<vmem>>, %arg6: memref<1x2000x128xf32, #tpu.memory_space<vmem>>) attributes {dimension_semantics = [#tpu.dimension_semantics<arbitrary>, #tpu.dimension_semantics<arbitrary>], iteration_bounds = array<i64: 4, 5>, scalar_prefetch = 0 : i64, scratch_operands = 0 : i64, tpu.core_type = #tpu.core_type<tc>, window_params = [{transform_indices = @transform_0, window_bounds = array<i64: 2000, 128>}, {transform_indices = @transform_1, window_bounds = array<i64: 1, 128, 128>}, {transform_indices = @transform_2, window_bounds = array<i64: 1, 128, 128>}, {transform_indices = @transform_3, window_bounds = array<i64: 1, 2000, 128>}, {transform_indices = @transform_4, window_bounds = array<i64: 1, 2000, 128>}]} {
    %get3A = arith.constant 0 : index
    %get3A_0 = arith.constant 0 : index
    %get3A_1 = vector.load %arg2[%get3A, %get3A_0] : memref<2000x128xf32, #tpu.memory_space<vmem>>, vector<2000x128xf32>
    %get3A_2 = arith.constant 0 : index
    %get3A_3 = arith.constant 0 : index
    %get3A_4 = arith.constant 0 : index
    %get3A_5 = vector.load %arg3[%get3A_2, %get3A_3, %get3A_4] : memref<1x128x128xf32, #tpu.memory_space<vmem>>, vector<1x128x128xf32>
    %get3A_6 = vector.shape_cast %get3A_5 : vector<1x128x128xf32> to vector<128x128xf32>
    %dot_general3A = arith.constant dense<0.000000e+00> : vector<2000x128xf32>
    %dot_general3A_7 = tpu.matmul %get3A_1, %get3A_6, %dot_general3A {dimension_numbers = #tpu.dot_dimension_numbers<[1], [0], [0], [1], [0, 0, 1, 1], [], []>, transpose_lhs_hint = false} : vector<2000x128xf32>, vector<128x128xf32>, vector<2000x128xf32> -> vector<2000x128xf32>
    %swap3A = arith.constant 0 : index
    %swap3A_8 = arith.constant 0 : index
    %swap3A_9 = arith.constant 0 : index
    %swap3A_10 = vector.load %arg5[%swap3A, %swap3A_8, %swap3A_9] : memref<1x2000x128xf32, #tpu.memory_space<vmem>>, vector<1x2000x128xf32>
    %swap3A_11 = vector.shape_cast %swap3A_10 : vector<1x2000x128xf32> to vector<2000x128xf32>
    %swap3A_12 = vector.shape_cast %dot_general3A_7 : vector<2000x128xf32> to vector<1x2000x128xf32>
    tpu.vector_store %arg5[%swap3A, %swap3A_8, %swap3A_9], %swap3A_12 {strides = array<i32>} : memref<1x2000x128xf32, #tpu.memory_space<vmem>>, vector<1x2000x128xf32>,
    %get3A_13 = arith.constant 0 : index
    %get3A_14 = arith.constant 0 : index
    %get3A_15 = arith.constant 0 : index
    %get3A_16 = vector.load %arg4[%get3A_13, %get3A_14, %get3A_15] : memref<1x128x128xf32, #tpu.memory_space<vmem>>, vector<1x128x128xf32>
    %get3A_17 = vector.shape_cast %get3A_16 : vector<1x128x128xf32> to vector<128x128xf32>
    %dot_general3A_18 = arith.constant dense<0.000000e+00> : vector<2000x128xf32>
    %dot_general3A_19 = tpu.matmul %get3A_1, %get3A_17, %dot_general3A_18 {dimension_numbers = #tpu.dot_dimension_numbers<[1], [0], [0], [1], [0, 0, 1, 1], [], []>, transpose_lhs_hint = false} : vector<2000x128xf32>, vector<128x128xf32>, vector<2000x128xf32> -> vector<2000x128xf32>
    %swap3A_20 = arith.constant 0 : index
    %swap3A_21 = arith.constant 0 : index
    %swap3A_22 = arith.constant 0 : index
    %swap3A_23 = vector.load %arg6[%swap3A_20, %swap3A_21, %swap3A_22] : memref<1x2000x128xf32, #tpu.memory_space<vmem>>, vector<1x2000x128xf32>
    %swap3A_24 = vector.shape_cast %swap3A_23 : vector<1x2000x128xf32> to vector<2000x128xf32>
    %swap3A_25 = vector.shape_cast %dot_general3A_19 : vector<2000x128xf32> to vector<1x2000x128xf32>
    tpu.vector_store %arg6[%swap3A_20, %swap3A_21, %swap3A_22], %swap3A_25 {strides = array<i32>} : memref<1x2000x128xf32, #tpu.memory_space<vmem>>, vector<1x2000x128xf32>,
    return
  }
  func.func @transform_0(%arg0: i32, %arg1: i32) -> (i32, i32) {
    %c0_i32 = arith.constant 0 : i32
    %c0_i32_0 = arith.constant 0 : i32
    return %arg1, %c0_i32 : i32, i32
  }
  func.func @transform_1(%arg0: i32, %arg1: i32) -> (i32, i32, i32) {
    %c0_i32 = arith.constant 0 : i32
    %c0_i32_0 = arith.constant 0 : i32
    %c0_i32_1 = arith.constant 0 : i32
    return %arg0, %c0_i32, %c0_i32_0 : i32, i32, i32
  }
  func.func @transform_2(%arg0: i32, %arg1: i32) -> (i32, i32, i32) {
    %c0_i32 = arith.constant 0 : i32
    %c0_i32_0 = arith.constant 0 : i32
    %c0_i32_1 = arith.constant 0 : i32
    return %arg0, %c0_i32, %c0_i32_0 : i32, i32, i32
  }
  func.func @transform_3(%arg0: i32, %arg1: i32) -> (i32, i32, i32) {
    %c0_i32 = arith.constant 0 : i32
    %c0_i32_0 = arith.constant 0 : i32
    return %arg0, %arg1, %c0_i32 : i32, i32, i32
  }
  func.func @transform_4(%arg0: i32, %arg1: i32) -> (i32, i32, i32) {
    %c0_i32 = arith.constant 0 : i32
    %c0_i32_0 = arith.constant 0 : i32
    return %arg0, %arg1, %c0_i32 : i32, i32, i32
  }
}

module attributes {stable_mosaic.version = 14 : i64} {
  func.func @_out_body(%arg0: i32, %arg1: memref<2000x128xf32, #tpu.memory_space<vmem>>, %arg2: memref<128x128xf32, #tpu.memory_space<vmem>>, %arg3: memref<1x128xf32, #tpu.memory_space<vmem>>, %arg4: memref<2000x128xf32, #tpu.memory_space<vmem>>, %arg5: memref<2000x128xf32, #tpu.memory_space<vmem>>, %arg6: memref<2000x128xf32, #tpu.memory_space<vmem>>) attributes {dimension_semantics = [#tpu.dimension_semantics<arbitrary>], iteration_bounds = array<i64: 5>, scalar_prefetch = 0 : i64, scratch_operands = 0 : i64, tpu.core_type = #tpu.core_type<tc>, window_params = [{transform_indices = @transform_0, window_bounds = array<i64: 2000, 128>}, {pipeline_mode = #tpu.pipeline_mode<synchronous>, transform_indices = @transform_1, window_bounds = array<i64: 128, 128>}, {pipeline_mode = #tpu.pipeline_mode<synchronous>, transform_indices = @transform_2, window_bounds = array<i64: 1, 128>}, {transform_indices = @transform_3, window_bounds = array<i64: 2000, 128>}, {transform_indices = @transform_4, window_bounds = array<i64: 2000, 128>}, {transform_indices = @transform_5, window_bounds = array<i64: 2000, 128>}]} {
    %get3A = arith.constant 0 : index
    %get3A_0 = arith.constant 0 : index
    %get3A_1 = vector.load %arg1[%get3A, %get3A_0] : memref<2000x128xf32, #tpu.memory_space<vmem>>, vector<2000x128xf32>
    %get3A_2 = arith.constant 0 : index
    %get3A_3 = arith.constant 0 : index
    %get3A_4 = vector.load %arg2[%get3A_2, %get3A_3] : memref<128x128xf32, #tpu.memory_space<vmem>>, vector<128x128xf32>
    %dot_general3A = arith.constant dense<0.000000e+00> : vector<2000x128xf32>
    %dot_general3A_5 = tpu.matmul %get3A_1, %get3A_4, %dot_general3A {dimension_numbers = #tpu.dot_dimension_numbers<[1], [0], [0], [1], [0, 0, 1, 1], [], []>, transpose_lhs_hint = false} : vector<2000x128xf32>, vector<128x128xf32>, vector<2000x128xf32> -> vector<2000x128xf32>
    %get3A_6 = arith.constant 0 : index
    %get3A_7 = arith.constant 0 : index
    %get3A_8 = vector.load %arg3[%get3A_6, %get3A_7] : memref<1x128xf32, #tpu.memory_space<vmem>>, vector<1x128xf32>
    %add3A = vector.broadcast %get3A_8 : vector<1x128xf32> to vector<2000x128xf32>
    %add3A_9 = arith.addf %dot_general3A_5, %add3A : vector<2000x128xf32>
    %get3A_10 = arith.constant 0 : index
    %get3A_11 = arith.constant 0 : index
    %get3A_12 = vector.load %arg4[%get3A_10, %get3A_11] : memref<2000x128xf32, #tpu.memory_space<vmem>>, vector<2000x128xf32>
    %add3A_13 = arith.addf %add3A_9, %get3A_12 : vector<2000x128xf32>
    %get3A_14 = arith.constant 0 : index
    %get3A_15 = arith.constant 0 : index
    %get3A_16 = vector.load %arg5[%get3A_14, %get3A_15] : memref<2000x128xf32, #tpu.memory_space<vmem>>, vector<2000x128xf32>
    %add3A_17 = arith.addf %add3A_13, %get3A_16 : vector<2000x128xf32>
    %swap3A = arith.constant 0 : index
    %swap3A_18 = arith.constant 0 : index
    %swap3A_19 = vector.load %arg6[%swap3A, %swap3A_18] : memref<2000x128xf32, #tpu.memory_space<vmem>>, vector<2000x128xf32>
    tpu.vector_store %arg6[%swap3A, %swap3A_18], %add3A_17 {strides = array<i32>} : memref<2000x128xf32, #tpu.memory_space<vmem>>, vector<2000x128xf32>,
    return
  }
  func.func @transform_0(%arg0: i32) -> (i32, i32) {
    %c0_i32 = arith.constant 0 : i32
    %c0_i32_0 = arith.constant 0 : i32
    return %arg0, %c0_i32 : i32, i32
  }
  func.func @transform_1(%arg0: i32) -> (i32, i32) {
    %c0_i32 = arith.constant 0 : i32
    %c0_i32_0 = arith.constant 0 : i32
    %c0_i32_1 = arith.constant 0 : i32
    return %c0_i32, %c0_i32_0 : i32, i32
  }
  func.func @transform_2(%arg0: i32) -> (i32, i32) {
    %c0_i32 = arith.constant 0 : i32
    %c0_i32_0 = arith.constant 0 : i32
    %c0_i32_1 = arith.constant 0 : i32
    return %c0_i32, %c0_i32_0 : i32, i32
  }
  func.func @transform_3(%arg0: i32) -> (i32, i32) {
    %c0_i32 = arith.constant 0 : i32
    %c0_i32_0 = arith.constant 0 : i32
    return %arg0, %c0_i32 : i32, i32
  }
  func.func @transform_4(%arg0: i32) -> (i32, i32) {
    %c0_i32 = arith.constant 0 : i32
    %c0_i32_0 = arith.constant 0 : i32
    return %arg0, %c0_i32 : i32, i32
  }
  func.func @transform_5(%arg0: i32) -> (i32, i32) {
    %c0_i32 = arith.constant 0 : i32
    %c0_i32_0 = arith.constant 0 : i32
    return %arg0, %c0_i32 : i32, i32
  }
}

</mosaic_0001>

<sc_bundles>
// kernel: kernel.5.cloned.1.call-start
scs
__scs_entry_jumppad:
0x0: {  	(pc) =	sbr.rel $0x88, $3  }
0x1: {  	(tag) =	ssettag $0x0;
	lr =	simm.s32 $0x1  }
0x2: {  	[smem:$0x3F9B] =	sst lr;
	_ =	strace $0xD0000000  }
0x3: {  	_ = 	snop  }
0x4: {  	_ = 	snop  }
0x5: {  	_ = 	snop  }
0x6: {  	_ = 	snop  }
0x7: {  	_ = 	snop  }
__scs_overlays_trampoline_lowered:
0x8: {  	[smem:$0x3FAA] =	sst s0  }
0x9: {  	[smem:$0x3FAB] =	sst s1  }
0xa: {  	[smem:$0x3FAC] =	sst s2  }
0xb: {  	[smem:$0x3FAD] =	sst s3  }
0xc: {  	[smem:$0x3FAE] =	sst s4  }
0xd: {  	[smem:$0x3FAF] =	sst s5  }
0xe: {  	[smem:$0x3FB0] =	sst s6  }
0xf: {  	[smem:$0x3FB1] =	sst s7  }
0x10: {  	[smem:$0x3FB2] =	sst s8  }
0x11: {  	[smem:$0x3FB3] =	sst s9;
	s0 =	simm.s32 @!p0 $0x0  }
0x12: {  	s1 =	sld [smem:$0x3F99];
	s0 =	simm.s32 @p0 $0x1  }
0x13: {  	[smem:$0x3FB4] =	sst s0;
	s0 =	simm.s32 @!p1 $0x0  }
0x14: {  	s2 =	sld [smem:$0x3F98];
	s0 =	simm.s32 @p1 $0x1  }
0x15: {  	[smem:$0x3FB5] =	sst s0;
	s0 =	simm.s32 @!p2 $0x0  }
0x16: {  	s3 =	sld [smem:$0x3FDB];
	s0 =	simm.s32 @p2 $0x1  }
0x17: {  	s4 =	simm.s32 $0x1BF5;
	[smem:$0x3FB7] =	sst s0  }
0x18: {  	s0 =	sld [smem:$0x3F9A];
	_ =	swait.ge [sflag:s4], $0x0  }
0x19: {  	s7 =	sld [smem:$0x3F9B]  }
0x1a: {  	s8 =	sadd.s32 $0xFFFFE003, lr  }
0x1b: {  	s9 =	sadd.s32 $0xFFFFFEF7, lr;
	s5 =	simm.s32 $0xFFFFFFFF;
	p2 =	slt.u32 s8, $0xFFFFF086  }
0x1c: {  	p1 =	slt.u32 s9, $0xF7A;
	s5 =	simm.s32 @!p2 $0x0  }
0x1d: {  	s5 =	simm.s32 @p1 $0x1;
	p0 =	seq.s32 s7, s2  }
0x1e: {  	s7 =	smul.u32 @!p0 $0xF7A, s2;
	p2 =	seq.s32 @!p0 s5, $0x0  }
0x1f: {  	s9 =	smul.u32 $0xF7A, s1;
	s8 =	simm.s32 @!p0 $0x1BF5;
	p2 =	por !p2, p0  }
0x20: {  	[sflag:s8] =	ssyncset.s32 @!p0 $0xFFFFF086;
	s6 =	sadd.s32 @!p0 s3, s7;
	s7 =	simm.s32 @!p0 $0x108  }
0x21: {  	s3 =	sadd.s32 s3, s9;
	s6 =	sadd.s32 @!p0 $0x88, s6;
	s7 =	simm.s32 @p2 $0x1082  }
0x22: {  	[simem:s7], [sflag:s8] =	dma.local @!p0 [hbm:s6], $0xF7A  }
0x23: {  	s9 =	sor.u32 $0xD0000000, s2;
	s6 =	simm.s32 $0x108;
	_ =	swait.ge @!p0 [sflag:s8], $0x0  }
0x24: {  	s3 =	sadd.s32 $0x88, s3;
	s6 =	simm.s32 @!p1 $0x1082;
	[sflag:s4] =	ssyncset.s32 $0xFFFFF086  }
0x25: {  	[simem:s6], [sflag:s4] =	dma.local [hbm:s3], $0xF7A  }
0x26: {  	[smem:$0x3F9B] =	sst s1;
	(tag) =	ssettag s2;
	_ =	strace s9  }
0x27: {  	s1 =	sld [smem:$0x3FAB]  }
0x28: {  	s2 =	sld [smem:$0x3FAC]  }
0x29: {  	s4 =	sld [smem:$0x3FAE]  }
0x2a: {  	p0 =	seq.s32 s5, $0x0;
	s5 =	sld [smem:$0x3FAF]  }
0x2b: {  	s6 =	sld [smem:$0x3FB0]  }
0x2c: {  	s7 =	sld [smem:$0x3FB1]  }
0x2d: {  	s3 =	simm.s32 $0x108;
	s8 =	sld [smem:$0x3FB2]  }
0x2e: {  	s3 =	simm.s32 @!p0 $0x1082;
	s9 =	sld [smem:$0x3FB3]  }
0x2f: {  	lr =	sadd.s32 s0, s3;
	s0 =	sld [smem:$0x3FAA]  }
0x30: {  	s3 =	sld [smem:$0x3FAD]  }
0x31: {  	[smem:$0x3FB6] =	sst s10  }
0x32: {  	s10 =	sld [smem:$0x3FB4];
	_ =	sdelay $0x3  }
0x33: {  	p0 =	seq.s32 s10, $0x1;
	s10 =	sld [smem:$0x3FB6];
	_ =	sdelay $0x3  }
0x34: {  	[smem:$0x3FB6] =	sst s10  }
0x35: {  	s10 =	sld [smem:$0x3FB5];
	_ =	sdelay $0x3  }
0x36: {  	p1 =	seq.s32 s10, $0x1;
	s10 =	sld [smem:$0x3FB6];
	_ =	sdelay $0x3  }
0x37: {  	[smem:$0x3FB6] =	sst s10  }
0x38: {  	s10 =	sld [smem:$0x3FB7]  }
0x39: {  	_ = 	snop;
	(pc) =	sbr.ind lr, $3  }
0x3a: {  	_ = 	snop  }
0x3b: {  	_ = 	snop  }
0x3c: {  	p2 =	seq.s32 s10, $0x1;
	s10 =	sld [smem:$0x3FB6]  }
0x3d: {  	_ =	shalt  }
0x3e: {  	_ =	shalt  }
0x3f: {  	_ =	shalt  }
0x40: {  	_ =	shalt  }
0x41: {  	_ =	shalt  }
0x42: {  	_ =	shalt  }
0x43: {  	_ =	shalt  }
0x44: {  	_ =	shalt  }
0x45: {  	_ =	shalt  }
0x46: {  	_ =	shalt  }
0x47: {  	_ =	shalt  }
0x48: {  	_ =	shalt  }
0x49: {  	_ =	shalt  }
0x4a: {  	_ =	shalt  }
0x4b: {  	_ =	shalt  }
0x4c: {  	_ =	shalt  }
0x4d: {  	_ =	shalt  }
0x4e: {  	_ =	shalt  }
0x4f: {  	_ =	shalt  }
0x50: {  	_ =	shalt  }
0x51: {  	_ =	shalt  }
0x52: {  	_ =	shalt  }
0x53: {  	_ =	shalt  }
0x54: {  	_ =	shalt  }
0x55: {  	_ =	shalt  }
0x56: {  	_ =	shalt  }
0x57: {  	_ =	shalt  }
0x58: {  	_ =	shalt  }
0x59: {  	_ =	shalt  }
0x5a: {  	_ =	shalt  }
0x5b: {  	_ =	shalt  }
0x5c: {  	_ =	shalt  }
0x5d: {  	_ =	shalt  }
0x5e: {  	_ =	shalt  }
0x5f: {  	_ =	shalt  }
0x60: {  	_ =	shalt  }
0x61: {  	_ =	shalt  }
0x62: {  	_ =	shalt  }
0x63: {  	_ =	shalt  }
0x64: {  	_ =	shalt  }
0x65: {  	_ =	shalt  }
0x66: {  	_ =	shalt  }
0x67: {  	_ =	shalt  }
0x68: {  	_ =	shalt  }
0x69: {  	_ =	shalt  }
0x6a: {  	_ =	shalt  }
0x6b: {  	_ =	shalt  }
0x6c: {  	_ =	shalt  }
0x6d: {  	_ =	shalt  }
0x6e: {  	_ =	shalt  }
0x6f: {  	_ =	shalt  }
0x70: {  	_ =	shalt  }
0x71: {  	_ =	shalt  }
0x72: {  	_ =	shalt  }
0x73: {  	_ =	shalt  }
0x74: {  	_ =	shalt  }
0x75: {  	_ =	shalt  }
0x76: {  	_ =	shalt  }
0x77: {  	_ =	shalt  }
0x78: {  	_ =	shalt  }
0x79: {  	_ =	shalt  }
0x7a: {  	_ =	shalt  }
0x7b: {  	_ =	shalt  }
0x7c: {  	_ =	shalt  }
0x7d: {  	_ =	shalt  }
0x7e: {  	_ =	shalt  }
0x7f: {  	_ =	shalt  }
0x80: {  	_ =	shalt  }
0x81: {  	_ =	shalt  }
0x82: {  	_ =	shalt  }
0x83: {  	_ =	shalt  }
0x84: {  	_ =	shalt  }
0x85: {  	_ =	shalt  }
0x86: {  	_ =	shalt  }
0x87: {  	_ =	shalt  }
.Lfunc_end0:
.L_simem_size_0:
called_computation_lowered:
.L_overlay_start_0:
0x88: {  	s2 =	sld [smem:$0x3FD9]  }
0x89: {  	s3 =	sld [smem:$0x3FFE];
	_ =	sdelay $0x1  }
0x8a: {  	s1 =	srdreg.scid  }
0x8b: {  	s0 =	sand.u32 $0x1, s1  }
0x8c: {  	s17 =	sshll.u32 s0, $0xA;
	s2 =	sadd.s32 s3, s2  }
0x8d: {  	s2 =	sadd.s32 s2, s17  }
0x8e: {  	[smem:$0x3FC2] =	sst s2  }
0x8f: {  	_ = 	snop  }
0x90: {  	s2 =	sld [smem:$0x3FC7]  }
0x91: {  	s18 =	sld [smem:$0x3FD0];
	(tm) =	ssettm $0x1  }
0x92: {  	s4 =	sld [smem:$0x3FFB];
	_ =	sdelay $0x3  }
0x93: {  	_ =	strace s4  }
0x94: {  	s4 =	sld [smem:$0x3FFC];
	_ =	sdelay $0x3  }
0x95: {  	_ =	strace s4  }
0x96: {  	s4 =	sld [smem:$0x3FFD];
	_ =	sdelay $0x3  }
0x97: {  	_ =	strace s4  }
0x98: {  	_ =	strace $0x8FFFFFFF  }
0x99: {  	s19 =	sld [smem:$0x3FDB];
	_ =	sdelay $0x1  }
0x9a: {  	s5 =	simm.s32 $_scs_section_size  }
0x9b: {  	s6 =	simm.s32 $_size__tile_overlayer_lowered;
	s7 =	simm.s32 $_tile_overlayer_lowered  }
0x9c: {  	s22 =	simm.s32 $0x1BFF;
	s21 =	sshll.u32 s7, $0x1;
	s4 =	sadd.s32 s5, s19  }
0x9d: {  	s8 =	simm.s32 $0x0;
	s20 =	sshll.u32 s6, $0x1;
	s6 =	sadd.s32 s21, s4  }
0x9e: {  	[timem:s8], [sflag:s22] =	dma.local [hbm:s6], s20  }
0x9f: {  	_ =	swait.ge [sflag:s22], s20  }
0xa0: {  	s5 =	ssub.s32 $0x0, s20;
	[sflag:s22] =	ssyncset.done $0x0  }
0xa1: {  	[sflag:s22] =	ssyncadd.s32 s5;
	_ =	sdelay $0x1  }
0xa2: {  	s23 =	simm.s32 $0x1B8B  }
0xa3: {  	_ =	swait.ge [sflag:s23], $0x1  }
0xa4: {  	[sflag:s23] =	ssyncset.done $0x0  }
0xa5: {  	s25 =	simm.s32 $0x1B8E;
	s24 =	sld [smem:$0x3FFE];
	[sflag:s23] =	ssyncadd.s32 $0xFFFFFFFF  }
0xa6: {  	s26 =	simm.s32 $execute0_lowered;
	[smem:$0x3FD2] =	sst s25  }
0xa7: {  	s6 =	sshll.u32 s26, $0x1;
	_ =	strace $0x80000046;
	[dreg:$0x1] =	wrdreg $0xFFFFFFFF  }
0xa8: {  	s28 =	simm.s32 $_size_execute0_lowered;
	s4 =	sadd.s32 s4, s6;
	[dreg:$0x0] =	wrdreg $0x0  }
0xa9: {  	s6 =	sshll.u32 s28, $0x1;
	[dreg:$0x2] =	wrdreg s4  }
0xaa: {  	[dreg:$0x3] =	wrdreg s6  }
0xab: {  	[dreg:$0x4] =	wrdreg $0xC0  }
0xac: {  	_ =	task [dreg:s8], $0x5FFFF  }
0xad: {  	[dreg:$0x1] =	wrdreg $0xFFFFFFFF  }
0xae: {  	[dreg:$0x0] =	wrdreg $0x60  }
0xaf: {  	[dreg:$0x2] =	wrdreg s18  }
0xb0: {  	[dreg:$0x3] =	wrdreg s24  }
0xb1: {  	[dreg:$0x4] =	wrdreg s2  }
0xb2: {  	[dreg:$0x5] =	wrdreg $0xC1480  }
0xb3: {  	[dreg:$0x6] =	wrdreg $0xB7800  }
0xb4: {  	[dreg:$0x7] =	wrdreg $0x9  }
0xb5: {  	_ =	task.clear_ibuf [dreg:s8], $0x8FFFF;
	_ =	strace $0x90000046  }
0xb6: {  	s29 =	simm.s32 $0x9;
	_ =	strace $0x80000048  }
0xb7: {  	_ =	swait.ge [sflag:s29], $0x1  }
0xb8: {  	[sflag:s29] =	ssyncadd.s32 $0xFFFFFFFF  }
0xb9: {  	_ =	strace $0x90000048  }
0xba: {  	_ =	sfence  }
0xbb: {  	s30 =	sld [smem:$0x0];
	_ =	sdelay $0x2  }
0xbc: {  	s31 =	sshll.u32 s1, $0xD;
	s1 =	sshrl.u32 s1, $0x2  }
0xbd: {  	s3 =	sand.u32 $0x4000, s31;
	s1 =	sadd.s32 s1, s30  }
0xbe: {  	s0 =	sor.u32 s3, s0;
	s1 =	sshll.u32 s1, $0x11  }
0xbf: {  	s0 =	sor.u32 s1, s0  }
0xc0: {  	s0 =	sadd.s32 $0x8F2B, s0  }
0xc1: {  	[sflag:s0] =	ssyncadd.remote.s32 $0x1  }
0xc2: {  	_ =	sfence.sel $0xFFFF  }
0xc3: {  	[dreg:$0x0] =	wrdreg $0xFFFFFFFF;
	(pc) =	sbr.abs _section_cstart, $3  }
0xc4: {  	[dreg:$0x1] =	wrdreg $0xFFFFFFFF  }
0xc5: {  	_ =	task.clear_ibuf [dreg:s8], $0x2FFFF;
	_ =	strace $0x9FFFFFFF  }
0xc6: {  	(tm) =	ssettm $0x7FFFFFFF  }
0xc7: {  	_ =	shalt  }
tec
execute0_lowered:
.L_overlay_start_1:
0x0: {  	(tag) =	ssettag $0x1  }
0x1: {  	s13 =	rddreg [dreg:$0x0]  }
0x2: {  	s0 =	rddreg [dreg:$0x1]  }
0x3: {  	s14 =	rddreg [dreg:$0x2]  }
0x4: {  	s15 =	rddreg [dreg:$0x3]  }
0x5: {  	s4 =	rddreg [dreg:$0x4];
	s5 =	simm.s32 $0x0;
	s1 =	srdreg.scid  }
0x6: {  	s16 =	stileid.u32;
	[smem:$0x7FF] =	sst s5;
	s6 =	sadd.s32 $0x1A00, s0  }
0x7: {  	s7 =	sadd.s32 $0xB800, s0;
	s8 =	sadd.s32 $0x15600, s0;
	s3 =	smul.u32 $0x4E000, s16  }
0x8: {  	s9 =	sadd.s32 $0xB1A00, s0;
	s1 =	sand.u32 $0x1, s1;
	s12 =	smul.u32 $0x4E20, s16  }
0x9: {  	s0 =	sadd.s32 $0x14DE00, s0;
	s11 =	sshll.u32 s16, $0x1;
	s19 =	smul.u32 $0x1F40, s16  }
0xa: {  	s23 =	smul.u32 $0x13800, s16;
	p1 =	seq.s32 s16, $0xF;
	p2 =	sgt.u32 s16, $0x3  }
0xb: {  	p0 =	sne.s32 s16, $0x0;
	_ =	strace $0x80000047;
	s2 =	ssub.s32 $0x2, s1  }
0xc: {  	s18 =	sor.u32 s1, s11;
	s1 =	smul.u32 $0x138800, s1;
	s12 =	sshrl.u32 s12, $0x3  }
0xd: {  	s10 =	sshrl.u32 s2, $0x1;
	s3 =	sshrl.u32 s3, $0x2;
	s20 =	sadd.s32 s7, s12  }
0xe: {  	s24 =	sshrl.u32 s19, $0x2;
	s21 =	sadd.s32 s14, s12;
	[dreg:$0x7] =	wrdreg s20  }
0xf: {  	s22 =	sadd.s32 $0x14, s12;
	s12 =	sadd.s32 $0x131000, s15;
	[dreg:$0x8] =	wrdreg s21  }
0x10: {  	s2 =	ssub.s32 s2, s10;
	s17 =	sadd.s32 s3, s15;
	[dreg:$0x1d] =	wrdreg s12  }
0x11: {  	s10 =	smul.u32 $0x2710, s18;
	s18 =	sadd.s32 s7, s22;
	[dreg:$0x6] =	wrdreg s17  }
0x12: {  	s26 =	sadd.s32 s23, s1;
	s3 =	sadd.s32 s14, s22;
	[dreg:$0x9] =	wrdreg s18  }
0x13: {  	s11 =	sshrl.u32 s26, $0x3;
	s12 =	sadd.s32 $0x7530, s4;
	[dreg:$0xa] =	wrdreg s3  }
0x14: {  	s18 =	sadd.s32 s24, s4;
	s11 =	sadd.s32 s0, s11;
	[smem:$0x7F1] =	sst s12  }
0x15: {  	s24 =	smul.u32 $0x9C4, s16;
	s16 =	sadd.s32 $0xFA0, s4;
	[dreg:$0xf] =	wrdreg s11  }
0x16: {  	s25 =	sshrl.u32 s10, $0x3;
	[smem:$0x7E4] =	sst s16  }
0x17: {  	s29 =	sadd.s32 s13, s25;
	[dreg:$0xb] =	wrdreg s18  }
0x18: {  	s30 =	sadd.s32 s6, s25;
	[dreg:$0xc] =	wrdreg s29  }
0x19: {  	s1 =	sshrl.u32 s1, $0x3;
	s19 =	sadd.s32 s7, s25;
	[dreg:$0xd] =	wrdreg s30  }
0x1a: {  	s0 =	sadd.s32 s0, s1;
	s20 =	sadd.s32 s14, s25;
	[dreg:$0xe] =	wrdreg s19  }
0x1b: {  	s21 =	sadd.s32 $0xA, s25;
	s25 =	sadd.s32 $0xF0, s10;
	[dreg:$0x10] =	wrdreg s20  }
0x1c: {  	s0 =	sadd.s32 $0x24900, s0;
	[dreg:$0x15] =	wrdreg s25  }
0x1d: {  	s26 =	sadd.s32 $0xA0, s10;
	s10 =	sadd.s32 $0x12E800, s15;
	[dreg:$0x16] =	wrdreg s0  }
0x1e: {  	s11 =	sadd.s32 $0x12C000, s15;
	[dreg:$0x1b] =	wrdreg s10  }
0x1f: {  	s16 =	sadd.s32 $0x9470, s4;
	[dreg:$0x1c] =	wrdreg s11  }
0x20: {  	s3 =	sadd.s32 s13, s21;
	[smem:$0x7F5] =	sst s16  }
0x21: {  	s22 =	sadd.s32 s6, s21;
	[dreg:$0x11] =	wrdreg s3  }
0x22: {  	s23 =	sadd.s32 s7, s21;
	[dreg:$0x12] =	wrdreg s22  }
0x23: {  	s1 =	sadd.s32 s14, s21;
	[dreg:$0x13] =	wrdreg s23  }
0x24: {  	s29 =	smax.u32 s2, $0x1;
	[dreg:$0x14] =	wrdreg s1  }
0x25: {  	s30 =	sadd.s32 $0x124800, s15;
	[dreg:$0x17] =	wrdreg s29  }
0x26: {  	s2 =	sadd.s32 $0x127000, s15;
	[dreg:$0x18] =	wrdreg s30  }
0x27: {  	s13 =	sadd.s32 $0x133800, s15;
	[dreg:$0x19] =	wrdreg s2  }
0x28: {  	s31 =	sadd.s32 s24, s14;
	s14 =	sadd.s32 $0x136000, s15;
	[dreg:$0x1e] =	wrdreg s13  }
0x29: {  	s19 =	sadd.s32 $0x1770, s4;
	[dreg:$0x1f] =	wrdreg s14  }
0x2a: {  	s20 =	sadd.s32 $0x1F40, s4;
	[smem:$0x7E5] =	sst s19  }
0x2b: {  	s0 =	sadd.s32 s24, s7;
	s24 =	sadd.s32 $0x36B0, s4;
	[smem:$0x7E6] =	sst s20  }
0x2c: {  	s25 =	sadd.s32 $0x3E80, s4;
	[smem:$0x7E9] =	sst s24  }
0x2d: {  	s10 =	sadd.s32 $0x6590, s4;
	[smem:$0x7EA] =	sst s25  }
0x2e: {  	s11 =	sadd.s32 $0x6D60, s4;
	[smem:$0x7EF] =	sst s10  }
0x2f: {  	s3 =	sadd.s32 $0x129800, s15;
	[smem:$0x7F0] =	sst s11  }
0x30: {  	s21 =	smov.u32 s15;
	s15 =	sadd.s32 $0x7D0, s4;
	[dreg:$0x1a] =	wrdreg s3  }
0x31: {  	s22 =	sadd.s32 $0x2710, s4;
	[smem:$0x7E3] =	sst s15  }
0x32: {  	s23 =	sadd.s32 $0x2EE0, s4;
	[smem:$0x7E7] =	sst s22  }
0x33: {  	s29 =	sadd.s32 $0x4650, s4;
	[smem:$0x7E8] =	sst s23  }
0x34: {  	s30 =	sadd.s32 $0x4E20, s4;
	[smem:$0x7EB] =	sst s29  }
0x35: {  	s2 =	sadd.s32 $0x55F0, s4;
	[smem:$0x7EC] =	sst s30  }
0x36: {  	s13 =	sadd.s32 $0x7D00, s4;
	[smem:$0x7ED] =	sst s2  }
0x37: {  	s14 =	sadd.s32 $0x84D0, s4;
	[smem:$0x7F2] =	sst s13  }
0x38: {  	s28 =	simm.s32 $0x4;
	s19 =	sadd.s32 $0x2800, s17;
	[smem:$0x7F3] =	sst s14  }
0x39: {  	s16 =	simm.s32 $0x2;
	s20 =	sadd.s32 $0x5000, s17;
	[smem:$0x7F6] =	sst s19  }
0x3a: {  	s24 =	sadd.s32 $0xC800, s17;
	s25 =	sadd.s32 $0xF000, s17;
	[smem:$0x7F7] =	sst s20  }
0x3b: {  	s10 =	simm.s32 $0x3;
	s11 =	simm.s32 $0x8;
	[smem:$0x7FA] =	sst s24  }
0x3c: {  	s3 =	sadd.s32 $0x5DC0, s4;
	s15 =	sadd.s32 $0x8CA0, s4;
	[smem:$0x7FB] =	sst s25  }
0x3d: {  	s22 =	sadd.s32 $0x7800, s17;
	s23 =	sadd.s32 $0xA000, s17;
	[smem:$0x7EE] =	sst s3  }
0x3e: {  	s29 =	sadd.s32 $0x11800, s17;
	s30 =	sadd.s32 $0x7D00, s18;
	[smem:$0x7F4] =	sst s15  }
.Ltmp0:
0x3f: {  	s14 =	simm.s32 $0xF00;
	[smem:$0x7F8] =	sst s22;
	(pc) =	sbr.rel .LBB2_1-.Ltmp0, $4  }
0x40: {  	s17 =	simm.s32 $0x1;
	s18 =	simm.s32 $0x50;
	[smem:$0x7F9] =	sst s23  }
0x41: {  	s19 =	simm.s32 $0x800;
	s20 =	simm.s32 $0xAF00;
	[smem:$0x7FC] =	sst s29  }
0x42: {  	s25 =	simm.s32 $0x900;
	s13 =	simm.s32 $0x7;
	[smem:$0x7FD] =	sst s30  }
0x43: {  	v0 =	vimm.f32 $0.0e+00;
	v1 =	vimm.f32 $1.000000000e+00;
	s15 =	simm.s32 $0x9;
	s22 =	simm.s32 $0x5;
	s3 =	simm.s32 $0x0  }
.LBB2_35:
0x44: {  	s3 =	stileid.u32;
	[bflag:$0x0] =	sbarrier.arrive $0xFFFF  }
0x45: {  	s1 =	sshll.u32 @p3 s3, $0x6;
	s2 =	rddreg [dreg:$0x18]  }
0x46: {  	s12 =	rddreg [dreg:$0x16];
	s1 =	sor.u32 @p3 $0x1C09, s1;
	s2 =	sshrl.u32 @p3 s2, $0x3  }
0x47: {  	[hbm:s12], [sflag:s1] =	dma.local @p3 [spmem:s2], $0x2800  }
0x48: {  	s1 =	simm.s32 @p3 $0x9  }
0x49: {  	_ =	swait.ge @p3 [sflag:s1], $0x2800  }
0x4a: {  	s2 =	sshll.u32 @!p3 s3, $0x6;
	[sflag:s1] =	ssyncset.done @p3 $0x0  }
0x4b: {  	[sflag:s1] =	ssyncadd.s32 @p3 $0xFFFFD800;
	s1 =	sor.u32 @!p3 $0x1C09, s2;
	s2 =	rddreg [dreg:$0x6]  }
0x4c: {  	s3 =	rddreg [dreg:$0xf];
	s2 =	sshrl.u32 @!p3 s2, $0x3  }
0x4d: {  	[hbm:s3], [sflag:s1] =	dma.local @!p3 [spmem:s2], $0x2700  }
0x4e: {  	s1 =	simm.s32 @!p3 $0x9  }
0x4f: {  	_ =	swait.ge @!p3 [sflag:s1], $0x2700  }
0x50: {  	s29 =	sld [smem:$0x7E2];
	_ =	sdelay $0x2  }
0x51: {  	s30 =	rddreg [dreg:$0x17];
	s3 =	sadd.s32 $0x1, s29  }
0x52: {  	p4 =	sne.s32 s3, s30  }
.Ltmp1:
0x53: {  	_ = 	snop;
	(pc) =	sbr.rel @!p4 .LBB2_36-.Ltmp1, $3  }
0x54: {  	_ =	sdelay $0x1  }
0x55: {  	[sflag:s1] =	ssyncset.done @!p3 $0x0  }
0x56: {  	[sflag:s1] =	ssyncadd.s32 @!p3 $0xFFFFD900  }
.LBB2_1:
0x57: {  	s1 =	simm.s32 $0x40;
	s2 =	simm.s32 $0x0  }
.LBB2_2:
0x58: {  	p3 =	sne.s32 s1, $0x1F00;
	[tilespmem:s2+$0xAF80] =	vst v0;
	s2 =	smov.u32 s1;
	s1 =	sadd.s32 $0x40, s1  }
.Ltmp2:
0x59: {  	(pc) =	sbr.rel @p3 .LBB2_2-.Ltmp2, $2  }
0x5a: {  	_ =	sdelay $0x2  }
0x5b: {  	s2 =	sshra.s32 s2, $0x2  }
0x5c: {  	[tilespmem:s2+$0xAF80] =	vst v0  }
0x5d: {  	[tilespmem:$0xAF00] =	vst v1  }
0x5e: {  	[tilespmem:$0xAF10] =	vst v1  }
0x5f: {  	[tilespmem:$0xAF20] =	vst v1  }
0x60: {  	[tilespmem:$0xAF30] =	vst v1  }
0x61: {  	s1 =	simm.s32 $0x0;
	s2 =	simm.s32 $0x200;
	[tilespmem:$0xAF40] =	vst v1  }
.LBB2_4:
0x62: {  	p3 =	sne.s32 s2, $0x9E00;
	[tilespmem:s1+$0xF70] =	vst v0  }
0x63: {  	[tilespmem:s1+$0xF00] =	vst v0  }
0x64: {  	[tilespmem:s1+$0xF10] =	vst v0  }
.Ltmp3:
0x65: {  	[tilespmem:s1+$0xF20] =	vst v0;
	(pc) =	sbr.rel @p3 .LBB2_4-.Ltmp3, $4  }
0x66: {  	[tilespmem:s1+$0xF30] =	vst v0  }
0x67: {  	[tilespmem:s1+$0xF40] =	vst v0  }
0x68: {  	[tilespmem:s1+$0xF50] =	vst v0  }
0x69: {  	[tilespmem:s1+$0xF60] =	vst v0;
	s1 =	sshra.s32 s2, $0x2;
	s2 =	sadd.s32 $0x200, s2  }
0x6a: {  	[tilespmem:s1+$0xF70] =	vst v0  }
0x6b: {  	[tilespmem:s1+$0xF00] =	vst v0  }
0x6c: {  	[tilespmem:s1+$0xF10] =	vst v0  }
.Ltmp4:
0x6d: {  	[tilespmem:s1+$0xF20] =	vst v0;
	(pc) =	sbr.rel @p1 .LBB2_9-.Ltmp4, $4  }
0x6e: {  	[tilespmem:s1+$0xF30] =	vst v0  }
0x6f: {  	[tilespmem:s1+$0xF40] =	vst v0  }
0x70: {  	[tilespmem:s1+$0xF50] =	vst v0  }
0x71: {  	[tilespmem:s1+$0xF60] =	vst v0;
	[smem:$0x7E2] =	sst s3  }
.Ltmp5:
0x72: {  	(pc) =	sbr.rel @p0 .LBB2_8-.Ltmp5, $1  }
0x73: {  	_ =	sdelay $0x3  }
0x74: {  	s2 =	simm.s32 $0xAF80  }
0x75: {  	[spmem:s4] =	stream.linear.scatter [tilespmem:s2], [sflag:$0x9], $0x7D0, $0x38;
	[tilespmem:$0x1F9C8] =	vst v63  }
0x76: {  	_ =	swait.ge [sflag:s15], $0x7D0  }
0x77: {  	s1 =	sld [smem:$0x7E3]  }
0x78: {  	[sflag:s15] =	ssyncset.done $0x0  }
0x79: {  	[sflag:s15] =	ssyncadd.s32 $0xFFFFF830  }
0x7a: {  	[spmem:s1] =	stream.linear.scatter [tilespmem:s2], [sflag:$0x9], $0x7D0, $0x38;
	[tilespmem:$0x1F9C8] =	vst v63  }
0x7b: {  	_ =	swait.ge [sflag:s15], $0x7D0  }
0x7c: {  	s3 =	sld [smem:$0x7E4]  }
0x7d: {  	[sflag:s15] =	ssyncset.done $0x0  }
0x7e: {  	[sflag:s15] =	ssyncadd.s32 $0xFFFFF830  }
0x7f: {  	[spmem:s3] =	stream.linear.scatter [tilespmem:s2], [sflag:$0x9], $0x7D0, $0x38;
	[tilespmem:$0x1F9C8] =	vst v63  }
0x80: {  	_ =	swait.ge [sflag:s15], $0x7D0  }
0x81: {  	s12 =	sld [smem:$0x7E5]  }
0x82: {  	[sflag:s15] =	ssyncset.done $0x0  }
0x83: {  	[sflag:s15] =	ssyncadd.s32 $0xFFFFF830  }
0x84: {  	[spmem:s12] =	stream.linear.scatter [tilespmem:s2], [sflag:$0x9], $0x7D0, $0x38;
	[tilespmem:$0x1F9C8] =	vst v63  }
0x85: {  	_ =	swait.ge [sflag:s15], $0x7D0  }
0x86: {  	s23 =	sld [smem:$0x7E6]  }
0x87: {  	[sflag:s15] =	ssyncset.done $0x0  }
0x88: {  	[sflag:s15] =	ssyncadd.s32 $0xFFFFF830  }
0x89: {  	[spmem:s23] =	stream.linear.scatter [tilespmem:s2], [sflag:$0x9], $0x7D0, $0x38;
	[tilespmem:$0x1F9C8] =	vst v63  }
0x8a: {  	_ =	swait.ge [sflag:s15], $0x7D0  }
0x8b: {  	s24 =	sld [smem:$0x7E7]  }
0x8c: {  	[sflag:s15] =	ssyncset.done $0x0  }
0x8d: {  	[sflag:s15] =	ssyncadd.s32 $0xFFFFF830  }
0x8e: {  	[spmem:s24] =	stream.linear.scatter [tilespmem:s2], [sflag:$0x9], $0x7D0, $0x38;
	[tilespmem:$0x1F9C8] =	vst v63  }
0x8f: {  	_ =	swait.ge [sflag:s15], $0x7D0  }
0x90: {  	s29 =	sld [smem:$0x7E8]  }
0x91: {  	[sflag:s15] =	ssyncset.done $0x0  }
0x92: {  	[sflag:s15] =	ssyncadd.s32 $0xFFFFF830  }
0x93: {  	[spmem:s29] =	stream.linear.scatter [tilespmem:s2], [sflag:$0x9], $0x7D0, $0x38;
	[tilespmem:$0x1F9C8] =	vst v63  }
0x94: {  	_ =	swait.ge [sflag:s15], $0x7D0  }
0x95: {  	s30 =	sld [smem:$0x7E9]  }
0x96: {  	[sflag:s15] =	ssyncset.done $0x0  }
0x97: {  	[sflag:s15] =	ssyncadd.s32 $0xFFFFF830  }
0x98: {  	[spmem:s30] =	stream.linear.scatter [tilespmem:s2], [sflag:$0x9], $0x7D0, $0x38;
	[tilespmem:$0x1F9C8] =	vst v63  }
0x99: {  	_ =	swait.ge [sflag:s15], $0x7D0  }
0x9a: {  	s3 =	sld [smem:$0x7EA]  }
0x9b: {  	[sflag:s15] =	ssyncset.done $0x0  }
0x9c: {  	[sflag:s15] =	ssyncadd.s32 $0xFFFFF830  }
0x9d: {  	[spmem:s3] =	stream.linear.scatter [tilespmem:s2], [sflag:$0x9], $0x7D0, $0x38;
	[tilespmem:$0x1F9C8] =	vst v63  }
0x9e: {  	_ =	swait.ge [sflag:s15], $0x7D0  }
0x9f: {  	s12 =	sld [smem:$0x7EB]  }
0xa0: {  	[sflag:s15] =	ssyncset.done $0x0  }
0xa1: {  	[sflag:s15] =	ssyncadd.s32 $0xFFFFF830  }
0xa2: {  	[spmem:s12] =	stream.linear.scatter [tilespmem:s2], [sflag:$0x9], $0x7D0, $0x38;
	[tilespmem:$0x1F9C8] =	vst v63  }
0xa3: {  	_ =	swait.ge [sflag:s15], $0x7D0  }
0xa4: {  	s23 =	sld [smem:$0x7EC]  }
0xa5: {  	[sflag:s15] =	ssyncset.done $0x0  }
0xa6: {  	[sflag:s15] =	ssyncadd.s32 $0xFFFFF830  }
0xa7: {  	[spmem:s23] =	stream.linear.scatter [tilespmem:s2], [sflag:$0x9], $0x7D0, $0x38;
	[tilespmem:$0x1F9C8] =	vst v63  }
0xa8: {  	_ =	swait.ge [sflag:s15], $0x7D0  }
0xa9: {  	s24 =	sld [smem:$0x7ED]  }
0xaa: {  	[sflag:s15] =	ssyncset.done $0x0  }
0xab: {  	[sflag:s15] =	ssyncadd.s32 $0xFFFFF830  }
0xac: {  	[spmem:s24] =	stream.linear.scatter [tilespmem:s2], [sflag:$0x9], $0x7D0, $0x38;
	[tilespmem:$0x1F9C8] =	vst v63  }
0xad: {  	_ =	swait.ge [sflag:s15], $0x7D0  }
0xae: {  	s29 =	sld [smem:$0x7EE]  }
0xaf: {  	[sflag:s15] =	ssyncset.done $0x0  }
0xb0: {  	[sflag:s15] =	ssyncadd.s32 $0xFFFFF830  }
0xb1: {  	[spmem:s29] =	stream.linear.scatter [tilespmem:s2], [sflag:$0x9], $0x7D0, $0x38;
	[tilespmem:$0x1F9C8] =	vst v63  }
0xb2: {  	_ =	swait.ge [sflag:s15], $0x7D0  }
0xb3: {  	s30 =	sld [smem:$0x7EF]  }
0xb4: {  	[sflag:s15] =	ssyncset.done $0x0  }
0xb5: {  	[sflag:s15] =	ssyncadd.s32 $0xFFFFF830  }
0xb6: {  	[spmem:s30] =	stream.linear.scatter [tilespmem:s2], [sflag:$0x9], $0x7D0, $0x38;
	[tilespmem:$0x1F9C8] =	vst v63  }
0xb7: {  	_ =	swait.ge [sflag:s15], $0x7D0  }
0xb8: {  	s3 =	sld [smem:$0x7F0]  }
0xb9: {  	[sflag:s15] =	ssyncset.done $0x0  }
0xba: {  	[sflag:s15] =	ssyncadd.s32 $0xFFFFF830  }
0xbb: {  	[spmem:s3] =	stream.linear.scatter [tilespmem:s2], [sflag:$0x9], $0x7D0, $0x38;
	[tilespmem:$0x1F9C8] =	vst v63  }
0xbc: {  	_ =	swait.ge [sflag:s15], $0x7D0  }
0xbd: {  	s12 =	sld [smem:$0x7F1]  }
0xbe: {  	[sflag:s15] =	ssyncset.done $0x0  }
0xbf: {  	[sflag:s15] =	ssyncadd.s32 $0xFFFFF830  }
0xc0: {  	[spmem:s12] =	stream.linear.scatter [tilespmem:s2], [sflag:$0x9], $0x7D0, $0x38;
	[tilespmem:$0x1F9C8] =	vst v63  }
0xc1: {  	_ =	swait.ge [sflag:s15], $0x7D0  }
0xc2: {  	s23 =	sld [smem:$0x7F2]  }
0xc3: {  	[sflag:s15] =	ssyncset.done $0x0  }
0xc4: {  	[sflag:s15] =	ssyncadd.s32 $0xFFFFF830  }
0xc5: {  	[spmem:s23] =	stream.linear.scatter [tilespmem:s2], [sflag:$0x9], $0x7D0, $0x38;
	[tilespmem:$0x1F9C8] =	vst v63  }
0xc6: {  	_ =	swait.ge [sflag:s15], $0x7D0  }
0xc7: {  	s24 =	sld [smem:$0x7F3]  }
0xc8: {  	[sflag:s15] =	ssyncset.done $0x0  }
0xc9: {  	[sflag:s15] =	ssyncadd.s32 $0xFFFFF830  }
0xca: {  	[spmem:s24] =	stream.linear.scatter [tilespmem:s2], [sflag:$0x9], $0x7D0, $0x38;
	[tilespmem:$0x1F9C8] =	vst v63  }
0xcb: {  	_ =	swait.ge [sflag:s15], $0x7D0  }
0xcc: {  	s29 =	sld [smem:$0x7F4]  }
0xcd: {  	[sflag:s15] =	ssyncset.done $0x0  }
0xce: {  	[sflag:s15] =	ssyncadd.s32 $0xFFFFF830  }
0xcf: {  	[spmem:s29] =	stream.linear.scatter [tilespmem:s2], [sflag:$0x9], $0x7D0, $0x38;
	[tilespmem:$0x1F9C8] =	vst v63  }
0xd0: {  	_ =	swait.ge [sflag:s15], $0x7D0  }
0xd1: {  	s30 =	sld [smem:$0x7F5]  }
0xd2: {  	[sflag:s15] =	ssyncset.done $0x0  }
0xd3: {  	[sflag:s15] =	ssyncadd.s32 $0xFFFFF830  }
0xd4: {  	[spmem:s30] =	stream.linear.scatter [tilespmem:s2], [sflag:$0x9], $0x7D0, $0x38;
	[tilespmem:$0x1F9C8] =	vst v63  }
0xd5: {  	_ =	swait.ge [sflag:s15], $0x7D0  }
0xd6: {  	[sflag:s15] =	ssyncset.done $0x0  }
0xd7: {  	[sflag:s15] =	ssyncadd.s32 $0xFFFFF830  }
.LBB2_8:
0xd8: {  	s1 =	rddreg [dreg:$0x6]  }
0xd9: {  	[spmem:s1] =	stream.linear.scatter [tilespmem:s14], [sflag:$0x9], $0x2800, $0x38;
	[tilespmem:$0x1F9C8] =	vst v63  }
0xda: {  	_ =	swait.ge [sflag:s15], $0x2800  }
0xdb: {  	s2 =	sld [smem:$0x7F6]  }
0xdc: {  	[sflag:s15] =	ssyncset.done $0x0  }
0xdd: {  	[sflag:s15] =	ssyncadd.s32 $0xFFFFD800  }
0xde: {  	[spmem:s2] =	stream.linear.scatter [tilespmem:s14], [sflag:$0x9], $0x2800, $0x38;
	[tilespmem:$0x1F9C8] =	vst v63  }
0xdf: {  	_ =	swait.ge [sflag:s15], $0x2800  }
0xe0: {  	s3 =	sld [smem:$0x7F7]  }
0xe1: {  	[sflag:s15] =	ssyncset.done $0x0  }
0xe2: {  	[sflag:s15] =	ssyncadd.s32 $0xFFFFD800  }
0xe3: {  	[spmem:s3] =	stream.linear.scatter [tilespmem:s14], [sflag:$0x9], $0x2800, $0x38;
	[tilespmem:$0x1F9C8] =	vst v63  }
0xe4: {  	_ =	swait.ge [sflag:s15], $0x2800  }
0xe5: {  	s12 =	sld [smem:$0x7F8]  }
0xe6: {  	[sflag:s15] =	ssyncset.done $0x0  }
0xe7: {  	[sflag:s15] =	ssyncadd.s32 $0xFFFFD800  }
0xe8: {  	[spmem:s12] =	stream.linear.scatter [tilespmem:s14], [sflag:$0x9], $0x2800, $0x38;
	[tilespmem:$0x1F9C8] =	vst v63  }
0xe9: {  	_ =	swait.ge [sflag:s15], $0x2800  }
0xea: {  	s23 =	sld [smem:$0x7F9]  }
0xeb: {  	[sflag:s15] =	ssyncset.done $0x0  }
0xec: {  	[sflag:s15] =	ssyncadd.s32 $0xFFFFD800  }
0xed: {  	[spmem:s23] =	stream.linear.scatter [tilespmem:s14], [sflag:$0x9], $0x2800, $0x38;
	[tilespmem:$0x1F9C8] =	vst v63  }
0xee: {  	_ =	swait.ge [sflag:s15], $0x2800  }
0xef: {  	s24 =	sld [smem:$0x7FA]  }
0xf0: {  	[sflag:s15] =	ssyncset.done $0x0  }
0xf1: {  	[sflag:s15] =	ssyncadd.s32 $0xFFFFD800  }
0xf2: {  	[spmem:s24] =	stream.linear.scatter [tilespmem:s14], [sflag:$0x9], $0x2800, $0x38;
	[tilespmem:$0x1F9C8] =	vst v63  }
0xf3: {  	_ =	swait.ge [sflag:s15], $0x2800  }
0xf4: {  	s29 =	sld [smem:$0x7FB]  }
0xf5: {  	[sflag:s15] =	ssyncset.done $0x0  }
0xf6: {  	[sflag:s15] =	ssyncadd.s32 $0xFFFFD800  }
0xf7: {  	[spmem:s29] =	stream.linear.scatter [tilespmem:s14], [sflag:$0x9], $0x2800, $0x38;
	[tilespmem:$0x1F9C8] =	vst v63  }
0xf8: {  	_ =	swait.ge [sflag:s15], $0x2800  }
0xf9: {  	s30 =	sld [smem:$0x7FC]  }
0xfa: {  	[sflag:s15] =	ssyncset.done $0x0  }
.Ltmp6:
0xfb: {  	[sflag:s15] =	ssyncadd.s32 $0xFFFFD800;
	(pc) =	sbr.rel .LBB2_10-.Ltmp6, $4  }
0xfc: {  	[spmem:s30] =	stream.linear.scatter [tilespmem:s14], [sflag:$0x9], $0x2000, $0x38;
	[tilespmem:$0x1F9C8] =	vst v63  }
0xfd: {  	_ =	swait.ge [sflag:s15], $0x2000  }
0xfe: {  	[sflag:s15] =	ssyncset.done $0x0  }
0xff: {  	p3 =	por $0x0, $0x0;
	[sflag:s15] =	ssyncadd.s32 $0xFFFFE000  }
.LBB2_9:
0x100: {  	s1 =	rddreg [dreg:$0x18]  }
0x101: {  	[spmem:s1] =	stream.linear.scatter [tilespmem:s14], [sflag:$0x9], $0x2800, $0x38;
	[tilespmem:$0x1F9C8] =	vst v63  }
0x102: {  	_ =	swait.ge [sflag:s15], $0x2800  }
0x103: {  	[sflag:s15] =	ssyncset.done $0x0  }
0x104: {  	s2 =	rddreg [dreg:$0x19];
	[sflag:s15] =	ssyncadd.s32 $0xFFFFD800  }
0x105: {  	[spmem:s2] =	stream.linear.scatter [tilespmem:s14], [sflag:$0x9], $0x2800, $0x38;
	[tilespmem:$0x1F9C8] =	vst v63  }
0x106: {  	_ =	swait.ge [sflag:s15], $0x2800  }
0x107: {  	[sflag:s15] =	ssyncset.done $0x0  }
0x108: {  	s3 =	rddreg [dreg:$0x1a];
	[sflag:s15] =	ssyncadd.s32 $0xFFFFD800  }
0x109: {  	[spmem:s3] =	stream.linear.scatter [tilespmem:s14], [sflag:$0x9], $0x2800, $0x38;
	[tilespmem:$0x1F9C8] =	vst v63  }
0x10a: {  	_ =	swait.ge [sflag:s15], $0x2800  }
0x10b: {  	[sflag:s15] =	ssyncset.done $0x0  }
0x10c: {  	s12 =	rddreg [dreg:$0x1c];
	[sflag:s15] =	ssyncadd.s32 $0xFFFFD800  }
0x10d: {  	[spmem:s12] =	stream.linear.scatter [tilespmem:s14], [sflag:$0x9], $0x2800, $0x38;
	[tilespmem:$0x1F9C8] =	vst v63  }
0x10e: {  	_ =	swait.ge [sflag:s15], $0x2800  }
0x10f: {  	[sflag:s15] =	ssyncset.done $0x0  }
0x110: {  	s23 =	rddreg [dreg:$0x1b];
	[sflag:s15] =	ssyncadd.s32 $0xFFFFD800  }
0x111: {  	[spmem:s23] =	stream.linear.scatter [tilespmem:s14], [sflag:$0x9], $0x2800, $0x38;
	[tilespmem:$0x1F9C8] =	vst v63  }
0x112: {  	_ =	swait.ge [sflag:s15], $0x2800  }
0x113: {  	[sflag:s15] =	ssyncset.done $0x0  }
0x114: {  	s24 =	rddreg [dreg:$0x1d];
	[sflag:s15] =	ssyncadd.s32 $0xFFFFD800  }
0x115: {  	[spmem:s24] =	stream.linear.scatter [tilespmem:s14], [sflag:$0x9], $0x2800, $0x38;
	[tilespmem:$0x1F9C8] =	vst v63  }
0x116: {  	_ =	swait.ge [sflag:s15], $0x2800  }
0x117: {  	[sflag:s15] =	ssyncset.done $0x0  }
0x118: {  	s29 =	rddreg [dreg:$0x1e];
	[sflag:s15] =	ssyncadd.s32 $0xFFFFD800  }
0x119: {  	[spmem:s29] =	stream.linear.scatter [tilespmem:s14], [sflag:$0x9], $0x2800, $0x38;
	[tilespmem:$0x1F9C8] =	vst v63  }
0x11a: {  	_ =	swait.ge [sflag:s15], $0x2800  }
0x11b: {  	[sflag:s15] =	ssyncset.done $0x0  }
0x11c: {  	s30 =	rddreg [dreg:$0x1f];
	[sflag:s15] =	ssyncadd.s32 $0xFFFFD800  }
0x11d: {  	[spmem:s30] =	stream.linear.scatter [tilespmem:s14], [sflag:$0x9], $0x2800, $0x38;
	[tilespmem:$0x1F9C8] =	vst v63  }
0x11e: {  	_ =	swait.ge [sflag:s15], $0x2800  }
0x11f: {  	[sflag:s15] =	ssyncset.done $0x0  }
0x120: {  	p3 =	por $0x1, $0x1;
	[sflag:s15] =	ssyncadd.s32 $0xFFFFD800  }
.LBB2_10:
0x121: {  	[bflag:$0x0] =	sbarrier.arrive $0xFFFF  }
0x122: {  	s1 =	simm.s32 $0x0;
	s3 =	simm.s32 $0x300;
	s2 =	rddreg [dreg:$0x7]  }
0x123: {  	[tilespmem:s3], [sflag:$0x1] =	stream.linear.gather [hbm4b:s2+s1], $0xA0, $0x38;
	[tilespmem:$0x1F9C8] =	vst v63  }
0x124: {  	s12 =	simm.s32 $0x3A0;
	s3 =	rddreg [dreg:$0x8]  }
0x125: {  	[tilespmem:s12], [sflag:$0x1] =	stream.linear.gather [hbm4b:s3+s1], $0xA0, $0x38;
	[tilespmem:$0x1F9C8] =	vst v63  }
0x126: {  	s24 =	simm.s32 $0x580;
	s23 =	rddreg [dreg:$0x9]  }
0x127: {  	[tilespmem:s24], [sflag:$0x2] =	stream.linear.gather [hbm4b:s23+s1], $0xA0, $0x38;
	[tilespmem:$0x1F9C8] =	vst v63  }
0x128: {  	s30 =	simm.s32 $0x620;
	s29 =	rddreg [dreg:$0xa];
	s2 =	simm.s32 $0x0  }
0x129: {  	[tilespmem:s30], [sflag:$0x2] =	stream.linear.gather [hbm4b:s29+s1], $0xA0, $0x38;
	[tilespmem:$0x1F9C8] =	vst v63  }
.LBB2_11:
0x12a: {  	_ =	swait.ge [sflag:s17], $0xA0  }
0x12b: {  	[sflag:s17] =	ssyncset.done $0x0  }
0x12c: {  	[sflag:s17] =	ssyncadd.s32 $0xFFFFFF60  }
0x12d: {  	_ =	swait.ge [sflag:s17], $0xA0  }
0x12e: {  	[sflag:s17] =	ssyncset.done $0x0  }
0x12f: {  	[sflag:s17] =	ssyncadd.s32 $0xFFFFFF60  }
0x130: {  	v2 =	vld [tilespmem:$0x3A0]  }
0x131: {  	v3 =	vld [tilespmem:$0x300]  }
0x132: {  	v4 =	vld [tilespmem:$0x3B0]  }
0x133: {  	v5 =	vld [tilespmem:$0x310]  }
0x134: {  	v6 =	vld [tilespmem:$0x3C0]  }
0x135: {  	v7 =	vld [tilespmem:$0x320]  }
0x136: {  	v8 =	vld [tilespmem:$0x3D0]  }
0x137: {  	v9 =	vld [tilespmem:$0x330]  }
0x138: {  	v10 =	vld [tilespmem:$0x3E0]  }
0x139: {  	v11 =	vld [tilespmem:$0x340]  }
0x13a: {  	v12 =	vld [tilespmem:$0x3F0]  }
0x13b: {  	v13 =	vld [tilespmem:$0x350]  }
0x13c: {  	v14 =	vld [tilespmem:$0x400]  }
0x13d: {  	v15 =	vld [tilespmem:$0x360];
	v2 =	vmul.u32 $0x2710, v2  }
0x13e: {  	v16 =	vld [tilespmem:$0x410];
	v4 =	vmul.u32 $0x2710, v4  }
0x13f: {  	v55 =	vld [tilespmem:$0x370];
	v2 =	vadd.s32 v3, v2;
	v3 =	vmul.u32 $0x2710, v6  }
0x140: {  	v57 =	vld [tilespmem:$0x420];
	v56 =	vmul.u32 $0x2710, v8;
	[tilespmem:$0x800] =	vst v2;
	v2 =	vadd.s32 v5, v4  }
0x141: {  	v58 =	vld [tilespmem:$0x430];
	[tilespmem:$0x810] =	vst v2;
	v2 =	vadd.s32 v7, v3;
	v3 =	vmul.u32 $0x2710, v10  }
0x142: {  	v60 =	vld [tilespmem:$0x380];
	v59 =	vmul.u32 $0x2710, v12;
	[tilespmem:$0x820] =	vst v2;
	v2 =	vadd.s32 v9, v56  }
0x143: {  	v61 =	vld [tilespmem:$0x390];
	[tilespmem:$0x830] =	vst v2;
	v2 =	vadd.s32 v11, v3;
	v3 =	vmul.u32 $0x2710, v14  }
0x144: {  	v62 =	vmul.u32 $0x2710, v16;
	[tilespmem:$0x840] =	vst v2;
	v2 =	vadd.s32 v13, v59  }
0x145: {  	[tilespmem:$0x900] =	vst v2;
	v2 =	vadd.s32 v15, v3;
	v3 =	vmul.u32 $0x2710, v57  }
0x146: {  	v63 =	vmul.u32 $0x2710, v58;
	[tilespmem:$0x910] =	vst v2;
	v2 =	vadd.s32 v55, v62  }
0x147: {  	[tilespmem:$0x920] =	vst v2;
	v2 =	vadd.s32 v60, v3  }
0x148: {  	[tilespmem:$0x930] =	vst v2;
	v2 =	vadd.s32 v61, v63  }
0x149: {  	[tilespmem:$0x940] =	vst v2  }
0x14a: {  	[spmem:s4] =	stream.indirect.scatter.add.f32 [tilespmem:s20], [sflag:$0x9], $0x1, s19, s18, $0xb8;
	[tilespmem:$0x1F9C8] =	vst v63  }
0x14b: {  	_ =	swait.ge [sflag:s15], $0x50  }
0x14c: {  	[sflag:s15] =	ssyncset.done $0x0  }
0x14d: {  	[sflag:s15] =	ssyncadd.s32 $0xFFFFFFB0  }
0x14e: {  	[spmem:s4] =	stream.indirect.scatter.add.f32 [tilespmem:s20], [sflag:$0x9], $0x1, s25, s18, $0xb8;
	[tilespmem:$0x1F9C8] =	vst v63  }
0x14f: {  	p4 =	seq.s32 s1, $0x9B0;
	_ =	swait.ge [sflag:s15], $0x50  }
0x150: {  	s3 =	sadd.s32 @!p4 s1, s0;
	s12 =	simm.s32 @!p4 $0x0;
	[sflag:s15] =	ssyncset.done $0x0  }
0x151: {  	s23 =	simm.s32 @!p4 $0x300;
	s3 =	sadd.s32 @!p4 $0x28, s3;
	[sflag:s15] =	ssyncadd.s32 $0xFFFFFFB0  }
0x152: {  	[tilespmem:s23], [sflag:$0x1] =	stream.linear.gather @!p4 [hbm4b:s3+s12], $0xA0, $0x38;
	[tilespmem:$0x1F9C8] =	vst v63  }
0x153: {  	s3 =	sadd.s32 @!p4 s1, s31  }
0x154: {  	s23 =	simm.s32 @!p4 $0x3A0;
	s3 =	sadd.s32 @!p4 $0x28, s3  }
0x155: {  	[tilespmem:s23], [sflag:$0x1] =	stream.linear.gather @!p4 [hbm4b:s3+s12], $0xA0, $0x38;
	[tilespmem:$0x1F9C8] =	vst v63  }
0x156: {  	s3 =	simm.s32 @!p4 $0x2  }
0x157: {  	_ =	swait.ge @!p4 [sflag:s3], $0xA0  }
0x158: {  	[sflag:s3] =	ssyncset.done @!p4 $0x0  }
0x159: {  	[sflag:s3] =	ssyncadd.s32 @!p4 $0xFFFFFF60  }
0x15a: {  	_ =	swait.ge @!p4 [sflag:s3], $0xA0  }
0x15b: {  	[sflag:s3] =	ssyncset.done @!p4 $0x0  }
0x15c: {  	[sflag:s3] =	ssyncadd.s32 @!p4 $0xFFFFFF60  }
0x15d: {  	v2 =	vld @!p4 [tilespmem:$0x620]  }
0x15e: {  	v3 =	vld @!p4 [tilespmem:$0x580]  }
0x15f: {  	v4 =	vld @!p4 [tilespmem:$0x630]  }
0x160: {  	v5 =	vld @!p4 [tilespmem:$0x590]  }
0x161: {  	v6 =	vld @!p4 [tilespmem:$0x640]  }
0x162: {  	v7 =	vld @!p4 [tilespmem:$0x5A0]  }
0x163: {  	v8 =	vld @!p4 [tilespmem:$0x650]  }
0x164: {  	v9 =	vld @!p4 [tilespmem:$0x5B0]  }
0x165: {  	v10 =	vld @!p4 [tilespmem:$0x660]  }
0x166: {  	v11 =	vld @!p4 [tilespmem:$0x5C0]  }
0x167: {  	v12 =	vld @!p4 [tilespmem:$0x670]  }
0x168: {  	v13 =	vld @!p4 [tilespmem:$0x5D0]  }
0x169: {  	v14 =	vld @!p4 [tilespmem:$0x680]  }
0x16a: {  	v15 =	vld @!p4 [tilespmem:$0x5E0];
	v2 =	vmul.u32 @!p4 $0x2710, v2  }
0x16b: {  	v16 =	vld @!p4 [tilespmem:$0x690];
	v4 =	vmul.u32 @!p4 $0x2710, v4  }
0x16c: {  	v2 =	vadd.s32 @!p4 v3, v2;
	v3 =	vmul.u32 @!p4 $0x2710, v6;
	v6 =	vld @!p4 [tilespmem:$0x5F0]  }
0x16d: {  	[tilespmem:$0x880] =	vst @!p4 v2;
	v2 =	vadd.s32 @!p4 v5, v4;
	v4 =	vmul.u32 @!p4 $0x2710, v8;
	v5 =	vld @!p4 [tilespmem:$0x6A0]  }
0x16e: {  	[tilespmem:$0x890] =	vst @!p4 v2;
	v2 =	vadd.s32 @!p4 v7, v3;
	v3 =	vmul.u32 @!p4 $0x2710, v10;
	v7 =	vld @!p4 [tilespmem:$0x6B0]  }
0x16f: {  	v8 =	vld @!p4 [tilespmem:$0x600];
	[tilespmem:$0x8A0] =	vst @!p4 v2;
	v2 =	vadd.s32 @!p4 v9, v4;
	v4 =	vmul.u32 @!p4 $0x2710, v12  }
0x170: {  	v9 =	vld @!p4 [tilespmem:$0x610];
	[tilespmem:$0x8B0] =	vst @!p4 v2;
	v2 =	vadd.s32 @!p4 v11, v3;
	v3 =	vmul.u32 @!p4 $0x2710, v14  }
0x171: {  	[tilespmem:$0x8C0] =	vst @!p4 v2;
	v2 =	vadd.s32 @!p4 v13, v4;
	v4 =	vmul.u32 @!p4 $0x2710, v16  }
0x172: {  	[tilespmem:$0x980] =	vst @!p4 v2;
	v2 =	vadd.s32 @!p4 v15, v3;
	v3 =	vmul.u32 @!p4 $0x2710, v5  }
0x173: {  	[tilespmem:$0x990] =	vst @!p4 v2;
	v2 =	vadd.s32 @!p4 v6, v4;
	v4 =	vmul.u32 @!p4 $0x2710, v7  }
0x174: {  	[tilespmem:$0x9A0] =	vst @!p4 v2;
	v2 =	vadd.s32 @!p4 v8, v3  }
0x175: {  	[tilespmem:$0x9B0] =	vst @!p4 v2;
	v2 =	vadd.s32 @!p4 v9, v4  }
0x176: {  	s12 =	simm.s32 @!p4 $0x880;
	s23 =	simm.s32 @!p4 $0xAF00;
	s3 =	simm.s32 @!p4 $0x50;
	[tilespmem:$0x9C0] =	vst @!p4 v2  }
0x177: {  	[spmem:s4] =	stream.indirect.scatter.add.f32 @!p4 [tilespmem:s23], [sflag:$0x9], $0x1, s12, s3, $0xb8;
	[tilespmem:$0x1F9C8] =	vst v63  }
0x178: {  	s12 =	simm.s32 @!p4 $0x9  }
0x179: {  	_ =	swait.ge @!p4 [sflag:s12], $0x50  }
0x17a: {  	[sflag:s12] =	ssyncset.done @!p4 $0x0  }
0x17b: {  	s24 =	simm.s32 @!p4 $0x980;
	p5 =	sgt.u32 @!p4 s2, $0x3C;
	[sflag:s12] =	ssyncadd.s32 @!p4 $0xFFFFFFB0  }
0x17c: {  	[spmem:s4] =	stream.indirect.scatter.add.f32 @!p4 [tilespmem:s23], [sflag:$0x9], $0x1, s24, s3, $0xb8;
	[tilespmem:$0x1F9C8] =	vst v63  }
0x17d: {  	p5 =	por p5, p4;
	_ =	swait.ge @!p4 [sflag:s12], $0x50  }
0x17e: {  	s3 =	sadd.s32 @!p5 s1, s0;
	s23 =	simm.s32 @!p5 $0x580;
	[sflag:s12] =	ssyncset.done @!p4 $0x0  }
0x17f: {  	s3 =	sadd.s32 @!p5 $0x3C, s3;
	[sflag:s12] =	ssyncadd.s32 @!p4 $0xFFFFFFB0;
	s12 =	simm.s32 @!p5 $0x0  }
0x180: {  	[tilespmem:s23], [sflag:$0x2] =	stream.linear.gather @!p5 [hbm4b:s3+s12], $0xA0, $0x38;
	[tilespmem:$0x1F9C8] =	vst v63  }
0x181: {  	s3 =	sadd.s32 @!p5 s1, s31  }
0x182: {  	s23 =	simm.s32 @!p5 $0x620;
	s1 =	sadd.s32 @!p4 $0x28, s1;
	s3 =	sadd.s32 @!p5 $0x3C, s3  }
0x183: {  	[tilespmem:s23], [sflag:$0x2] =	stream.linear.gather @!p5 [hbm4b:s3+s12], $0xA0, $0x38;
	[tilespmem:$0x1F9C8] =	vst v63  }
0x184: {  	p5 =	sne.s32 @!p4 s1, $0x9D8  }
0x185: {  	p5 =	por p4, !p5  }
.Ltmp7:
0x186: {  	_ = 	snop;
	(pc) =	sbr.rel @!p5 .LBB2_11-.Ltmp7, $2  }
0x187: {  	_ =	sdelay $0x2  }
0x188: {  	s2 =	sadd.s32 @!p4 $0x1, s2  }
0x189: {  	[bflag:$0x0] =	sbarrier.arrive $0xFFFF  }
0x18a: {  	s3 =	simm.s32 $0xAF80;
	s1 =	rddreg [dreg:$0xb]  }
0x18b: {  	[tilespmem:s3], [sflag:$0x9] =	stream.linear.gather [spmem:s1], $0x7D0, $0x38;
	[tilespmem:$0x1F9C8] =	vst v63  }
0x18c: {  	_ =	swait.ge [sflag:s15], $0x7D0  }
0x18d: {  	[sflag:s15] =	ssyncset.done $0x0  }
0x18e: {  	s2 =	simm.s32 $0x40;
	s1 =	simm.s32 $0x0;
	[sflag:s15] =	ssyncadd.s32 $0xFFFFF830  }
.LBB2_13:
0x18f: {  	p4 =	sne.s32 s2, $0x1F00;
	v2 =	vld [tilespmem:s1+$0xAF80];
	_ =	sdelay $0x4  }
0x190: {  	v2 =	vmax.f32 v2, $1.000000000e+00  }
0x191: {  	(erf) = vrcp.f32 v2;
	_ =	sdelay $0x5  }
.Ltmp8:
0x192: {  	(pc) =	sbr.rel @p4 .LBB2_13-.Ltmp8, $3  }
0x193: {  	_ =	sdelay $0x1  }
0x194: {  	v2 =	vpop (erf)  }
0x195: {  	[tilespmem:s1+$0xAF80] =	vst v2;
	s1 =	sshra.s32 s2, $0x2;
	s2 =	sadd.s32 $0x40, s2  }
0x196: {  	v2 =	vld [tilespmem:s1+$0xAF80];
	_ =	sdelay $0x4  }
0x197: {  	v2 =	vmax.f32 v2, $1.000000000e+00  }
0x198: {  	(erf) = vrcp.f32 v2;
	_ =	sdelay $0x8  }
0x199: {  	v2 =	vpop (erf)  }
.Ltmp9:
0x19a: {  	s30 =	rddreg [dreg:$0xb];
	[tilespmem:s1+$0xAF80] =	vst v2;
	(pc) =	sbr.rel @p2 .LBB2_18-.Ltmp9, $4  }
0x19b: {  	[spmem:s30] =	stream.linear.scatter [tilespmem:s3], [sflag:$0x9], $0x7D0, $0x38;
	[tilespmem:$0x1F9C8] =	vst v63  }
0x19c: {  	_ =	swait.ge [sflag:s15], $0x7D0  }
0x19d: {  	[sflag:s15] =	ssyncset.done $0x0  }
0x19e: {  	[sflag:s15] =	ssyncadd.s32 $0xFFFFF830  }
0x19f: {  	s1 =	sld [smem:$0x7FD];
	_ =	sdelay $0x2  }
0x1a0: {  	[tilespmem:s3], [sflag:$0x9] =	stream.linear.gather [spmem:s1], $0x7D0, $0x38;
	[tilespmem:$0x1F9C8] =	vst v63  }
0x1a1: {  	_ =	swait.ge [sflag:s15], $0x7D0  }
0x1a2: {  	[sflag:s15] =	ssyncset.done $0x0  }
0x1a3: {  	s2 =	simm.s32 $0x40;
	s1 =	simm.s32 $0x0;
	[sflag:s15] =	ssyncadd.s32 $0xFFFFF830  }
.LBB2_16:
0x1a4: {  	p4 =	sne.s32 s2, $0x1F00;
	v2 =	vld [tilespmem:s1+$0xAF80];
	_ =	sdelay $0x4  }
0x1a5: {  	v2 =	vmax.f32 v2, $1.000000000e+00  }
0x1a6: {  	(erf) = vrcp.f32 v2;
	_ =	sdelay $0x5  }
.Ltmp10:
0x1a7: {  	(pc) =	sbr.rel @p4 .LBB2_16-.Ltmp10, $3  }
0x1a8: {  	_ =	sdelay $0x1  }
0x1a9: {  	v2 =	vpop (erf)  }
0x1aa: {  	[tilespmem:s1+$0xAF80] =	vst v2;
	s1 =	sshra.s32 s2, $0x2;
	s2 =	sadd.s32 $0x40, s2  }
0x1ab: {  	v2 =	vld [tilespmem:s1+$0xAF80];
	_ =	sdelay $0x4  }
0x1ac: {  	v2 =	vmax.f32 v2, $1.000000000e+00  }
0x1ad: {  	(erf) = vrcp.f32 v2;
	_ =	sdelay $0x7  }
0x1ae: {  	s30 =	sld [smem:$0x7FD]  }
0x1af: {  	v2 =	vpop (erf)  }
0x1b0: {  	[tilespmem:s1+$0xAF80] =	vst v2  }
0x1b1: {  	[spmem:s30] =	stream.linear.scatter [tilespmem:s3], [sflag:$0x9], $0x7D0, $0x38;
	[tilespmem:$0x1F9C8] =	vst v63  }
0x1b2: {  	_ =	swait.ge [sflag:s15], $0x7D0  }
0x1b3: {  	[sflag:s15] =	ssyncset.done $0x0  }
0x1b4: {  	[sflag:s15] =	ssyncadd.s32 $0xFFFFF830  }
.LBB2_18:
0x1b5: {  	[bflag:$0x0] =	sbarrier.arrive $0xFFFF  }
0x1b6: {  	s12 =	simm.s32 $0x0;
	s1 =	rddreg [dreg:$0xc]  }
0x1b7: {  	[tilespmem:s12], [sflag:$0x1] =	stream.linear.gather [hbm4b:s1+s12], $0x50, $0x38;
	[tilespmem:$0x1F9C8] =	vst v63  }
0x1b8: {  	s29 =	rddreg [dreg:$0xd]  }
0x1b9: {  	[tilespmem:s18], [sflag:$0x1] =	stream.linear.gather [hbm4b:s29+s12], $0x50, $0x38;
	[tilespmem:$0x1F9C8] =	vst v63  }
0x1ba: {  	s2 =	simm.s32 $0xA0;
	s30 =	rddreg [dreg:$0xe]  }
0x1bb: {  	[tilespmem:s2], [sflag:$0x1] =	stream.linear.gather [hbm4b:s30+s12], $0x50, $0x38;
	[tilespmem:$0x1F9C8] =	vst v63  }
0x1bc: {  	s19 =	simm.s32 $0xF0;
	s3 =	rddreg [dreg:$0x10]  }
0x1bd: {  	[tilespmem:s19], [sflag:$0x1] =	stream.linear.gather [hbm4b:s3+s12], $0x50, $0x38;
	[tilespmem:$0x1F9C8] =	vst v63  }
0x1be: {  	_ =	swait.ge [sflag:s17], $0x50  }
0x1bf: {  	[sflag:s17] =	ssyncset.done $0x0  }
0x1c0: {  	[sflag:s17] =	ssyncadd.s32 $0xFFFFFFB0  }
0x1c1: {  	_ =	swait.ge [sflag:s17], $0x50  }
0x1c2: {  	[sflag:s17] =	ssyncset.done $0x0  }
0x1c3: {  	[sflag:s17] =	ssyncadd.s32 $0xFFFFFFB0  }
0x1c4: {  	_ =	swait.ge [sflag:s17], $0x50  }
0x1c5: {  	[sflag:s17] =	ssyncset.done $0x0  }
0x1c6: {  	[sflag:s17] =	ssyncadd.s32 $0xFFFFFFB0  }
0x1c7: {  	_ =	swait.ge [sflag:s17], $0x50  }
0x1c8: {  	[sflag:s17] =	ssyncset.done $0x0  }
0x1c9: {  	[sflag:s17] =	ssyncadd.s32 $0xFFFFFFB0  }
0x1ca: {  	v2 =	vld [tilespmem:$0xF0]  }
0x1cb: {  	v3 =	vld [tilespmem:$0x0]  }
0x1cc: {  	v6 =	vld [tilespmem:$0xA0]  }
0x1cd: {  	v4 =	vld [tilespmem:$0x50]  }
0x1ce: {  	v5 =	vld [tilespmem:$0x100]  }
0x1cf: {  	v52 =	vld [tilespmem:$0xB0];
	v2 =	vmul.u32 $0x2710, v2  }
0x1d0: {  	v7 =	vld [tilespmem:$0x10]  }
0x1d1: {  	v8 =	vld [tilespmem:$0x60];
	[tilespmem:$0xD00] =	vst v6;
	v3 =	vadd.s32 v3, v2  }
0x1d2: {  	v51 =	vld [tilespmem:$0x110];
	[tilespmem:$0xA00] =	vst v3;
	v3 =	vadd.s32 v2, v4  }
0x1d3: {  	v56 =	vld [tilespmem:$0xC0];
	[tilespmem:$0xB00] =	vst v3;
	v3 =	vmul.u32 $0x2710, v5  }
0x1d4: {  	v53 =	vld [tilespmem:$0x20];
	[tilespmem:$0xD10] =	vst v52;
	v2 =	vadd.s32 v2, v6  }
0x1d5: {  	v54 =	vld [tilespmem:$0x70];
	[tilespmem:$0xC00] =	vst v2;
	v2 =	vadd.s32 v7, v3  }
0x1d6: {  	v55 =	vld [tilespmem:$0x120];
	[tilespmem:$0xA10] =	vst v2;
	v2 =	vadd.s32 v3, v8  }
0x1d7: {  	v60 =	vld [tilespmem:$0xD0];
	[tilespmem:$0xB10] =	vst v2;
	v2 =	vmul.u32 $0x2710, v51  }
0x1d8: {  	v57 =	vld [tilespmem:$0x30];
	[tilespmem:$0xD20] =	vst v56;
	v3 =	vadd.s32 v3, v52  }
0x1d9: {  	v58 =	vld [tilespmem:$0x80];
	[tilespmem:$0xC10] =	vst v3;
	v3 =	vadd.s32 v53, v2  }
0x1da: {  	v59 =	vld [tilespmem:$0x130];
	[tilespmem:$0xA20] =	vst v3;
	v3 =	vadd.s32 v2, v54  }
0x1db: {  	v63 =	vld [tilespmem:$0xE0];
	[tilespmem:$0xB20] =	vst v3;
	v3 =	vmul.u32 $0x2710, v55  }
0x1dc: {  	v61 =	vld [tilespmem:$0x40];
	[tilespmem:$0xD30] =	vst v60;
	v2 =	vadd.s32 v2, v56  }
0x1dd: {  	v62 =	vld [tilespmem:$0x90];
	[tilespmem:$0xC20] =	vst v2;
	v2 =	vadd.s32 v57, v3  }
0x1de: {  	[tilespmem:$0xA30] =	vst v2;
	v2 =	vadd.s32 v3, v58  }
0x1df: {  	[tilespmem:$0xB30] =	vst v2;
	v2 =	vmul.u32 $0x2710, v59  }
0x1e0: {  	[tilespmem:$0xD40] =	vst v63;
	v3 =	vadd.s32 v3, v60  }
0x1e1: {  	[tilespmem:$0xC30] =	vst v3;
	v3 =	vadd.s32 v61, v2  }
0x1e2: {  	[tilespmem:$0xA40] =	vst v3;
	v3 =	vadd.s32 v2, v62  }
0x1e3: {  	v2 =	vadd.s32 v2, v63;
	[tilespmem:$0xB40] =	vst v3  }
0x1e4: {  	s23 =	simm.s32 $0xC00;
	s24 =	simm.s32 $0xE00;
	[tilespmem:$0xC40] =	vst v2  }
0x1e5: {  	[tilespmem:s24], [sflag:$0x7] =	stream.indirect.gather [spmem:s4], $0x1, s23, s18, $0xb8;
	[tilespmem:$0x1F9C8] =	vst v63  }
0x1e6: {  	s25 =	simm.s32 $0xA00  }
0x1e7: {  	[tilespmem:s14], [sflag:$0x3] =	stream.indirect.gather [hbm4b:s8+s18], $0x80, s25, s18, $0xb8;
	[tilespmem:$0x1F9C8] =	vst v63  }
0x1e8: {  	s29 =	simm.s32 $0xB00;
	s30 =	simm.s32 $0x5F00  }
0x1e9: {  	[tilespmem:s30], [sflag:$0x3] =	stream.indirect.gather [hbm4b:s9+s18], $0x80, s29, s18, $0xb8;
	[tilespmem:$0x1F9C8] =	vst v63  }
0x1ea: {  	s3 =	simm.s32 $0x180;
	s2 =	rddreg [dreg:$0x11]  }
0x1eb: {  	[tilespmem:s3], [sflag:$0x2] =	stream.linear.gather [hbm4b:s2+s12], $0x50, $0x38;
	[tilespmem:$0x1F9C8] =	vst v63  }
0x1ec: {  	s19 =	rddreg [dreg:$0x12];
	s23 =	simm.s32 $0x1D0  }
0x1ed: {  	[tilespmem:s23], [sflag:$0x2] =	stream.linear.gather [hbm4b:s19+s12], $0x50, $0x38;
	[tilespmem:$0x1F9C8] =	vst v63  }
.Ltmp11:
0x1ee: {  	_ = 	snop;
	(pc) =	sbr.rel .LBB2_19-.Ltmp11, $4  }
0x1ef: {  	s24 =	rddreg [dreg:$0x13];
	s25 =	simm.s32 $0x220  }
0x1f0: {  	[tilespmem:s25], [sflag:$0x2] =	stream.linear.gather [hbm4b:s24+s12], $0x50, $0x38;
	[tilespmem:$0x1F9C8] =	vst v63  }
0x1f1: {  	s29 =	rddreg [dreg:$0x14];
	s30 =	simm.s32 $0x270  }
0x1f2: {  	[tilespmem:s30], [sflag:$0x2] =	stream.linear.gather [hbm4b:s29+s12], $0x50, $0x38;
	[tilespmem:$0x1F9C8] =	vst v63  }
.LBB2_32:
0x1f3: {  	s1 =	smul.u32 $0xA0, s12  }
0x1f4: {  	s2 =	rddreg [dreg:$0x15]  }
0x1f5: {  	s1 =	sadd.s32 s1, s2  }
0x1f6: {  	s3 =	rddreg [dreg:$0x0];
	s1 =	sshrl.u32 s1, $0x3  }
0x1f7: {  	s2 =	sadd.s32 s3, s1;
	s3 =	simm.s32 $0x180  }
0x1f8: {  	[tilespmem:s3], [sflag:$0x2] =	stream.linear.gather [hbm4b:s2+s5], $0x50, $0x38;
	[tilespmem:$0x1F9C8] =	vst v63  }
0x1f9: {  	s23 =	simm.s32 $0x1D0;
	s19 =	sadd.s32 s6, s1  }
0x1fa: {  	[tilespmem:s23], [sflag:$0x2] =	stream.linear.gather [hbm4b:s19+s5], $0x50, $0x38;
	[tilespmem:$0x1F9C8] =	vst v63  }
0x1fb: {  	s25 =	simm.s32 $0x220;
	s29 =	rddreg [dreg:$0x2];
	s24 =	sadd.s32 s7, s1  }
0x1fc: {  	[tilespmem:s25], [sflag:$0x2] =	stream.linear.gather [hbm4b:s24+s5], $0x50, $0x38;
	[tilespmem:$0x1F9C8] =	vst v63  }
0x1fd: {  	s30 =	simm.s32 $0x270;
	s1 =	sadd.s32 s29, s1  }
0x1fe: {  	[tilespmem:s30], [sflag:$0x2] =	stream.linear.gather [hbm4b:s1+s5], $0x50, $0x38;
	[tilespmem:$0x1F9C8] =	vst v63  }
0x1ff: {  	_ =	swait.ge [sflag:s22], $0x2800  }
0x200: {  	[sflag:s22] =	ssyncset.done $0x0  }
0x201: {  	s19 =	simm.s32 $0x800;
	s25 =	simm.s32 $0x900;
	[sflag:s22] =	ssyncadd.s32 $0xFFFFD800  }
.LBB2_34:
0x202: {  	_ =	swait.ge [sflag:s17], $0x50  }
0x203: {  	[sflag:s17] =	ssyncset.done $0x0  }
0x204: {  	[sflag:s17] =	ssyncadd.s32 $0xFFFFFFB0  }
0x205: {  	_ =	swait.ge [sflag:s17], $0x50  }
0x206: {  	[sflag:s17] =	ssyncset.done $0x0  }
0x207: {  	[sflag:s17] =	ssyncadd.s32 $0xFFFFFFB0  }
0x208: {  	_ =	swait.ge [sflag:s17], $0x50  }
0x209: {  	[sflag:s17] =	ssyncset.done $0x0  }
0x20a: {  	[sflag:s17] =	ssyncadd.s32 $0xFFFFFFB0  }
0x20b: {  	_ =	swait.ge [sflag:s17], $0x50  }
0x20c: {  	[sflag:s17] =	ssyncset.done $0x0  }
0x20d: {  	[sflag:s17] =	ssyncadd.s32 $0xFFFFFFB0  }
0x20e: {  	v2 =	vld [tilespmem:$0xF0]  }
0x20f: {  	v3 =	vld [tilespmem:$0x0]  }
0x210: {  	v6 =	vld [tilespmem:$0xA0]  }
0x211: {  	v4 =	vld [tilespmem:$0x50]  }
0x212: {  	v5 =	vld [tilespmem:$0x100]  }
0x213: {  	v52 =	vld [tilespmem:$0xB0];
	v2 =	vmul.u32 $0x2710, v2  }
0x214: {  	v7 =	vld [tilespmem:$0x10]  }
0x215: {  	v8 =	vld [tilespmem:$0x60];
	[tilespmem:$0xD00] =	vst v6;
	v3 =	vadd.s32 v3, v2  }
0x216: {  	v51 =	vld [tilespmem:$0x110];
	[tilespmem:$0xA00] =	vst v3;
	v3 =	vadd.s32 v2, v4  }
0x217: {  	v56 =	vld [tilespmem:$0xC0];
	[tilespmem:$0xB00] =	vst v3;
	v3 =	vmul.u32 $0x2710, v5  }
0x218: {  	v53 =	vld [tilespmem:$0x20];
	[tilespmem:$0xD10] =	vst v52;
	v2 =	vadd.s32 v2, v6  }
0x219: {  	v54 =	vld [tilespmem:$0x70];
	[tilespmem:$0xC00] =	vst v2;
	v2 =	vadd.s32 v7, v3  }
0x21a: {  	v55 =	vld [tilespmem:$0x120];
	[tilespmem:$0xA10] =	vst v2;
	v2 =	vadd.s32 v3, v8  }
0x21b: {  	v60 =	vld [tilespmem:$0xD0];
	[tilespmem:$0xB10] =	vst v2;
	v2 =	vmul.u32 $0x2710, v51  }
0x21c: {  	v57 =	vld [tilespmem:$0x30];
	[tilespmem:$0xD20] =	vst v56;
	v3 =	vadd.s32 v3, v52  }
0x21d: {  	v58 =	vld [tilespmem:$0x80];
	[tilespmem:$0xC10] =	vst v3;
	v3 =	vadd.s32 v53, v2  }
0x21e: {  	v59 =	vld [tilespmem:$0x130];
	[tilespmem:$0xA20] =	vst v3;
	v3 =	vadd.s32 v2, v54  }
0x21f: {  	v63 =	vld [tilespmem:$0xE0];
	[tilespmem:$0xB20] =	vst v3;
	v3 =	vmul.u32 $0x2710, v55  }
0x220: {  	v61 =	vld [tilespmem:$0x40];
	[tilespmem:$0xD30] =	vst v60;
	v2 =	vadd.s32 v2, v56  }
0x221: {  	v62 =	vld [tilespmem:$0x90];
	[tilespmem:$0xC20] =	vst v2;
	v2 =	vadd.s32 v57, v3  }
0x222: {  	[tilespmem:$0xA30] =	vst v2;
	v2 =	vadd.s32 v3, v58  }
0x223: {  	[tilespmem:$0xB30] =	vst v2;
	v2 =	vmul.u32 $0x2710, v59  }
0x224: {  	[tilespmem:$0xD40] =	vst v63;
	v3 =	vadd.s32 v3, v60  }
0x225: {  	[tilespmem:$0xC30] =	vst v3;
	v3 =	vadd.s32 v61, v2  }
0x226: {  	[tilespmem:$0xA40] =	vst v3;
	v3 =	vadd.s32 v2, v62  }
0x227: {  	s12 =	sadd.s32 $0x1, s12;
	v2 =	vadd.s32 v2, v63;
	[tilespmem:$0xB40] =	vst v3  }
0x228: {  	s1 =	simm.s32 $0xC00;
	s2 =	simm.s32 $0xE00;
	p4 =	sne.s32 s12, $0x3F;
	[tilespmem:$0xC40] =	vst v2  }
0x229: {  	[tilespmem:s2], [sflag:$0x7] =	stream.indirect.gather [spmem:s4], $0x1, s1, s18, $0xb8;
	[tilespmem:$0x1F9C8] =	vst v63  }
.Ltmp12:
0x22a: {  	_ = 	snop;
	(pc) =	sbr.rel @!p4 .LBB2_35-.Ltmp12, $4  }
0x22b: {  	s24 =	simm.s32 $0xA00  }
0x22c: {  	[tilespmem:s14], [sflag:$0x3] =	stream.indirect.gather [hbm4b:s8+s18], $0x80, s24, s18, $0xb8;
	[tilespmem:$0x1F9C8] =	vst v63  }
0x22d: {  	s29 =	simm.s32 $0xB00;
	s30 =	simm.s32 $0x5F00  }
0x22e: {  	[tilespmem:s30], [sflag:$0x3] =	stream.indirect.gather [hbm4b:s9+s18], $0x80, s29, s18, $0xb8;
	[tilespmem:$0x1F9C8] =	vst v63  }
.LBB2_19:
0x22f: {  	s1 =	sshll.u32 s12, $0x1  }
0x230: {  	s1 =	sadd.s32 $0xFFFFFFFF, s1  }
0x231: {  	p4 =	sgt.u32 s1, $0x7C  }
0x232: {  	p5 =	sgt.u32 @!p4 s12, $0x3D  }
0x233: {  	p6 =	por p4, !p5  }
.Ltmp13:
0x234: {  	_ = 	snop;
	(pc) =	sbr.rel @!p6 .LBB2_21-.Ltmp13, $4  }
0x235: {  	s1 =	simm.s32 @!p4 $0x6  }
0x236: {  	_ =	swait.ge @!p4 [sflag:s1], $0x2800  }
0x237: {  	[sflag:s1] =	ssyncset.done @!p4 $0x0  }
0x238: {  	p5 =	por @!p4 $0x0, $0x0;
	[sflag:s1] =	ssyncadd.s32 @!p4 $0xFFFFD800  }
0x239: {  	_ =	swait.ge [sflag:s16], $0x50  }
0x23a: {  	[sflag:s16] =	ssyncset.done $0x0  }
0x23b: {  	[sflag:s16] =	ssyncadd.s32 $0xFFFFFFB0  }
0x23c: {  	_ =	swait.ge [sflag:s16], $0x50  }
0x23d: {  	[sflag:s16] =	ssyncset.done $0x0  }
0x23e: {  	[sflag:s16] =	ssyncadd.s32 $0xFFFFFFB0  }
0x23f: {  	_ =	swait.ge [sflag:s16], $0x50  }
0x240: {  	[sflag:s16] =	ssyncset.done $0x0  }
0x241: {  	[sflag:s16] =	ssyncadd.s32 $0xFFFFFFB0  }
0x242: {  	_ =	swait.ge [sflag:s16], $0x50  }
0x243: {  	[sflag:s16] =	ssyncset.done $0x0  }
0x244: {  	[sflag:s16] =	ssyncadd.s32 $0xFFFFFFB0  }
0x245: {  	v2 =	vld [tilespmem:$0x270]  }
0x246: {  	v3 =	vld [tilespmem:$0x180]  }
0x247: {  	v6 =	vld [tilespmem:$0x220]  }
0x248: {  	v4 =	vld [tilespmem:$0x1D0]  }
0x249: {  	v5 =	vld [tilespmem:$0x280]  }
0x24a: {  	v52 =	vld [tilespmem:$0x230];
	v2 =	vmul.u32 $0x2710, v2  }
0x24b: {  	v7 =	vld [tilespmem:$0x190]  }
0x24c: {  	v8 =	vld [tilespmem:$0x1E0];
	[tilespmem:$0xD80] =	vst v6;
	v3 =	vadd.s32 v3, v2  }
0x24d: {  	v51 =	vld [tilespmem:$0x290];
	[tilespmem:$0xA80] =	vst v3;
	v3 =	vadd.s32 v2, v4  }
0x24e: {  	v56 =	vld [tilespmem:$0x240];
	[tilespmem:$0xB80] =	vst v3;
	v3 =	vmul.u32 $0x2710, v5  }
0x24f: {  	v53 =	vld [tilespmem:$0x1A0];
	[tilespmem:$0xD90] =	vst v52;
	v2 =	vadd.s32 v2, v6  }
0x250: {  	v54 =	vld [tilespmem:$0x1F0];
	[tilespmem:$0xC80] =	vst v2;
	v2 =	vadd.s32 v7, v3  }
0x251: {  	v55 =	vld [tilespmem:$0x2A0];
	[tilespmem:$0xA90] =	vst v2;
	v2 =	vadd.s32 v3, v8  }
0x252: {  	v60 =	vld [tilespmem:$0x250];
	[tilespmem:$0xB90] =	vst v2;
	v2 =	vmul.u32 $0x2710, v51  }
0x253: {  	v57 =	vld [tilespmem:$0x1B0];
	[tilespmem:$0xDA0] =	vst v56;
	v3 =	vadd.s32 v3, v52  }
0x254: {  	v58 =	vld [tilespmem:$0x200];
	[tilespmem:$0xC90] =	vst v3;
	v3 =	vadd.s32 v53, v2  }
0x255: {  	v59 =	vld [tilespmem:$0x2B0];
	[tilespmem:$0xAA0] =	vst v3;
	v3 =	vadd.s32 v2, v54  }
0x256: {  	v63 =	vld [tilespmem:$0x260];
	[tilespmem:$0xBA0] =	vst v3;
	v3 =	vmul.u32 $0x2710, v55  }
0x257: {  	v61 =	vld [tilespmem:$0x1C0];
	[tilespmem:$0xDB0] =	vst v60;
	v2 =	vadd.s32 v2, v56  }
0x258: {  	v62 =	vld [tilespmem:$0x210];
	[tilespmem:$0xCA0] =	vst v2;
	v2 =	vadd.s32 v57, v3  }
0x259: {  	[tilespmem:$0xAB0] =	vst v2;
	v2 =	vadd.s32 v3, v58  }
0x25a: {  	[tilespmem:$0xBB0] =	vst v2;
	v2 =	vmul.u32 $0x2710, v59  }
0x25b: {  	[tilespmem:$0xDC0] =	vst v63;
	v3 =	vadd.s32 v3, v60  }
0x25c: {  	[tilespmem:$0xCB0] =	vst v3;
	v3 =	vadd.s32 v61, v2  }
0x25d: {  	[tilespmem:$0xAC0] =	vst v3;
	v3 =	vadd.s32 v2, v62  }
0x25e: {  	v2 =	vadd.s32 v2, v63;
	[tilespmem:$0xBC0] =	vst v3  }
0x25f: {  	s1 =	simm.s32 $0xC80;
	s2 =	simm.s32 $0xE80;
	[tilespmem:$0xCC0] =	vst v2  }
0x260: {  	[tilespmem:s2], [sflag:$0x8] =	stream.indirect.gather [spmem:s4], $0x1, s1, s18, $0xb8;
	[tilespmem:$0x1F9C8] =	vst v63  }
0x261: {  	s24 =	simm.s32 $0xA80;
	s25 =	simm.s32 $0x3700  }
0x262: {  	[tilespmem:s25], [sflag:$0x4] =	stream.indirect.gather [hbm4b:s8+s18], $0x80, s24, s18, $0xb8;
	[tilespmem:$0x1F9C8] =	vst v63  }
0x263: {  	s29 =	simm.s32 $0xB80;
	s30 =	simm.s32 $0x8700;
	p5 =	por $0x1, $0x1  }
0x264: {  	[tilespmem:s30], [sflag:$0x4] =	stream.indirect.gather [hbm4b:s9+s18], $0x80, s29, s18, $0xb8;
	[tilespmem:$0x1F9C8] =	vst v63  }
.LBB2_21:
0x265: {  	_ =	swait.ge [sflag:s13], $0x50  }
0x266: {  	[sflag:s13] =	ssyncset.done $0x0  }
0x267: {  	[sflag:s13] =	ssyncadd.s32 $0xFFFFFFB0  }
0x268: {  	_ =	swait.ge [sflag:s10], $0x2800  }
0x269: {  	[sflag:s10] =	ssyncset.done $0x0  }
0x26a: {  	[sflag:s10] =	ssyncadd.s32 $0xFFFFD800  }
0x26b: {  	_ =	swait.ge [sflag:s10], $0x2800  }
0x26c: {  	s23 =	simm.s32 $0x0;
	[sflag:s10] =	ssyncset.done $0x0  }
0x26d: {  	s1 =	simm.s32 $0x6000;
	s30 =	simm.s32 $0x1000;
	[sflag:s10] =	ssyncadd.s32 $0xFFFFD800  }
.LBB2_22:
0x26e: {  	v3 =	vld [tilespmem:s30+$0xFFFFFF00]  }
0x26f: {  	s2 =	sshll.u32 s23, $0x4;
	v4 =	vld [tilespmem:s1+$0xFFFFFF00];
	s3 =	simm.s32 $0x4;
	s29 =	smov.u32 s30  }
0x270: {  	s24 =	smov.u32 s1;
	s25 =	smov.u32 s30;
	v2 =	vld [tilespmem:s2+$0xE00];
	s2 =	simm.s32 $0x0  }
.LBB2_23:
0x271: {  	p4 =	sne.s32 s3, $0xC;
	_ =	sdelay $0x2  }
0x272: {  	v5 =	vmov s2  }
0x273: {  	v5 =	vperm.xlane v2, v5;
	v3 =	vadd.f32 v4, v3;
	_ =	sdelay $0x1  }
0x274: {  	v3 =	vmul.f32 v3, v5;
	_ =	sdelay $0x1  }
0x275: {  	[tilespmem:s29+$0xFFFFFF00] =	vst v3;
	v3 =	vld [tilespmem:s29+$0xFFFFFF10]  }
0x276: {  	v4 =	vld [tilespmem:s24+$0xFFFFFF10];
	_ =	sdelay $0x4  }
0x277: {  	v3 =	vadd.f32 v4, v3;
	_ =	sdelay $0x1  }
0x278: {  	v3 =	vmul.f32 v3, v5;
	_ =	sdelay $0x1  }
0x279: {  	[tilespmem:s29+$0xFFFFFF10] =	vst v3;
	v3 =	vld [tilespmem:s29+$0xFFFFFF20]  }
0x27a: {  	v4 =	vld [tilespmem:s24+$0xFFFFFF20];
	_ =	sdelay $0x4  }
0x27b: {  	v3 =	vadd.f32 v4, v3;
	_ =	sdelay $0x1  }
0x27c: {  	v3 =	vmul.f32 v3, v5;
	_ =	sdelay $0x1  }
0x27d: {  	[tilespmem:s29+$0xFFFFFF20] =	vst v3;
	v3 =	vld [tilespmem:s29+$0xFFFFFF30]  }
0x27e: {  	v4 =	vld [tilespmem:s24+$0xFFFFFF30];
	_ =	sdelay $0x4  }
0x27f: {  	v3 =	vadd.f32 v4, v3;
	_ =	sdelay $0x1  }
0x280: {  	v3 =	vmul.f32 v3, v5;
	_ =	sdelay $0x1  }
0x281: {  	[tilespmem:s29+$0xFFFFFF30] =	vst v3;
	v3 =	vld [tilespmem:s29+$0xFFFFFF40]  }
0x282: {  	v4 =	vld [tilespmem:s24+$0xFFFFFF40];
	_ =	sdelay $0x4  }
0x283: {  	v3 =	vadd.f32 v4, v3;
	_ =	sdelay $0x1  }
0x284: {  	v3 =	vmul.f32 v3, v5;
	_ =	sdelay $0x1  }
0x285: {  	[tilespmem:s29+$0xFFFFFF40] =	vst v3;
	v3 =	vld [tilespmem:s29+$0xFFFFFF50]  }
0x286: {  	v4 =	vld [tilespmem:s24+$0xFFFFFF50];
	_ =	sdelay $0x4  }
0x287: {  	v3 =	vadd.f32 v4, v3;
	_ =	sdelay $0x1  }
0x288: {  	v3 =	vmul.f32 v3, v5;
	_ =	sdelay $0x1  }
0x289: {  	[tilespmem:s29+$0xFFFFFF50] =	vst v3;
	v3 =	vld [tilespmem:s29+$0xFFFFFF60]  }
0x28a: {  	v4 =	vld [tilespmem:s24+$0xFFFFFF60];
	_ =	sdelay $0x4  }
0x28b: {  	v3 =	vadd.f32 v4, v3;
	_ =	sdelay $0x1  }
0x28c: {  	v3 =	vmul.f32 v3, v5;
	_ =	sdelay $0x1  }
0x28d: {  	[tilespmem:s29+$0xFFFFFF60] =	vst v3;
	v3 =	vld [tilespmem:s29+$0xFFFFFF70]  }
0x28e: {  	v4 =	vld [tilespmem:s24+$0xFFFFFF70];
	_ =	sdelay $0x4  }
0x28f: {  	v3 =	vadd.f32 v4, v3;
	_ =	sdelay $0x1  }
0x290: {  	v3 =	vmul.f32 v3, v5;
	_ =	sdelay $0x1  }
0x291: {  	[tilespmem:s29+$0xFFFFFF70] =	vst v3;
	v3 =	vld [tilespmem:s29+$0xFFFFFF80]  }
0x292: {  	v4 =	vld [tilespmem:s24+$0xFFFFFF80];
	_ =	sdelay $0x2  }
0x293: {  	s19 =	sadd.s32 $0x1, s2  }
0x294: {  	v5 =	vmov s19  }
0x295: {  	v5 =	vperm.xlane v2, v5;
	v3 =	vadd.f32 v4, v3;
	_ =	sdelay $0x1  }
0x296: {  	v3 =	vmul.f32 v3, v5;
	_ =	sdelay $0x1  }
0x297: {  	[tilespmem:s29+$0xFFFFFF80] =	vst v3;
	v3 =	vld [tilespmem:s29+$0xFFFFFF90]  }
0x298: {  	v4 =	vld [tilespmem:s24+$0xFFFFFF90];
	_ =	sdelay $0x4  }
0x299: {  	v3 =	vadd.f32 v4, v3;
	_ =	sdelay $0x1  }
0x29a: {  	v3 =	vmul.f32 v3, v5;
	_ =	sdelay $0x1  }
0x29b: {  	[tilespmem:s29+$0xFFFFFF90] =	vst v3;
	v3 =	vld [tilespmem:s29+$0xFFFFFFA0]  }
0x29c: {  	v4 =	vld [tilespmem:s24+$0xFFFFFFA0];
	_ =	sdelay $0x4  }
0x29d: {  	v3 =	vadd.f32 v4, v3;
	_ =	sdelay $0x1  }
0x29e: {  	v3 =	vmul.f32 v3, v5;
	_ =	sdelay $0x1  }
0x29f: {  	[tilespmem:s29+$0xFFFFFFA0] =	vst v3;
	v3 =	vld [tilespmem:s29+$0xFFFFFFB0]  }
0x2a0: {  	v4 =	vld [tilespmem:s24+$0xFFFFFFB0];
	_ =	sdelay $0x4  }
0x2a1: {  	v3 =	vadd.f32 v4, v3;
	_ =	sdelay $0x1  }
0x2a2: {  	v3 =	vmul.f32 v3, v5;
	_ =	sdelay $0x1  }
0x2a3: {  	[tilespmem:s29+$0xFFFFFFB0] =	vst v3;
	v3 =	vld [tilespmem:s29+$0xFFFFFFC0]  }
0x2a4: {  	v4 =	vld [tilespmem:s24+$0xFFFFFFC0];
	_ =	sdelay $0x4  }
0x2a5: {  	v3 =	vadd.f32 v4, v3;
	_ =	sdelay $0x1  }
0x2a6: {  	v3 =	vmul.f32 v3, v5;
	_ =	sdelay $0x1  }
0x2a7: {  	[tilespmem:s29+$0xFFFFFFC0] =	vst v3;
	v3 =	vld [tilespmem:s29+$0xFFFFFFD0]  }
0x2a8: {  	v4 =	vld [tilespmem:s24+$0xFFFFFFD0];
	_ =	sdelay $0x4  }
0x2a9: {  	v3 =	vadd.f32 v4, v3;
	_ =	sdelay $0x1  }
0x2aa: {  	v3 =	vmul.f32 v3, v5;
	_ =	sdelay $0x1  }
0x2ab: {  	[tilespmem:s29+$0xFFFFFFD0] =	vst v3;
	v3 =	vld [tilespmem:s29+$0xFFFFFFE0]  }
0x2ac: {  	v4 =	vld [tilespmem:s24+$0xFFFFFFE0];
	_ =	sdelay $0x4  }
0x2ad: {  	v3 =	vadd.f32 v4, v3;
	_ =	sdelay $0x1  }
0x2ae: {  	v3 =	vmul.f32 v3, v5;
	_ =	sdelay $0x1  }
0x2af: {  	[tilespmem:s29+$0xFFFFFFE0] =	vst v3;
	v3 =	vld [tilespmem:s29+$0xFFFFFFF0]  }
0x2b0: {  	v4 =	vld [tilespmem:s24+$0xFFFFFFF0];
	_ =	sdelay $0x4  }
0x2b1: {  	v3 =	vadd.f32 v4, v3;
	_ =	sdelay $0x1  }
0x2b2: {  	v3 =	vmul.f32 v3, v5;
	_ =	sdelay $0x1  }
0x2b3: {  	[tilespmem:s29+$0xFFFFFFF0] =	vst v3;
	v3 =	vld [tilespmem:s29+$0x0]  }
0x2b4: {  	v4 =	vld [tilespmem:s24+$0x0];
	_ =	sdelay $0x2  }
0x2b5: {  	s19 =	sadd.s32 $0x2, s2  }
0x2b6: {  	v5 =	vmov s19  }
0x2b7: {  	v5 =	vperm.xlane v2, v5;
	v3 =	vadd.f32 v4, v3;
	_ =	sdelay $0x1  }
0x2b8: {  	v3 =	vmul.f32 v3, v5;
	_ =	sdelay $0x1  }
0x2b9: {  	[tilespmem:s29+$0x0] =	vst v3;
	v3 =	vld [tilespmem:s29+$0x10]  }
0x2ba: {  	v4 =	vld [tilespmem:s24+$0x10];
	_ =	sdelay $0x4  }
0x2bb: {  	v3 =	vadd.f32 v4, v3;
	_ =	sdelay $0x1  }
0x2bc: {  	v3 =	vmul.f32 v3, v5;
	_ =	sdelay $0x1  }
0x2bd: {  	[tilespmem:s29+$0x10] =	vst v3;
	v3 =	vld [tilespmem:s29+$0x20]  }
0x2be: {  	v4 =	vld [tilespmem:s24+$0x20];
	_ =	sdelay $0x4  }
0x2bf: {  	v3 =	vadd.f32 v4, v3;
	_ =	sdelay $0x1  }
0x2c0: {  	v3 =	vmul.f32 v3, v5;
	_ =	sdelay $0x1  }
0x2c1: {  	[tilespmem:s29+$0x20] =	vst v3;
	v3 =	vld [tilespmem:s29+$0x30]  }
0x2c2: {  	v4 =	vld [tilespmem:s24+$0x30];
	_ =	sdelay $0x4  }
0x2c3: {  	v3 =	vadd.f32 v4, v3;
	_ =	sdelay $0x1  }
0x2c4: {  	v3 =	vmul.f32 v3, v5;
	_ =	sdelay $0x1  }
0x2c5: {  	[tilespmem:s29+$0x30] =	vst v3;
	v3 =	vld [tilespmem:s29+$0x40]  }
0x2c6: {  	v4 =	vld [tilespmem:s24+$0x40];
	_ =	sdelay $0x4  }
0x2c7: {  	v3 =	vadd.f32 v4, v3;
	_ =	sdelay $0x1  }
0x2c8: {  	v3 =	vmul.f32 v3, v5;
	_ =	sdelay $0x1  }
0x2c9: {  	[tilespmem:s29+$0x40] =	vst v3;
	v3 =	vld [tilespmem:s29+$0x50]  }
0x2ca: {  	v4 =	vld [tilespmem:s24+$0x50];
	_ =	sdelay $0x4  }
0x2cb: {  	v3 =	vadd.f32 v4, v3;
	_ =	sdelay $0x1  }
0x2cc: {  	v3 =	vmul.f32 v3, v5;
	_ =	sdelay $0x1  }
0x2cd: {  	[tilespmem:s29+$0x50] =	vst v3;
	v3 =	vld [tilespmem:s29+$0x60]  }
0x2ce: {  	v4 =	vld [tilespmem:s24+$0x60];
	_ =	sdelay $0x4  }
0x2cf: {  	v3 =	vadd.f32 v4, v3;
	_ =	sdelay $0x1  }
0x2d0: {  	v3 =	vmul.f32 v3, v5;
	_ =	sdelay $0x1  }
0x2d1: {  	[tilespmem:s29+$0x60] =	vst v3;
	v3 =	vld [tilespmem:s29+$0x70]  }
0x2d2: {  	v4 =	vld [tilespmem:s24+$0x70];
	_ =	sdelay $0x4  }
0x2d3: {  	v3 =	vadd.f32 v4, v3;
	_ =	sdelay $0x1  }
0x2d4: {  	v3 =	vmul.f32 v3, v5;
	_ =	sdelay $0x1  }
0x2d5: {  	[tilespmem:s29+$0x70] =	vst v3;
	v3 =	vld [tilespmem:s29+$0x80]  }
0x2d6: {  	v4 =	vld [tilespmem:s24+$0x80];
	_ =	sdelay $0x2  }
0x2d7: {  	s19 =	sadd.s32 $0x3, s2;
	s2 =	smov.u32 s3  }
0x2d8: {  	v5 =	vmov s19  }
0x2d9: {  	v5 =	vperm.xlane v2, v5;
	v3 =	vadd.f32 v4, v3;
	_ =	sdelay $0x1  }
0x2da: {  	v3 =	vmul.f32 v3, v5;
	_ =	sdelay $0x1  }
0x2db: {  	[tilespmem:s29+$0x80] =	vst v3;
	v3 =	vld [tilespmem:s29+$0x90]  }
0x2dc: {  	v4 =	vld [tilespmem:s24+$0x90];
	_ =	sdelay $0x4  }
0x2dd: {  	v3 =	vadd.f32 v4, v3;
	_ =	sdelay $0x1  }
0x2de: {  	v3 =	vmul.f32 v3, v5;
	_ =	sdelay $0x1  }
0x2df: {  	[tilespmem:s29+$0x90] =	vst v3;
	v3 =	vld [tilespmem:s29+$0xA0]  }
0x2e0: {  	v4 =	vld [tilespmem:s24+$0xA0];
	_ =	sdelay $0x4  }
0x2e1: {  	v3 =	vadd.f32 v4, v3;
	_ =	sdelay $0x1  }
0x2e2: {  	v3 =	vmul.f32 v3, v5;
	_ =	sdelay $0x1  }
0x2e3: {  	[tilespmem:s29+$0xA0] =	vst v3;
	v3 =	vld [tilespmem:s29+$0xB0]  }
0x2e4: {  	v4 =	vld [tilespmem:s24+$0xB0];
	_ =	sdelay $0x4  }
0x2e5: {  	v3 =	vadd.f32 v4, v3;
	_ =	sdelay $0x1  }
0x2e6: {  	v3 =	vmul.f32 v3, v5;
	_ =	sdelay $0x1  }
0x2e7: {  	[tilespmem:s29+$0xB0] =	vst v3;
	v3 =	vld [tilespmem:s29+$0xC0]  }
0x2e8: {  	v4 =	vld [tilespmem:s24+$0xC0];
	_ =	sdelay $0x4  }
0x2e9: {  	v3 =	vadd.f32 v4, v3;
	_ =	sdelay $0x1  }
0x2ea: {  	v3 =	vmul.f32 v3, v5;
	_ =	sdelay $0x1  }
0x2eb: {  	[tilespmem:s29+$0xC0] =	vst v3;
	v3 =	vld [tilespmem:s29+$0xD0]  }
0x2ec: {  	v4 =	vld [tilespmem:s24+$0xD0];
	_ =	sdelay $0x4  }
0x2ed: {  	v3 =	vadd.f32 v4, v3;
	_ =	sdelay $0x1  }
0x2ee: {  	v3 =	vmul.f32 v3, v5;
	_ =	sdelay $0x1  }
0x2ef: {  	[tilespmem:s29+$0xD0] =	vst v3;
	v3 =	vld [tilespmem:s29+$0xE0]  }
0x2f0: {  	v4 =	vld [tilespmem:s24+$0xE0];
	_ =	sdelay $0x4  }
0x2f1: {  	v3 =	vadd.f32 v4, v3;
	_ =	sdelay $0x1  }
0x2f2: {  	v3 =	vmul.f32 v3, v5;
	_ =	sdelay $0x1  }
0x2f3: {  	[tilespmem:s29+$0xE0] =	vst v3;
	v3 =	vld [tilespmem:s29+$0xF0]  }
0x2f4: {  	v4 =	vld [tilespmem:s24+$0xF0];
	_ =	sdelay $0x4  }
0x2f5: {  	v3 =	vadd.f32 v4, v3  }
.Ltmp14:
0x2f6: {  	(pc) =	sbr.rel @p4 .LBB2_23-.Ltmp14, $4  }
0x2f7: {  	v4 =	vmul.f32 v3, v5  }
0x2f8: {  	s29 =	sadd.s32 $0x200, s29  }
0x2f9: {  	s24 =	sadd.s32 $0x200, s24;
	v3 =	vld [tilespmem:s29+$0xFFFFFF00];
	[tilespmem:s25+$0xF0] =	vst v4;
	s25 =	smov.u32 s29  }
0x2fa: {  	s3 =	sadd.s32 $0x4, s3;
	v4 =	vld [tilespmem:s24+$0xFFFFFF00]  }
0x2fb: {  	_ =	sdelay $0x2  }
0x2fc: {  	v5 =	vmov s2  }
0x2fd: {  	v5 =	vperm.xlane v2, v5;
	v3 =	vadd.f32 v4, v3;
	_ =	sdelay $0x1  }
0x2fe: {  	v3 =	vmul.f32 v3, v5;
	_ =	sdelay $0x1  }
0x2ff: {  	[tilespmem:s29+$0xFFFFFF00] =	vst v3;
	v3 =	vld [tilespmem:s29+$0xFFFFFF10]  }
0x300: {  	v30 =	vld [tilespmem:s24+$0xFFFFFF10];
	_ =	sdelay $0x4  }
0x301: {  	v3 =	vadd.f32 v30, v3;
	_ =	sdelay $0x1  }
0x302: {  	v3 =	vmul.f32 v3, v5;
	_ =	sdelay $0x1  }
0x303: {  	[tilespmem:s29+$0xFFFFFF10] =	vst v3;
	v3 =	vld [tilespmem:s29+$0xFFFFFF20]  }
0x304: {  	v31 =	vld [tilespmem:s24+$0xFFFFFF20];
	_ =	sdelay $0x4  }
0x305: {  	v3 =	vadd.f32 v31, v3;
	_ =	sdelay $0x1  }
0x306: {  	v3 =	vmul.f32 v3, v5;
	_ =	sdelay $0x1  }
0x307: {  	[tilespmem:s29+$0xFFFFFF20] =	vst v3;
	v3 =	vld [tilespmem:s29+$0xFFFFFF30]  }
0x308: {  	v32 =	vld [tilespmem:s24+$0xFFFFFF30];
	_ =	sdelay $0x4  }
0x309: {  	v3 =	vadd.f32 v32, v3;
	_ =	sdelay $0x1  }
0x30a: {  	v3 =	vmul.f32 v3, v5;
	_ =	sdelay $0x1  }
0x30b: {  	[tilespmem:s29+$0xFFFFFF30] =	vst v3;
	v3 =	vld [tilespmem:s29+$0xFFFFFF40]  }
0x30c: {  	v33 =	vld [tilespmem:s24+$0xFFFFFF40];
	_ =	sdelay $0x4  }
0x30d: {  	v3 =	vadd.f32 v33, v3;
	_ =	sdelay $0x1  }
0x30e: {  	v3 =	vmul.f32 v3, v5;
	_ =	sdelay $0x1  }
0x30f: {  	[tilespmem:s29+$0xFFFFFF40] =	vst v3;
	v3 =	vld [tilespmem:s29+$0xFFFFFF50]  }
0x310: {  	v34 =	vld [tilespmem:s24+$0xFFFFFF50];
	_ =	sdelay $0x4  }
0x311: {  	v3 =	vadd.f32 v34, v3;
	_ =	sdelay $0x1  }
0x312: {  	v3 =	vmul.f32 v3, v5;
	_ =	sdelay $0x1  }
0x313: {  	[tilespmem:s29+$0xFFFFFF50] =	vst v3;
	v3 =	vld [tilespmem:s29+$0xFFFFFF60]  }
0x314: {  	v35 =	vld [tilespmem:s24+$0xFFFFFF60];
	_ =	sdelay $0x4  }
0x315: {  	v3 =	vadd.f32 v35, v3;
	_ =	sdelay $0x1  }
0x316: {  	v3 =	vmul.f32 v3, v5;
	_ =	sdelay $0x1  }
0x317: {  	[tilespmem:s29+$0xFFFFFF60] =	vst v3;
	v3 =	vld [tilespmem:s29+$0xFFFFFF70]  }
0x318: {  	v36 =	vld [tilespmem:s24+$0xFFFFFF70];
	_ =	sdelay $0x4  }
0x319: {  	v3 =	vadd.f32 v36, v3;
	_ =	sdelay $0x1  }
0x31a: {  	v3 =	vmul.f32 v3, v5;
	_ =	sdelay $0x1  }
0x31b: {  	[tilespmem:s29+$0xFFFFFF70] =	vst v3;
	v3 =	vld [tilespmem:s29+$0xFFFFFF80]  }
0x31c: {  	v37 =	vld [tilespmem:s24+$0xFFFFFF80];
	_ =	sdelay $0x2  }
0x31d: {  	s3 =	sadd.s32 $0x1, s2  }
0x31e: {  	v38 =	vmov s3  }
0x31f: {  	v5 =	vperm.xlane v2, v38;
	v3 =	vadd.f32 v37, v3;
	_ =	sdelay $0x1  }
0x320: {  	v3 =	vmul.f32 v3, v5;
	_ =	sdelay $0x1  }
0x321: {  	[tilespmem:s29+$0xFFFFFF80] =	vst v3;
	v3 =	vld [tilespmem:s29+$0xFFFFFF90]  }
0x322: {  	v39 =	vld [tilespmem:s24+$0xFFFFFF90];
	_ =	sdelay $0x4  }
0x323: {  	v3 =	vadd.f32 v39, v3;
	_ =	sdelay $0x1  }
0x324: {  	v3 =	vmul.f32 v3, v5;
	_ =	sdelay $0x1  }
0x325: {  	[tilespmem:s29+$0xFFFFFF90] =	vst v3;
	v3 =	vld [tilespmem:s29+$0xFFFFFFA0]  }
0x326: {  	v40 =	vld [tilespmem:s24+$0xFFFFFFA0];
	_ =	sdelay $0x4  }
0x327: {  	v3 =	vadd.f32 v40, v3;
	_ =	sdelay $0x1  }
0x328: {  	v3 =	vmul.f32 v3, v5;
	_ =	sdelay $0x1  }
0x329: {  	[tilespmem:s29+$0xFFFFFFA0] =	vst v3;
	v3 =	vld [tilespmem:s29+$0xFFFFFFB0]  }
0x32a: {  	v41 =	vld [tilespmem:s24+$0xFFFFFFB0];
	_ =	sdelay $0x4  }
0x32b: {  	v3 =	vadd.f32 v41, v3;
	_ =	sdelay $0x1  }
0x32c: {  	v3 =	vmul.f32 v3, v5;
	_ =	sdelay $0x1  }
0x32d: {  	[tilespmem:s29+$0xFFFFFFB0] =	vst v3;
	v3 =	vld [tilespmem:s29+$0xFFFFFFC0]  }
0x32e: {  	v42 =	vld [tilespmem:s24+$0xFFFFFFC0];
	_ =	sdelay $0x4  }
0x32f: {  	v3 =	vadd.f32 v42, v3;
	_ =	sdelay $0x1  }
0x330: {  	v3 =	vmul.f32 v3, v5;
	_ =	sdelay $0x1  }
0x331: {  	[tilespmem:s29+$0xFFFFFFC0] =	vst v3;
	v3 =	vld [tilespmem:s29+$0xFFFFFFD0]  }
0x332: {  	v43 =	vld [tilespmem:s24+$0xFFFFFFD0];
	_ =	sdelay $0x4  }
0x333: {  	v3 =	vadd.f32 v43, v3;
	_ =	sdelay $0x1  }
0x334: {  	v3 =	vmul.f32 v3, v5;
	_ =	sdelay $0x1  }
0x335: {  	[tilespmem:s29+$0xFFFFFFD0] =	vst v3;
	v3 =	vld [tilespmem:s29+$0xFFFFFFE0]  }
0x336: {  	v44 =	vld [tilespmem:s24+$0xFFFFFFE0];
	_ =	sdelay $0x4  }
0x337: {  	v3 =	vadd.f32 v44, v3;
	_ =	sdelay $0x1  }
0x338: {  	v3 =	vmul.f32 v3, v5;
	_ =	sdelay $0x1  }
0x339: {  	[tilespmem:s29+$0xFFFFFFE0] =	vst v3;
	v3 =	vld [tilespmem:s29+$0xFFFFFFF0]  }
0x33a: {  	v45 =	vld [tilespmem:s24+$0xFFFFFFF0];
	_ =	sdelay $0x4  }
0x33b: {  	v3 =	vadd.f32 v45, v3;
	_ =	sdelay $0x1  }
0x33c: {  	v3 =	vmul.f32 v3, v5;
	_ =	sdelay $0x1  }
0x33d: {  	[tilespmem:s29+$0xFFFFFFF0] =	vst v3;
	v3 =	vld [tilespmem:s29+$0x0]  }
0x33e: {  	v46 =	vld [tilespmem:s24+$0x0];
	_ =	sdelay $0x2  }
0x33f: {  	s19 =	sadd.s32 $0x2, s2  }
0x340: {  	v47 =	vmov s19  }
0x341: {  	v5 =	vperm.xlane v2, v47;
	v3 =	vadd.f32 v46, v3;
	_ =	sdelay $0x1  }
0x342: {  	v3 =	vmul.f32 v3, v5;
	_ =	sdelay $0x1  }
0x343: {  	[tilespmem:s29+$0x0] =	vst v3;
	v3 =	vld [tilespmem:s29+$0x10]  }
0x344: {  	v48 =	vld [tilespmem:s24+$0x10];
	_ =	sdelay $0x4  }
0x345: {  	v3 =	vadd.f32 v48, v3;
	_ =	sdelay $0x1  }
0x346: {  	v3 =	vmul.f32 v3, v5;
	_ =	sdelay $0x1  }
0x347: {  	[tilespmem:s29+$0x10] =	vst v3;
	v3 =	vld [tilespmem:s29+$0x20]  }
0x348: {  	v49 =	vld [tilespmem:s24+$0x20];
	_ =	sdelay $0x4  }
0x349: {  	v3 =	vadd.f32 v49, v3;
	_ =	sdelay $0x1  }
0x34a: {  	v3 =	vmul.f32 v3, v5;
	_ =	sdelay $0x1  }
0x34b: {  	[tilespmem:s29+$0x20] =	vst v3;
	v3 =	vld [tilespmem:s29+$0x30]  }
0x34c: {  	v50 =	vld [tilespmem:s24+$0x30];
	_ =	sdelay $0x4  }
0x34d: {  	v3 =	vadd.f32 v50, v3;
	_ =	sdelay $0x1  }
0x34e: {  	v3 =	vmul.f32 v3, v5;
	_ =	sdelay $0x1  }
0x34f: {  	[tilespmem:s29+$0x30] =	vst v3;
	v3 =	vld [tilespmem:s29+$0x40]  }
0x350: {  	v51 =	vld [tilespmem:s24+$0x40];
	_ =	sdelay $0x4  }
0x351: {  	v3 =	vadd.f32 v51, v3;
	_ =	sdelay $0x1  }
0x352: {  	v3 =	vmul.f32 v3, v5;
	_ =	sdelay $0x1  }
0x353: {  	[tilespmem:s29+$0x40] =	vst v3;
	v3 =	vld [tilespmem:s29+$0x50]  }
0x354: {  	v52 =	vld [tilespmem:s24+$0x50];
	_ =	sdelay $0x4  }
0x355: {  	v3 =	vadd.f32 v52, v3;
	_ =	sdelay $0x1  }
0x356: {  	v3 =	vmul.f32 v3, v5;
	_ =	sdelay $0x1  }
0x357: {  	[tilespmem:s29+$0x50] =	vst v3;
	v3 =	vld [tilespmem:s29+$0x60]  }
0x358: {  	v53 =	vld [tilespmem:s24+$0x60];
	_ =	sdelay $0x4  }
0x359: {  	v3 =	vadd.f32 v53, v3;
	_ =	sdelay $0x1  }
0x35a: {  	v3 =	vmul.f32 v3, v5;
	_ =	sdelay $0x1  }
0x35b: {  	[tilespmem:s29+$0x60] =	vst v3;
	v3 =	vld [tilespmem:s29+$0x70]  }
0x35c: {  	v54 =	vld [tilespmem:s24+$0x70];
	_ =	sdelay $0x4  }
0x35d: {  	v3 =	vadd.f32 v54, v3;
	_ =	sdelay $0x1  }
0x35e: {  	v3 =	vmul.f32 v3, v5;
	_ =	sdelay $0x1  }
0x35f: {  	[tilespmem:s29+$0x70] =	vst v3;
	v3 =	vld [tilespmem:s29+$0x80]  }
0x360: {  	v55 =	vld [tilespmem:s24+$0x80];
	_ =	sdelay $0x2  }
0x361: {  	s19 =	sadd.s32 $0x3, s2  }
0x362: {  	v56 =	vmov s19  }
0x363: {  	v2 =	vperm.xlane v2, v56;
	v3 =	vadd.f32 v55, v3;
	_ =	sdelay $0x1  }
0x364: {  	v3 =	vmul.f32 v3, v2;
	_ =	sdelay $0x1  }
0x365: {  	[tilespmem:s29+$0x80] =	vst v3;
	v3 =	vld [tilespmem:s29+$0x90]  }
0x366: {  	v57 =	vld [tilespmem:s24+$0x90];
	_ =	sdelay $0x4  }
0x367: {  	v3 =	vadd.f32 v57, v3;
	_ =	sdelay $0x1  }
0x368: {  	v3 =	vmul.f32 v3, v2;
	_ =	sdelay $0x1  }
0x369: {  	[tilespmem:s29+$0x90] =	vst v3;
	v3 =	vld [tilespmem:s29+$0xA0]  }
0x36a: {  	v58 =	vld [tilespmem:s24+$0xA0];
	_ =	sdelay $0x4  }
0x36b: {  	v3 =	vadd.f32 v58, v3;
	_ =	sdelay $0x1  }
0x36c: {  	v3 =	vmul.f32 v3, v2;
	_ =	sdelay $0x1  }
0x36d: {  	[tilespmem:s29+$0xA0] =	vst v3;
	v3 =	vld [tilespmem:s29+$0xB0]  }
0x36e: {  	v59 =	vld [tilespmem:s24+$0xB0];
	_ =	sdelay $0x4  }
0x36f: {  	v3 =	vadd.f32 v59, v3;
	_ =	sdelay $0x1  }
0x370: {  	v3 =	vmul.f32 v3, v2;
	_ =	sdelay $0x1  }
0x371: {  	[tilespmem:s29+$0xB0] =	vst v3;
	v3 =	vld [tilespmem:s29+$0xC0]  }
0x372: {  	v60 =	vld [tilespmem:s24+$0xC0];
	_ =	sdelay $0x4  }
0x373: {  	v3 =	vadd.f32 v60, v3;
	_ =	sdelay $0x1  }
0x374: {  	v3 =	vmul.f32 v3, v2;
	_ =	sdelay $0x1  }
0x375: {  	[tilespmem:s29+$0xC0] =	vst v3;
	v3 =	vld [tilespmem:s29+$0xD0]  }
0x376: {  	v61 =	vld [tilespmem:s24+$0xD0];
	_ =	sdelay $0x4  }
0x377: {  	v3 =	vadd.f32 v61, v3;
	_ =	sdelay $0x1  }
0x378: {  	v3 =	vmul.f32 v3, v2;
	_ =	sdelay $0x1  }
0x379: {  	[tilespmem:s29+$0xD0] =	vst v3;
	v3 =	vld [tilespmem:s29+$0xE0]  }
0x37a: {  	v62 =	vld [tilespmem:s24+$0xE0];
	_ =	sdelay $0x4  }
0x37b: {  	v3 =	vadd.f32 v62, v3;
	_ =	sdelay $0x1  }
0x37c: {  	v3 =	vmul.f32 v3, v2;
	_ =	sdelay $0x1  }
0x37d: {  	[tilespmem:s29+$0xE0] =	vst v3;
	v3 =	vld [tilespmem:s29+$0xF0]  }
0x37e: {  	v63 =	vld [tilespmem:s24+$0xF0];
	_ =	sdelay $0x2  }
0x37f: {  	s23 =	sadd.s32 $0x1, s23  }
0x380: {  	p4 =	sne.s32 s23, $0x5  }
.Ltmp15:
0x381: {  	v3 =	vadd.f32 v63, v3;
	(pc) =	sbr.rel @p4 .LBB2_22-.Ltmp15, $3  }
0x382: {  	_ = 	snop  }
0x383: {  	v2 =	vmul.f32 v3, v2;
	_ =	sdelay $0x1  }
0x384: {  	s1 =	sadd.s32 $0x800, s1;
	s30 =	sadd.s32 $0x800, s30;
	[tilespmem:s25+$0xF0] =	vst v2  }
0x385: {  	p4 =	seq.s32 s12, $0x3E  }
0x386: {  	s2 =	simm.s32 $0xD00;
	s1 =	smul.u32 @!p4 $0xA0, s12  }
0x387: {  	[spmem:s21] =	stream.indirect.scatter.add.f32 [tilespmem:s14], [sflag:$0x5], $0x80, s2, s18, $0xb8;
	[tilespmem:$0x1F9C8] =	vst v63  }
0x388: {  	s1 =	sadd.s32 @!p4 s1, s26  }
0x389: {  	s2 =	rddreg [dreg:$0x0];
	s1 =	sshrl.u32 @!p4 s1, $0x3  }
0x38a: {  	s3 =	simm.s32 @!p4 $0x0;
	s2 =	sadd.s32 @!p4 s2, s1  }
0x38b: {  	[tilespmem:s3], [sflag:$0x1] =	stream.linear.gather @!p4 [hbm4b:s2+s3], $0x50, $0x38;
	[tilespmem:$0x1F9C8] =	vst v63  }
0x38c: {  	s19 =	simm.s32 @!p4 $0x50;
	s2 =	sadd.s32 @!p4 s6, s1  }
0x38d: {  	[tilespmem:s19], [sflag:$0x1] =	stream.linear.gather @!p4 [hbm4b:s2+s3], $0x50, $0x38;
	[tilespmem:$0x1F9C8] =	vst v63  }
.Ltmp16:
0x38e: {  	s2 =	sadd.s32 @!p4 s7, s1;
	s19 =	simm.s32 @!p4 $0xA0;
	(pc) =	sbr.rel @!p5 .LBB2_31-.Ltmp16, $4  }
0x38f: {  	[tilespmem:s19], [sflag:$0x1] =	stream.linear.gather @!p4 [hbm4b:s2+s3], $0x50, $0x38;
	[tilespmem:$0x1F9C8] =	vst v63  }
0x390: {  	s2 =	rddreg [dreg:$0x2]  }
0x391: {  	s1 =	sadd.s32 @!p4 s2, s1;
	s2 =	simm.s32 @!p4 $0xF0  }
0x392: {  	[tilespmem:s2], [sflag:$0x1] =	stream.linear.gather @!p4 [hbm4b:s1+s3], $0x50, $0x38;
	[tilespmem:$0x1F9C8] =	vst v63  }
0x393: {  	_ =	swait.ge [sflag:s11], $0x50  }
0x394: {  	[sflag:s11] =	ssyncset.done $0x0  }
0x395: {  	[sflag:s11] =	ssyncadd.s32 $0xFFFFFFB0  }
0x396: {  	_ =	swait.ge [sflag:s28], $0x2800  }
0x397: {  	[sflag:s28] =	ssyncset.done $0x0  }
0x398: {  	[sflag:s28] =	ssyncadd.s32 $0xFFFFD800  }
0x399: {  	_ =	swait.ge [sflag:s28], $0x2800  }
0x39a: {  	s23 =	simm.s32 $0x0;
	[sflag:s28] =	ssyncset.done $0x0  }
0x39b: {  	s24 =	simm.s32 $0x8800;
	s25 =	simm.s32 $0x3800;
	[sflag:s28] =	ssyncadd.s32 $0xFFFFD800  }
.LBB2_27:
0x39c: {  	v3 =	vld [tilespmem:s25+$0xFFFFFF00]  }
0x39d: {  	s1 =	sshll.u32 s23, $0x4;
	v4 =	vld [tilespmem:s24+$0xFFFFFF00];
	s3 =	simm.s32 $0x4;
	s2 =	simm.s32 $0x0  }
0x39e: {  	s30 =	smov.u32 s24;
	s29 =	smov.u32 s25;
	v2 =	vld [tilespmem:s1+$0xE80];
	s1 =	smov.u32 s25  }
.LBB2_28:
0x39f: {  	p5 =	sne.s32 s3, $0xC;
	_ =	sdelay $0x2  }
0x3a0: {  	v5 =	vmov s2  }
0x3a1: {  	v5 =	vperm.xlane v2, v5;
	v3 =	vadd.f32 v4, v3;
	_ =	sdelay $0x1  }
0x3a2: {  	v3 =	vmul.f32 v3, v5;
	_ =	sdelay $0x1  }
0x3a3: {  	[tilespmem:s1+$0xFFFFFF00] =	vst v3;
	v3 =	vld [tilespmem:s1+$0xFFFFFF10]  }
0x3a4: {  	v4 =	vld [tilespmem:s30+$0xFFFFFF10];
	_ =	sdelay $0x4  }
0x3a5: {  	v3 =	vadd.f32 v4, v3;
	_ =	sdelay $0x1  }
0x3a6: {  	v3 =	vmul.f32 v3, v5;
	_ =	sdelay $0x1  }
0x3a7: {  	[tilespmem:s1+$0xFFFFFF10] =	vst v3;
	v3 =	vld [tilespmem:s1+$0xFFFFFF20]  }
0x3a8: {  	v4 =	vld [tilespmem:s30+$0xFFFFFF20];
	_ =	sdelay $0x4  }
0x3a9: {  	v3 =	vadd.f32 v4, v3;
	_ =	sdelay $0x1  }
0x3aa: {  	v3 =	vmul.f32 v3, v5;
	_ =	sdelay $0x1  }
0x3ab: {  	[tilespmem:s1+$0xFFFFFF20] =	vst v3;
	v3 =	vld [tilespmem:s1+$0xFFFFFF30]  }
0x3ac: {  	v4 =	vld [tilespmem:s30+$0xFFFFFF30];
	_ =	sdelay $0x4  }
0x3ad: {  	v3 =	vadd.f32 v4, v3;
	_ =	sdelay $0x1  }
0x3ae: {  	v3 =	vmul.f32 v3, v5;
	_ =	sdelay $0x1  }
0x3af: {  	[tilespmem:s1+$0xFFFFFF30] =	vst v3;
	v3 =	vld [tilespmem:s1+$0xFFFFFF40]  }
0x3b0: {  	v4 =	vld [tilespmem:s30+$0xFFFFFF40];
	_ =	sdelay $0x4  }
0x3b1: {  	v3 =	vadd.f32 v4, v3;
	_ =	sdelay $0x1  }
0x3b2: {  	v3 =	vmul.f32 v3, v5;
	_ =	sdelay $0x1  }
0x3b3: {  	[tilespmem:s1+$0xFFFFFF40] =	vst v3;
	v3 =	vld [tilespmem:s1+$0xFFFFFF50]  }
0x3b4: {  	v4 =	vld [tilespmem:s30+$0xFFFFFF50];
	_ =	sdelay $0x4  }
0x3b5: {  	v3 =	vadd.f32 v4, v3;
	_ =	sdelay $0x1  }
0x3b6: {  	v3 =	vmul.f32 v3, v5;
	_ =	sdelay $0x1  }
0x3b7: {  	[tilespmem:s1+$0xFFFFFF50] =	vst v3;
	v3 =	vld [tilespmem:s1+$0xFFFFFF60]  }
0x3b8: {  	v4 =	vld [tilespmem:s30+$0xFFFFFF60];
	_ =	sdelay $0x4  }
0x3b9: {  	v3 =	vadd.f32 v4, v3;
	_ =	sdelay $0x1  }
0x3ba: {  	v3 =	vmul.f32 v3, v5;
	_ =	sdelay $0x1  }
0x3bb: {  	[tilespmem:s1+$0xFFFFFF60] =	vst v3;
	v3 =	vld [tilespmem:s1+$0xFFFFFF70]  }
0x3bc: {  	v4 =	vld [tilespmem:s30+$0xFFFFFF70];
	_ =	sdelay $0x4  }
0x3bd: {  	v3 =	vadd.f32 v4, v3;
	_ =	sdelay $0x1  }
0x3be: {  	v3 =	vmul.f32 v3, v5;
	_ =	sdelay $0x1  }
0x3bf: {  	[tilespmem:s1+$0xFFFFFF70] =	vst v3;
	v3 =	vld [tilespmem:s1+$0xFFFFFF80]  }
0x3c0: {  	v4 =	vld [tilespmem:s30+$0xFFFFFF80];
	_ =	sdelay $0x2  }
0x3c1: {  	s19 =	sadd.s32 $0x1, s2  }
0x3c2: {  	v5 =	vmov s19  }
0x3c3: {  	v5 =	vperm.xlane v2, v5;
	v3 =	vadd.f32 v4, v3;
	_ =	sdelay $0x1  }
0x3c4: {  	v3 =	vmul.f32 v3, v5;
	_ =	sdelay $0x1  }
0x3c5: {  	[tilespmem:s1+$0xFFFFFF80] =	vst v3;
	v3 =	vld [tilespmem:s1+$0xFFFFFF90]  }
0x3c6: {  	v4 =	vld [tilespmem:s30+$0xFFFFFF90];
	_ =	sdelay $0x4  }
0x3c7: {  	v3 =	vadd.f32 v4, v3;
	_ =	sdelay $0x1  }
0x3c8: {  	v3 =	vmul.f32 v3, v5;
	_ =	sdelay $0x1  }
0x3c9: {  	[tilespmem:s1+$0xFFFFFF90] =	vst v3;
	v3 =	vld [tilespmem:s1+$0xFFFFFFA0]  }
0x3ca: {  	v4 =	vld [tilespmem:s30+$0xFFFFFFA0];
	_ =	sdelay $0x4  }
0x3cb: {  	v3 =	vadd.f32 v4, v3;
	_ =	sdelay $0x1  }
0x3cc: {  	v3 =	vmul.f32 v3, v5;
	_ =	sdelay $0x1  }
0x3cd: {  	[tilespmem:s1+$0xFFFFFFA0] =	vst v3;
	v3 =	vld [tilespmem:s1+$0xFFFFFFB0]  }
0x3ce: {  	v4 =	vld [tilespmem:s30+$0xFFFFFFB0];
	_ =	sdelay $0x4  }
0x3cf: {  	v3 =	vadd.f32 v4, v3;
	_ =	sdelay $0x1  }
0x3d0: {  	v3 =	vmul.f32 v3, v5;
	_ =	sdelay $0x1  }
0x3d1: {  	[tilespmem:s1+$0xFFFFFFB0] =	vst v3;
	v3 =	vld [tilespmem:s1+$0xFFFFFFC0]  }
0x3d2: {  	v4 =	vld [tilespmem:s30+$0xFFFFFFC0];
	_ =	sdelay $0x4  }
0x3d3: {  	v3 =	vadd.f32 v4, v3;
	_ =	sdelay $0x1  }
0x3d4: {  	v3 =	vmul.f32 v3, v5;
	_ =	sdelay $0x1  }
0x3d5: {  	[tilespmem:s1+$0xFFFFFFC0] =	vst v3;
	v3 =	vld [tilespmem:s1+$0xFFFFFFD0]  }
0x3d6: {  	v4 =	vld [tilespmem:s30+$0xFFFFFFD0];
	_ =	sdelay $0x4  }
0x3d7: {  	v3 =	vadd.f32 v4, v3;
	_ =	sdelay $0x1  }
0x3d8: {  	v3 =	vmul.f32 v3, v5;
	_ =	sdelay $0x1  }
0x3d9: {  	[tilespmem:s1+$0xFFFFFFD0] =	vst v3;
	v3 =	vld [tilespmem:s1+$0xFFFFFFE0]  }
0x3da: {  	v4 =	vld [tilespmem:s30+$0xFFFFFFE0];
	_ =	sdelay $0x4  }
0x3db: {  	v3 =	vadd.f32 v4, v3;
	_ =	sdelay $0x1  }
0x3dc: {  	v3 =	vmul.f32 v3, v5;
	_ =	sdelay $0x1  }
0x3dd: {  	[tilespmem:s1+$0xFFFFFFE0] =	vst v3;
	v3 =	vld [tilespmem:s1+$0xFFFFFFF0]  }
0x3de: {  	v4 =	vld [tilespmem:s30+$0xFFFFFFF0];
	_ =	sdelay $0x4  }
0x3df: {  	v3 =	vadd.f32 v4, v3;
	_ =	sdelay $0x1  }
0x3e0: {  	v3 =	vmul.f32 v3, v5;
	_ =	sdelay $0x1  }
0x3e1: {  	[tilespmem:s1+$0xFFFFFFF0] =	vst v3;
	v3 =	vld [tilespmem:s1+$0x0]  }
0x3e2: {  	v4 =	vld [tilespmem:s30+$0x0];
	_ =	sdelay $0x2  }
0x3e3: {  	s19 =	sadd.s32 $0x2, s2  }
0x3e4: {  	v5 =	vmov s19  }
0x3e5: {  	v5 =	vperm.xlane v2, v5;
	v3 =	vadd.f32 v4, v3;
	_ =	sdelay $0x1  }
0x3e6: {  	v3 =	vmul.f32 v3, v5;
	_ =	sdelay $0x1  }
0x3e7: {  	[tilespmem:s1+$0x0] =	vst v3;
	v3 =	vld [tilespmem:s1+$0x10]  }
0x3e8: {  	v4 =	vld [tilespmem:s30+$0x10];
	_ =	sdelay $0x4  }
0x3e9: {  	v3 =	vadd.f32 v4, v3;
	_ =	sdelay $0x1  }
0x3ea: {  	v3 =	vmul.f32 v3, v5;
	_ =	sdelay $0x1  }
0x3eb: {  	[tilespmem:s1+$0x10] =	vst v3;
	v3 =	vld [tilespmem:s1+$0x20]  }
0x3ec: {  	v4 =	vld [tilespmem:s30+$0x20];
	_ =	sdelay $0x4  }
0x3ed: {  	v3 =	vadd.f32 v4, v3;
	_ =	sdelay $0x1  }
0x3ee: {  	v3 =	vmul.f32 v3, v5;
	_ =	sdelay $0x1  }
0x3ef: {  	[tilespmem:s1+$0x20] =	vst v3;
	v3 =	vld [tilespmem:s1+$0x30]  }
0x3f0: {  	v4 =	vld [tilespmem:s30+$0x30];
	_ =	sdelay $0x4  }
0x3f1: {  	v3 =	vadd.f32 v4, v3;
	_ =	sdelay $0x1  }
0x3f2: {  	v3 =	vmul.f32 v3, v5;
	_ =	sdelay $0x1  }
0x3f3: {  	[tilespmem:s1+$0x30] =	vst v3;
	v3 =	vld [tilespmem:s1+$0x40]  }
0x3f4: {  	v4 =	vld [tilespmem:s30+$0x40];
	_ =	sdelay $0x4  }
0x3f5: {  	v3 =	vadd.f32 v4, v3;
	_ =	sdelay $0x1  }
0x3f6: {  	v3 =	vmul.f32 v3, v5;
	_ =	sdelay $0x1  }
0x3f7: {  	[tilespmem:s1+$0x40] =	vst v3;
	v3 =	vld [tilespmem:s1+$0x50]  }
0x3f8: {  	v4 =	vld [tilespmem:s30+$0x50];
	_ =	sdelay $0x4  }
0x3f9: {  	v3 =	vadd.f32 v4, v3;
	_ =	sdelay $0x1  }
0x3fa: {  	v3 =	vmul.f32 v3, v5;
	_ =	sdelay $0x1  }
0x3fb: {  	[tilespmem:s1+$0x50] =	vst v3;
	v3 =	vld [tilespmem:s1+$0x60]  }
0x3fc: {  	v4 =	vld [tilespmem:s30+$0x60];
	_ =	sdelay $0x4  }
0x3fd: {  	v3 =	vadd.f32 v4, v3;
	_ =	sdelay $0x1  }
0x3fe: {  	v3 =	vmul.f32 v3, v5;
	_ =	sdelay $0x1  }
0x3ff: {  	[tilespmem:s1+$0x60] =	vst v3;
	v3 =	vld [tilespmem:s1+$0x70]  }
0x400: {  	v4 =	vld [tilespmem:s30+$0x70];
	_ =	sdelay $0x4  }
0x401: {  	v3 =	vadd.f32 v4, v3;
	_ =	sdelay $0x1  }
0x402: {  	v3 =	vmul.f32 v3, v5;
	_ =	sdelay $0x1  }
0x403: {  	[tilespmem:s1+$0x70] =	vst v3;
	v3 =	vld [tilespmem:s1+$0x80]  }
0x404: {  	v4 =	vld [tilespmem:s30+$0x80];
	_ =	sdelay $0x2  }
0x405: {  	s19 =	sadd.s32 $0x3, s2;
	s2 =	smov.u32 s3  }
0x406: {  	v5 =	vmov s19  }
0x407: {  	v5 =	vperm.xlane v2, v5;
	v3 =	vadd.f32 v4, v3;
	_ =	sdelay $0x1  }
0x408: {  	v3 =	vmul.f32 v3, v5;
	_ =	sdelay $0x1  }
0x409: {  	[tilespmem:s1+$0x80] =	vst v3;
	v3 =	vld [tilespmem:s1+$0x90]  }
0x40a: {  	v4 =	vld [tilespmem:s30+$0x90];
	_ =	sdelay $0x4  }
0x40b: {  	v3 =	vadd.f32 v4, v3;
	_ =	sdelay $0x1  }
0x40c: {  	v3 =	vmul.f32 v3, v5;
	_ =	sdelay $0x1  }
0x40d: {  	[tilespmem:s1+$0x90] =	vst v3;
	v3 =	vld [tilespmem:s1+$0xA0]  }
0x40e: {  	v4 =	vld [tilespmem:s30+$0xA0];
	_ =	sdelay $0x4  }
0x40f: {  	v3 =	vadd.f32 v4, v3;
	_ =	sdelay $0x1  }
0x410: {  	v3 =	vmul.f32 v3, v5;
	_ =	sdelay $0x1  }
0x411: {  	[tilespmem:s1+$0xA0] =	vst v3;
	v3 =	vld [tilespmem:s1+$0xB0]  }
0x412: {  	v4 =	vld [tilespmem:s30+$0xB0];
	_ =	sdelay $0x4  }
0x413: {  	v3 =	vadd.f32 v4, v3;
	_ =	sdelay $0x1  }
0x414: {  	v3 =	vmul.f32 v3, v5;
	_ =	sdelay $0x1  }
0x415: {  	[tilespmem:s1+$0xB0] =	vst v3;
	v3 =	vld [tilespmem:s1+$0xC0]  }
0x416: {  	v4 =	vld [tilespmem:s30+$0xC0];
	_ =	sdelay $0x4  }
0x417: {  	v3 =	vadd.f32 v4, v3;
	_ =	sdelay $0x1  }
0x418: {  	v3 =	vmul.f32 v3, v5;
	_ =	sdelay $0x1  }
0x419: {  	[tilespmem:s1+$0xC0] =	vst v3;
	v3 =	vld [tilespmem:s1+$0xD0]  }
0x41a: {  	v4 =	vld [tilespmem:s30+$0xD0];
	_ =	sdelay $0x4  }
0x41b: {  	v3 =	vadd.f32 v4, v3;
	_ =	sdelay $0x1  }
0x41c: {  	v3 =	vmul.f32 v3, v5;
	_ =	sdelay $0x1  }
0x41d: {  	[tilespmem:s1+$0xD0] =	vst v3;
	v3 =	vld [tilespmem:s1+$0xE0]  }
0x41e: {  	v4 =	vld [tilespmem:s30+$0xE0];
	_ =	sdelay $0x4  }
0x41f: {  	v3 =	vadd.f32 v4, v3;
	_ =	sdelay $0x1  }
0x420: {  	v3 =	vmul.f32 v3, v5;
	_ =	sdelay $0x1  }
0x421: {  	[tilespmem:s1+$0xE0] =	vst v3;
	v3 =	vld [tilespmem:s1+$0xF0]  }
0x422: {  	v4 =	vld [tilespmem:s30+$0xF0];
	_ =	sdelay $0x4  }
0x423: {  	v3 =	vadd.f32 v4, v3  }
.Ltmp17:
0x424: {  	(pc) =	sbr.rel @p5 .LBB2_28-.Ltmp17, $4  }
0x425: {  	v4 =	vmul.f32 v3, v5  }
0x426: {  	s1 =	sadd.s32 $0x200, s1  }
0x427: {  	s30 =	sadd.s32 $0x200, s30;
	v3 =	vld [tilespmem:s1+$0xFFFFFF00];
	[tilespmem:s29+$0xF0] =	vst v4;
	s29 =	smov.u32 s1  }
0x428: {  	s3 =	sadd.s32 $0x4, s3;
	v4 =	vld [tilespmem:s30+$0xFFFFFF00]  }
0x429: {  	_ =	sdelay $0x2  }
0x42a: {  	v5 =	vmov s2  }
0x42b: {  	v5 =	vperm.xlane v2, v5;
	v3 =	vadd.f32 v4, v3;
	_ =	sdelay $0x1  }
0x42c: {  	v3 =	vmul.f32 v3, v5;
	_ =	sdelay $0x1  }
0x42d: {  	[tilespmem:s1+$0xFFFFFF00] =	vst v3;
	v3 =	vld [tilespmem:s1+$0xFFFFFF10]  }
0x42e: {  	v30 =	vld [tilespmem:s30+$0xFFFFFF10];
	_ =	sdelay $0x4  }
0x42f: {  	v3 =	vadd.f32 v30, v3;
	_ =	sdelay $0x1  }
0x430: {  	v3 =	vmul.f32 v3, v5;
	_ =	sdelay $0x1  }
0x431: {  	[tilespmem:s1+$0xFFFFFF10] =	vst v3;
	v3 =	vld [tilespmem:s1+$0xFFFFFF20]  }
0x432: {  	v31 =	vld [tilespmem:s30+$0xFFFFFF20];
	_ =	sdelay $0x4  }
0x433: {  	v3 =	vadd.f32 v31, v3;
	_ =	sdelay $0x1  }
0x434: {  	v3 =	vmul.f32 v3, v5;
	_ =	sdelay $0x1  }
0x435: {  	[tilespmem:s1+$0xFFFFFF20] =	vst v3;
	v3 =	vld [tilespmem:s1+$0xFFFFFF30]  }
0x436: {  	v32 =	vld [tilespmem:s30+$0xFFFFFF30];
	_ =	sdelay $0x4  }
0x437: {  	v3 =	vadd.f32 v32, v3;
	_ =	sdelay $0x1  }
0x438: {  	v3 =	vmul.f32 v3, v5;
	_ =	sdelay $0x1  }
0x439: {  	[tilespmem:s1+$0xFFFFFF30] =	vst v3;
	v3 =	vld [tilespmem:s1+$0xFFFFFF40]  }
0x43a: {  	v33 =	vld [tilespmem:s30+$0xFFFFFF40];
	_ =	sdelay $0x4  }
0x43b: {  	v3 =	vadd.f32 v33, v3;
	_ =	sdelay $0x1  }
0x43c: {  	v3 =	vmul.f32 v3, v5;
	_ =	sdelay $0x1  }
0x43d: {  	[tilespmem:s1+$0xFFFFFF40] =	vst v3;
	v3 =	vld [tilespmem:s1+$0xFFFFFF50]  }
0x43e: {  	v34 =	vld [tilespmem:s30+$0xFFFFFF50];
	_ =	sdelay $0x4  }
0x43f: {  	v3 =	vadd.f32 v34, v3;
	_ =	sdelay $0x1  }
0x440: {  	v3 =	vmul.f32 v3, v5;
	_ =	sdelay $0x1  }
0x441: {  	[tilespmem:s1+$0xFFFFFF50] =	vst v3;
	v3 =	vld [tilespmem:s1+$0xFFFFFF60]  }
0x442: {  	v35 =	vld [tilespmem:s30+$0xFFFFFF60];
	_ =	sdelay $0x4  }
0x443: {  	v3 =	vadd.f32 v35, v3;
	_ =	sdelay $0x1  }
0x444: {  	v3 =	vmul.f32 v3, v5;
	_ =	sdelay $0x1  }
0x445: {  	[tilespmem:s1+$0xFFFFFF60] =	vst v3;
	v3 =	vld [tilespmem:s1+$0xFFFFFF70]  }
0x446: {  	v36 =	vld [tilespmem:s30+$0xFFFFFF70];
	_ =	sdelay $0x4  }
0x447: {  	v3 =	vadd.f32 v36, v3;
	_ =	sdelay $0x1  }
0x448: {  	v3 =	vmul.f32 v3, v5;
	_ =	sdelay $0x1  }
0x449: {  	[tilespmem:s1+$0xFFFFFF70] =	vst v3;
	v3 =	vld [tilespmem:s1+$0xFFFFFF80]  }
0x44a: {  	v37 =	vld [tilespmem:s30+$0xFFFFFF80];
	_ =	sdelay $0x2  }
0x44b: {  	s3 =	sadd.s32 $0x1, s2  }
0x44c: {  	v38 =	vmov s3  }
0x44d: {  	v5 =	vperm.xlane v2, v38;
	v3 =	vadd.f32 v37, v3;
	_ =	sdelay $0x1  }
0x44e: {  	v3 =	vmul.f32 v3, v5;
	_ =	sdelay $0x1  }
0x44f: {  	[tilespmem:s1+$0xFFFFFF80] =	vst v3;
	v3 =	vld [tilespmem:s1+$0xFFFFFF90]  }
0x450: {  	v39 =	vld [tilespmem:s30+$0xFFFFFF90];
	_ =	sdelay $0x4  }
0x451: {  	v3 =	vadd.f32 v39, v3;
	_ =	sdelay $0x1  }
0x452: {  	v3 =	vmul.f32 v3, v5;
	_ =	sdelay $0x1  }
0x453: {  	[tilespmem:s1+$0xFFFFFF90] =	vst v3;
	v3 =	vld [tilespmem:s1+$0xFFFFFFA0]  }
0x454: {  	v40 =	vld [tilespmem:s30+$0xFFFFFFA0];
	_ =	sdelay $0x4  }
0x455: {  	v3 =	vadd.f32 v40, v3;
	_ =	sdelay $0x1  }
0x456: {  	v3 =	vmul.f32 v3, v5;
	_ =	sdelay $0x1  }
0x457: {  	[tilespmem:s1+$0xFFFFFFA0] =	vst v3;
	v3 =	vld [tilespmem:s1+$0xFFFFFFB0]  }
0x458: {  	v41 =	vld [tilespmem:s30+$0xFFFFFFB0];
	_ =	sdelay $0x4  }
0x459: {  	v3 =	vadd.f32 v41, v3;
	_ =	sdelay $0x1  }
0x45a: {  	v3 =	vmul.f32 v3, v5;
	_ =	sdelay $0x1  }
0x45b: {  	[tilespmem:s1+$0xFFFFFFB0] =	vst v3;
	v3 =	vld [tilespmem:s1+$0xFFFFFFC0]  }
0x45c: {  	v42 =	vld [tilespmem:s30+$0xFFFFFFC0];
	_ =	sdelay $0x4  }
0x45d: {  	v3 =	vadd.f32 v42, v3;
	_ =	sdelay $0x1  }
0x45e: {  	v3 =	vmul.f32 v3, v5;
	_ =	sdelay $0x1  }
0x45f: {  	[tilespmem:s1+$0xFFFFFFC0] =	vst v3;
	v3 =	vld [tilespmem:s1+$0xFFFFFFD0]  }
0x460: {  	v43 =	vld [tilespmem:s30+$0xFFFFFFD0];
	_ =	sdelay $0x4  }
0x461: {  	v3 =	vadd.f32 v43, v3;
	_ =	sdelay $0x1  }
0x462: {  	v3 =	vmul.f32 v3, v5;
	_ =	sdelay $0x1  }
0x463: {  	[tilespmem:s1+$0xFFFFFFD0] =	vst v3;
	v3 =	vld [tilespmem:s1+$0xFFFFFFE0]  }
0x464: {  	v44 =	vld [tilespmem:s30+$0xFFFFFFE0];
	_ =	sdelay $0x4  }
0x465: {  	v3 =	vadd.f32 v44, v3;
	_ =	sdelay $0x1  }
0x466: {  	v3 =	vmul.f32 v3, v5;
	_ =	sdelay $0x1  }
0x467: {  	[tilespmem:s1+$0xFFFFFFE0] =	vst v3;
	v3 =	vld [tilespmem:s1+$0xFFFFFFF0]  }
0x468: {  	v45 =	vld [tilespmem:s30+$0xFFFFFFF0];
	_ =	sdelay $0x4  }
0x469: {  	v3 =	vadd.f32 v45, v3;
	_ =	sdelay $0x1  }
0x46a: {  	v3 =	vmul.f32 v3, v5;
	_ =	sdelay $0x1  }
0x46b: {  	[tilespmem:s1+$0xFFFFFFF0] =	vst v3;
	v3 =	vld [tilespmem:s1+$0x0]  }
0x46c: {  	v46 =	vld [tilespmem:s30+$0x0];
	_ =	sdelay $0x2  }
0x46d: {  	s19 =	sadd.s32 $0x2, s2  }
0x46e: {  	v47 =	vmov s19  }
0x46f: {  	v5 =	vperm.xlane v2, v47;
	v3 =	vadd.f32 v46, v3;
	_ =	sdelay $0x1  }
0x470: {  	v3 =	vmul.f32 v3, v5;
	_ =	sdelay $0x1  }
0x471: {  	[tilespmem:s1+$0x0] =	vst v3;
	v3 =	vld [tilespmem:s1+$0x10]  }
0x472: {  	v48 =	vld [tilespmem:s30+$0x10];
	_ =	sdelay $0x4  }
0x473: {  	v3 =	vadd.f32 v48, v3;
	_ =	sdelay $0x1  }
0x474: {  	v3 =	vmul.f32 v3, v5;
	_ =	sdelay $0x1  }
0x475: {  	[tilespmem:s1+$0x10] =	vst v3;
	v3 =	vld [tilespmem:s1+$0x20]  }
0x476: {  	v49 =	vld [tilespmem:s30+$0x20];
	_ =	sdelay $0x4  }
0x477: {  	v3 =	vadd.f32 v49, v3;
	_ =	sdelay $0x1  }
0x478: {  	v3 =	vmul.f32 v3, v5;
	_ =	sdelay $0x1  }
0x479: {  	[tilespmem:s1+$0x20] =	vst v3;
	v3 =	vld [tilespmem:s1+$0x30]  }
0x47a: {  	v50 =	vld [tilespmem:s30+$0x30];
	_ =	sdelay $0x4  }
0x47b: {  	v3 =	vadd.f32 v50, v3;
	_ =	sdelay $0x1  }
0x47c: {  	v3 =	vmul.f32 v3, v5;
	_ =	sdelay $0x1  }
0x47d: {  	[tilespmem:s1+$0x30] =	vst v3;
	v3 =	vld [tilespmem:s1+$0x40]  }
0x47e: {  	v51 =	vld [tilespmem:s30+$0x40];
	_ =	sdelay $0x4  }
0x47f: {  	v3 =	vadd.f32 v51, v3;
	_ =	sdelay $0x1  }
0x480: {  	v3 =	vmul.f32 v3, v5;
	_ =	sdelay $0x1  }
0x481: {  	[tilespmem:s1+$0x40] =	vst v3;
	v3 =	vld [tilespmem:s1+$0x50]  }
0x482: {  	v52 =	vld [tilespmem:s30+$0x50];
	_ =	sdelay $0x4  }
0x483: {  	v3 =	vadd.f32 v52, v3;
	_ =	sdelay $0x1  }
0x484: {  	v3 =	vmul.f32 v3, v5;
	_ =	sdelay $0x1  }
0x485: {  	[tilespmem:s1+$0x50] =	vst v3;
	v3 =	vld [tilespmem:s1+$0x60]  }
0x486: {  	v53 =	vld [tilespmem:s30+$0x60];
	_ =	sdelay $0x4  }
0x487: {  	v3 =	vadd.f32 v53, v3;
	_ =	sdelay $0x1  }
0x488: {  	v3 =	vmul.f32 v3, v5;
	_ =	sdelay $0x1  }
0x489: {  	[tilespmem:s1+$0x60] =	vst v3;
	v3 =	vld [tilespmem:s1+$0x70]  }
0x48a: {  	v54 =	vld [tilespmem:s30+$0x70];
	_ =	sdelay $0x4  }
0x48b: {  	v3 =	vadd.f32 v54, v3;
	_ =	sdelay $0x1  }
0x48c: {  	v3 =	vmul.f32 v3, v5;
	_ =	sdelay $0x1  }
0x48d: {  	[tilespmem:s1+$0x70] =	vst v3;
	v3 =	vld [tilespmem:s1+$0x80]  }
0x48e: {  	v55 =	vld [tilespmem:s30+$0x80];
	_ =	sdelay $0x2  }
0x48f: {  	s19 =	sadd.s32 $0x3, s2  }
0x490: {  	v56 =	vmov s19  }
0x491: {  	v2 =	vperm.xlane v2, v56;
	v3 =	vadd.f32 v55, v3;
	_ =	sdelay $0x1  }
0x492: {  	v3 =	vmul.f32 v3, v2;
	_ =	sdelay $0x1  }
0x493: {  	[tilespmem:s1+$0x80] =	vst v3;
	v3 =	vld [tilespmem:s1+$0x90]  }
0x494: {  	v57 =	vld [tilespmem:s30+$0x90];
	_ =	sdelay $0x4  }
0x495: {  	v3 =	vadd.f32 v57, v3;
	_ =	sdelay $0x1  }
0x496: {  	v3 =	vmul.f32 v3, v2;
	_ =	sdelay $0x1  }
0x497: {  	[tilespmem:s1+$0x90] =	vst v3;
	v3 =	vld [tilespmem:s1+$0xA0]  }
0x498: {  	v58 =	vld [tilespmem:s30+$0xA0];
	_ =	sdelay $0x4  }
0x499: {  	v3 =	vadd.f32 v58, v3;
	_ =	sdelay $0x1  }
0x49a: {  	v3 =	vmul.f32 v3, v2;
	_ =	sdelay $0x1  }
0x49b: {  	[tilespmem:s1+$0xA0] =	vst v3;
	v3 =	vld [tilespmem:s1+$0xB0]  }
0x49c: {  	v59 =	vld [tilespmem:s30+$0xB0];
	_ =	sdelay $0x4  }
0x49d: {  	v3 =	vadd.f32 v59, v3;
	_ =	sdelay $0x1  }
0x49e: {  	v3 =	vmul.f32 v3, v2;
	_ =	sdelay $0x1  }
0x49f: {  	[tilespmem:s1+$0xB0] =	vst v3;
	v3 =	vld [tilespmem:s1+$0xC0]  }
0x4a0: {  	v60 =	vld [tilespmem:s30+$0xC0];
	_ =	sdelay $0x4  }
0x4a1: {  	v3 =	vadd.f32 v60, v3;
	_ =	sdelay $0x1  }
0x4a2: {  	v3 =	vmul.f32 v3, v2;
	_ =	sdelay $0x1  }
0x4a3: {  	[tilespmem:s1+$0xC0] =	vst v3;
	v3 =	vld [tilespmem:s1+$0xD0]  }
0x4a4: {  	v61 =	vld [tilespmem:s30+$0xD0];
	_ =	sdelay $0x4  }
0x4a5: {  	v3 =	vadd.f32 v61, v3;
	_ =	sdelay $0x1  }
0x4a6: {  	v3 =	vmul.f32 v3, v2;
	_ =	sdelay $0x1  }
0x4a7: {  	[tilespmem:s1+$0xD0] =	vst v3;
	v3 =	vld [tilespmem:s1+$0xE0]  }
0x4a8: {  	v62 =	vld [tilespmem:s30+$0xE0];
	_ =	sdelay $0x4  }
0x4a9: {  	v3 =	vadd.f32 v62, v3;
	_ =	sdelay $0x1  }
0x4aa: {  	v3 =	vmul.f32 v3, v2;
	_ =	sdelay $0x1  }
0x4ab: {  	[tilespmem:s1+$0xE0] =	vst v3;
	v3 =	vld [tilespmem:s1+$0xF0]  }
0x4ac: {  	v63 =	vld [tilespmem:s30+$0xF0];
	_ =	sdelay $0x2  }
0x4ad: {  	s23 =	sadd.s32 $0x1, s23  }
0x4ae: {  	p5 =	sne.s32 s23, $0x5  }
.Ltmp18:
0x4af: {  	v3 =	vadd.f32 v63, v3;
	(pc) =	sbr.rel @p5 .LBB2_27-.Ltmp18, $3  }
0x4b0: {  	_ = 	snop  }
0x4b1: {  	v2 =	vmul.f32 v3, v2;
	_ =	sdelay $0x1  }
0x4b2: {  	s24 =	sadd.s32 $0x800, s24;
	s25 =	sadd.s32 $0x800, s25;
	[tilespmem:s29+$0xF0] =	vst v2  }
0x4b3: {  	s1 =	simm.s32 $0x3700;
	s2 =	simm.s32 $0xD80  }
0x4b4: {  	[spmem:s21] =	stream.indirect.scatter.add.f32 [tilespmem:s1], [sflag:$0x6], $0x80, s2, s18, $0xb8;
	[tilespmem:$0x1F9C8] =	vst v63  }
.LBB2_31:
0x4b5: {  	p5 =	sgt.u32 s12, $0x3C  }
.Ltmp19:
0x4b6: {  	_ = 	snop;
	(pc) =	sbr.rel @!p5 .LBB2_32-.Ltmp19, $1  }
0x4b7: {  	_ =	sdelay $0x3  }
.Ltmp20:
0x4b8: {  	(pc) =	sbr.rel @!p4 .LBB2_34-.Ltmp20, $4  }
.Ltmp21:
0x4b9: {  	(pc) =	sbr.rel @p4 .LBB2_35-.Ltmp21, $4  }
0x4ba: {  	_ =	swait.ge [sflag:s22], $0x2800  }
0x4bb: {  	[sflag:s22] =	ssyncset.done $0x0  }
0x4bc: {  	s19 =	simm.s32 $0x800;
	s25 =	simm.s32 $0x900;
	[sflag:s22] =	ssyncadd.s32 $0xFFFFD800  }
0x4bd: {  	_ = 	snop  }
.LBB2_36:
0x4be: {  	_ =	sfence.sel $0x180000  }
0x4bf: {  	[bflag:$0x0] =	sbarrier.arrive $0xFFFF  }
0x4c0: {  	_ =	strace $0x90000047  }
0x4c1: {  	[bflag:$0x2] =	sbarrier.arrive $0xFFFF  }
0x4c2: {  	s0 =	rddreg [dreg:$0x5]  }
0x4c3: {  	s0 =	sadd.s32 @!p0 $0x100000, s0  }
0x4c4: {  	[sflag:s0] =	ssyncadd.tile.s32 @!p0 $0x1;
	_ =	shalt  }
.Lfunc_end2:
_tile_overlayer_lowered:
.L_overlay_start_2:
0x4c5: {  	(tag) =	ssettag $0x2  }
0x4c6: {  	s0 =	rddreg [dreg:$0x0];
	s2 =	stileid.u32  }
0x4c7: {  	s1 =	rddreg [dreg:$0x1];
	p0 =	sne.s32 s2, $0x0  }
0x4c8: {  	s3 =	rddreg [dreg:$0x2];
	[bflag:$0x3] =	sbarrier.arrive $0xFFFF;
	s2 =	simm.s32 @!p0 $0x1C09  }
0x4c9: {  	[timem:s3], [sflag:s2] =	dma.local @!p0 [hbm:s0], s1  }
0x4ca: {  	s0 =	simm.s32 @!p0 $0x9  }
0x4cb: {  	_ =	swait.ge @!p0 [sflag:s0], s1  }
0x4cc: {  	s1 =	ssub.s32 @!p0 $0x0, s1;
	[sflag:s0] =	ssyncset.done @!p0 $0x0  }
0x4cd: {  	[sflag:s0] =	ssyncadd.s32 @!p0 s1  }
0x4ce: {  	[bflag:$0x3] =	sbarrier.arrive $0xFFFF  }
0x4cf: {  	_ =	shalt  }

</sc_bundles>
